<compile_context>
chip_gen: v7x
topology: tpu7x:2x2x1
jax: 0.10.2.dev20260603
libtpu: 0.0.44.dev20260713+nightly
codegen_flags: <defaults>
</compile_context>

<pallas_src>
import jax
import jax.numpy as jnp
from jax import lax
from jax.experimental import pallas as pl
from jax.experimental.pallas import tpu as pltpu
from jax.experimental.pallas import tpu_sc as plsc

N = 10000
E = 320000
F_IN = 128
H = 8
C1 = 8
HC = H * C1
LW = 16
G1W = HC + LW
NC = 40
NCP = 48
HNCP = H * NCP
NCPB = 64
HNCPB = H * NCPB
G2BW = HNCPB + 2 * LW
MW2 = 64
D2W = 2 * LW
NEG = 0.2

NP_ = 10240
NW = 32
NCHUNK = 168
NCH2 = NCHUNK + 2
B = 64
BL = 128
NCHUNKL = 84
NCH2L = NCHUNKL + 2
EP = NW * NCHUNK * B
RPS = NP_ // 16
BLK = 1024
GRID = NP_ // BLK

_SC_PARAMS = pltpu.CompilerParams(use_tc_tiling_on_sc=False,
                                  needs_layout_passes=False)



def _tc1_body(x_ref, w1_ref, as_ref, ad_ref, g_out, ad_out):
    h = jnp.dot(x_ref[...], w1_ref[...], preferred_element_type=jnp.float32)
    as16 = jnp.dot(h, as_ref[...], preferred_element_type=jnp.float32)
    g_out[...] = jnp.concatenate([h, as16], axis=1)
    ad_out[...] = jnp.dot(h, ad_ref[...], preferred_element_type=jnp.float32)


def _tc1(xp, W1, As1, Ad1):
    return pl.pallas_call(
        _tc1_body,
        grid=(GRID,),
        in_specs=[
            pl.BlockSpec((BLK, F_IN), lambda i: (i, 0)),
            pl.BlockSpec((F_IN, HC), lambda i: (0, 0)),
            pl.BlockSpec((HC, LW), lambda i: (0, 0)),
            pl.BlockSpec((HC, LW), lambda i: (0, 0)),
        ],
        out_specs=[
            pl.BlockSpec((BLK, G1W), lambda i: (i, 0)),
            pl.BlockSpec((BLK, LW), lambda i: (i, 0)),
        ],
        out_shape=[
            jax.ShapeDtypeStruct((NP_, G1W), jnp.float32),
            jax.ShapeDtypeStruct((NP_, LW), jnp.float32),
        ],
    )(xp, W1, As1, Ad1)


def _tc2_body(acc_ref, e16_ref, b1_ref, w2p_ref, as2_ref, ad2_ref,
              as32_ref, g_out, as_out, ad_out):
    num = acc_ref[0][:, :HC] + acc_ref[1][:, :HC]
    den16 = acc_ref[0][:, HC:] + acc_ref[1][:, HC:]
    den = jnp.dot(den16, e16_ref[...], preferred_element_type=jnp.float32)
    out1 = num / (den + 1e-16)
    v = out1 + b1_ref[...]
    h1e = jnp.where(v > 0, v, jnp.exp(v) - 1.0)
    h2 = jnp.dot(h1e, w2p_ref[...], preferred_element_type=jnp.float32)
    as32 = jnp.dot(h2, as32_ref[...], preferred_element_type=jnp.float32)
    g_out[...] = jnp.concatenate([h2, as32], axis=1).astype(jnp.bfloat16)
    as_out[...] = jnp.dot(h2, as2_ref[...], preferred_element_type=jnp.float32)
    ad_out[...] = jnp.dot(h2, ad2_ref[...], preferred_element_type=jnp.float32)


def _tc2(acc1, E16, b1r, W2p, As2M, Ad2M, As2M32):
    return pl.pallas_call(
        _tc2_body,
        grid=(GRID,),
        in_specs=[
            pl.BlockSpec((2, BLK, G1W), lambda i: (0, i, 0)),
            pl.BlockSpec((LW, HC), lambda i: (0, 0)),
            pl.BlockSpec((1, HC), lambda i: (0, 0)),
            pl.BlockSpec((HC, HNCPB), lambda i: (0, 0)),
            pl.BlockSpec((HNCPB, LW), lambda i: (0, 0)),
            pl.BlockSpec((HNCPB, LW), lambda i: (0, 0)),
            pl.BlockSpec((HNCPB, 2 * LW), lambda i: (0, 0)),
        ],
        out_specs=[
            pl.BlockSpec((BLK, G2BW), lambda i: (i, 0)),
            pl.BlockSpec((BLK, LW), lambda i: (i, 0)),
            pl.BlockSpec((BLK, LW), lambda i: (i, 0)),
        ],
        out_shape=[
            jax.ShapeDtypeStruct((NP_, G2BW), jnp.bfloat16),
            jax.ShapeDtypeStruct((NP_, LW), jnp.float32),
            jax.ShapeDtypeStruct((NP_, LW), jnp.float32),
        ],
    )(acc1, E16, b1r, W2p, As2M, Ad2M, As2M32)


def _tc2c_body(den_ref, ad_ref, d_out):
    r = (1.0 / H) / (den_ref[0] + den_ref[1] + 1e-16)
    d_out[...] = jnp.concatenate([ad_ref[...], r], axis=1)


def _tc2c(den2p, ad2s):
    return pl.pallas_call(
        _tc2c_body,
        grid=(GRID,),
        in_specs=[
            pl.BlockSpec((2, BLK, LW), lambda i: (0, i, 0)),
            pl.BlockSpec((BLK, LW), lambda i: (i, 0)),
        ],
        out_specs=pl.BlockSpec((BLK, D2W), lambda i: (i, 0)),
        out_shape=jax.ShapeDtypeStruct((NP_, D2W), jnp.float32),
    )(den2p, ad2s)


def _tc3_body(num_ref, b2_ref, out_ref):
    z = num_ref[0] + num_ref[1] + b2_ref[...]
    col = lax.broadcasted_iota(jnp.int32, (BLK, MW2), 1)
    mask = col < NC
    zm = jnp.where(mask, z, -1e30)
    m = jnp.max(zm, axis=1, keepdims=True)
    s = jnp.sum(jnp.where(mask, jnp.exp(zm - m), 0.0), axis=1, keepdims=True)
    out_ref[...] = (z - m) - jnp.log(s)


def _tc3(num2, b2p):
    return pl.pallas_call(
        _tc3_body,
        grid=(GRID,),
        in_specs=[
            pl.BlockSpec((2, BLK, MW2), lambda i: (0, i, 0)),
            pl.BlockSpec((1, MW2), lambda i: (0, 0)),
        ],
        out_specs=pl.BlockSpec((BLK, MW2), lambda i: (i, 0)),
        out_shape=jax.ShapeDtypeStruct((NP_, MW2), jnp.float32),
    )(num2, b2p)



def _stage_idx(srcs16, dsts16, wid, s16, d16):
    pltpu.sync_copy(srcs16.at[wid], s16)
    pltpu.sync_copy(dsts16.at[wid], d16)


def _unpack_idx(s16, d16, src32, dst32, j, slot):
    for ref16, ref32 in ((s16, src32), (d16, dst32)):
        for t in range(ref16.shape[1] // 32):
            va, vb = plsc.unpack(
                ref16[j, pl.ds(32 * t, 32)],
                format=plsc.PackFormat.INTERLEAVED,
                preferred_element_type=jnp.int32,
            )
            ref32[slot, pl.ds(32 * t, 16)] = va
            ref32[slot, pl.ds(32 * t + 16, 16)] = vb


def _sc1_body(G1, AD1, srcs16, dsts16, z80,
              out_acc,
              s16, d16, src32, dst32, g0, d0, g1, d1, mw,
              acc, sg0, sd0, sg1, sd1):
    cid = lax.axis_index("c")
    sid = lax.axis_index("s")
    wid = cid * 16 + sid

    _stage_idx(srcs16, dsts16, wid, s16, d16)
    r0 = sid * RPS
    pltpu.sync_copy(z80.at[pl.ds(r0, RPS)], acc.at[pl.ds(r0, RPS)])
    plsc.subcore_barrier()

    bufs = ((g0, d0, sg0, sd0), (g1, d1, sg1, sd1))

    def start(slot):
        g, d, sg, sd = bufs[slot]
        pltpu.async_copy(G1.at[src32.at[slot]], g, sg)
        pltpu.async_copy(AD1.at[dst32.at[slot]], d, sd)

    def wait(slot):
        g, d, sg, sd = bufs[slot]
        pltpu.make_async_copy(G1.at[src32.at[slot]], g, sg).wait()
        pltpu.make_async_copy(AD1.at[dst32.at[slot]], d, sd).wait()

    def compute(slot):
        g, d, _, _ = bufs[slot]
        m8 = lax.iota(jnp.int32, 16) < 8

        def edge(e, c2):
            ev = g[e, pl.ds(HC, 16)] + d[e, pl.ds(0, 16)]
            ev = jnp.where(ev > 0, ev, NEG * ev)
            w16 = jnp.exp(ev)
            mw[e, pl.ds(HC, 16)] = w16
            for k in range(4):
                sl = pl.ds(16 * k, 16)
                wa = jnp.full((16,), w16[2 * k], jnp.float32)
                wb = jnp.full((16,), w16[2 * k + 1], jnp.float32)
                wsel = jnp.where(m8, wa, wb)
                mw[e, sl] = wsel * g[e, sl]
            return c2

        lax.fori_loop(0, BL, edge, 0, unroll=False)
        pltpu.sync_copy(mw, acc.at[dst32.at[slot]], add=True)

    _unpack_idx(s16, d16, src32, dst32, 0, 0)
    start(0)

    def two_chunks(j2, carry):
        ja = 2 * j2
        _unpack_idx(s16, d16, src32, dst32, ja + 1, 1)
        start(1)
        wait(0)
        compute(0)
        _unpack_idx(s16, d16, src32, dst32, ja + 2, 0)
        start(0)
        wait(1)
        compute(1)
        return carry

    lax.fori_loop(0, NCHUNKL // 2, two_chunks, 0, unroll=False)
    wait(0)
    plsc.subcore_barrier()
    base = cid * NP_ + r0
    pltpu.sync_copy(acc.at[pl.ds(r0, RPS)], out_acc.at[pl.ds(base, RPS)])


def _sc1(G1a, AD1a, srcs16, dsts16):
    mesh = plsc.VectorSubcoreMesh(core_axis_name="c", subcore_axis_name="s")
    f = pl.kernel(
        _sc1_body,
        out_type=jax.ShapeDtypeStruct((2 * NP_, G1W), jnp.float32),
        mesh=mesh,
        compiler_params=_SC_PARAMS,
        scratch_types=[
            pltpu.VMEM((NCH2L, BL), jnp.int16),
            pltpu.VMEM((NCH2L, BL), jnp.int16),
            pltpu.VMEM((2, BL), jnp.int32),
            pltpu.VMEM((2, BL), jnp.int32),
            pltpu.VMEM((BL, G1W), jnp.float32),
            pltpu.VMEM((BL, LW), jnp.float32),
            pltpu.VMEM((BL, G1W), jnp.float32),
            pltpu.VMEM((BL, LW), jnp.float32),
            pltpu.VMEM((BL, G1W), jnp.float32),
            pltpu.VMEM_SHARED((NP_, G1W), jnp.float32),
            pltpu.SemaphoreType.DMA,
            pltpu.SemaphoreType.DMA,
            pltpu.SemaphoreType.DMA,
            pltpu.SemaphoreType.DMA,
        ],
    )
    z80 = jnp.zeros((NP_, G1W), jnp.float32)
    return f(G1a, AD1a, srcs16, dsts16, z80)


def _sc2a_body(AS2, AD2, srcs16, dsts16, z16,
               out_den,
               s16, d16, src32, dst32, s0, d0, s1, d1, w_c,
               acc, ss0, sd0, ss1, sd1):
    cid = lax.axis_index("c")
    sid = lax.axis_index("s")
    wid = cid * 16 + sid

    _stage_idx(srcs16, dsts16, wid, s16, d16)
    r0 = sid * RPS
    pltpu.sync_copy(z16.at[pl.ds(r0, RPS)], acc.at[pl.ds(r0, RPS)])
    plsc.subcore_barrier()

    bufs = ((s0, d0, ss0, sd0), (s1, d1, ss1, sd1))

    def start(slot):
        s, d, ss, sd = bufs[slot]
        pltpu.async_copy(AS2.at[src32.at[slot]], s, ss)
        pltpu.async_copy(AD2.at[dst32.at[slot]], d, sd)

    def wait(slot):
        s, d, ss, sd = bufs[slot]
        pltpu.make_async_copy(AS2.at[src32.at[slot]], s, ss).wait()
        pltpu.make_async_copy(AD2.at[dst32.at[slot]], d, sd).wait()

    def compute(slot):
        s, d, _, _ = bufs[slot]

        def edge(e, c2):
            ev = s[e, pl.ds(0, 16)] + d[e, pl.ds(0, 16)]
            ev = jnp.where(ev > 0, ev, NEG * ev)
            w_c[e, pl.ds(0, 16)] = jnp.exp(ev)
            return c2

        lax.fori_loop(0, BL, edge, 0, unroll=False)
        pltpu.sync_copy(w_c, acc.at[dst32.at[slot]], add=True)

    _unpack_idx(s16, d16, src32, dst32, 0, 0)
    start(0)

    def two_chunks(j2, carry):
        ja = 2 * j2
        _unpack_idx(s16, d16, src32, dst32, ja + 1, 1)
        start(1)
        wait(0)
        compute(0)
        _unpack_idx(s16, d16, src32, dst32, ja + 2, 0)
        start(0)
        wait(1)
        compute(1)
        return carry

    lax.fori_loop(0, NCHUNKL // 2, two_chunks, 0, unroll=False)
    wait(0)
    plsc.subcore_barrier()
    base = cid * NP_ + r0
    pltpu.sync_copy(acc.at[pl.ds(r0, RPS)], out_den.at[pl.ds(base, RPS)])


def _sc2a(AS2, AD2, srcs16, dsts16):
    mesh = plsc.VectorSubcoreMesh(core_axis_name="c", subcore_axis_name="s")
    f = pl.kernel(
        _sc2a_body,
        out_type=jax.ShapeDtypeStruct((2 * NP_, LW), jnp.float32),
        mesh=mesh,
        compiler_params=_SC_PARAMS,
        scratch_types=[
            pltpu.VMEM((NCH2L, BL), jnp.int16),
            pltpu.VMEM((NCH2L, BL), jnp.int16),
            pltpu.VMEM((2, BL), jnp.int32),
            pltpu.VMEM((2, BL), jnp.int32),
            pltpu.VMEM((BL, LW), jnp.float32),
            pltpu.VMEM((BL, LW), jnp.float32),
            pltpu.VMEM((BL, LW), jnp.float32),
            pltpu.VMEM((BL, LW), jnp.float32),
            pltpu.VMEM((BL, LW), jnp.float32),
            pltpu.VMEM_SHARED((NP_, LW), jnp.float32),
            pltpu.SemaphoreType.DMA,
            pltpu.SemaphoreType.DMA,
            pltpu.SemaphoreType.DMA,
            pltpu.SemaphoreType.DMA,
        ],
    )
    z16 = jnp.zeros((NP_, LW), jnp.float32)
    return f(AS2, AD2, srcs16, dsts16, z16)


def _sc2b_body(G2, D2, srcs16, dsts16, z48,
               out_num,
               s16, d16, src32, dst32, g0, d0, g1, d1, msg,
               acc, sg0, sd0, sg1, sd1):
    cid = lax.axis_index("c")
    sid = lax.axis_index("s")
    wid = cid * 16 + sid

    _stage_idx(srcs16, dsts16, wid, s16, d16)
    r0 = sid * RPS
    pltpu.sync_copy(z48.at[pl.ds(r0, RPS)], acc.at[pl.ds(r0, RPS)])
    plsc.subcore_barrier()

    bufs = ((g0, d0, sg0, sd0), (g1, d1, sg1, sd1))

    def start(slot):
        g, d, sg, sd = bufs[slot]
        pltpu.async_copy(G2.at[src32.at[slot]], g, sg)
        pltpu.async_copy(D2.at[dst32.at[slot]], d, sd)

    def wait(slot):
        g, d, sg, sd = bufs[slot]
        pltpu.make_async_copy(G2.at[src32.at[slot]], g, sg).wait()
        pltpu.make_async_copy(D2.at[dst32.at[slot]], d, sd).wait()

    def compute(slot):
        g, d, _, _ = bufs[slot]

        def edge(e, c2):
            alo, _ = plsc.unpack(g[e, pl.ds(HNCPB, 32)],
                                 format=plsc.PackFormat.INTERLEAVED,
                                 preferred_element_type=jnp.float32)
            ev = alo + d[e, pl.ds(0, 16)]
            ev = jnp.where(ev > 0, ev, NEG * ev)
            b16 = jnp.exp(ev) * d[e, pl.ds(LW, 16)]
            a0 = jnp.zeros((16,), jnp.float32)
            a1 = jnp.zeros((16,), jnp.float32)
            a2 = jnp.zeros((16,), jnp.float32)
            a3 = jnp.zeros((16,), jnp.float32)
            for h in range(H):
                wb = jnp.full((16,), b16[h], jnp.float32)
                lo0, hi0 = plsc.unpack(g[e, pl.ds(h * NCPB, 32)],
                                       format=plsc.PackFormat.INTERLEAVED,
                                       preferred_element_type=jnp.float32)
                lo1, hi1 = plsc.unpack(g[e, pl.ds(h * NCPB + 32, 32)],
                                       format=plsc.PackFormat.INTERLEAVED,
                                       preferred_element_type=jnp.float32)
                a0 = a0 + wb * lo0
                a1 = a1 + wb * hi0
                a2 = a2 + wb * lo1
                a3 = a3 + wb * hi1
            msg[e, pl.ds(0, 16)] = a0
            msg[e, pl.ds(16, 16)] = a1
            msg[e, pl.ds(32, 16)] = a2
            msg[e, pl.ds(48, 16)] = a3
            return c2

        lax.fori_loop(0, B, edge, 0, unroll=False)
        pltpu.sync_copy(msg, acc.at[dst32.at[slot]], add=True)

    _unpack_idx(s16, d16, src32, dst32, 0, 0)
    start(0)

    def two_chunks(j2, carry):
        ja = 2 * j2
        _unpack_idx(s16, d16, src32, dst32, ja + 1, 1)
        start(1)
        wait(0)
        compute(0)
        _unpack_idx(s16, d16, src32, dst32, ja + 2, 0)
        start(0)
        wait(1)
        compute(1)
        return carry

    lax.fori_loop(0, NCHUNK // 2, two_chunks, 0, unroll=False)
    wait(0)
    plsc.subcore_barrier()
    base = cid * NP_ + r0
    pltpu.sync_copy(acc.at[pl.ds(r0, RPS)], out_num.at[pl.ds(base, RPS)])


def _sc2b(G2a, D2a, srcs16, dsts16):
    mesh = plsc.VectorSubcoreMesh(core_axis_name="c", subcore_axis_name="s")
    f = pl.kernel(
        _sc2b_body,
        out_type=jax.ShapeDtypeStruct((2 * NP_, MW2), jnp.float32),
        mesh=mesh,
        compiler_params=_SC_PARAMS,
        scratch_types=[
            pltpu.VMEM((NCH2, B), jnp.int16),
            pltpu.VMEM((NCH2, B), jnp.int16),
            pltpu.VMEM((2, B), jnp.int32),
            pltpu.VMEM((2, B), jnp.int32),
            pltpu.VMEM((B, G2BW), jnp.bfloat16),
            pltpu.VMEM((B, D2W), jnp.float32),
            pltpu.VMEM((B, G2BW), jnp.bfloat16),
            pltpu.VMEM((B, D2W), jnp.float32),
            pltpu.VMEM((B, MW2), jnp.float32),
            pltpu.VMEM_SHARED((NP_, MW2), jnp.float32),
            pltpu.SemaphoreType.DMA,
            pltpu.SemaphoreType.DMA,
            pltpu.SemaphoreType.DMA,
            pltpu.SemaphoreType.DMA,
        ],
    )
    z48 = jnp.zeros((NP_, MW2), jnp.float32)
    return f(G2a, D2a, srcs16, dsts16, z48)



def _pack_idx16(arr):
    nw, nch, w = arr.shape
    a = arr.reshape(nw, nch, w // 32, 2, 16)
    a = a.transpose(0, 1, 2, 4, 3)
    return a.reshape(nw, nch, w).astype(jnp.int16)


def kernel(x, edge_index, W1, att_src1, att_dst1, b1, W2, att_src2,
           att_dst2, b2):
    loop = jnp.arange(N, dtype=jnp.int32)
    fill = jnp.full((EP - E - N,), N, jnp.int32)
    src = jnp.concatenate([edge_index[0].astype(jnp.int32), loop, fill])
    dst = jnp.concatenate([edge_index[1].astype(jnp.int32), loop, fill])
    srcs = jnp.pad(src.reshape(NW, NCHUNK, B), ((0, 0), (0, 2), (0, 0)),
                   constant_values=N)
    dsts = jnp.pad(dst.reshape(NW, NCHUNK, B), ((0, 0), (0, 2), (0, 0)),
                   constant_values=N)
    srcs16 = _pack_idx16(srcs)
    dsts16 = _pack_idx16(dsts)
    srcsL = jnp.pad(src.reshape(NW, NCHUNKL, BL), ((0, 0), (0, 2), (0, 0)),
                    constant_values=N)
    dstsL = jnp.pad(dst.reshape(NW, NCHUNKL, BL), ((0, 0), (0, 2), (0, 0)),
                    constant_values=N)
    srcs16L = _pack_idx16(srcsL)
    dsts16L = _pack_idx16(dstsL)

    xp = jnp.pad(x, ((0, NP_ - N), (0, 0)))

    r64 = jnp.arange(HC)
    k16 = jnp.arange(LW)
    head_of_row = r64 // C1
    As1 = jnp.where(head_of_row[:, None] == k16[None, :],
                    att_src1.reshape(-1)[:, None], 0.0)
    Ad1 = jnp.where(head_of_row[:, None] == k16[None, :],
                    att_dst1.reshape(-1)[:, None], 0.0)
    E16 = (k16[:, None] == (r64[None, :] // C1)).astype(jnp.float32)

    m512 = jnp.arange(HNCPB)
    mh = m512 // NCPB
    q64 = m512 % NCPB
    mt = q64 // 32
    mq = q64 % 32
    mc = mt * 32 + mq // 2 + (mq % 2) * 16
    real = mc < NC
    W2p = jnp.where(real[None, :],
                    W2[:, jnp.clip(mh * NC + mc, 0, H * NC - 1)], 0.0)
    att2s_m = jnp.where(real, att_src2[mh, jnp.clip(mc, 0, NC - 1)], 0.0)
    att2d_m = jnp.where(real, att_dst2[mh, jnp.clip(mc, 0, NC - 1)], 0.0)
    As2M = jnp.where(mh[:, None] == k16[None, :], att2s_m[:, None], 0.0)
    Ad2M = jnp.where(mh[:, None] == k16[None, :], att2d_m[:, None], 0.0)
    q32 = jnp.arange(2 * LW)
    As2M32 = jnp.where((q32[None, :] % 2 == 0) & (mh[:, None] == q32[None, :] // 2),
                       att2s_m[:, None], 0.0)
    b1r = b1.reshape(1, HC)
    b2p = jnp.pad(b2, (0, MW2 - NC)).reshape(1, MW2)

    G1a, AD1a = _tc1(xp, W1, As1, Ad1)
    acc1 = _sc1(G1a, AD1a, srcs16L, dsts16L).reshape(2, NP_, G1W)
    G2a, as2s, ad2s = _tc2(acc1, E16, b1r, W2p, As2M, Ad2M, As2M32)
    den2 = _sc2a(as2s, ad2s, srcs16L, dsts16L)
    D2a = _tc2c(den2.reshape(2, NP_, LW), ad2s)
    num2f = _sc2b(G2a, D2a, srcs16, dsts16)
    num2 = num2f.reshape(2, NP_, MW2)
    out = _tc3(num2, b2p)
    return out[:N, :NC]

# --- scband reference (transcript-rebuilt; emitter-appended) ---
"""Pipeline reference for scband-gat-35983236006136 (READ-ONLY COPY).

The authoritative reference and input builder live on the scoring server;
editing this copy changes nothing except your own understanding.
"""

import jax, jax.numpy as jnp
import numpy as np

N = 10000
E = 320000
F_IN = 128
H = 8
C1 = 8
NC = 40
NEG_SLOPE = 0.2


def setup_inputs(seed: int = 0) -> dict:
    key = jax.random.key(seed)
    ks = jax.random.split(key, 12)
    x = jax.random.normal(ks[0], (N, F_IN), dtype=jnp.float32)
    edge_index = jax.random.randint(ks[1], (2, E), 0, N, dtype=jnp.int32)
    s1 = 1.0 / np.sqrt(F_IN)
    s2 = 1.0 / np.sqrt(H * C1)
    W1 = jax.random.normal(ks[2], (F_IN, H * C1), dtype=jnp.float32) * s1
    att_src1 = jax.random.normal(ks[3], (H, C1), dtype=jnp.float32) * s2
    att_dst1 = jax.random.normal(ks[4], (H, C1), dtype=jnp.float32) * s2
    b1 = jnp.zeros((H * C1,), dtype=jnp.float32)
    W2 = jax.random.normal(ks[5], (H * C1, H * NC), dtype=jnp.float32) * s2
    att_src2 = jax.random.normal(ks[6], (H, NC), dtype=jnp.float32) * (1.0 / np.sqrt(NC))
    att_dst2 = jax.random.normal(ks[7], (H, NC), dtype=jnp.float32) * (1.0 / np.sqrt(NC))
    b2 = jnp.zeros((NC,), dtype=jnp.float32)
    return {"x": x, "edge_index": edge_index, "W1": W1, "att_src1": att_src1,
            "att_dst1": att_dst1, "b1": b1, "W2": W2, "att_src2": att_src2,
            "att_dst2": att_dst2, "b2": b2}


def _gat_layer(h_in, src, dst, W, att_s, att_d, b, heads, ch, concat):
    # PyG-style GATConv (eval mode, dropout disabled), with self-loops already in src/dst
    n = h_in.shape[0]
    h = (h_in @ W).reshape(n, heads, ch)                       # [N, H, C]
    a_s = jnp.sum(h * att_s[None, :, :], axis=-1)              # [N, H]
    a_d = jnp.sum(h * att_d[None, :, :], axis=-1)              # [N, H]
    e = a_s[src] + a_d[dst]                                    # [Etot, H]
    e = jax.nn.leaky_relu(e, NEG_SLOPE)
    e_max = jax.ops.segment_max(e, dst, num_segments=n)
    e = jnp.exp(e - e_max[dst])
    denom = jax.ops.segment_sum(e, dst, num_segments=n)
    alpha = e / (denom[dst] + 1e-16)                           # softmax over incoming edges
    msg = h[src] * alpha[:, :, None]                           # [Etot, H, C]
    out = jax.ops.segment_sum(msg, dst, num_segments=n)        # [N, H, C]
    if concat:
        out = out.reshape(n, heads * ch)
    else:
        out = out.mean(axis=1)
    return out + b


def reference(x, edge_index, W1, att_src1, att_dst1, b1, W2, att_src2, att_dst2, b2):
    n = x.shape[0]
    loop = jnp.arange(n, dtype=edge_index.dtype)
    src = jnp.concatenate([edge_index[0], loop])
    dst = jnp.concatenate([edge_index[1], loop])
    h = _gat_layer(x, src, dst, W1, att_src1, att_dst1, b1, H, C1, True)
    h = jax.nn.elu(h)
    h = _gat_layer(h, src, dst, W2, att_src2, att_dst2, b2, H, NC, False)
    return jax.nn.log_softmax(h, axis=1)

if __name__ == "__main__":
    import jax
    _d = setup_inputs()
    print(jax.jit(kernel)(*tuple(_d.values())))

</pallas_src>

<mosaic_0001>
#map = affine_map<(d0, d1) -> (0, 0)>
#map1 = affine_map<(d0, d1) -> (0, 0, 0)>
module attributes {stable_mosaic.version = 14 : i64} {
  func.func @_sc2a_body(%arg0: i32, %arg1: i32, %arg2: memref<10240x16xf32, #tpu.memory_space<hbm>>, %arg3: memref<10240x16xf32, #tpu.memory_space<hbm>>, %arg4: memref<32x86x128xi16, #tpu.memory_space<hbm>>, %arg5: memref<32x86x128xi16, #tpu.memory_space<hbm>>, %arg6: memref<10240x16xf32, #tpu.memory_space<hbm>>, %arg7: memref<20480x16xf32, #tpu.memory_space<hbm>>, %arg8: memref<86x128xi16, #tpu.memory_space<vmem>>, %arg9: memref<86x128xi16, #tpu.memory_space<vmem>>, %arg10: memref<2x128xi32, #tpu.memory_space<vmem>>, %arg11: memref<2x128xi32, #tpu.memory_space<vmem>>, %arg12: memref<128x16xf32, #tpu.memory_space<vmem>>, %arg13: memref<128x16xf32, #tpu.memory_space<vmem>>, %arg14: memref<128x16xf32, #tpu.memory_space<vmem>>, %arg15: memref<128x16xf32, #tpu.memory_space<vmem>>, %arg16: memref<128x16xf32, #tpu.memory_space<vmem>>, %arg17: memref<10240x16xf32, #tpu.memory_space<vmem_shared>>, %arg18: memref<!tpu.dma_semaphore, #tpu.memory_space<semaphore_mem>>, %arg19: memref<!tpu.dma_semaphore, #tpu.memory_space<semaphore_mem>>, %arg20: memref<!tpu.dma_semaphore, #tpu.memory_space<semaphore_mem>>, %arg21: memref<!tpu.dma_semaphore, #tpu.memory_space<semaphore_mem>>) attributes {dimension_semantics = [#tpu.dimension_semantics<core_parallel>, #tpu.dimension_semantics<subcore_parallel>], iteration_bounds = array<i64: 2, 16>, scalar_prefetch = 0 : i64, scratch_operands = 14 : i64, tpu.core_type = #tpu.core_type<sc_vector_subcore>, window_params = [{transform_indices = #map}, {transform_indices = #map}, {transform_indices = #map1}, {transform_indices = #map1}, {transform_indices = #map}, {transform_indices = #map}]} {
    %mul3A = arith.constant 16 : i32
    %mul3A_0 = arith.muli %arg0, %mul3A : i32
    %add3A = arith.addi %mul3A_0, %arg1 : i32
    "tpu.region"() ({
      %run_scoped3A = tpu.sem_alloc : memref<!tpu.dma_semaphore, #tpu.memory_space<semaphore_mem>>
      %dma_start3A_147 = arith.constant 0 : i32
      %dma_start3A_148 = arith.constant 0 : i32
      %dma_start3A_149 = tpu.memref_slice %arg4[%add3A, %dma_start3A_147, %dma_start3A_148] : memref<32x86x128xi16, #tpu.memory_space<hbm>> -> memref<1x86x128xi16, #tpu.memory_space<hbm>>
      %dma_start3A_150 = tpu.memref_squeeze %dma_start3A_149 : memref<1x86x128xi16, #tpu.memory_space<hbm>> -> memref<86x128xi16, #tpu.memory_space<hbm>>
      %dma_start3A_151 = arith.constant 0 : i32
      %dma_start3A_152 = arith.constant 0 : i32
      %dma_start3A_153 = tpu.memref_slice %arg4[%add3A, %dma_start3A_151, %dma_start3A_152] : memref<32x86x128xi16, #tpu.memory_space<hbm>> -> memref<1x86x128xi16, #tpu.memory_space<hbm>>
      %dma_start3A_154 = tpu.memref_squeeze %dma_start3A_153 : memref<1x86x128xi16, #tpu.memory_space<hbm>> -> memref<86x128xi16, #tpu.memory_space<hbm>>
      tpu.enqueue_dma source(%dma_start3A_154 : memref<86x128xi16, #tpu.memory_space<hbm>>) target(%arg8 : memref<86x128xi16, #tpu.memory_space<vmem>>) target_semaphore(%run_scoped3A : memref<!tpu.dma_semaphore, #tpu.memory_space<semaphore_mem>>)
      %dma_wait3A_155 = arith.constant 0 : i32
      %dma_wait3A_156 = arith.constant 0 : i32
      %dma_wait3A_157 = tpu.memref_slice %arg4[%add3A, %dma_wait3A_155, %dma_wait3A_156] : memref<32x86x128xi16, #tpu.memory_space<hbm>> -> memref<1x86x128xi16, #tpu.memory_space<hbm>>
      %dma_wait3A_158 = tpu.memref_squeeze %dma_wait3A_157 : memref<1x86x128xi16, #tpu.memory_space<hbm>> -> memref<86x128xi16, #tpu.memory_space<hbm>>
      %dma_wait3A_159 = arith.constant 0 : i32
      %dma_wait3A_160 = arith.constant 0 : i32
      %dma_wait3A_161 = tpu.memref_slice %arg4[%add3A, %dma_wait3A_159, %dma_wait3A_160] : memref<32x86x128xi16, #tpu.memory_space<hbm>> -> memref<1x86x128xi16, #tpu.memory_space<hbm>>
      %dma_wait3A_162 = tpu.memref_squeeze %dma_wait3A_161 : memref<1x86x128xi16, #tpu.memory_space<hbm>> -> memref<86x128xi16, #tpu.memory_space<hbm>>
      tpu.wait_dma2 semaphore(%run_scoped3A : memref<!tpu.dma_semaphore, #tpu.memory_space<semaphore_mem>>) src(%dma_wait3A_162 : memref<86x128xi16, #tpu.memory_space<hbm>>) dst(%arg8 : memref<86x128xi16, #tpu.memory_space<vmem>>)
      tpu.yield
    }) : () -> ()
    "tpu.region"() ({
      %run_scoped3A = tpu.sem_alloc : memref<!tpu.dma_semaphore, #tpu.memory_space<semaphore_mem>>
      %dma_start3A_147 = arith.constant 0 : i32
      %dma_start3A_148 = arith.constant 0 : i32
      %dma_start3A_149 = tpu.memref_slice %arg5[%add3A, %dma_start3A_147, %dma_start3A_148] : memref<32x86x128xi16, #tpu.memory_space<hbm>> -> memref<1x86x128xi16, #tpu.memory_space<hbm>>
      %dma_start3A_150 = tpu.memref_squeeze %dma_start3A_149 : memref<1x86x128xi16, #tpu.memory_space<hbm>> -> memref<86x128xi16, #tpu.memory_space<hbm>>
      %dma_start3A_151 = arith.constant 0 : i32
      %dma_start3A_152 = arith.constant 0 : i32
      %dma_start3A_153 = tpu.memref_slice %arg5[%add3A, %dma_start3A_151, %dma_start3A_152] : memref<32x86x128xi16, #tpu.memory_space<hbm>> -> memref<1x86x128xi16, #tpu.memory_space<hbm>>
      %dma_start3A_154 = tpu.memref_squeeze %dma_start3A_153 : memref<1x86x128xi16, #tpu.memory_space<hbm>> -> memref<86x128xi16, #tpu.memory_space<hbm>>
      tpu.enqueue_dma source(%dma_start3A_154 : memref<86x128xi16, #tpu.memory_space<hbm>>) target(%arg9 : memref<86x128xi16, #tpu.memory_space<vmem>>) target_semaphore(%run_scoped3A : memref<!tpu.dma_semaphore, #tpu.memory_space<semaphore_mem>>)
      %dma_wait3A_155 = arith.constant 0 : i32
      %dma_wait3A_156 = arith.constant 0 : i32
      %dma_wait3A_157 = tpu.memref_slice %arg5[%add3A, %dma_wait3A_155, %dma_wait3A_156] : memref<32x86x128xi16, #tpu.memory_space<hbm>> -> memref<1x86x128xi16, #tpu.memory_space<hbm>>
      %dma_wait3A_158 = tpu.memref_squeeze %dma_wait3A_157 : memref<1x86x128xi16, #tpu.memory_space<hbm>> -> memref<86x128xi16, #tpu.memory_space<hbm>>
      %dma_wait3A_159 = arith.constant 0 : i32
      %dma_wait3A_160 = arith.constant 0 : i32
      %dma_wait3A_161 = tpu.memref_slice %arg5[%add3A, %dma_wait3A_159, %dma_wait3A_160] : memref<32x86x128xi16, #tpu.memory_space<hbm>> -> memref<1x86x128xi16, #tpu.memory_space<hbm>>
      %dma_wait3A_162 = tpu.memref_squeeze %dma_wait3A_161 : memref<1x86x128xi16, #tpu.memory_space<hbm>> -> memref<86x128xi16, #tpu.memory_space<hbm>>
      tpu.wait_dma2 semaphore(%run_scoped3A : memref<!tpu.dma_semaphore, #tpu.memory_space<semaphore_mem>>) src(%dma_wait3A_162 : memref<86x128xi16, #tpu.memory_space<hbm>>) dst(%arg9 : memref<86x128xi16, #tpu.memory_space<vmem>>)
      tpu.yield
    }) : () -> ()
    %mul3A_1 = arith.constant 640 : i32
    %mul3A_2 = arith.muli %arg1, %mul3A_1 : i32
    "tpu.region"() ({
      %run_scoped3A = tpu.sem_alloc : memref<!tpu.dma_semaphore, #tpu.memory_space<semaphore_mem>>
      %dma_start3A_147 = arith.constant 0 : i32
      %dma_start3A_148 = tpu.memref_slice %arg17[%mul3A_2, %dma_start3A_147] : memref<10240x16xf32, #tpu.memory_space<vmem_shared>> -> memref<640x16xf32, #tpu.memory_space<vmem_shared>>
      %dma_start3A_149 = arith.constant 0 : i32
      %dma_start3A_150 = tpu.memref_slice %arg6[%mul3A_2, %dma_start3A_149] : memref<10240x16xf32, #tpu.memory_space<hbm>> -> memref<640x16xf32, #tpu.memory_space<hbm>>
      tpu.enqueue_dma source(%dma_start3A_150 : memref<640x16xf32, #tpu.memory_space<hbm>>) target(%dma_start3A_148 : memref<640x16xf32, #tpu.memory_space<vmem_shared>>) target_semaphore(%run_scoped3A : memref<!tpu.dma_semaphore, #tpu.memory_space<semaphore_mem>>)
      %dma_wait3A_151 = arith.constant 0 : i32
      %dma_wait3A_152 = tpu.memref_slice %arg17[%mul3A_2, %dma_wait3A_151] : memref<10240x16xf32, #tpu.memory_space<vmem_shared>> -> memref<640x16xf32, #tpu.memory_space<vmem_shared>>
      %dma_wait3A_153 = arith.constant 0 : i32
      %dma_wait3A_154 = tpu.memref_slice %arg6[%mul3A_2, %dma_wait3A_153] : memref<10240x16xf32, #tpu.memory_space<hbm>> -> memref<640x16xf32, #tpu.memory_space<hbm>>
      tpu.wait_dma2 semaphore(%run_scoped3A : memref<!tpu.dma_semaphore, #tpu.memory_space<semaphore_mem>>) src(%dma_wait3A_154 : memref<640x16xf32, #tpu.memory_space<hbm>>) dst(%dma_wait3A_152 : memref<640x16xf32, #tpu.memory_space<vmem_shared>>)
      tpu.yield
    }) : () -> ()
    %barrier3A = arith.constant 0 : index
    tpu.barrier barrier_id(%barrier3A)
    %get3A = arith.constant 0 : i32
    %get3A_3 = arith.index_cast %get3A : i32 to index
    %get3A_4 = arith.constant 0 : index
    %get3A_5 = tpu.vector_load %arg8[%get3A_3, %get3A_4] {strides = array<i32>} : memref<86x128xi16, #tpu.memory_space<vmem>>, vector<32xi16>,
    %unpack3A = tpu.unpack_subelements %get3A_5, 0 {pack_format = #tpu.pack_format<interleaved>} : vector<32xi16> -> vector<16xi32>
    %unpack3A_6 = tpu.unpack_subelements %get3A_5, 1 {pack_format = #tpu.pack_format<interleaved>} : vector<32xi16> -> vector<16xi32>
    %swap3A = arith.constant 0 : i32
    %swap3A_7 = arith.index_cast %swap3A : i32 to index
    %swap3A_8 = arith.constant 0 : index
    %swap3A_9 = tpu.vector_load %arg10[%swap3A_7, %swap3A_8] {strides = array<i32>} : memref<2x128xi32, #tpu.memory_space<vmem>>, vector<16xi32>,
    tpu.vector_store %arg10[%swap3A_7, %swap3A_8], %unpack3A {strides = array<i32>} : memref<2x128xi32, #tpu.memory_space<vmem>>, vector<16xi32>,
    %swap3A_10 = arith.constant 0 : i32
    %swap3A_11 = arith.index_cast %swap3A_10 : i32 to index
    %swap3A_12 = arith.constant 16 : index
    %swap3A_13 = tpu.vector_load %arg10[%swap3A_11, %swap3A_12] {strides = array<i32>} : memref<2x128xi32, #tpu.memory_space<vmem>>, vector<16xi32>,
    tpu.vector_store %arg10[%swap3A_11, %swap3A_12], %unpack3A_6 {strides = array<i32>} : memref<2x128xi32, #tpu.memory_space<vmem>>, vector<16xi32>,
    %get3A_14 = arith.constant 0 : i32
    %get3A_15 = arith.index_cast %get3A_14 : i32 to index
    %get3A_16 = arith.constant 32 : index
    %get3A_17 = tpu.vector_load %arg8[%get3A_15, %get3A_16] {strides = array<i32>} : memref<86x128xi16, #tpu.memory_space<vmem>>, vector<32xi16>,
    %unpack3A_18 = tpu.unpack_subelements %get3A_17, 0 {pack_format = #tpu.pack_format<interleaved>} : vector<32xi16> -> vector<16xi32>
    %unpack3A_19 = tpu.unpack_subelements %get3A_17, 1 {pack_format = #tpu.pack_format<interleaved>} : vector<32xi16> -> vector<16xi32>
    %swap3A_20 = arith.constant 0 : i32
    %swap3A_21 = arith.index_cast %swap3A_20 : i32 to index
    %swap3A_22 = arith.constant 32 : index
    %swap3A_23 = tpu.vector_load %arg10[%swap3A_21, %swap3A_22] {strides = array<i32>} : memref<2x128xi32, #tpu.memory_space<vmem>>, vector<16xi32>,
    tpu.vector_store %arg10[%swap3A_21, %swap3A_22], %unpack3A_18 {strides = array<i32>} : memref<2x128xi32, #tpu.memory_space<vmem>>, vector<16xi32>,
    %swap3A_24 = arith.constant 0 : i32
    %swap3A_25 = arith.index_cast %swap3A_24 : i32 to index
    %swap3A_26 = arith.constant 48 : index
    %swap3A_27 = tpu.vector_load %arg10[%swap3A_25, %swap3A_26] {strides = array<i32>} : memref<2x128xi32, #tpu.memory_space<vmem>>, vector<16xi32>,
    tpu.vector_store %arg10[%swap3A_25, %swap3A_26], %unpack3A_19 {strides = array<i32>} : memref<2x128xi32, #tpu.memory_space<vmem>>, vector<16xi32>,
    %get3A_28 = arith.constant 0 : i32
    %get3A_29 = arith.index_cast %get3A_28 : i32 to index
    %get3A_30 = arith.constant 64 : index
    %get3A_31 = tpu.vector_load %arg8[%get3A_29, %get3A_30] {strides = array<i32>} : memref<86x128xi16, #tpu.memory_space<vmem>>, vector<32xi16>,
    %unpack3A_32 = tpu.unpack_subelements %get3A_31, 0 {pack_format = #tpu.pack_format<interleaved>} : vector<32xi16> -> vector<16xi32>
    %unpack3A_33 = tpu.unpack_subelements %get3A_31, 1 {pack_format = #tpu.pack_format<interleaved>} : vector<32xi16> -> vector<16xi32>
    %swap3A_34 = arith.constant 0 : i32
    %swap3A_35 = arith.index_cast %swap3A_34 : i32 to index
    %swap3A_36 = arith.constant 64 : index
    %swap3A_37 = tpu.vector_load %arg10[%swap3A_35, %swap3A_36] {strides = array<i32>} : memref<2x128xi32, #tpu.memory_space<vmem>>, vector<16xi32>,
    tpu.vector_store %arg10[%swap3A_35, %swap3A_36], %unpack3A_32 {strides = array<i32>} : memref<2x128xi32, #tpu.memory_space<vmem>>, vector<16xi32>,
    %swap3A_38 = arith.constant 0 : i32
    %swap3A_39 = arith.index_cast %swap3A_38 : i32 to index
    %swap3A_40 = arith.constant 80 : index
    %swap3A_41 = tpu.vector_load %arg10[%swap3A_39, %swap3A_40] {strides = array<i32>} : memref<2x128xi32, #tpu.memory_space<vmem>>, vector<16xi32>,
    tpu.vector_store %arg10[%swap3A_39, %swap3A_40], %unpack3A_33 {strides = array<i32>} : memref<2x128xi32, #tpu.memory_space<vmem>>, vector<16xi32>,
    %get3A_42 = arith.constant 0 : i32
    %get3A_43 = arith.index_cast %get3A_42 : i32 to index
    %get3A_44 = arith.constant 96 : index
    %get3A_45 = tpu.vector_load %arg8[%get3A_43, %get3A_44] {strides = array<i32>} : memref<86x128xi16, #tpu.memory_space<vmem>>, vector<32xi16>,
    %unpack3A_46 = tpu.unpack_subelements %get3A_45, 0 {pack_format = #tpu.pack_format<interleaved>} : vector<32xi16> -> vector<16xi32>
    %unpack3A_47 = tpu.unpack_subelements %get3A_45, 1 {pack_format = #tpu.pack_format<interleaved>} : vector<32xi16> -> vector<16xi32>
    %swap3A_48 = arith.constant 0 : i32
    %swap3A_49 = arith.index_cast %swap3A_48 : i32 to index
    %swap3A_50 = arith.constant 96 : index
    %swap3A_51 = tpu.vector_load %arg10[%swap3A_49, %swap3A_50] {strides = array<i32>} : memref<2x128xi32, #tpu.memory_space<vmem>>, vector<16xi32>,
    tpu.vector_store %arg10[%swap3A_49, %swap3A_50], %unpack3A_46 {strides = array<i32>} : memref<2x128xi32, #tpu.memory_space<vmem>>, vector<16xi32>,
    %swap3A_52 = arith.constant 0 : i32
    %swap3A_53 = arith.index_cast %swap3A_52 : i32 to index
    %swap3A_54 = arith.constant 112 : index
    %swap3A_55 = tpu.vector_load %arg10[%swap3A_53, %swap3A_54] {strides = array<i32>} : memref<2x128xi32, #tpu.memory_space<vmem>>, vector<16xi32>,
    tpu.vector_store %arg10[%swap3A_53, %swap3A_54], %unpack3A_47 {strides = array<i32>} : memref<2x128xi32, #tpu.memory_space<vmem>>, vector<16xi32>,
    %get3A_56 = arith.constant 0 : i32
    %get3A_57 = arith.index_cast %get3A_56 : i32 to index
    %get3A_58 = arith.constant 0 : index
    %get3A_59 = tpu.vector_load %arg9[%get3A_57, %get3A_58] {strides = array<i32>} : memref<86x128xi16, #tpu.memory_space<vmem>>, vector<32xi16>,
    %unpack3A_60 = tpu.unpack_subelements %get3A_59, 0 {pack_format = #tpu.pack_format<interleaved>} : vector<32xi16> -> vector<16xi32>
    %unpack3A_61 = tpu.unpack_subelements %get3A_59, 1 {pack_format = #tpu.pack_format<interleaved>} : vector<32xi16> -> vector<16xi32>
    %swap3A_62 = arith.constant 0 : i32
    %swap3A_63 = arith.index_cast %swap3A_62 : i32 to index
    %swap3A_64 = arith.constant 0 : index
    %swap3A_65 = tpu.vector_load %arg11[%swap3A_63, %swap3A_64] {strides = array<i32>} : memref<2x128xi32, #tpu.memory_space<vmem>>, vector<16xi32>,
    tpu.vector_store %arg11[%swap3A_63, %swap3A_64], %unpack3A_60 {strides = array<i32>} : memref<2x128xi32, #tpu.memory_space<vmem>>, vector<16xi32>,
    %swap3A_66 = arith.constant 0 : i32
    %swap3A_67 = arith.index_cast %swap3A_66 : i32 to index
    %swap3A_68 = arith.constant 16 : index
    %swap3A_69 = tpu.vector_load %arg11[%swap3A_67, %swap3A_68] {strides = array<i32>} : memref<2x128xi32, #tpu.memory_space<vmem>>, vector<16xi32>,
    tpu.vector_store %arg11[%swap3A_67, %swap3A_68], %unpack3A_61 {strides = array<i32>} : memref<2x128xi32, #tpu.memory_space<vmem>>, vector<16xi32>,
    %get3A_70 = arith.constant 0 : i32
    %get3A_71 = arith.index_cast %get3A_70 : i32 to index
    %get3A_72 = arith.constant 32 : index
    %get3A_73 = tpu.vector_load %arg9[%get3A_71, %get3A_72] {strides = array<i32>} : memref<86x128xi16, #tpu.memory_space<vmem>>, vector<32xi16>,
    %unpack3A_74 = tpu.unpack_subelements %get3A_73, 0 {pack_format = #tpu.pack_format<interleaved>} : vector<32xi16> -> vector<16xi32>
    %unpack3A_75 = tpu.unpack_subelements %get3A_73, 1 {pack_format = #tpu.pack_format<interleaved>} : vector<32xi16> -> vector<16xi32>
    %swap3A_76 = arith.constant 0 : i32
    %swap3A_77 = arith.index_cast %swap3A_76 : i32 to index
    %swap3A_78 = arith.constant 32 : index
    %swap3A_79 = tpu.vector_load %arg11[%swap3A_77, %swap3A_78] {strides = array<i32>} : memref<2x128xi32, #tpu.memory_space<vmem>>, vector<16xi32>,
    tpu.vector_store %arg11[%swap3A_77, %swap3A_78], %unpack3A_74 {strides = array<i32>} : memref<2x128xi32, #tpu.memory_space<vmem>>, vector<16xi32>,
    %swap3A_80 = arith.constant 0 : i32
    %swap3A_81 = arith.index_cast %swap3A_80 : i32 to index
    %swap3A_82 = arith.constant 48 : index
    %swap3A_83 = tpu.vector_load %arg11[%swap3A_81, %swap3A_82] {strides = array<i32>} : memref<2x128xi32, #tpu.memory_space<vmem>>, vector<16xi32>,
    tpu.vector_store %arg11[%swap3A_81, %swap3A_82], %unpack3A_75 {strides = array<i32>} : memref<2x128xi32, #tpu.memory_space<vmem>>, vector<16xi32>,
    %get3A_84 = arith.constant 0 : i32
    %get3A_85 = arith.index_cast %get3A_84 : i32 to index
    %get3A_86 = arith.constant 64 : index
    %get3A_87 = tpu.vector_load %arg9[%get3A_85, %get3A_86] {strides = array<i32>} : memref<86x128xi16, #tpu.memory_space<vmem>>, vector<32xi16>,
    %unpack3A_88 = tpu.unpack_subelements %get3A_87, 0 {pack_format = #tpu.pack_format<interleaved>} : vector<32xi16> -> vector<16xi32>
    %unpack3A_89 = tpu.unpack_subelements %get3A_87, 1 {pack_format = #tpu.pack_format<interleaved>} : vector<32xi16> -> vector<16xi32>
    %swap3A_90 = arith.constant 0 : i32
    %swap3A_91 = arith.index_cast %swap3A_90 : i32 to index
    %swap3A_92 = arith.constant 64 : index
    %swap3A_93 = tpu.vector_load %arg11[%swap3A_91, %swap3A_92] {strides = array<i32>} : memref<2x128xi32, #tpu.memory_space<vmem>>, vector<16xi32>,
    tpu.vector_store %arg11[%swap3A_91, %swap3A_92], %unpack3A_88 {strides = array<i32>} : memref<2x128xi32, #tpu.memory_space<vmem>>, vector<16xi32>,
    %swap3A_94 = arith.constant 0 : i32
    %swap3A_95 = arith.index_cast %swap3A_94 : i32 to index
    %swap3A_96 = arith.constant 80 : index
    %swap3A_97 = tpu.vector_load %arg11[%swap3A_95, %swap3A_96] {strides = array<i32>} : memref<2x128xi32, #tpu.memory_space<vmem>>, vector<16xi32>,
    tpu.vector_store %arg11[%swap3A_95, %swap3A_96], %unpack3A_89 {strides = array<i32>} : memref<2x128xi32, #tpu.memory_space<vmem>>, vector<16xi32>,
    %get3A_98 = arith.constant 0 : i32
    %get3A_99 = arith.index_cast %get3A_98 : i32 to index
    %get3A_100 = arith.constant 96 : index
    %get3A_101 = tpu.vector_load %arg9[%get3A_99, %get3A_100] {strides = array<i32>} : memref<86x128xi16, #tpu.memory_space<vmem>>, vector<32xi16>,
    %unpack3A_102 = tpu.unpack_subelements %get3A_101, 0 {pack_format = #tpu.pack_format<interleaved>} : vector<32xi16> -> vector<16xi32>
    %unpack3A_103 = tpu.unpack_subelements %get3A_101, 1 {pack_format = #tpu.pack_format<interleaved>} : vector<32xi16> -> vector<16xi32>
    %swap3A_104 = arith.constant 0 : i32
    %swap3A_105 = arith.index_cast %swap3A_104 : i32 to index
    %swap3A_106 = arith.constant 96 : index
    %swap3A_107 = tpu.vector_load %arg11[%swap3A_105, %swap3A_106] {strides = array<i32>} : memref<2x128xi32, #tpu.memory_space<vmem>>, vector<16xi32>,
    tpu.vector_store %arg11[%swap3A_105, %swap3A_106], %unpack3A_102 {strides = array<i32>} : memref<2x128xi32, #tpu.memory_space<vmem>>, vector<16xi32>,
    %swap3A_108 = arith.constant 0 : i32
    %swap3A_109 = arith.index_cast %swap3A_108 : i32 to index
    %swap3A_110 = arith.constant 112 : index
    %swap3A_111 = tpu.vector_load %arg11[%swap3A_109, %swap3A_110] {strides = array<i32>} : memref<2x128xi32, #tpu.memory_space<vmem>>, vector<16xi32>,
    tpu.vector_store %arg11[%swap3A_109, %swap3A_110], %unpack3A_103 {strides = array<i32>} : memref<2x128xi32, #tpu.memory_space<vmem>>, vector<16xi32>,
    %dma_start3A = arith.constant 0 : i32
    %dma_start3A_112 = arith.constant 0 : i32
    %dma_start3A_113 = tpu.memref_slice %arg10[%dma_start3A, %dma_start3A_112] : memref<2x128xi32, #tpu.memory_space<vmem>> -> memref<1x128xi32, #tpu.memory_space<vmem>>
    %dma_start3A_114 = tpu.memref_squeeze %dma_start3A_113 : memref<1x128xi32, #tpu.memory_space<vmem>> -> memref<128xi32, #tpu.memory_space<vmem>>
    %dma_start3A_115 = arith.constant 0 : i32
    %dma_start3A_116 = arith.constant 0 : i32
    %dma_start3A_117 = tpu.memref_slice %arg2[%dma_start3A_115, %dma_start3A_116] : memref<10240x16xf32, #tpu.memory_space<hbm>> -> memref<10240x16xf32, #tpu.memory_space<hbm>>
    tpu.enqueue_indirect_dma source(%dma_start3A_117 : memref<10240x16xf32, #tpu.memory_space<hbm>>) target(%arg12 : memref<128x16xf32, #tpu.memory_space<vmem>>) offsets(%dma_start3A_114 : memref<128xi32, #tpu.memory_space<vmem>>) semaphore(%arg18 : memref<!tpu.dma_semaphore, #tpu.memory_space<semaphore_mem>>)
    %dma_start3A_118 = arith.constant 0 : i32
    %dma_start3A_119 = arith.constant 0 : i32
    %dma_start3A_120 = tpu.memref_slice %arg11[%dma_start3A_118, %dma_start3A_119] : memref<2x128xi32, #tpu.memory_space<vmem>> -> memref<1x128xi32, #tpu.memory_space<vmem>>
    %dma_start3A_121 = tpu.memref_squeeze %dma_start3A_120 : memref<1x128xi32, #tpu.memory_space<vmem>> -> memref<128xi32, #tpu.memory_space<vmem>>
    %dma_start3A_122 = arith.constant 0 : i32
    %dma_start3A_123 = arith.constant 0 : i32
    %dma_start3A_124 = tpu.memref_slice %arg3[%dma_start3A_122, %dma_start3A_123] : memref<10240x16xf32, #tpu.memory_space<hbm>> -> memref<10240x16xf32, #tpu.memory_space<hbm>>
    tpu.enqueue_indirect_dma source(%dma_start3A_124 : memref<10240x16xf32, #tpu.memory_space<hbm>>) target(%arg13 : memref<128x16xf32, #tpu.memory_space<vmem>>) offsets(%dma_start3A_121 : memref<128xi32, #tpu.memory_space<vmem>>) semaphore(%arg19 : memref<!tpu.dma_semaphore, #tpu.memory_space<semaphore_mem>>)
    %scan3A = arith.constant 0 : i32
    %scan3A_125 = arith.constant 0 : i32
    %scan3A_126 = arith.constant 42 : i32
    %scan3A_127 = arith.addi %scan3A_125, %scan3A_126 : i32
    %scan3A_128 = arith.constant 1 : i32
    scf.for %scan3A_147 = %scan3A_125 to %scan3A_127 step %scan3A_128  : i32 {
      %mul3A_148 = arith.constant 2 : i32
      %mul3A_149 = arith.muli %mul3A_148, %scan3A_147 : i32
      %add3A_150 = arith.constant 1 : i32
      %add3A_151 = arith.addi %mul3A_149, %add3A_150 : i32
      %get3A_152 = arith.index_cast %add3A_151 : i32 to index
      %get3A_153 = arith.constant 0 : index
      %get3A_154 = tpu.vector_load %arg8[%get3A_152, %get3A_153] {strides = array<i32>} : memref<86x128xi16, #tpu.memory_space<vmem>>, vector<32xi16>,
      %unpack3A_155 = tpu.unpack_subelements %get3A_154, 0 {pack_format = #tpu.pack_format<interleaved>} : vector<32xi16> -> vector<16xi32>
      %unpack3A_156 = tpu.unpack_subelements %get3A_154, 1 {pack_format = #tpu.pack_format<interleaved>} : vector<32xi16> -> vector<16xi32>
      %swap3A_157 = arith.constant 1 : i32
      %swap3A_158 = arith.index_cast %swap3A_157 : i32 to index
      %swap3A_159 = arith.constant 0 : index
      %swap3A_160 = tpu.vector_load %arg10[%swap3A_158, %swap3A_159] {strides = array<i32>} : memref<2x128xi32, #tpu.memory_space<vmem>>, vector<16xi32>,
      tpu.vector_store %arg10[%swap3A_158, %swap3A_159], %unpack3A_155 {strides = array<i32>} : memref<2x128xi32, #tpu.memory_space<vmem>>, vector<16xi32>,
      %swap3A_161 = arith.constant 1 : i32
      %swap3A_162 = arith.index_cast %swap3A_161 : i32 to index
      %swap3A_163 = arith.constant 16 : index
      %swap3A_164 = tpu.vector_load %arg10[%swap3A_162, %swap3A_163] {strides = array<i32>} : memref<2x128xi32, #tpu.memory_space<vmem>>, vector<16xi32>,
      tpu.vector_store %arg10[%swap3A_162, %swap3A_163], %unpack3A_156 {strides = array<i32>} : memref<2x128xi32, #tpu.memory_space<vmem>>, vector<16xi32>,
      %get3A_165 = arith.index_cast %add3A_151 : i32 to index
      %get3A_166 = arith.constant 32 : index
      %get3A_167 = tpu.vector_load %arg8[%get3A_165, %get3A_166] {strides = array<i32>} : memref<86x128xi16, #tpu.memory_space<vmem>>, vector<32xi16>,
      %unpack3A_168 = tpu.unpack_subelements %get3A_167, 0 {pack_format = #tpu.pack_format<interleaved>} : vector<32xi16> -> vector<16xi32>
      %unpack3A_169 = tpu.unpack_subelements %get3A_167, 1 {pack_format = #tpu.pack_format<interleaved>} : vector<32xi16> -> vector<16xi32>
      %swap3A_170 = arith.constant 1 : i32
      %swap3A_171 = arith.index_cast %swap3A_170 : i32 to index
      %swap3A_172 = arith.constant 32 : index
      %swap3A_173 = tpu.vector_load %arg10[%swap3A_171, %swap3A_172] {strides = array<i32>} : memref<2x128xi32, #tpu.memory_space<vmem>>, vector<16xi32>,
      tpu.vector_store %arg10[%swap3A_171, %swap3A_172], %unpack3A_168 {strides = array<i32>} : memref<2x128xi32, #tpu.memory_space<vmem>>, vector<16xi32>,
      %swap3A_174 = arith.constant 1 : i32
      %swap3A_175 = arith.index_cast %swap3A_174 : i32 to index
      %swap3A_176 = arith.constant 48 : index
      %swap3A_177 = tpu.vector_load %arg10[%swap3A_175, %swap3A_176] {strides = array<i32>} : memref<2x128xi32, #tpu.memory_space<vmem>>, vector<16xi32>,
      tpu.vector_store %arg10[%swap3A_175, %swap3A_176], %unpack3A_169 {strides = array<i32>} : memref<2x128xi32, #tpu.memory_space<vmem>>, vector<16xi32>,
      %get3A_178 = arith.index_cast %add3A_151 : i32 to index
      %get3A_179 = arith.constant 64 : index
      %get3A_180 = tpu.vector_load %arg8[%get3A_178, %get3A_179] {strides = array<i32>} : memref<86x128xi16, #tpu.memory_space<vmem>>, vector<32xi16>,
      %unpack3A_181 = tpu.unpack_subelements %get3A_180, 0 {pack_format = #tpu.pack_format<interleaved>} : vector<32xi16> -> vector<16xi32>
      %unpack3A_182 = tpu.unpack_subelements %get3A_180, 1 {pack_format = #tpu.pack_format<interleaved>} : vector<32xi16> -> vector<16xi32>
      %swap3A_183 = arith.constant 1 : i32
      %swap3A_184 = arith.index_cast %swap3A_183 : i32 to index
      %swap3A_185 = arith.constant 64 : index
      %swap3A_186 = tpu.vector_load %arg10[%swap3A_184, %swap3A_185] {strides = array<i32>} : memref<2x128xi32, #tpu.memory_space<vmem>>, vector<16xi32>,
      tpu.vector_store %arg10[%swap3A_184, %swap3A_185], %unpack3A_181 {strides = array<i32>} : memref<2x128xi32, #tpu.memory_space<vmem>>, vector<16xi32>,
      %swap3A_187 = arith.constant 1 : i32
      %swap3A_188 = arith.index_cast %swap3A_187 : i32 to index
      %swap3A_189 = arith.constant 80 : index
      %swap3A_190 = tpu.vector_load %arg10[%swap3A_188, %swap3A_189] {strides = array<i32>} : memref<2x128xi32, #tpu.memory_space<vmem>>, vector<16xi32>,
      tpu.vector_store %arg10[%swap3A_188, %swap3A_189], %unpack3A_182 {strides = array<i32>} : memref<2x128xi32, #tpu.memory_space<vmem>>, vector<16xi32>,
      %get3A_191 = arith.index_cast %add3A_151 : i32 to index
      %get3A_192 = arith.constant 96 : index
      %get3A_193 = tpu.vector_load %arg8[%get3A_191, %get3A_192] {strides = array<i32>} : memref<86x128xi16, #tpu.memory_space<vmem>>, vector<32xi16>,
      %unpack3A_194 = tpu.unpack_subelements %get3A_193, 0 {pack_format = #tpu.pack_format<interleaved>} : vector<32xi16> -> vector<16xi32>
      %unpack3A_195 = tpu.unpack_subelements %get3A_193, 1 {pack_format = #tpu.pack_format<interleaved>} : vector<32xi16> -> vector<16xi32>
      %swap3A_196 = arith.constant 1 : i32
      %swap3A_197 = arith.index_cast %swap3A_196 : i32 to index
      %swap3A_198 = arith.constant 96 : index
      %swap3A_199 = tpu.vector_load %arg10[%swap3A_197, %swap3A_198] {strides = array<i32>} : memref<2x128xi32, #tpu.memory_space<vmem>>, vector<16xi32>,
      tpu.vector_store %arg10[%swap3A_197, %swap3A_198], %unpack3A_194 {strides = array<i32>} : memref<2x128xi32, #tpu.memory_space<vmem>>, vector<16xi32>,
      %swap3A_200 = arith.constant 1 : i32
      %swap3A_201 = arith.index_cast %swap3A_200 : i32 to index
      %swap3A_202 = arith.constant 112 : index
      %swap3A_203 = tpu.vector_load %arg10[%swap3A_201, %swap3A_202] {strides = array<i32>} : memref<2x128xi32, #tpu.memory_space<vmem>>, vector<16xi32>,
      tpu.vector_store %arg10[%swap3A_201, %swap3A_202], %unpack3A_195 {strides = array<i32>} : memref<2x128xi32, #tpu.memory_space<vmem>>, vector<16xi32>,
      %get3A_204 = arith.index_cast %add3A_151 : i32 to index
      %get3A_205 = arith.constant 0 : index
      %get3A_206 = tpu.vector_load %arg9[%get3A_204, %get3A_205] {strides = array<i32>} : memref<86x128xi16, #tpu.memory_space<vmem>>, vector<32xi16>,
      %unpack3A_207 = tpu.unpack_subelements %get3A_206, 0 {pack_format = #tpu.pack_format<interleaved>} : vector<32xi16> -> vector<16xi32>
      %unpack3A_208 = tpu.unpack_subelements %get3A_206, 1 {pack_format = #tpu.pack_format<interleaved>} : vector<32xi16> -> vector<16xi32>
      %swap3A_209 = arith.constant 1 : i32
      %swap3A_210 = arith.index_cast %swap3A_209 : i32 to index
      %swap3A_211 = arith.constant 0 : index
      %swap3A_212 = tpu.vector_load %arg11[%swap3A_210, %swap3A_211] {strides = array<i32>} : memref<2x128xi32, #tpu.memory_space<vmem>>, vector<16xi32>,
      tpu.vector_store %arg11[%swap3A_210, %swap3A_211], %unpack3A_207 {strides = array<i32>} : memref<2x128xi32, #tpu.memory_space<vmem>>, vector<16xi32>,
      %swap3A_213 = arith.constant 1 : i32
      %swap3A_214 = arith.index_cast %swap3A_213 : i32 to index
      %swap3A_215 = arith.constant 16 : index
      %swap3A_216 = tpu.vector_load %arg11[%swap3A_214, %swap3A_215] {strides = array<i32>} : memref<2x128xi32, #tpu.memory_space<vmem>>, vector<16xi32>,
      tpu.vector_store %arg11[%swap3A_214, %swap3A_215], %unpack3A_208 {strides = array<i32>} : memref<2x128xi32, #tpu.memory_space<vmem>>, vector<16xi32>,
      %get3A_217 = arith.index_cast %add3A_151 : i32 to index
      %get3A_218 = arith.constant 32 : index
      %get3A_219 = tpu.vector_load %arg9[%get3A_217, %get3A_218] {strides = array<i32>} : memref<86x128xi16, #tpu.memory_space<vmem>>, vector<32xi16>,
      %unpack3A_220 = tpu.unpack_subelements %get3A_219, 0 {pack_format = #tpu.pack_format<interleaved>} : vector<32xi16> -> vector<16xi32>
      %unpack3A_221 = tpu.unpack_subelements %get3A_219, 1 {pack_format = #tpu.pack_format<interleaved>} : vector<32xi16> -> vector<16xi32>
      %swap3A_222 = arith.constant 1 : i32
      %swap3A_223 = arith.index_cast %swap3A_222 : i32 to index
      %swap3A_224 = arith.constant 32 : index
      %swap3A_225 = tpu.vector_load %arg11[%swap3A_223, %swap3A_224] {strides = array<i32>} : memref<2x128xi32, #tpu.memory_space<vmem>>, vector<16xi32>,
      tpu.vector_store %arg11[%swap3A_223, %swap3A_224], %unpack3A_220 {strides = array<i32>} : memref<2x128xi32, #tpu.memory_space<vmem>>, vector<16xi32>,
      %swap3A_226 = arith.constant 1 : i32
      %swap3A_227 = arith.index_cast %swap3A_226 : i32 to index
      %swap3A_228 = arith.constant 48 : index
      %swap3A_229 = tpu.vector_load %arg11[%swap3A_227, %swap3A_228] {strides = array<i32>} : memref<2x128xi32, #tpu.memory_space<vmem>>, vector<16xi32>,
      tpu.vector_store %arg11[%swap3A_227, %swap3A_228], %unpack3A_221 {strides = array<i32>} : memref<2x128xi32, #tpu.memory_space<vmem>>, vector<16xi32>,
      %get3A_230 = arith.index_cast %add3A_151 : i32 to index
      %get3A_231 = arith.constant 64 : index
      %get3A_232 = tpu.vector_load %arg9[%get3A_230, %get3A_231] {strides = array<i32>} : memref<86x128xi16, #tpu.memory_space<vmem>>, vector<32xi16>,
      %unpack3A_233 = tpu.unpack_subelements %get3A_232, 0 {pack_format = #tpu.pack_format<interleaved>} : vector<32xi16> -> vector<16xi32>
      %unpack3A_234 = tpu.unpack_subelements %get3A_232, 1 {pack_format = #tpu.pack_format<interleaved>} : vector<32xi16> -> vector<16xi32>
      %swap3A_235 = arith.constant 1 : i32
      %swap3A_236 = arith.index_cast %swap3A_235 : i32 to index
      %swap3A_237 = arith.constant 64 : index
      %swap3A_238 = tpu.vector_load %arg11[%swap3A_236, %swap3A_237] {strides = array<i32>} : memref<2x128xi32, #tpu.memory_space<vmem>>, vector<16xi32>,
      tpu.vector_store %arg11[%swap3A_236, %swap3A_237], %unpack3A_233 {strides = array<i32>} : memref<2x128xi32, #tpu.memory_space<vmem>>, vector<16xi32>,
      %swap3A_239 = arith.constant 1 : i32
      %swap3A_240 = arith.index_cast %swap3A_239 : i32 to index
      %swap3A_241 = arith.constant 80 : index
      %swap3A_242 = tpu.vector_load %arg11[%swap3A_240, %swap3A_241] {strides = array<i32>} : memref<2x128xi32, #tpu.memory_space<vmem>>, vector<16xi32>,
      tpu.vector_store %arg11[%swap3A_240, %swap3A_241], %unpack3A_234 {strides = array<i32>} : memref<2x128xi32, #tpu.memory_space<vmem>>, vector<16xi32>,
      %get3A_243 = arith.index_cast %add3A_151 : i32 to index
      %get3A_244 = arith.constant 96 : index
      %get3A_245 = tpu.vector_load %arg9[%get3A_243, %get3A_244] {strides = array<i32>} : memref<86x128xi16, #tpu.memory_space<vmem>>, vector<32xi16>,
      %unpack3A_246 = tpu.unpack_subelements %get3A_245, 0 {pack_format = #tpu.pack_format<interleaved>} : vector<32xi16> -> vector<16xi32>
      %unpack3A_247 = tpu.unpack_subelements %get3A_245, 1 {pack_format = #tpu.pack_format<interleaved>} : vector<32xi16> -> vector<16xi32>
      %swap3A_248 = arith.constant 1 : i32
      %swap3A_249 = arith.index_cast %swap3A_248 : i32 to index
      %swap3A_250 = arith.constant 96 : index
      %swap3A_251 = tpu.vector_load %arg11[%swap3A_249, %swap3A_250] {strides = array<i32>} : memref<2x128xi32, #tpu.memory_space<vmem>>, vector<16xi32>,
      tpu.vector_store %arg11[%swap3A_249, %swap3A_250], %unpack3A_246 {strides = array<i32>} : memref<2x128xi32, #tpu.memory_space<vmem>>, vector<16xi32>,
      %swap3A_252 = arith.constant 1 : i32
      %swap3A_253 = arith.index_cast %swap3A_252 : i32 to index
      %swap3A_254 = arith.constant 112 : index
      %swap3A_255 = tpu.vector_load %arg11[%swap3A_253, %swap3A_254] {strides = array<i32>} : memref<2x128xi32, #tpu.memory_space<vmem>>, vector<16xi32>,
      tpu.vector_store %arg11[%swap3A_253, %swap3A_254], %unpack3A_247 {strides = array<i32>} : memref<2x128xi32, #tpu.memory_space<vmem>>, vector<16xi32>,
      %dma_start3A_256 = arith.constant 1 : i32
      %dma_start3A_257 = arith.constant 0 : i32
      %dma_start3A_258 = tpu.memref_slice %arg10[%dma_start3A_256, %dma_start3A_257] : memref<2x128xi32, #tpu.memory_space<vmem>> -> memref<1x128xi32, #tpu.memory_space<vmem>>
      %dma_start3A_259 = tpu.memref_squeeze %dma_start3A_258 : memref<1x128xi32, #tpu.memory_space<vmem>> -> memref<128xi32, #tpu.memory_space<vmem>>
      %dma_start3A_260 = arith.constant 0 : i32
      %dma_start3A_261 = arith.constant 0 : i32
      %dma_start3A_262 = tpu.memref_slice %arg2[%dma_start3A_260, %dma_start3A_261] : memref<10240x16xf32, #tpu.memory_space<hbm>> -> memref<10240x16xf32, #tpu.memory_space<hbm>>
      tpu.enqueue_indirect_dma source(%dma_start3A_262 : memref<10240x16xf32, #tpu.memory_space<hbm>>) target(%arg14 : memref<128x16xf32, #tpu.memory_space<vmem>>) offsets(%dma_start3A_259 : memref<128xi32, #tpu.memory_space<vmem>>) semaphore(%arg20 : memref<!tpu.dma_semaphore, #tpu.memory_space<semaphore_mem>>)
      %dma_start3A_263 = arith.constant 1 : i32
      %dma_start3A_264 = arith.constant 0 : i32
      %dma_start3A_265 = tpu.memref_slice %arg11[%dma_start3A_263, %dma_start3A_264] : memref<2x128xi32, #tpu.memory_space<vmem>> -> memref<1x128xi32, #tpu.memory_space<vmem>>
      %dma_start3A_266 = tpu.memref_squeeze %dma_start3A_265 : memref<1x128xi32, #tpu.memory_space<vmem>> -> memref<128xi32, #tpu.memory_space<vmem>>
      %dma_start3A_267 = arith.constant 0 : i32
      %dma_start3A_268 = arith.constant 0 : i32
      %dma_start3A_269 = tpu.memref_slice %arg3[%dma_start3A_267, %dma_start3A_268] : memref<10240x16xf32, #tpu.memory_space<hbm>> -> memref<10240x16xf32, #tpu.memory_space<hbm>>
      tpu.enqueue_indirect_dma source(%dma_start3A_269 : memref<10240x16xf32, #tpu.memory_space<hbm>>) target(%arg15 : memref<128x16xf32, #tpu.memory_space<vmem>>) offsets(%dma_start3A_266 : memref<128xi32, #tpu.memory_space<vmem>>) semaphore(%arg21 : memref<!tpu.dma_semaphore, #tpu.memory_space<semaphore_mem>>)
      %dma_wait3A_270 = arith.constant 0 : i32
      %dma_wait3A_271 = arith.constant 0 : i32
      %dma_wait3A_272 = tpu.memref_slice %arg10[%dma_wait3A_270, %dma_wait3A_271] : memref<2x128xi32, #tpu.memory_space<vmem>> -> memref<1x128xi32, #tpu.memory_space<vmem>>
      %dma_wait3A_273 = tpu.memref_squeeze %dma_wait3A_272 : memref<1x128xi32, #tpu.memory_space<vmem>> -> memref<128xi32, #tpu.memory_space<vmem>>
      %dma_wait3A_274 = arith.constant 0 : i32
      %dma_wait3A_275 = arith.constant 0 : i32
      %dma_wait3A_276 = tpu.memref_slice %arg2[%dma_wait3A_274, %dma_wait3A_275] : memref<10240x16xf32, #tpu.memory_space<hbm>> -> memref<10240x16xf32, #tpu.memory_space<hbm>>
      tpu.wait_indirect_dma semaphore(%arg18 : memref<!tpu.dma_semaphore, #tpu.memory_space<semaphore_mem>>) src(%dma_wait3A_276 : memref<10240x16xf32, #tpu.memory_space<hbm>>) dst(%arg12 : memref<128x16xf32, #tpu.memory_space<vmem>>)
      %dma_wait3A_277 = arith.constant 0 : i32
      %dma_wait3A_278 = arith.constant 0 : i32
      %dma_wait3A_279 = tpu.memref_slice %arg11[%dma_wait3A_277, %dma_wait3A_278] : memref<2x128xi32, #tpu.memory_space<vmem>> -> memref<1x128xi32, #tpu.memory_space<vmem>>
      %dma_wait3A_280 = tpu.memref_squeeze %dma_wait3A_279 : memref<1x128xi32, #tpu.memory_space<vmem>> -> memref<128xi32, #tpu.memory_space<vmem>>
      %dma_wait3A_281 = arith.constant 0 : i32
      %dma_wait3A_282 = arith.constant 0 : i32
      %dma_wait3A_283 = tpu.memref_slice %arg3[%dma_wait3A_281, %dma_wait3A_282] : memref<10240x16xf32, #tpu.memory_space<hbm>> -> memref<10240x16xf32, #tpu.memory_space<hbm>>
      tpu.wait_indirect_dma semaphore(%arg19 : memref<!tpu.dma_semaphore, #tpu.memory_space<semaphore_mem>>) src(%dma_wait3A_283 : memref<10240x16xf32, #tpu.memory_space<hbm>>) dst(%arg13 : memref<128x16xf32, #tpu.memory_space<vmem>>)
      %scan3A_284 = arith.constant 0 : i32
      %scan3A_285 = arith.constant 0 : i32
      %scan3A_286 = arith.constant 128 : i32
      %scan3A_287 = arith.addi %scan3A_285, %scan3A_286 : i32
      %scan3A_288 = arith.constant 1 : i32
      scf.for %scan3A_431 = %scan3A_285 to %scan3A_287 step %scan3A_288  : i32 {
        %get3A_432 = arith.index_cast %scan3A_431 : i32 to index
        %get3A_433 = arith.constant 0 : index
        %get3A_434 = tpu.vector_load %arg12[%get3A_432, %get3A_433] {strides = array<i32>} : memref<128x16xf32, #tpu.memory_space<vmem>>, vector<16xf32>,
        %get3A_435 = arith.index_cast %scan3A_431 : i32 to index
        %get3A_436 = arith.constant 0 : index
        %get3A_437 = tpu.vector_load %arg13[%get3A_435, %get3A_436] {strides = array<i32>} : memref<128x16xf32, #tpu.memory_space<vmem>>, vector<16xf32>,
        %add3A_438 = arith.addf %get3A_434, %get3A_437 : vector<16xf32>
        %gt3A = arith.constant 0.000000e+00 : f32
        %gt3A_439 = vector.broadcast %gt3A : f32 to vector<16xf32>
        %gt3A_440 = arith.cmpf ogt, %add3A_438, %gt3A_439 : vector<16xf32>
        %mul3A_441 = arith.constant 2.000000e-01 : f32
        %mul3A_442 = vector.broadcast %mul3A_441 : f32 to vector<16xf32>
        %mul3A_443 = arith.mulf %mul3A_442, %add3A_438 : vector<16xf32>
        %select_n3A = arith.select %gt3A_440, %add3A_438, %mul3A_443 : vector<16xi1>, vector<16xf32>
        %exp3A = math.exp %select_n3A : vector<16xf32>
        %swap3A_444 = arith.index_cast %scan3A_431 : i32 to index
        %swap3A_445 = arith.constant 0 : index
        %swap3A_446 = tpu.vector_load %arg16[%swap3A_444, %swap3A_445] {strides = array<i32>} : memref<128x16xf32, #tpu.memory_space<vmem>>, vector<16xf32>,
        tpu.vector_store %arg16[%swap3A_444, %swap3A_445], %exp3A {strides = array<i32>} : memref<128x16xf32, #tpu.memory_space<vmem>>, vector<16xf32>,
      }
      %scan3A_289 = arith.constant 128 : i32
      %run_scoped3A = arith.constant 0 : i32
      "tpu.region"() ({
        %run_scoped3A_431 = tpu.sem_alloc : memref<!tpu.dma_semaphore, #tpu.memory_space<semaphore_mem>>
        %dma_start3A_432 = arith.constant 0 : i32
        %dma_start3A_433 = tpu.memref_slice %arg11[%run_scoped3A, %dma_start3A_432] : memref<2x128xi32, #tpu.memory_space<vmem>> -> memref<1x128xi32, #tpu.memory_space<vmem>>
        %dma_start3A_434 = tpu.memref_squeeze %dma_start3A_433 : memref<1x128xi32, #tpu.memory_space<vmem>> -> memref<128xi32, #tpu.memory_space<vmem>>
        %dma_start3A_435 = arith.constant 0 : i32
        %dma_start3A_436 = arith.constant 0 : i32
        %dma_start3A_437 = tpu.memref_slice %arg17[%dma_start3A_435, %dma_start3A_436] : memref<10240x16xf32, #tpu.memory_space<vmem_shared>> -> memref<10240x16xf32, #tpu.memory_space<vmem_shared>>
        tpu.enqueue_indirect_dma source(%arg16 : memref<128x16xf32, #tpu.memory_space<vmem>>) target(%dma_start3A_437 : memref<10240x16xf32, #tpu.memory_space<vmem_shared>>) offsets(%dma_start3A_434 : memref<128xi32, #tpu.memory_space<vmem>>) semaphore(%run_scoped3A_431 : memref<!tpu.dma_semaphore, #tpu.memory_space<semaphore_mem>>) {add = true}
        %dma_wait3A_438 = arith.constant 0 : i32
        %dma_wait3A_439 = tpu.memref_slice %arg11[%run_scoped3A, %dma_wait3A_438] : memref<2x128xi32, #tpu.memory_space<vmem>> -> memref<1x128xi32, #tpu.memory_space<vmem>>
        %dma_wait3A_440 = tpu.memref_squeeze %dma_wait3A_439 : memref<1x128xi32, #tpu.memory_space<vmem>> -> memref<128xi32, #tpu.memory_space<vmem>>
        %dma_wait3A_441 = arith.constant 0 : i32
        %dma_wait3A_442 = arith.constant 0 : i32
        %dma_wait3A_443 = tpu.memref_slice %arg17[%dma_wait3A_441, %dma_wait3A_442] : memref<10240x16xf32, #tpu.memory_space<vmem_shared>> -> memref<10240x16xf32, #tpu.memory_space<vmem_shared>>
        tpu.wait_indirect_dma semaphore(%run_scoped3A_431 : memref<!tpu.dma_semaphore, #tpu.memory_space<semaphore_mem>>) src(%arg16 : memref<128x16xf32, #tpu.memory_space<vmem>>) dst(%dma_wait3A_443 : memref<10240x16xf32, #tpu.memory_space<vmem_shared>>)
        tpu.yield
      }) : () -> ()
      %add3A_290 = arith.constant 2 : i32
      %add3A_291 = arith.addi %mul3A_149, %add3A_290 : i32
      %get3A_292 = arith.index_cast %add3A_291 : i32 to index
      %get3A_293 = arith.constant 0 : index
      %get3A_294 = tpu.vector_load %arg8[%get3A_292, %get3A_293] {strides = array<i32>} : memref<86x128xi16, #tpu.memory_space<vmem>>, vector<32xi16>,
      %unpack3A_295 = tpu.unpack_subelements %get3A_294, 0 {pack_format = #tpu.pack_format<interleaved>} : vector<32xi16> -> vector<16xi32>
      %unpack3A_296 = tpu.unpack_subelements %get3A_294, 1 {pack_format = #tpu.pack_format<interleaved>} : vector<32xi16> -> vector<16xi32>
      %swap3A_297 = arith.constant 0 : i32
      %swap3A_298 = arith.index_cast %swap3A_297 : i32 to index
      %swap3A_299 = arith.constant 0 : index
      %swap3A_300 = tpu.vector_load %arg10[%swap3A_298, %swap3A_299] {strides = array<i32>} : memref<2x128xi32, #tpu.memory_space<vmem>>, vector<16xi32>,
      tpu.vector_store %arg10[%swap3A_298, %swap3A_299], %unpack3A_295 {strides = array<i32>} : memref<2x128xi32, #tpu.memory_space<vmem>>, vector<16xi32>,
      %swap3A_301 = arith.constant 0 : i32
      %swap3A_302 = arith.index_cast %swap3A_301 : i32 to index
      %swap3A_303 = arith.constant 16 : index
      %swap3A_304 = tpu.vector_load %arg10[%swap3A_302, %swap3A_303] {strides = array<i32>} : memref<2x128xi32, #tpu.memory_space<vmem>>, vector<16xi32>,
      tpu.vector_store %arg10[%swap3A_302, %swap3A_303], %unpack3A_296 {strides = array<i32>} : memref<2x128xi32, #tpu.memory_space<vmem>>, vector<16xi32>,
      %get3A_305 = arith.index_cast %add3A_291 : i32 to index
      %get3A_306 = arith.constant 32 : index
      %get3A_307 = tpu.vector_load %arg8[%get3A_305, %get3A_306] {strides = array<i32>} : memref<86x128xi16, #tpu.memory_space<vmem>>, vector<32xi16>,
      %unpack3A_308 = tpu.unpack_subelements %get3A_307, 0 {pack_format = #tpu.pack_format<interleaved>} : vector<32xi16> -> vector<16xi32>
      %unpack3A_309 = tpu.unpack_subelements %get3A_307, 1 {pack_format = #tpu.pack_format<interleaved>} : vector<32xi16> -> vector<16xi32>
      %swap3A_310 = arith.constant 0 : i32
      %swap3A_311 = arith.index_cast %swap3A_310 : i32 to index
      %swap3A_312 = arith.constant 32 : index
      %swap3A_313 = tpu.vector_load %arg10[%swap3A_311, %swap3A_312] {strides = array<i32>} : memref<2x128xi32, #tpu.memory_space<vmem>>, vector<16xi32>,
      tpu.vector_store %arg10[%swap3A_311, %swap3A_312], %unpack3A_308 {strides = array<i32>} : memref<2x128xi32, #tpu.memory_space<vmem>>, vector<16xi32>,
      %swap3A_314 = arith.constant 0 : i32
      %swap3A_315 = arith.index_cast %swap3A_314 : i32 to index
      %swap3A_316 = arith.constant 48 : index
      %swap3A_317 = tpu.vector_load %arg10[%swap3A_315, %swap3A_316] {strides = array<i32>} : memref<2x128xi32, #tpu.memory_space<vmem>>, vector<16xi32>,
      tpu.vector_store %arg10[%swap3A_315, %swap3A_316], %unpack3A_309 {strides = array<i32>} : memref<2x128xi32, #tpu.memory_space<vmem>>, vector<16xi32>,
      %get3A_318 = arith.index_cast %add3A_291 : i32 to index
      %get3A_319 = arith.constant 64 : index
      %get3A_320 = tpu.vector_load %arg8[%get3A_318, %get3A_319] {strides = array<i32>} : memref<86x128xi16, #tpu.memory_space<vmem>>, vector<32xi16>,
      %unpack3A_321 = tpu.unpack_subelements %get3A_320, 0 {pack_format = #tpu.pack_format<interleaved>} : vector<32xi16> -> vector<16xi32>
      %unpack3A_322 = tpu.unpack_subelements %get3A_320, 1 {pack_format = #tpu.pack_format<interleaved>} : vector<32xi16> -> vector<16xi32>
      %swap3A_323 = arith.constant 0 : i32
      %swap3A_324 = arith.index_cast %swap3A_323 : i32 to index
      %swap3A_325 = arith.constant 64 : index
      %swap3A_326 = tpu.vector_load %arg10[%swap3A_324, %swap3A_325] {strides = array<i32>} : memref<2x128xi32, #tpu.memory_space<vmem>>, vector<16xi32>,
      tpu.vector_store %arg10[%swap3A_324, %swap3A_325], %unpack3A_321 {strides = array<i32>} : memref<2x128xi32, #tpu.memory_space<vmem>>, vector<16xi32>,
      %swap3A_327 = arith.constant 0 : i32
      %swap3A_328 = arith.index_cast %swap3A_327 : i32 to index
      %swap3A_329 = arith.constant 80 : index
      %swap3A_330 = tpu.vector_load %arg10[%swap3A_328, %swap3A_329] {strides = array<i32>} : memref<2x128xi32, #tpu.memory_space<vmem>>, vector<16xi32>,
      tpu.vector_store %arg10[%swap3A_328, %swap3A_329], %unpack3A_322 {strides = array<i32>} : memref<2x128xi32, #tpu.memory_space<vmem>>, vector<16xi32>,
      %get3A_331 = arith.index_cast %add3A_291 : i32 to index
      %get3A_332 = arith.constant 96 : index
      %get3A_333 = tpu.vector_load %arg8[%get3A_331, %get3A_332] {strides = array<i32>} : memref<86x128xi16, #tpu.memory_space<vmem>>, vector<32xi16>,
      %unpack3A_334 = tpu.unpack_subelements %get3A_333, 0 {pack_format = #tpu.pack_format<interleaved>} : vector<32xi16> -> vector<16xi32>
      %unpack3A_335 = tpu.unpack_subelements %get3A_333, 1 {pack_format = #tpu.pack_format<interleaved>} : vector<32xi16> -> vector<16xi32>
      %swap3A_336 = arith.constant 0 : i32
      %swap3A_337 = arith.index_cast %swap3A_336 : i32 to index
      %swap3A_338 = arith.constant 96 : index
      %swap3A_339 = tpu.vector_load %arg10[%swap3A_337, %swap3A_338] {strides = array<i32>} : memref<2x128xi32, #tpu.memory_space<vmem>>, vector<16xi32>,
      tpu.vector_store %arg10[%swap3A_337, %swap3A_338], %unpack3A_334 {strides = array<i32>} : memref<2x128xi32, #tpu.memory_space<vmem>>, vector<16xi32>,
      %swap3A_340 = arith.constant 0 : i32
      %swap3A_341 = arith.index_cast %swap3A_340 : i32 to index
      %swap3A_342 = arith.constant 112 : index
      %swap3A_343 = tpu.vector_load %arg10[%swap3A_341, %swap3A_342] {strides = array<i32>} : memref<2x128xi32, #tpu.memory_space<vmem>>, vector<16xi32>,
      tpu.vector_store %arg10[%swap3A_341, %swap3A_342], %unpack3A_335 {strides = array<i32>} : memref<2x128xi32, #tpu.memory_space<vmem>>, vector<16xi32>,
      %get3A_344 = arith.index_cast %add3A_291 : i32 to index
      %get3A_345 = arith.constant 0 : index
      %get3A_346 = tpu.vector_load %arg9[%get3A_344, %get3A_345] {strides = array<i32>} : memref<86x128xi16, #tpu.memory_space<vmem>>, vector<32xi16>,
      %unpack3A_347 = tpu.unpack_subelements %get3A_346, 0 {pack_format = #tpu.pack_format<interleaved>} : vector<32xi16> -> vector<16xi32>
      %unpack3A_348 = tpu.unpack_subelements %get3A_346, 1 {pack_format = #tpu.pack_format<interleaved>} : vector<32xi16> -> vector<16xi32>
      %swap3A_349 = arith.constant 0 : i32
      %swap3A_350 = arith.index_cast %swap3A_349 : i32 to index
      %swap3A_351 = arith.constant 0 : index
      %swap3A_352 = tpu.vector_load %arg11[%swap3A_350, %swap3A_351] {strides = array<i32>} : memref<2x128xi32, #tpu.memory_space<vmem>>, vector<16xi32>,
      tpu.vector_store %arg11[%swap3A_350, %swap3A_351], %unpack3A_347 {strides = array<i32>} : memref<2x128xi32, #tpu.memory_space<vmem>>, vector<16xi32>,
      %swap3A_353 = arith.constant 0 : i32
      %swap3A_354 = arith.index_cast %swap3A_353 : i32 to index
      %swap3A_355 = arith.constant 16 : index
      %swap3A_356 = tpu.vector_load %arg11[%swap3A_354, %swap3A_355] {strides = array<i32>} : memref<2x128xi32, #tpu.memory_space<vmem>>, vector<16xi32>,
      tpu.vector_store %arg11[%swap3A_354, %swap3A_355], %unpack3A_348 {strides = array<i32>} : memref<2x128xi32, #tpu.memory_space<vmem>>, vector<16xi32>,
      %get3A_357 = arith.index_cast %add3A_291 : i32 to index
      %get3A_358 = arith.constant 32 : index
      %get3A_359 = tpu.vector_load %arg9[%get3A_357, %get3A_358] {strides = array<i32>} : memref<86x128xi16, #tpu.memory_space<vmem>>, vector<32xi16>,
      %unpack3A_360 = tpu.unpack_subelements %get3A_359, 0 {pack_format = #tpu.pack_format<interleaved>} : vector<32xi16> -> vector<16xi32>
      %unpack3A_361 = tpu.unpack_subelements %get3A_359, 1 {pack_format = #tpu.pack_format<interleaved>} : vector<32xi16> -> vector<16xi32>
      %swap3A_362 = arith.constant 0 : i32
      %swap3A_363 = arith.index_cast %swap3A_362 : i32 to index
      %swap3A_364 = arith.constant 32 : index
      %swap3A_365 = tpu.vector_load %arg11[%swap3A_363, %swap3A_364] {strides = array<i32>} : memref<2x128xi32, #tpu.memory_space<vmem>>, vector<16xi32>,
      tpu.vector_store %arg11[%swap3A_363, %swap3A_364], %unpack3A_360 {strides = array<i32>} : memref<2x128xi32, #tpu.memory_space<vmem>>, vector<16xi32>,
      %swap3A_366 = arith.constant 0 : i32
      %swap3A_367 = arith.index_cast %swap3A_366 : i32 to index
      %swap3A_368 = arith.constant 48 : index
      %swap3A_369 = tpu.vector_load %arg11[%swap3A_367, %swap3A_368] {strides = array<i32>} : memref<2x128xi32, #tpu.memory_space<vmem>>, vector<16xi32>,
      tpu.vector_store %arg11[%swap3A_367, %swap3A_368], %unpack3A_361 {strides = array<i32>} : memref<2x128xi32, #tpu.memory_space<vmem>>, vector<16xi32>,
      %get3A_370 = arith.index_cast %add3A_291 : i32 to index
      %get3A_371 = arith.constant 64 : index
      %get3A_372 = tpu.vector_load %arg9[%get3A_370, %get3A_371] {strides = array<i32>} : memref<86x128xi16, #tpu.memory_space<vmem>>, vector<32xi16>,
      %unpack3A_373 = tpu.unpack_subelements %get3A_372, 0 {pack_format = #tpu.pack_format<interleaved>} : vector<32xi16> -> vector<16xi32>
      %unpack3A_374 = tpu.unpack_subelements %get3A_372, 1 {pack_format = #tpu.pack_format<interleaved>} : vector<32xi16> -> vector<16xi32>
      %swap3A_375 = arith.constant 0 : i32
      %swap3A_376 = arith.index_cast %swap3A_375 : i32 to index
      %swap3A_377 = arith.constant 64 : index
      %swap3A_378 = tpu.vector_load %arg11[%swap3A_376, %swap3A_377] {strides = array<i32>} : memref<2x128xi32, #tpu.memory_space<vmem>>, vector<16xi32>,
      tpu.vector_store %arg11[%swap3A_376, %swap3A_377], %unpack3A_373 {strides = array<i32>} : memref<2x128xi32, #tpu.memory_space<vmem>>, vector<16xi32>,
      %swap3A_379 = arith.constant 0 : i32
      %swap3A_380 = arith.index_cast %swap3A_379 : i32 to index
      %swap3A_381 = arith.constant 80 : index
      %swap3A_382 = tpu.vector_load %arg11[%swap3A_380, %swap3A_381] {strides = array<i32>} : memref<2x128xi32, #tpu.memory_space<vmem>>, vector<16xi32>,
      tpu.vector_store %arg11[%swap3A_380, %swap3A_381], %unpack3A_374 {strides = array<i32>} : memref<2x128xi32, #tpu.memory_space<vmem>>, vector<16xi32>,
      %get3A_383 = arith.index_cast %add3A_291 : i32 to index
      %get3A_384 = arith.constant 96 : index
      %get3A_385 = tpu.vector_load %arg9[%get3A_383, %get3A_384] {strides = array<i32>} : memref<86x128xi16, #tpu.memory_space<vmem>>, vector<32xi16>,
      %unpack3A_386 = tpu.unpack_subelements %get3A_385, 0 {pack_format = #tpu.pack_format<interleaved>} : vector<32xi16> -> vector<16xi32>
      %unpack3A_387 = tpu.unpack_subelements %get3A_385, 1 {pack_format = #tpu.pack_format<interleaved>} : vector<32xi16> -> vector<16xi32>
      %swap3A_388 = arith.constant 0 : i32
      %swap3A_389 = arith.index_cast %swap3A_388 : i32 to index
      %swap3A_390 = arith.constant 96 : index
      %swap3A_391 = tpu.vector_load %arg11[%swap3A_389, %swap3A_390] {strides = array<i32>} : memref<2x128xi32, #tpu.memory_space<vmem>>, vector<16xi32>,
      tpu.vector_store %arg11[%swap3A_389, %swap3A_390], %unpack3A_386 {strides = array<i32>} : memref<2x128xi32, #tpu.memory_space<vmem>>, vector<16xi32>,
      %swap3A_392 = arith.constant 0 : i32
      %swap3A_393 = arith.index_cast %swap3A_392 : i32 to index
      %swap3A_394 = arith.constant 112 : index
      %swap3A_395 = tpu.vector_load %arg11[%swap3A_393, %swap3A_394] {strides = array<i32>} : memref<2x128xi32, #tpu.memory_space<vmem>>, vector<16xi32>,
      tpu.vector_store %arg11[%swap3A_393, %swap3A_394], %unpack3A_387 {strides = array<i32>} : memref<2x128xi32, #tpu.memory_space<vmem>>, vector<16xi32>,
      %dma_start3A_396 = arith.constant 0 : i32
      %dma_start3A_397 = arith.constant 0 : i32
      %dma_start3A_398 = tpu.memref_slice %arg10[%dma_start3A_396, %dma_start3A_397] : memref<2x128xi32, #tpu.memory_space<vmem>> -> memref<1x128xi32, #tpu.memory_space<vmem>>
      %dma_start3A_399 = tpu.memref_squeeze %dma_start3A_398 : memref<1x128xi32, #tpu.memory_space<vmem>> -> memref<128xi32, #tpu.memory_space<vmem>>
      %dma_start3A_400 = arith.constant 0 : i32
      %dma_start3A_401 = arith.constant 0 : i32
      %dma_start3A_402 = tpu.memref_slice %arg2[%dma_start3A_400, %dma_start3A_401] : memref<10240x16xf32, #tpu.memory_space<hbm>> -> memref<10240x16xf32, #tpu.memory_space<hbm>>
      tpu.enqueue_indirect_dma source(%dma_start3A_402 : memref<10240x16xf32, #tpu.memory_space<hbm>>) target(%arg12 : memref<128x16xf32, #tpu.memory_space<vmem>>) offsets(%dma_start3A_399 : memref<128xi32, #tpu.memory_space<vmem>>) semaphore(%arg18 : memref<!tpu.dma_semaphore, #tpu.memory_space<semaphore_mem>>)
      %dma_start3A_403 = arith.constant 0 : i32
      %dma_start3A_404 = arith.constant 0 : i32
      %dma_start3A_405 = tpu.memref_slice %arg11[%dma_start3A_403, %dma_start3A_404] : memref<2x128xi32, #tpu.memory_space<vmem>> -> memref<1x128xi32, #tpu.memory_space<vmem>>
      %dma_start3A_406 = tpu.memref_squeeze %dma_start3A_405 : memref<1x128xi32, #tpu.memory_space<vmem>> -> memref<128xi32, #tpu.memory_space<vmem>>
      %dma_start3A_407 = arith.constant 0 : i32
      %dma_start3A_408 = arith.constant 0 : i32
      %dma_start3A_409 = tpu.memref_slice %arg3[%dma_start3A_407, %dma_start3A_408] : memref<10240x16xf32, #tpu.memory_space<hbm>> -> memref<10240x16xf32, #tpu.memory_space<hbm>>
      tpu.enqueue_indirect_dma source(%dma_start3A_409 : memref<10240x16xf32, #tpu.memory_space<hbm>>) target(%arg13 : memref<128x16xf32, #tpu.memory_space<vmem>>) offsets(%dma_start3A_406 : memref<128xi32, #tpu.memory_space<vmem>>) semaphore(%arg19 : memref<!tpu.dma_semaphore, #tpu.memory_space<semaphore_mem>>)
      %dma_wait3A_410 = arith.constant 1 : i32
      %dma_wait3A_411 = arith.constant 0 : i32
      %dma_wait3A_412 = tpu.memref_slice %arg10[%dma_wait3A_410, %dma_wait3A_411] : memref<2x128xi32, #tpu.memory_space<vmem>> -> memref<1x128xi32, #tpu.memory_space<vmem>>
      %dma_wait3A_413 = tpu.memref_squeeze %dma_wait3A_412 : memref<1x128xi32, #tpu.memory_space<vmem>> -> memref<128xi32, #tpu.memory_space<vmem>>
      %dma_wait3A_414 = arith.constant 0 : i32
      %dma_wait3A_415 = arith.constant 0 : i32
      %dma_wait3A_416 = tpu.memref_slice %arg2[%dma_wait3A_414, %dma_wait3A_415] : memref<10240x16xf32, #tpu.memory_space<hbm>> -> memref<10240x16xf32, #tpu.memory_space<hbm>>
      tpu.wait_indirect_dma semaphore(%arg20 : memref<!tpu.dma_semaphore, #tpu.memory_space<semaphore_mem>>) src(%dma_wait3A_416 : memref<10240x16xf32, #tpu.memory_space<hbm>>) dst(%arg14 : memref<128x16xf32, #tpu.memory_space<vmem>>)
      %dma_wait3A_417 = arith.constant 1 : i32
      %dma_wait3A_418 = arith.constant 0 : i32
      %dma_wait3A_419 = tpu.memref_slice %arg11[%dma_wait3A_417, %dma_wait3A_418] : memref<2x128xi32, #tpu.memory_space<vmem>> -> memref<1x128xi32, #tpu.memory_space<vmem>>
      %dma_wait3A_420 = tpu.memref_squeeze %dma_wait3A_419 : memref<1x128xi32, #tpu.memory_space<vmem>> -> memref<128xi32, #tpu.memory_space<vmem>>
      %dma_wait3A_421 = arith.constant 0 : i32
      %dma_wait3A_422 = arith.constant 0 : i32
      %dma_wait3A_423 = tpu.memref_slice %arg3[%dma_wait3A_421, %dma_wait3A_422] : memref<10240x16xf32, #tpu.memory_space<hbm>> -> memref<10240x16xf32, #tpu.memory_space<hbm>>
      tpu.wait_indirect_dma semaphore(%arg21 : memref<!tpu.dma_semaphore, #tpu.memory_space<semaphore_mem>>) src(%dma_wait3A_423 : memref<10240x16xf32, #tpu.memory_space<hbm>>) dst(%arg15 : memref<128x16xf32, #tpu.memory_space<vmem>>)
      %scan3A_424 = arith.constant 0 : i32
      %scan3A_425 = arith.constant 0 : i32
      %scan3A_426 = arith.constant 128 : i32
      %scan3A_427 = arith.addi %scan3A_425, %scan3A_426 : i32
      %scan3A_428 = arith.constant 1 : i32
      scf.for %scan3A_431 = %scan3A_425 to %scan3A_427 step %scan3A_428  : i32 {
        %get3A_432 = arith.index_cast %scan3A_431 : i32 to index
        %get3A_433 = arith.constant 0 : index
        %get3A_434 = tpu.vector_load %arg14[%get3A_432, %get3A_433] {strides = array<i32>} : memref<128x16xf32, #tpu.memory_space<vmem>>, vector<16xf32>,
        %get3A_435 = arith.index_cast %scan3A_431 : i32 to index
        %get3A_436 = arith.constant 0 : index
        %get3A_437 = tpu.vector_load %arg15[%get3A_435, %get3A_436] {strides = array<i32>} : memref<128x16xf32, #tpu.memory_space<vmem>>, vector<16xf32>,
        %add3A_438 = arith.addf %get3A_434, %get3A_437 : vector<16xf32>
        %gt3A = arith.constant 0.000000e+00 : f32
        %gt3A_439 = vector.broadcast %gt3A : f32 to vector<16xf32>
        %gt3A_440 = arith.cmpf ogt, %add3A_438, %gt3A_439 : vector<16xf32>
        %mul3A_441 = arith.constant 2.000000e-01 : f32
        %mul3A_442 = vector.broadcast %mul3A_441 : f32 to vector<16xf32>
        %mul3A_443 = arith.mulf %mul3A_442, %add3A_438 : vector<16xf32>
        %select_n3A = arith.select %gt3A_440, %add3A_438, %mul3A_443 : vector<16xi1>, vector<16xf32>
        %exp3A = math.exp %select_n3A : vector<16xf32>
        %swap3A_444 = arith.index_cast %scan3A_431 : i32 to index
        %swap3A_445 = arith.constant 0 : index
        %swap3A_446 = tpu.vector_load %arg16[%swap3A_444, %swap3A_445] {strides = array<i32>} : memref<128x16xf32, #tpu.memory_space<vmem>>, vector<16xf32>,
        tpu.vector_store %arg16[%swap3A_444, %swap3A_445], %exp3A {strides = array<i32>} : memref<128x16xf32, #tpu.memory_space<vmem>>, vector<16xf32>,
      }
      %scan3A_429 = arith.constant 128 : i32
      %run_scoped3A_430 = arith.constant 1 : i32
      "tpu.region"() ({
        %run_scoped3A_431 = tpu.sem_alloc : memref<!tpu.dma_semaphore, #tpu.memory_space<semaphore_mem>>
        %dma_start3A_432 = arith.constant 0 : i32
        %dma_start3A_433 = tpu.memref_slice %arg11[%run_scoped3A_430, %dma_start3A_432] : memref<2x128xi32, #tpu.memory_space<vmem>> -> memref<1x128xi32, #tpu.memory_space<vmem>>
        %dma_start3A_434 = tpu.memref_squeeze %dma_start3A_433 : memref<1x128xi32, #tpu.memory_space<vmem>> -> memref<128xi32, #tpu.memory_space<vmem>>
        %dma_start3A_435 = arith.constant 0 : i32
        %dma_start3A_436 = arith.constant 0 : i32
        %dma_start3A_437 = tpu.memref_slice %arg17[%dma_start3A_435, %dma_start3A_436] : memref<10240x16xf32, #tpu.memory_space<vmem_shared>> -> memref<10240x16xf32, #tpu.memory_space<vmem_shared>>
        tpu.enqueue_indirect_dma source(%arg16 : memref<128x16xf32, #tpu.memory_space<vmem>>) target(%dma_start3A_437 : memref<10240x16xf32, #tpu.memory_space<vmem_shared>>) offsets(%dma_start3A_434 : memref<128xi32, #tpu.memory_space<vmem>>) semaphore(%run_scoped3A_431 : memref<!tpu.dma_semaphore, #tpu.memory_space<semaphore_mem>>) {add = true}
        %dma_wait3A_438 = arith.constant 0 : i32
        %dma_wait3A_439 = tpu.memref_slice %arg11[%run_scoped3A_430, %dma_wait3A_438] : memref<2x128xi32, #tpu.memory_space<vmem>> -> memref<1x128xi32, #tpu.memory_space<vmem>>
        %dma_wait3A_440 = tpu.memref_squeeze %dma_wait3A_439 : memref<1x128xi32, #tpu.memory_space<vmem>> -> memref<128xi32, #tpu.memory_space<vmem>>
        %dma_wait3A_441 = arith.constant 0 : i32
        %dma_wait3A_442 = arith.constant 0 : i32
        %dma_wait3A_443 = tpu.memref_slice %arg17[%dma_wait3A_441, %dma_wait3A_442] : memref<10240x16xf32, #tpu.memory_space<vmem_shared>> -> memref<10240x16xf32, #tpu.memory_space<vmem_shared>>
        tpu.wait_indirect_dma semaphore(%run_scoped3A_431 : memref<!tpu.dma_semaphore, #tpu.memory_space<semaphore_mem>>) src(%arg16 : memref<128x16xf32, #tpu.memory_space<vmem>>) dst(%dma_wait3A_443 : memref<10240x16xf32, #tpu.memory_space<vmem_shared>>)
        tpu.yield
      }) : () -> ()
    }
    %scan3A_129 = arith.constant 42 : i32
    %dma_wait3A = arith.constant 0 : i32
    %dma_wait3A_130 = arith.constant 0 : i32
    %dma_wait3A_131 = tpu.memref_slice %arg10[%dma_wait3A, %dma_wait3A_130] : memref<2x128xi32, #tpu.memory_space<vmem>> -> memref<1x128xi32, #tpu.memory_space<vmem>>
    %dma_wait3A_132 = tpu.memref_squeeze %dma_wait3A_131 : memref<1x128xi32, #tpu.memory_space<vmem>> -> memref<128xi32, #tpu.memory_space<vmem>>
    %dma_wait3A_133 = arith.constant 0 : i32
    %dma_wait3A_134 = arith.constant 0 : i32
    %dma_wait3A_135 = tpu.memref_slice %arg2[%dma_wait3A_133, %dma_wait3A_134] : memref<10240x16xf32, #tpu.memory_space<hbm>> -> memref<10240x16xf32, #tpu.memory_space<hbm>>
    tpu.wait_indirect_dma semaphore(%arg18 : memref<!tpu.dma_semaphore, #tpu.memory_space<semaphore_mem>>) src(%dma_wait3A_135 : memref<10240x16xf32, #tpu.memory_space<hbm>>) dst(%arg12 : memref<128x16xf32, #tpu.memory_space<vmem>>)
    %dma_wait3A_136 = arith.constant 0 : i32
    %dma_wait3A_137 = arith.constant 0 : i32
    %dma_wait3A_138 = tpu.memref_slice %arg11[%dma_wait3A_136, %dma_wait3A_137] : memref<2x128xi32, #tpu.memory_space<vmem>> -> memref<1x128xi32, #tpu.memory_space<vmem>>
    %dma_wait3A_139 = tpu.memref_squeeze %dma_wait3A_138 : memref<1x128xi32, #tpu.memory_space<vmem>> -> memref<128xi32, #tpu.memory_space<vmem>>
    %dma_wait3A_140 = arith.constant 0 : i32
    %dma_wait3A_141 = arith.constant 0 : i32
    %dma_wait3A_142 = tpu.memref_slice %arg3[%dma_wait3A_140, %dma_wait3A_141] : memref<10240x16xf32, #tpu.memory_space<hbm>> -> memref<10240x16xf32, #tpu.memory_space<hbm>>
    tpu.wait_indirect_dma semaphore(%arg19 : memref<!tpu.dma_semaphore, #tpu.memory_space<semaphore_mem>>) src(%dma_wait3A_142 : memref<10240x16xf32, #tpu.memory_space<hbm>>) dst(%arg13 : memref<128x16xf32, #tpu.memory_space<vmem>>)
    %barrier3A_143 = arith.constant 0 : index
    tpu.barrier barrier_id(%barrier3A_143)
    %mul3A_144 = arith.constant 10240 : i32
    %mul3A_145 = arith.muli %arg0, %mul3A_144 : i32
    %add3A_146 = arith.addi %mul3A_145, %mul3A_2 : i32
    "tpu.region"() ({
      %run_scoped3A = tpu.sem_alloc : memref<!tpu.dma_semaphore, #tpu.memory_space<semaphore_mem>>
      %dma_start3A_147 = arith.constant 0 : i32
      %dma_start3A_148 = tpu.memref_slice %arg7[%add3A_146, %dma_start3A_147] : memref<20480x16xf32, #tpu.memory_space<hbm>> -> memref<640x16xf32, #tpu.memory_space<hbm>>
      %dma_start3A_149 = arith.constant 0 : i32
      %dma_start3A_150 = tpu.memref_slice %arg17[%mul3A_2, %dma_start3A_149] : memref<10240x16xf32, #tpu.memory_space<vmem_shared>> -> memref<640x16xf32, #tpu.memory_space<vmem_shared>>
      tpu.enqueue_dma source(%dma_start3A_150 : memref<640x16xf32, #tpu.memory_space<vmem_shared>>) target(%dma_start3A_148 : memref<640x16xf32, #tpu.memory_space<hbm>>) target_semaphore(%run_scoped3A : memref<!tpu.dma_semaphore, #tpu.memory_space<semaphore_mem>>)
      %dma_wait3A_151 = arith.constant 0 : i32
      %dma_wait3A_152 = tpu.memref_slice %arg7[%add3A_146, %dma_wait3A_151] : memref<20480x16xf32, #tpu.memory_space<hbm>> -> memref<640x16xf32, #tpu.memory_space<hbm>>
      %dma_wait3A_153 = arith.constant 0 : i32
      %dma_wait3A_154 = tpu.memref_slice %arg17[%mul3A_2, %dma_wait3A_153] : memref<10240x16xf32, #tpu.memory_space<vmem_shared>> -> memref<640x16xf32, #tpu.memory_space<vmem_shared>>
      tpu.wait_dma2 semaphore(%run_scoped3A : memref<!tpu.dma_semaphore, #tpu.memory_space<semaphore_mem>>) src(%dma_wait3A_154 : memref<640x16xf32, #tpu.memory_space<vmem_shared>>) dst(%dma_wait3A_152 : memref<640x16xf32, #tpu.memory_space<hbm>>)
      tpu.yield
    }) : () -> ()
    return
  }
}

#map = affine_map<(d0, d1) -> (0, 0)>
#map1 = affine_map<(d0, d1) -> (0, 0, 0)>
module attributes {stable_mosaic.version = 14 : i64} {
  func.func @_sc1_body(%arg0: i32, %arg1: i32, %arg2: memref<10240x80xf32, #tpu.memory_space<hbm>>, %arg3: memref<10240x16xf32, #tpu.memory_space<hbm>>, %arg4: memref<32x86x128xi16, #tpu.memory_space<hbm>>, %arg5: memref<32x86x128xi16, #tpu.memory_space<hbm>>, %arg6: memref<10240x80xf32, #tpu.memory_space<hbm>>, %arg7: memref<20480x80xf32, #tpu.memory_space<hbm>>, %arg8: memref<86x128xi16, #tpu.memory_space<vmem>>, %arg9: memref<86x128xi16, #tpu.memory_space<vmem>>, %arg10: memref<2x128xi32, #tpu.memory_space<vmem>>, %arg11: memref<2x128xi32, #tpu.memory_space<vmem>>, %arg12: memref<128x80xf32, #tpu.memory_space<vmem>>, %arg13: memref<128x16xf32, #tpu.memory_space<vmem>>, %arg14: memref<128x80xf32, #tpu.memory_space<vmem>>, %arg15: memref<128x16xf32, #tpu.memory_space<vmem>>, %arg16: memref<128x80xf32, #tpu.memory_space<vmem>>, %arg17: memref<10240x80xf32, #tpu.memory_space<vmem_shared>>, %arg18: memref<!tpu.dma_semaphore, #tpu.memory_space<semaphore_mem>>, %arg19: memref<!tpu.dma_semaphore, #tpu.memory_space<semaphore_mem>>, %arg20: memref<!tpu.dma_semaphore, #tpu.memory_space<semaphore_mem>>, %arg21: memref<!tpu.dma_semaphore, #tpu.memory_space<semaphore_mem>>) attributes {dimension_semantics = [#tpu.dimension_semantics<core_parallel>, #tpu.dimension_semantics<subcore_parallel>], iteration_bounds = array<i64: 2, 16>, scalar_prefetch = 0 : i64, scratch_operands = 14 : i64, tpu.core_type = #tpu.core_type<sc_vector_subcore>, window_params = [{transform_indices = #map}, {transform_indices = #map}, {transform_indices = #map1}, {transform_indices = #map1}, {transform_indices = #map}, {transform_indices = #map}]} {
    %mul3A = arith.constant 16 : i32
    %mul3A_0 = arith.muli %arg0, %mul3A : i32
    %add3A = arith.addi %mul3A_0, %arg1 : i32
    "tpu.region"() ({
      %run_scoped3A = tpu.sem_alloc : memref<!tpu.dma_semaphore, #tpu.memory_space<semaphore_mem>>
      %dma_start3A_147 = arith.constant 0 : i32
      %dma_start3A_148 = arith.constant 0 : i32
      %dma_start3A_149 = tpu.memref_slice %arg4[%add3A, %dma_start3A_147, %dma_start3A_148] : memref<32x86x128xi16, #tpu.memory_space<hbm>> -> memref<1x86x128xi16, #tpu.memory_space<hbm>>
      %dma_start3A_150 = tpu.memref_squeeze %dma_start3A_149 : memref<1x86x128xi16, #tpu.memory_space<hbm>> -> memref<86x128xi16, #tpu.memory_space<hbm>>
      %dma_start3A_151 = arith.constant 0 : i32
      %dma_start3A_152 = arith.constant 0 : i32
      %dma_start3A_153 = tpu.memref_slice %arg4[%add3A, %dma_start3A_151, %dma_start3A_152] : memref<32x86x128xi16, #tpu.memory_space<hbm>> -> memref<1x86x128xi16, #tpu.memory_space<hbm>>
      %dma_start3A_154 = tpu.memref_squeeze %dma_start3A_153 : memref<1x86x128xi16, #tpu.memory_space<hbm>> -> memref<86x128xi16, #tpu.memory_space<hbm>>
      tpu.enqueue_dma source(%dma_start3A_154 : memref<86x128xi16, #tpu.memory_space<hbm>>) target(%arg8 : memref<86x128xi16, #tpu.memory_space<vmem>>) target_semaphore(%run_scoped3A : memref<!tpu.dma_semaphore, #tpu.memory_space<semaphore_mem>>)
      %dma_wait3A_155 = arith.constant 0 : i32
      %dma_wait3A_156 = arith.constant 0 : i32
      %dma_wait3A_157 = tpu.memref_slice %arg4[%add3A, %dma_wait3A_155, %dma_wait3A_156] : memref<32x86x128xi16, #tpu.memory_space<hbm>> -> memref<1x86x128xi16, #tpu.memory_space<hbm>>
      %dma_wait3A_158 = tpu.memref_squeeze %dma_wait3A_157 : memref<1x86x128xi16, #tpu.memory_space<hbm>> -> memref<86x128xi16, #tpu.memory_space<hbm>>
      %dma_wait3A_159 = arith.constant 0 : i32
      %dma_wait3A_160 = arith.constant 0 : i32
      %dma_wait3A_161 = tpu.memref_slice %arg4[%add3A, %dma_wait3A_159, %dma_wait3A_160] : memref<32x86x128xi16, #tpu.memory_space<hbm>> -> memref<1x86x128xi16, #tpu.memory_space<hbm>>
      %dma_wait3A_162 = tpu.memref_squeeze %dma_wait3A_161 : memref<1x86x128xi16, #tpu.memory_space<hbm>> -> memref<86x128xi16, #tpu.memory_space<hbm>>
      tpu.wait_dma2 semaphore(%run_scoped3A : memref<!tpu.dma_semaphore, #tpu.memory_space<semaphore_mem>>) src(%dma_wait3A_162 : memref<86x128xi16, #tpu.memory_space<hbm>>) dst(%arg8 : memref<86x128xi16, #tpu.memory_space<vmem>>)
      tpu.yield
    }) : () -> ()
    "tpu.region"() ({
      %run_scoped3A = tpu.sem_alloc : memref<!tpu.dma_semaphore, #tpu.memory_space<semaphore_mem>>
      %dma_start3A_147 = arith.constant 0 : i32
      %dma_start3A_148 = arith.constant 0 : i32
      %dma_start3A_149 = tpu.memref_slice %arg5[%add3A, %dma_start3A_147, %dma_start3A_148] : memref<32x86x128xi16, #tpu.memory_space<hbm>> -> memref<1x86x128xi16, #tpu.memory_space<hbm>>
      %dma_start3A_150 = tpu.memref_squeeze %dma_start3A_149 : memref<1x86x128xi16, #tpu.memory_space<hbm>> -> memref<86x128xi16, #tpu.memory_space<hbm>>
      %dma_start3A_151 = arith.constant 0 : i32
      %dma_start3A_152 = arith.constant 0 : i32
      %dma_start3A_153 = tpu.memref_slice %arg5[%add3A, %dma_start3A_151, %dma_start3A_152] : memref<32x86x128xi16, #tpu.memory_space<hbm>> -> memref<1x86x128xi16, #tpu.memory_space<hbm>>
      %dma_start3A_154 = tpu.memref_squeeze %dma_start3A_153 : memref<1x86x128xi16, #tpu.memory_space<hbm>> -> memref<86x128xi16, #tpu.memory_space<hbm>>
      tpu.enqueue_dma source(%dma_start3A_154 : memref<86x128xi16, #tpu.memory_space<hbm>>) target(%arg9 : memref<86x128xi16, #tpu.memory_space<vmem>>) target_semaphore(%run_scoped3A : memref<!tpu.dma_semaphore, #tpu.memory_space<semaphore_mem>>)
      %dma_wait3A_155 = arith.constant 0 : i32
      %dma_wait3A_156 = arith.constant 0 : i32
      %dma_wait3A_157 = tpu.memref_slice %arg5[%add3A, %dma_wait3A_155, %dma_wait3A_156] : memref<32x86x128xi16, #tpu.memory_space<hbm>> -> memref<1x86x128xi16, #tpu.memory_space<hbm>>
      %dma_wait3A_158 = tpu.memref_squeeze %dma_wait3A_157 : memref<1x86x128xi16, #tpu.memory_space<hbm>> -> memref<86x128xi16, #tpu.memory_space<hbm>>
      %dma_wait3A_159 = arith.constant 0 : i32
      %dma_wait3A_160 = arith.constant 0 : i32
      %dma_wait3A_161 = tpu.memref_slice %arg5[%add3A, %dma_wait3A_159, %dma_wait3A_160] : memref<32x86x128xi16, #tpu.memory_space<hbm>> -> memref<1x86x128xi16, #tpu.memory_space<hbm>>
      %dma_wait3A_162 = tpu.memref_squeeze %dma_wait3A_161 : memref<1x86x128xi16, #tpu.memory_space<hbm>> -> memref<86x128xi16, #tpu.memory_space<hbm>>
      tpu.wait_dma2 semaphore(%run_scoped3A : memref<!tpu.dma_semaphore, #tpu.memory_space<semaphore_mem>>) src(%dma_wait3A_162 : memref<86x128xi16, #tpu.memory_space<hbm>>) dst(%arg9 : memref<86x128xi16, #tpu.memory_space<vmem>>)
      tpu.yield
    }) : () -> ()
    %mul3A_1 = arith.constant 640 : i32
    %mul3A_2 = arith.muli %arg1, %mul3A_1 : i32
    "tpu.region"() ({
      %run_scoped3A = tpu.sem_alloc : memref<!tpu.dma_semaphore, #tpu.memory_space<semaphore_mem>>
      %dma_start3A_147 = arith.constant 0 : i32
      %dma_start3A_148 = tpu.memref_slice %arg17[%mul3A_2, %dma_start3A_147] : memref<10240x80xf32, #tpu.memory_space<vmem_shared>> -> memref<640x80xf32, #tpu.memory_space<vmem_shared>>
      %dma_start3A_149 = arith.constant 0 : i32
      %dma_start3A_150 = tpu.memref_slice %arg6[%mul3A_2, %dma_start3A_149] : memref<10240x80xf32, #tpu.memory_space<hbm>> -> memref<640x80xf32, #tpu.memory_space<hbm>>
      tpu.enqueue_dma source(%dma_start3A_150 : memref<640x80xf32, #tpu.memory_space<hbm>>) target(%dma_start3A_148 : memref<640x80xf32, #tpu.memory_space<vmem_shared>>) target_semaphore(%run_scoped3A : memref<!tpu.dma_semaphore, #tpu.memory_space<semaphore_mem>>)
      %dma_wait3A_151 = arith.constant 0 : i32
      %dma_wait3A_152 = tpu.memref_slice %arg17[%mul3A_2, %dma_wait3A_151] : memref<10240x80xf32, #tpu.memory_space<vmem_shared>> -> memref<640x80xf32, #tpu.memory_space<vmem_shared>>
      %dma_wait3A_153 = arith.constant 0 : i32
      %dma_wait3A_154 = tpu.memref_slice %arg6[%mul3A_2, %dma_wait3A_153] : memref<10240x80xf32, #tpu.memory_space<hbm>> -> memref<640x80xf32, #tpu.memory_space<hbm>>
      tpu.wait_dma2 semaphore(%run_scoped3A : memref<!tpu.dma_semaphore, #tpu.memory_space<semaphore_mem>>) src(%dma_wait3A_154 : memref<640x80xf32, #tpu.memory_space<hbm>>) dst(%dma_wait3A_152 : memref<640x80xf32, #tpu.memory_space<vmem_shared>>)
      tpu.yield
    }) : () -> ()
    %barrier3A = arith.constant 0 : index
    tpu.barrier barrier_id(%barrier3A)
    %get3A = arith.constant 0 : i32
    %get3A_3 = arith.index_cast %get3A : i32 to index
    %get3A_4 = arith.constant 0 : index
    %get3A_5 = tpu.vector_load %arg8[%get3A_3, %get3A_4] {strides = array<i32>} : memref<86x128xi16, #tpu.memory_space<vmem>>, vector<32xi16>,
    %unpack3A = tpu.unpack_subelements %get3A_5, 0 {pack_format = #tpu.pack_format<interleaved>} : vector<32xi16> -> vector<16xi32>
    %unpack3A_6 = tpu.unpack_subelements %get3A_5, 1 {pack_format = #tpu.pack_format<interleaved>} : vector<32xi16> -> vector<16xi32>
    %swap3A = arith.constant 0 : i32
    %swap3A_7 = arith.index_cast %swap3A : i32 to index
    %swap3A_8 = arith.constant 0 : index
    %swap3A_9 = tpu.vector_load %arg10[%swap3A_7, %swap3A_8] {strides = array<i32>} : memref<2x128xi32, #tpu.memory_space<vmem>>, vector<16xi32>,
    tpu.vector_store %arg10[%swap3A_7, %swap3A_8], %unpack3A {strides = array<i32>} : memref<2x128xi32, #tpu.memory_space<vmem>>, vector<16xi32>,
    %swap3A_10 = arith.constant 0 : i32
    %swap3A_11 = arith.index_cast %swap3A_10 : i32 to index
    %swap3A_12 = arith.constant 16 : index
    %swap3A_13 = tpu.vector_load %arg10[%swap3A_11, %swap3A_12] {strides = array<i32>} : memref<2x128xi32, #tpu.memory_space<vmem>>, vector<16xi32>,
    tpu.vector_store %arg10[%swap3A_11, %swap3A_12], %unpack3A_6 {strides = array<i32>} : memref<2x128xi32, #tpu.memory_space<vmem>>, vector<16xi32>,
    %get3A_14 = arith.constant 0 : i32
    %get3A_15 = arith.index_cast %get3A_14 : i32 to index
    %get3A_16 = arith.constant 32 : index
    %get3A_17 = tpu.vector_load %arg8[%get3A_15, %get3A_16] {strides = array<i32>} : memref<86x128xi16, #tpu.memory_space<vmem>>, vector<32xi16>,
    %unpack3A_18 = tpu.unpack_subelements %get3A_17, 0 {pack_format = #tpu.pack_format<interleaved>} : vector<32xi16> -> vector<16xi32>
    %unpack3A_19 = tpu.unpack_subelements %get3A_17, 1 {pack_format = #tpu.pack_format<interleaved>} : vector<32xi16> -> vector<16xi32>
    %swap3A_20 = arith.constant 0 : i32
    %swap3A_21 = arith.index_cast %swap3A_20 : i32 to index
    %swap3A_22 = arith.constant 32 : index
    %swap3A_23 = tpu.vector_load %arg10[%swap3A_21, %swap3A_22] {strides = array<i32>} : memref<2x128xi32, #tpu.memory_space<vmem>>, vector<16xi32>,
    tpu.vector_store %arg10[%swap3A_21, %swap3A_22], %unpack3A_18 {strides = array<i32>} : memref<2x128xi32, #tpu.memory_space<vmem>>, vector<16xi32>,
    %swap3A_24 = arith.constant 0 : i32
    %swap3A_25 = arith.index_cast %swap3A_24 : i32 to index
    %swap3A_26 = arith.constant 48 : index
    %swap3A_27 = tpu.vector_load %arg10[%swap3A_25, %swap3A_26] {strides = array<i32>} : memref<2x128xi32, #tpu.memory_space<vmem>>, vector<16xi32>,
    tpu.vector_store %arg10[%swap3A_25, %swap3A_26], %unpack3A_19 {strides = array<i32>} : memref<2x128xi32, #tpu.memory_space<vmem>>, vector<16xi32>,
    %get3A_28 = arith.constant 0 : i32
    %get3A_29 = arith.index_cast %get3A_28 : i32 to index
    %get3A_30 = arith.constant 64 : index
    %get3A_31 = tpu.vector_load %arg8[%get3A_29, %get3A_30] {strides = array<i32>} : memref<86x128xi16, #tpu.memory_space<vmem>>, vector<32xi16>,
    %unpack3A_32 = tpu.unpack_subelements %get3A_31, 0 {pack_format = #tpu.pack_format<interleaved>} : vector<32xi16> -> vector<16xi32>
    %unpack3A_33 = tpu.unpack_subelements %get3A_31, 1 {pack_format = #tpu.pack_format<interleaved>} : vector<32xi16> -> vector<16xi32>
    %swap3A_34 = arith.constant 0 : i32
    %swap3A_35 = arith.index_cast %swap3A_34 : i32 to index
    %swap3A_36 = arith.constant 64 : index
    %swap3A_37 = tpu.vector_load %arg10[%swap3A_35, %swap3A_36] {strides = array<i32>} : memref<2x128xi32, #tpu.memory_space<vmem>>, vector<16xi32>,
    tpu.vector_store %arg10[%swap3A_35, %swap3A_36], %unpack3A_32 {strides = array<i32>} : memref<2x128xi32, #tpu.memory_space<vmem>>, vector<16xi32>,
    %swap3A_38 = arith.constant 0 : i32
    %swap3A_39 = arith.index_cast %swap3A_38 : i32 to index
    %swap3A_40 = arith.constant 80 : index
    %swap3A_41 = tpu.vector_load %arg10[%swap3A_39, %swap3A_40] {strides = array<i32>} : memref<2x128xi32, #tpu.memory_space<vmem>>, vector<16xi32>,
    tpu.vector_store %arg10[%swap3A_39, %swap3A_40], %unpack3A_33 {strides = array<i32>} : memref<2x128xi32, #tpu.memory_space<vmem>>, vector<16xi32>,
    %get3A_42 = arith.constant 0 : i32
    %get3A_43 = arith.index_cast %get3A_42 : i32 to index
    %get3A_44 = arith.constant 96 : index
    %get3A_45 = tpu.vector_load %arg8[%get3A_43, %get3A_44] {strides = array<i32>} : memref<86x128xi16, #tpu.memory_space<vmem>>, vector<32xi16>,
    %unpack3A_46 = tpu.unpack_subelements %get3A_45, 0 {pack_format = #tpu.pack_format<interleaved>} : vector<32xi16> -> vector<16xi32>
    %unpack3A_47 = tpu.unpack_subelements %get3A_45, 1 {pack_format = #tpu.pack_format<interleaved>} : vector<32xi16> -> vector<16xi32>
    %swap3A_48 = arith.constant 0 : i32
    %swap3A_49 = arith.index_cast %swap3A_48 : i32 to index
    %swap3A_50 = arith.constant 96 : index
    %swap3A_51 = tpu.vector_load %arg10[%swap3A_49, %swap3A_50] {strides = array<i32>} : memref<2x128xi32, #tpu.memory_space<vmem>>, vector<16xi32>,
    tpu.vector_store %arg10[%swap3A_49, %swap3A_50], %unpack3A_46 {strides = array<i32>} : memref<2x128xi32, #tpu.memory_space<vmem>>, vector<16xi32>,
    %swap3A_52 = arith.constant 0 : i32
    %swap3A_53 = arith.index_cast %swap3A_52 : i32 to index
    %swap3A_54 = arith.constant 112 : index
    %swap3A_55 = tpu.vector_load %arg10[%swap3A_53, %swap3A_54] {strides = array<i32>} : memref<2x128xi32, #tpu.memory_space<vmem>>, vector<16xi32>,
    tpu.vector_store %arg10[%swap3A_53, %swap3A_54], %unpack3A_47 {strides = array<i32>} : memref<2x128xi32, #tpu.memory_space<vmem>>, vector<16xi32>,
    %get3A_56 = arith.constant 0 : i32
    %get3A_57 = arith.index_cast %get3A_56 : i32 to index
    %get3A_58 = arith.constant 0 : index
    %get3A_59 = tpu.vector_load %arg9[%get3A_57, %get3A_58] {strides = array<i32>} : memref<86x128xi16, #tpu.memory_space<vmem>>, vector<32xi16>,
    %unpack3A_60 = tpu.unpack_subelements %get3A_59, 0 {pack_format = #tpu.pack_format<interleaved>} : vector<32xi16> -> vector<16xi32>
    %unpack3A_61 = tpu.unpack_subelements %get3A_59, 1 {pack_format = #tpu.pack_format<interleaved>} : vector<32xi16> -> vector<16xi32>
    %swap3A_62 = arith.constant 0 : i32
    %swap3A_63 = arith.index_cast %swap3A_62 : i32 to index
    %swap3A_64 = arith.constant 0 : index
    %swap3A_65 = tpu.vector_load %arg11[%swap3A_63, %swap3A_64] {strides = array<i32>} : memref<2x128xi32, #tpu.memory_space<vmem>>, vector<16xi32>,
    tpu.vector_store %arg11[%swap3A_63, %swap3A_64], %unpack3A_60 {strides = array<i32>} : memref<2x128xi32, #tpu.memory_space<vmem>>, vector<16xi32>,
    %swap3A_66 = arith.constant 0 : i32
    %swap3A_67 = arith.index_cast %swap3A_66 : i32 to index
    %swap3A_68 = arith.constant 16 : index
    %swap3A_69 = tpu.vector_load %arg11[%swap3A_67, %swap3A_68] {strides = array<i32>} : memref<2x128xi32, #tpu.memory_space<vmem>>, vector<16xi32>,
    tpu.vector_store %arg11[%swap3A_67, %swap3A_68], %unpack3A_61 {strides = array<i32>} : memref<2x128xi32, #tpu.memory_space<vmem>>, vector<16xi32>,
    %get3A_70 = arith.constant 0 : i32
    %get3A_71 = arith.index_cast %get3A_70 : i32 to index
    %get3A_72 = arith.constant 32 : index
    %get3A_73 = tpu.vector_load %arg9[%get3A_71, %get3A_72] {strides = array<i32>} : memref<86x128xi16, #tpu.memory_space<vmem>>, vector<32xi16>,
    %unpack3A_74 = tpu.unpack_subelements %get3A_73, 0 {pack_format = #tpu.pack_format<interleaved>} : vector<32xi16> -> vector<16xi32>
    %unpack3A_75 = tpu.unpack_subelements %get3A_73, 1 {pack_format = #tpu.pack_format<interleaved>} : vector<32xi16> -> vector<16xi32>
    %swap3A_76 = arith.constant 0 : i32
    %swap3A_77 = arith.index_cast %swap3A_76 : i32 to index
    %swap3A_78 = arith.constant 32 : index
    %swap3A_79 = tpu.vector_load %arg11[%swap3A_77, %swap3A_78] {strides = array<i32>} : memref<2x128xi32, #tpu.memory_space<vmem>>, vector<16xi32>,
    tpu.vector_store %arg11[%swap3A_77, %swap3A_78], %unpack3A_74 {strides = array<i32>} : memref<2x128xi32, #tpu.memory_space<vmem>>, vector<16xi32>,
    %swap3A_80 = arith.constant 0 : i32
    %swap3A_81 = arith.index_cast %swap3A_80 : i32 to index
    %swap3A_82 = arith.constant 48 : index
    %swap3A_83 = tpu.vector_load %arg11[%swap3A_81, %swap3A_82] {strides = array<i32>} : memref<2x128xi32, #tpu.memory_space<vmem>>, vector<16xi32>,
    tpu.vector_store %arg11[%swap3A_81, %swap3A_82], %unpack3A_75 {strides = array<i32>} : memref<2x128xi32, #tpu.memory_space<vmem>>, vector<16xi32>,
    %get3A_84 = arith.constant 0 : i32
    %get3A_85 = arith.index_cast %get3A_84 : i32 to index
    %get3A_86 = arith.constant 64 : index
    %get3A_87 = tpu.vector_load %arg9[%get3A_85, %get3A_86] {strides = array<i32>} : memref<86x128xi16, #tpu.memory_space<vmem>>, vector<32xi16>,
    %unpack3A_88 = tpu.unpack_subelements %get3A_87, 0 {pack_format = #tpu.pack_format<interleaved>} : vector<32xi16> -> vector<16xi32>
    %unpack3A_89 = tpu.unpack_subelements %get3A_87, 1 {pack_format = #tpu.pack_format<interleaved>} : vector<32xi16> -> vector<16xi32>
    %swap3A_90 = arith.constant 0 : i32
    %swap3A_91 = arith.index_cast %swap3A_90 : i32 to index
    %swap3A_92 = arith.constant 64 : index
    %swap3A_93 = tpu.vector_load %arg11[%swap3A_91, %swap3A_92] {strides = array<i32>} : memref<2x128xi32, #tpu.memory_space<vmem>>, vector<16xi32>,
    tpu.vector_store %arg11[%swap3A_91, %swap3A_92], %unpack3A_88 {strides = array<i32>} : memref<2x128xi32, #tpu.memory_space<vmem>>, vector<16xi32>,
    %swap3A_94 = arith.constant 0 : i32
    %swap3A_95 = arith.index_cast %swap3A_94 : i32 to index
    %swap3A_96 = arith.constant 80 : index
    %swap3A_97 = tpu.vector_load %arg11[%swap3A_95, %swap3A_96] {strides = array<i32>} : memref<2x128xi32, #tpu.memory_space<vmem>>, vector<16xi32>,
    tpu.vector_store %arg11[%swap3A_95, %swap3A_96], %unpack3A_89 {strides = array<i32>} : memref<2x128xi32, #tpu.memory_space<vmem>>, vector<16xi32>,
    %get3A_98 = arith.constant 0 : i32
    %get3A_99 = arith.index_cast %get3A_98 : i32 to index
    %get3A_100 = arith.constant 96 : index
    %get3A_101 = tpu.vector_load %arg9[%get3A_99, %get3A_100] {strides = array<i32>} : memref<86x128xi16, #tpu.memory_space<vmem>>, vector<32xi16>,
    %unpack3A_102 = tpu.unpack_subelements %get3A_101, 0 {pack_format = #tpu.pack_format<interleaved>} : vector<32xi16> -> vector<16xi32>
    %unpack3A_103 = tpu.unpack_subelements %get3A_101, 1 {pack_format = #tpu.pack_format<interleaved>} : vector<32xi16> -> vector<16xi32>
    %swap3A_104 = arith.constant 0 : i32
    %swap3A_105 = arith.index_cast %swap3A_104 : i32 to index
    %swap3A_106 = arith.constant 96 : index
    %swap3A_107 = tpu.vector_load %arg11[%swap3A_105, %swap3A_106] {strides = array<i32>} : memref<2x128xi32, #tpu.memory_space<vmem>>, vector<16xi32>,
    tpu.vector_store %arg11[%swap3A_105, %swap3A_106], %unpack3A_102 {strides = array<i32>} : memref<2x128xi32, #tpu.memory_space<vmem>>, vector<16xi32>,
    %swap3A_108 = arith.constant 0 : i32
    %swap3A_109 = arith.index_cast %swap3A_108 : i32 to index
    %swap3A_110 = arith.constant 112 : index
    %swap3A_111 = tpu.vector_load %arg11[%swap3A_109, %swap3A_110] {strides = array<i32>} : memref<2x128xi32, #tpu.memory_space<vmem>>, vector<16xi32>,
    tpu.vector_store %arg11[%swap3A_109, %swap3A_110], %unpack3A_103 {strides = array<i32>} : memref<2x128xi32, #tpu.memory_space<vmem>>, vector<16xi32>,
    %dma_start3A = arith.constant 0 : i32
    %dma_start3A_112 = arith.constant 0 : i32
    %dma_start3A_113 = tpu.memref_slice %arg10[%dma_start3A, %dma_start3A_112] : memref<2x128xi32, #tpu.memory_space<vmem>> -> memref<1x128xi32, #tpu.memory_space<vmem>>
    %dma_start3A_114 = tpu.memref_squeeze %dma_start3A_113 : memref<1x128xi32, #tpu.memory_space<vmem>> -> memref<128xi32, #tpu.memory_space<vmem>>
    %dma_start3A_115 = arith.constant 0 : i32
    %dma_start3A_116 = arith.constant 0 : i32
    %dma_start3A_117 = tpu.memref_slice %arg2[%dma_start3A_115, %dma_start3A_116] : memref<10240x80xf32, #tpu.memory_space<hbm>> -> memref<10240x80xf32, #tpu.memory_space<hbm>>
    tpu.enqueue_indirect_dma source(%dma_start3A_117 : memref<10240x80xf32, #tpu.memory_space<hbm>>) target(%arg12 : memref<128x80xf32, #tpu.memory_space<vmem>>) offsets(%dma_start3A_114 : memref<128xi32, #tpu.memory_space<vmem>>) semaphore(%arg18 : memref<!tpu.dma_semaphore, #tpu.memory_space<semaphore_mem>>)
    %dma_start3A_118 = arith.constant 0 : i32
    %dma_start3A_119 = arith.constant 0 : i32
    %dma_start3A_120 = tpu.memref_slice %arg11[%dma_start3A_118, %dma_start3A_119] : memref<2x128xi32, #tpu.memory_space<vmem>> -> memref<1x128xi32, #tpu.memory_space<vmem>>
    %dma_start3A_121 = tpu.memref_squeeze %dma_start3A_120 : memref<1x128xi32, #tpu.memory_space<vmem>> -> memref<128xi32, #tpu.memory_space<vmem>>
    %dma_start3A_122 = arith.constant 0 : i32
    %dma_start3A_123 = arith.constant 0 : i32
    %dma_start3A_124 = tpu.memref_slice %arg3[%dma_start3A_122, %dma_start3A_123] : memref<10240x16xf32, #tpu.memory_space<hbm>> -> memref<10240x16xf32, #tpu.memory_space<hbm>>
    tpu.enqueue_indirect_dma source(%dma_start3A_124 : memref<10240x16xf32, #tpu.memory_space<hbm>>) target(%arg13 : memref<128x16xf32, #tpu.memory_space<vmem>>) offsets(%dma_start3A_121 : memref<128xi32, #tpu.memory_space<vmem>>) semaphore(%arg19 : memref<!tpu.dma_semaphore, #tpu.memory_space<semaphore_mem>>)
    %scan3A = arith.constant 0 : i32
    %scan3A_125 = arith.constant 0 : i32
    %scan3A_126 = arith.constant 42 : i32
    %scan3A_127 = arith.addi %scan3A_125, %scan3A_126 : i32
    %scan3A_128 = arith.constant 1 : i32
    scf.for %scan3A_147 = %scan3A_125 to %scan3A_127 step %scan3A_128  : i32 {
      %mul3A_148 = arith.constant 2 : i32
      %mul3A_149 = arith.muli %mul3A_148, %scan3A_147 : i32
      %add3A_150 = arith.constant 1 : i32
      %add3A_151 = arith.addi %mul3A_149, %add3A_150 : i32
      %get3A_152 = arith.index_cast %add3A_151 : i32 to index
      %get3A_153 = arith.constant 0 : index
      %get3A_154 = tpu.vector_load %arg8[%get3A_152, %get3A_153] {strides = array<i32>} : memref<86x128xi16, #tpu.memory_space<vmem>>, vector<32xi16>,
      %unpack3A_155 = tpu.unpack_subelements %get3A_154, 0 {pack_format = #tpu.pack_format<interleaved>} : vector<32xi16> -> vector<16xi32>
      %unpack3A_156 = tpu.unpack_subelements %get3A_154, 1 {pack_format = #tpu.pack_format<interleaved>} : vector<32xi16> -> vector<16xi32>
      %swap3A_157 = arith.constant 1 : i32
      %swap3A_158 = arith.index_cast %swap3A_157 : i32 to index
      %swap3A_159 = arith.constant 0 : index
      %swap3A_160 = tpu.vector_load %arg10[%swap3A_158, %swap3A_159] {strides = array<i32>} : memref<2x128xi32, #tpu.memory_space<vmem>>, vector<16xi32>,
      tpu.vector_store %arg10[%swap3A_158, %swap3A_159], %unpack3A_155 {strides = array<i32>} : memref<2x128xi32, #tpu.memory_space<vmem>>, vector<16xi32>,
      %swap3A_161 = arith.constant 1 : i32
      %swap3A_162 = arith.index_cast %swap3A_161 : i32 to index
      %swap3A_163 = arith.constant 16 : index
      %swap3A_164 = tpu.vector_load %arg10[%swap3A_162, %swap3A_163] {strides = array<i32>} : memref<2x128xi32, #tpu.memory_space<vmem>>, vector<16xi32>,
      tpu.vector_store %arg10[%swap3A_162, %swap3A_163], %unpack3A_156 {strides = array<i32>} : memref<2x128xi32, #tpu.memory_space<vmem>>, vector<16xi32>,
      %get3A_165 = arith.index_cast %add3A_151 : i32 to index
      %get3A_166 = arith.constant 32 : index
      %get3A_167 = tpu.vector_load %arg8[%get3A_165, %get3A_166] {strides = array<i32>} : memref<86x128xi16, #tpu.memory_space<vmem>>, vector<32xi16>,
      %unpack3A_168 = tpu.unpack_subelements %get3A_167, 0 {pack_format = #tpu.pack_format<interleaved>} : vector<32xi16> -> vector<16xi32>
      %unpack3A_169 = tpu.unpack_subelements %get3A_167, 1 {pack_format = #tpu.pack_format<interleaved>} : vector<32xi16> -> vector<16xi32>
      %swap3A_170 = arith.constant 1 : i32
      %swap3A_171 = arith.index_cast %swap3A_170 : i32 to index
      %swap3A_172 = arith.constant 32 : index
      %swap3A_173 = tpu.vector_load %arg10[%swap3A_171, %swap3A_172] {strides = array<i32>} : memref<2x128xi32, #tpu.memory_space<vmem>>, vector<16xi32>,
      tpu.vector_store %arg10[%swap3A_171, %swap3A_172], %unpack3A_168 {strides = array<i32>} : memref<2x128xi32, #tpu.memory_space<vmem>>, vector<16xi32>,
      %swap3A_174 = arith.constant 1 : i32
      %swap3A_175 = arith.index_cast %swap3A_174 : i32 to index
      %swap3A_176 = arith.constant 48 : index
      %swap3A_177 = tpu.vector_load %arg10[%swap3A_175, %swap3A_176] {strides = array<i32>} : memref<2x128xi32, #tpu.memory_space<vmem>>, vector<16xi32>,
      tpu.vector_store %arg10[%swap3A_175, %swap3A_176], %unpack3A_169 {strides = array<i32>} : memref<2x128xi32, #tpu.memory_space<vmem>>, vector<16xi32>,
      %get3A_178 = arith.index_cast %add3A_151 : i32 to index
      %get3A_179 = arith.constant 64 : index
      %get3A_180 = tpu.vector_load %arg8[%get3A_178, %get3A_179] {strides = array<i32>} : memref<86x128xi16, #tpu.memory_space<vmem>>, vector<32xi16>,
      %unpack3A_181 = tpu.unpack_subelements %get3A_180, 0 {pack_format = #tpu.pack_format<interleaved>} : vector<32xi16> -> vector<16xi32>
      %unpack3A_182 = tpu.unpack_subelements %get3A_180, 1 {pack_format = #tpu.pack_format<interleaved>} : vector<32xi16> -> vector<16xi32>
      %swap3A_183 = arith.constant 1 : i32
      %swap3A_184 = arith.index_cast %swap3A_183 : i32 to index
      %swap3A_185 = arith.constant 64 : index
      %swap3A_186 = tpu.vector_load %arg10[%swap3A_184, %swap3A_185] {strides = array<i32>} : memref<2x128xi32, #tpu.memory_space<vmem>>, vector<16xi32>,
      tpu.vector_store %arg10[%swap3A_184, %swap3A_185], %unpack3A_181 {strides = array<i32>} : memref<2x128xi32, #tpu.memory_space<vmem>>, vector<16xi32>,
      %swap3A_187 = arith.constant 1 : i32
      %swap3A_188 = arith.index_cast %swap3A_187 : i32 to index
      %swap3A_189 = arith.constant 80 : index
      %swap3A_190 = tpu.vector_load %arg10[%swap3A_188, %swap3A_189] {strides = array<i32>} : memref<2x128xi32, #tpu.memory_space<vmem>>, vector<16xi32>,
      tpu.vector_store %arg10[%swap3A_188, %swap3A_189], %unpack3A_182 {strides = array<i32>} : memref<2x128xi32, #tpu.memory_space<vmem>>, vector<16xi32>,
      %get3A_191 = arith.index_cast %add3A_151 : i32 to index
      %get3A_192 = arith.constant 96 : index
      %get3A_193 = tpu.vector_load %arg8[%get3A_191, %get3A_192] {strides = array<i32>} : memref<86x128xi16, #tpu.memory_space<vmem>>, vector<32xi16>,
      %unpack3A_194 = tpu.unpack_subelements %get3A_193, 0 {pack_format = #tpu.pack_format<interleaved>} : vector<32xi16> -> vector<16xi32>
      %unpack3A_195 = tpu.unpack_subelements %get3A_193, 1 {pack_format = #tpu.pack_format<interleaved>} : vector<32xi16> -> vector<16xi32>
      %swap3A_196 = arith.constant 1 : i32
      %swap3A_197 = arith.index_cast %swap3A_196 : i32 to index
      %swap3A_198 = arith.constant 96 : index
      %swap3A_199 = tpu.vector_load %arg10[%swap3A_197, %swap3A_198] {strides = array<i32>} : memref<2x128xi32, #tpu.memory_space<vmem>>, vector<16xi32>,
      tpu.vector_store %arg10[%swap3A_197, %swap3A_198], %unpack3A_194 {strides = array<i32>} : memref<2x128xi32, #tpu.memory_space<vmem>>, vector<16xi32>,
      %swap3A_200 = arith.constant 1 : i32
      %swap3A_201 = arith.index_cast %swap3A_200 : i32 to index
      %swap3A_202 = arith.constant 112 : index
      %swap3A_203 = tpu.vector_load %arg10[%swap3A_201, %swap3A_202] {strides = array<i32>} : memref<2x128xi32, #tpu.memory_space<vmem>>, vector<16xi32>,
      tpu.vector_store %arg10[%swap3A_201, %swap3A_202], %unpack3A_195 {strides = array<i32>} : memref<2x128xi32, #tpu.memory_space<vmem>>, vector<16xi32>,
      %get3A_204 = arith.index_cast %add3A_151 : i32 to index
      %get3A_205 = arith.constant 0 : index
      %get3A_206 = tpu.vector_load %arg9[%get3A_204, %get3A_205] {strides = array<i32>} : memref<86x128xi16, #tpu.memory_space<vmem>>, vector<32xi16>,
      %unpack3A_207 = tpu.unpack_subelements %get3A_206, 0 {pack_format = #tpu.pack_format<interleaved>} : vector<32xi16> -> vector<16xi32>
      %unpack3A_208 = tpu.unpack_subelements %get3A_206, 1 {pack_format = #tpu.pack_format<interleaved>} : vector<32xi16> -> vector<16xi32>
      %swap3A_209 = arith.constant 1 : i32
      %swap3A_210 = arith.index_cast %swap3A_209 : i32 to index
      %swap3A_211 = arith.constant 0 : index
      %swap3A_212 = tpu.vector_load %arg11[%swap3A_210, %swap3A_211] {strides = array<i32>} : memref<2x128xi32, #tpu.memory_space<vmem>>, vector<16xi32>,
      tpu.vector_store %arg11[%swap3A_210, %swap3A_211], %unpack3A_207 {strides = array<i32>} : memref<2x128xi32, #tpu.memory_space<vmem>>, vector<16xi32>,
      %swap3A_213 = arith.constant 1 : i32
      %swap3A_214 = arith.index_cast %swap3A_213 : i32 to index
      %swap3A_215 = arith.constant 16 : index
      %swap3A_216 = tpu.vector_load %arg11[%swap3A_214, %swap3A_215] {strides = array<i32>} : memref<2x128xi32, #tpu.memory_space<vmem>>, vector<16xi32>,
      tpu.vector_store %arg11[%swap3A_214, %swap3A_215], %unpack3A_208 {strides = array<i32>} : memref<2x128xi32, #tpu.memory_space<vmem>>, vector<16xi32>,
      %get3A_217 = arith.index_cast %add3A_151 : i32 to index
      %get3A_218 = arith.constant 32 : index
      %get3A_219 = tpu.vector_load %arg9[%get3A_217, %get3A_218] {strides = array<i32>} : memref<86x128xi16, #tpu.memory_space<vmem>>, vector<32xi16>,
      %unpack3A_220 = tpu.unpack_subelements %get3A_219, 0 {pack_format = #tpu.pack_format<interleaved>} : vector<32xi16> -> vector<16xi32>
      %unpack3A_221 = tpu.unpack_subelements %get3A_219, 1 {pack_format = #tpu.pack_format<interleaved>} : vector<32xi16> -> vector<16xi32>
      %swap3A_222 = arith.constant 1 : i32
      %swap3A_223 = arith.index_cast %swap3A_222 : i32 to index
      %swap3A_224 = arith.constant 32 : index
      %swap3A_225 = tpu.vector_load %arg11[%swap3A_223, %swap3A_224] {strides = array<i32>} : memref<2x128xi32, #tpu.memory_space<vmem>>, vector<16xi32>,
      tpu.vector_store %arg11[%swap3A_223, %swap3A_224], %unpack3A_220 {strides = array<i32>} : memref<2x128xi32, #tpu.memory_space<vmem>>, vector<16xi32>,
      %swap3A_226 = arith.constant 1 : i32
      %swap3A_227 = arith.index_cast %swap3A_226 : i32 to index
      %swap3A_228 = arith.constant 48 : index
      %swap3A_229 = tpu.vector_load %arg11[%swap3A_227, %swap3A_228] {strides = array<i32>} : memref<2x128xi32, #tpu.memory_space<vmem>>, vector<16xi32>,
      tpu.vector_store %arg11[%swap3A_227, %swap3A_228], %unpack3A_221 {strides = array<i32>} : memref<2x128xi32, #tpu.memory_space<vmem>>, vector<16xi32>,
      %get3A_230 = arith.index_cast %add3A_151 : i32 to index
      %get3A_231 = arith.constant 64 : index
      %get3A_232 = tpu.vector_load %arg9[%get3A_230, %get3A_231] {strides = array<i32>} : memref<86x128xi16, #tpu.memory_space<vmem>>, vector<32xi16>,
      %unpack3A_233 = tpu.unpack_subelements %get3A_232, 0 {pack_format = #tpu.pack_format<interleaved>} : vector<32xi16> -> vector<16xi32>
      %unpack3A_234 = tpu.unpack_subelements %get3A_232, 1 {pack_format = #tpu.pack_format<interleaved>} : vector<32xi16> -> vector<16xi32>
      %swap3A_235 = arith.constant 1 : i32
      %swap3A_236 = arith.index_cast %swap3A_235 : i32 to index
      %swap3A_237 = arith.constant 64 : index
      %swap3A_238 = tpu.vector_load %arg11[%swap3A_236, %swap3A_237] {strides = array<i32>} : memref<2x128xi32, #tpu.memory_space<vmem>>, vector<16xi32>,
      tpu.vector_store %arg11[%swap3A_236, %swap3A_237], %unpack3A_233 {strides = array<i32>} : memref<2x128xi32, #tpu.memory_space<vmem>>, vector<16xi32>,
      %swap3A_239 = arith.constant 1 : i32
      %swap3A_240 = arith.index_cast %swap3A_239 : i32 to index
      %swap3A_241 = arith.constant 80 : index
      %swap3A_242 = tpu.vector_load %arg11[%swap3A_240, %swap3A_241] {strides = array<i32>} : memref<2x128xi32, #tpu.memory_space<vmem>>, vector<16xi32>,
      tpu.vector_store %arg11[%swap3A_240, %swap3A_241], %unpack3A_234 {strides = array<i32>} : memref<2x128xi32, #tpu.memory_space<vmem>>, vector<16xi32>,
      %get3A_243 = arith.index_cast %add3A_151 : i32 to index
      %get3A_244 = arith.constant 96 : index
      %get3A_245 = tpu.vector_load %arg9[%get3A_243, %get3A_244] {strides = array<i32>} : memref<86x128xi16, #tpu.memory_space<vmem>>, vector<32xi16>,
      %unpack3A_246 = tpu.unpack_subelements %get3A_245, 0 {pack_format = #tpu.pack_format<interleaved>} : vector<32xi16> -> vector<16xi32>
      %unpack3A_247 = tpu.unpack_subelements %get3A_245, 1 {pack_format = #tpu.pack_format<interleaved>} : vector<32xi16> -> vector<16xi32>
      %swap3A_248 = arith.constant 1 : i32
      %swap3A_249 = arith.index_cast %swap3A_248 : i32 to index
      %swap3A_250 = arith.constant 96 : index
      %swap3A_251 = tpu.vector_load %arg11[%swap3A_249, %swap3A_250] {strides = array<i32>} : memref<2x128xi32, #tpu.memory_space<vmem>>, vector<16xi32>,
      tpu.vector_store %arg11[%swap3A_249, %swap3A_250], %unpack3A_246 {strides = array<i32>} : memref<2x128xi32, #tpu.memory_space<vmem>>, vector<16xi32>,
      %swap3A_252 = arith.constant 1 : i32
      %swap3A_253 = arith.index_cast %swap3A_252 : i32 to index
      %swap3A_254 = arith.constant 112 : index
      %swap3A_255 = tpu.vector_load %arg11[%swap3A_253, %swap3A_254] {strides = array<i32>} : memref<2x128xi32, #tpu.memory_space<vmem>>, vector<16xi32>,
      tpu.vector_store %arg11[%swap3A_253, %swap3A_254], %unpack3A_247 {strides = array<i32>} : memref<2x128xi32, #tpu.memory_space<vmem>>, vector<16xi32>,
      %dma_start3A_256 = arith.constant 1 : i32
      %dma_start3A_257 = arith.constant 0 : i32
      %dma_start3A_258 = tpu.memref_slice %arg10[%dma_start3A_256, %dma_start3A_257] : memref<2x128xi32, #tpu.memory_space<vmem>> -> memref<1x128xi32, #tpu.memory_space<vmem>>
      %dma_start3A_259 = tpu.memref_squeeze %dma_start3A_258 : memref<1x128xi32, #tpu.memory_space<vmem>> -> memref<128xi32, #tpu.memory_space<vmem>>
      %dma_start3A_260 = arith.constant 0 : i32
      %dma_start3A_261 = arith.constant 0 : i32
      %dma_start3A_262 = tpu.memref_slice %arg2[%dma_start3A_260, %dma_start3A_261] : memref<10240x80xf32, #tpu.memory_space<hbm>> -> memref<10240x80xf32, #tpu.memory_space<hbm>>
      tpu.enqueue_indirect_dma source(%dma_start3A_262 : memref<10240x80xf32, #tpu.memory_space<hbm>>) target(%arg14 : memref<128x80xf32, #tpu.memory_space<vmem>>) offsets(%dma_start3A_259 : memref<128xi32, #tpu.memory_space<vmem>>) semaphore(%arg20 : memref<!tpu.dma_semaphore, #tpu.memory_space<semaphore_mem>>)
      %dma_start3A_263 = arith.constant 1 : i32
      %dma_start3A_264 = arith.constant 0 : i32
      %dma_start3A_265 = tpu.memref_slice %arg11[%dma_start3A_263, %dma_start3A_264] : memref<2x128xi32, #tpu.memory_space<vmem>> -> memref<1x128xi32, #tpu.memory_space<vmem>>
      %dma_start3A_266 = tpu.memref_squeeze %dma_start3A_265 : memref<1x128xi32, #tpu.memory_space<vmem>> -> memref<128xi32, #tpu.memory_space<vmem>>
      %dma_start3A_267 = arith.constant 0 : i32
      %dma_start3A_268 = arith.constant 0 : i32
      %dma_start3A_269 = tpu.memref_slice %arg3[%dma_start3A_267, %dma_start3A_268] : memref<10240x16xf32, #tpu.memory_space<hbm>> -> memref<10240x16xf32, #tpu.memory_space<hbm>>
      tpu.enqueue_indirect_dma source(%dma_start3A_269 : memref<10240x16xf32, #tpu.memory_space<hbm>>) target(%arg15 : memref<128x16xf32, #tpu.memory_space<vmem>>) offsets(%dma_start3A_266 : memref<128xi32, #tpu.memory_space<vmem>>) semaphore(%arg21 : memref<!tpu.dma_semaphore, #tpu.memory_space<semaphore_mem>>)
      %dma_wait3A_270 = arith.constant 0 : i32
      %dma_wait3A_271 = arith.constant 0 : i32
      %dma_wait3A_272 = tpu.memref_slice %arg10[%dma_wait3A_270, %dma_wait3A_271] : memref<2x128xi32, #tpu.memory_space<vmem>> -> memref<1x128xi32, #tpu.memory_space<vmem>>
      %dma_wait3A_273 = tpu.memref_squeeze %dma_wait3A_272 : memref<1x128xi32, #tpu.memory_space<vmem>> -> memref<128xi32, #tpu.memory_space<vmem>>
      %dma_wait3A_274 = arith.constant 0 : i32
      %dma_wait3A_275 = arith.constant 0 : i32
      %dma_wait3A_276 = tpu.memref_slice %arg2[%dma_wait3A_274, %dma_wait3A_275] : memref<10240x80xf32, #tpu.memory_space<hbm>> -> memref<10240x80xf32, #tpu.memory_space<hbm>>
      tpu.wait_indirect_dma semaphore(%arg18 : memref<!tpu.dma_semaphore, #tpu.memory_space<semaphore_mem>>) src(%dma_wait3A_276 : memref<10240x80xf32, #tpu.memory_space<hbm>>) dst(%arg12 : memref<128x80xf32, #tpu.memory_space<vmem>>)
      %dma_wait3A_277 = arith.constant 0 : i32
      %dma_wait3A_278 = arith.constant 0 : i32
      %dma_wait3A_279 = tpu.memref_slice %arg11[%dma_wait3A_277, %dma_wait3A_278] : memref<2x128xi32, #tpu.memory_space<vmem>> -> memref<1x128xi32, #tpu.memory_space<vmem>>
      %dma_wait3A_280 = tpu.memref_squeeze %dma_wait3A_279 : memref<1x128xi32, #tpu.memory_space<vmem>> -> memref<128xi32, #tpu.memory_space<vmem>>
      %dma_wait3A_281 = arith.constant 0 : i32
      %dma_wait3A_282 = arith.constant 0 : i32
      %dma_wait3A_283 = tpu.memref_slice %arg3[%dma_wait3A_281, %dma_wait3A_282] : memref<10240x16xf32, #tpu.memory_space<hbm>> -> memref<10240x16xf32, #tpu.memory_space<hbm>>
      tpu.wait_indirect_dma semaphore(%arg19 : memref<!tpu.dma_semaphore, #tpu.memory_space<semaphore_mem>>) src(%dma_wait3A_283 : memref<10240x16xf32, #tpu.memory_space<hbm>>) dst(%arg13 : memref<128x16xf32, #tpu.memory_space<vmem>>)
      %iota3A = tpu.iota {dimensions = array<i32: 0>} : vector<16xi32>
      %lt3A = arith.constant 8 : i32
      %lt3A_284 = vector.broadcast %lt3A : i32 to vector<16xi32>
      %lt3A_285 = arith.cmpi slt, %iota3A, %lt3A_284 : vector<16xi32>
      %scan3A_286 = arith.constant 0 : i32
      %scan3A_287 = arith.constant 0 : i32
      %scan3A_288 = arith.constant 128 : i32
      %scan3A_289 = arith.addi %scan3A_287, %scan3A_288 : i32
      %scan3A_290 = arith.constant 1 : i32
      scf.for %scan3A_437 = %scan3A_287 to %scan3A_289 step %scan3A_290  : i32 {
        %get3A_438 = arith.index_cast %scan3A_437 : i32 to index
        %get3A_439 = arith.constant 64 : index
        %get3A_440 = tpu.vector_load %arg12[%get3A_438, %get3A_439] {strides = array<i32>} : memref<128x80xf32, #tpu.memory_space<vmem>>, vector<16xf32>,
        %get3A_441 = arith.index_cast %scan3A_437 : i32 to index
        %get3A_442 = arith.constant 0 : index
        %get3A_443 = tpu.vector_load %arg13[%get3A_441, %get3A_442] {strides = array<i32>} : memref<128x16xf32, #tpu.memory_space<vmem>>, vector<16xf32>,
        %add3A_444 = arith.addf %get3A_440, %get3A_443 : vector<16xf32>
        %gt3A = arith.constant 0.000000e+00 : f32
        %gt3A_445 = vector.broadcast %gt3A : f32 to vector<16xf32>
        %gt3A_446 = arith.cmpf ogt, %add3A_444, %gt3A_445 : vector<16xf32>
        %mul3A_447 = arith.constant 2.000000e-01 : f32
        %mul3A_448 = vector.broadcast %mul3A_447 : f32 to vector<16xf32>
        %mul3A_449 = arith.mulf %mul3A_448, %add3A_444 : vector<16xf32>
        %select_n3A = arith.select %gt3A_446, %add3A_444, %mul3A_449 : vector<16xi1>, vector<16xf32>
        %exp3A = math.exp %select_n3A : vector<16xf32>
        %swap3A_450 = arith.index_cast %scan3A_437 : i32 to index
        %swap3A_451 = arith.constant 64 : index
        %swap3A_452 = tpu.vector_load %arg16[%swap3A_450, %swap3A_451] {strides = array<i32>} : memref<128x80xf32, #tpu.memory_space<vmem>>, vector<16xf32>,
        tpu.vector_store %arg16[%swap3A_450, %swap3A_451], %exp3A {strides = array<i32>} : memref<128x80xf32, #tpu.memory_space<vmem>>, vector<16xf32>,
        %slice3A = vector.extract_strided_slice %exp3A {offsets = [0], sizes = [1], strides = [1]} : vector<16xf32> to vector<1xf32>
        %squeeze3A = vector.extract %slice3A[0] : f32 from vector<1xf32>
        %broadcast_in_dim3A = vector.broadcast %squeeze3A : f32 to vector<16xf32>
        %slice3A_453 = vector.extract_strided_slice %exp3A {offsets = [1], sizes = [1], strides = [1]} : vector<16xf32> to vector<1xf32>
        %squeeze3A_454 = vector.extract %slice3A_453[0] : f32 from vector<1xf32>
        %broadcast_in_dim3A_455 = vector.broadcast %squeeze3A_454 : f32 to vector<16xf32>
        %select_n3A_456 = arith.select %lt3A_285, %broadcast_in_dim3A, %broadcast_in_dim3A_455 : vector<16xi1>, vector<16xf32>
        %get3A_457 = arith.index_cast %scan3A_437 : i32 to index
        %get3A_458 = arith.constant 0 : index
        %get3A_459 = tpu.vector_load %arg12[%get3A_457, %get3A_458] {strides = array<i32>} : memref<128x80xf32, #tpu.memory_space<vmem>>, vector<16xf32>,
        %mul3A_460 = arith.mulf %select_n3A_456, %get3A_459 : vector<16xf32>
        %swap3A_461 = arith.index_cast %scan3A_437 : i32 to index
        %swap3A_462 = arith.constant 0 : index
        %swap3A_463 = tpu.vector_load %arg16[%swap3A_461, %swap3A_462] {strides = array<i32>} : memref<128x80xf32, #tpu.memory_space<vmem>>, vector<16xf32>,
        tpu.vector_store %arg16[%swap3A_461, %swap3A_462], %mul3A_460 {strides = array<i32>} : memref<128x80xf32, #tpu.memory_space<vmem>>, vector<16xf32>,
        %slice3A_464 = vector.extract_strided_slice %exp3A {offsets = [2], sizes = [1], strides = [1]} : vector<16xf32> to vector<1xf32>
        %squeeze3A_465 = vector.extract %slice3A_464[0] : f32 from vector<1xf32>
        %broadcast_in_dim3A_466 = vector.broadcast %squeeze3A_465 : f32 to vector<16xf32>
        %slice3A_467 = vector.extract_strided_slice %exp3A {offsets = [3], sizes = [1], strides = [1]} : vector<16xf32> to vector<1xf32>
        %squeeze3A_468 = vector.extract %slice3A_467[0] : f32 from vector<1xf32>
        %broadcast_in_dim3A_469 = vector.broadcast %squeeze3A_468 : f32 to vector<16xf32>
        %select_n3A_470 = arith.select %lt3A_285, %broadcast_in_dim3A_466, %broadcast_in_dim3A_469 : vector<16xi1>, vector<16xf32>
        %get3A_471 = arith.index_cast %scan3A_437 : i32 to index
        %get3A_472 = arith.constant 16 : index
        %get3A_473 = tpu.vector_load %arg12[%get3A_471, %get3A_472] {strides = array<i32>} : memref<128x80xf32, #tpu.memory_space<vmem>>, vector<16xf32>,
        %mul3A_474 = arith.mulf %select_n3A_470, %get3A_473 : vector<16xf32>
        %swap3A_475 = arith.index_cast %scan3A_437 : i32 to index
        %swap3A_476 = arith.constant 16 : index
        %swap3A_477 = tpu.vector_load %arg16[%swap3A_475, %swap3A_476] {strides = array<i32>} : memref<128x80xf32, #tpu.memory_space<vmem>>, vector<16xf32>,
        tpu.vector_store %arg16[%swap3A_475, %swap3A_476], %mul3A_474 {strides = array<i32>} : memref<128x80xf32, #tpu.memory_space<vmem>>, vector<16xf32>,
        %slice3A_478 = vector.extract_strided_slice %exp3A {offsets = [4], sizes = [1], strides = [1]} : vector<16xf32> to vector<1xf32>
        %squeeze3A_479 = vector.extract %slice3A_478[0] : f32 from vector<1xf32>
        %broadcast_in_dim3A_480 = vector.broadcast %squeeze3A_479 : f32 to vector<16xf32>
        %slice3A_481 = vector.extract_strided_slice %exp3A {offsets = [5], sizes = [1], strides = [1]} : vector<16xf32> to vector<1xf32>
        %squeeze3A_482 = vector.extract %slice3A_481[0] : f32 from vector<1xf32>
        %broadcast_in_dim3A_483 = vector.broadcast %squeeze3A_482 : f32 to vector<16xf32>
        %select_n3A_484 = arith.select %lt3A_285, %broadcast_in_dim3A_480, %broadcast_in_dim3A_483 : vector<16xi1>, vector<16xf32>
        %get3A_485 = arith.index_cast %scan3A_437 : i32 to index
        %get3A_486 = arith.constant 32 : index
        %get3A_487 = tpu.vector_load %arg12[%get3A_485, %get3A_486] {strides = array<i32>} : memref<128x80xf32, #tpu.memory_space<vmem>>, vector<16xf32>,
        %mul3A_488 = arith.mulf %select_n3A_484, %get3A_487 : vector<16xf32>
        %swap3A_489 = arith.index_cast %scan3A_437 : i32 to index
        %swap3A_490 = arith.constant 32 : index
        %swap3A_491 = tpu.vector_load %arg16[%swap3A_489, %swap3A_490] {strides = array<i32>} : memref<128x80xf32, #tpu.memory_space<vmem>>, vector<16xf32>,
        tpu.vector_store %arg16[%swap3A_489, %swap3A_490], %mul3A_488 {strides = array<i32>} : memref<128x80xf32, #tpu.memory_space<vmem>>, vector<16xf32>,
        %slice3A_492 = vector.extract_strided_slice %exp3A {offsets = [6], sizes = [1], strides = [1]} : vector<16xf32> to vector<1xf32>
        %squeeze3A_493 = vector.extract %slice3A_492[0] : f32 from vector<1xf32>
        %broadcast_in_dim3A_494 = vector.broadcast %squeeze3A_493 : f32 to vector<16xf32>
        %slice3A_495 = vector.extract_strided_slice %exp3A {offsets = [7], sizes = [1], strides = [1]} : vector<16xf32> to vector<1xf32>
        %squeeze3A_496 = vector.extract %slice3A_495[0] : f32 from vector<1xf32>
        %broadcast_in_dim3A_497 = vector.broadcast %squeeze3A_496 : f32 to vector<16xf32>
        %select_n3A_498 = arith.select %lt3A_285, %broadcast_in_dim3A_494, %broadcast_in_dim3A_497 : vector<16xi1>, vector<16xf32>
        %get3A_499 = arith.index_cast %scan3A_437 : i32 to index
        %get3A_500 = arith.constant 48 : index
        %get3A_501 = tpu.vector_load %arg12[%get3A_499, %get3A_500] {strides = array<i32>} : memref<128x80xf32, #tpu.memory_space<vmem>>, vector<16xf32>,
        %mul3A_502 = arith.mulf %select_n3A_498, %get3A_501 : vector<16xf32>
        %swap3A_503 = arith.index_cast %scan3A_437 : i32 to index
        %swap3A_504 = arith.constant 48 : index
        %swap3A_505 = tpu.vector_load %arg16[%swap3A_503, %swap3A_504] {strides = array<i32>} : memref<128x80xf32, #tpu.memory_space<vmem>>, vector<16xf32>,
        tpu.vector_store %arg16[%swap3A_503, %swap3A_504], %mul3A_502 {strides = array<i32>} : memref<128x80xf32, #tpu.memory_space<vmem>>, vector<16xf32>,
      }
      %scan3A_291 = arith.constant 128 : i32
      %run_scoped3A = arith.constant 0 : i32
      "tpu.region"() ({
        %run_scoped3A_437 = tpu.sem_alloc : memref<!tpu.dma_semaphore, #tpu.memory_space<semaphore_mem>>
        %dma_start3A_438 = arith.constant 0 : i32
        %dma_start3A_439 = tpu.memref_slice %arg11[%run_scoped3A, %dma_start3A_438] : memref<2x128xi32, #tpu.memory_space<vmem>> -> memref<1x128xi32, #tpu.memory_space<vmem>>
        %dma_start3A_440 = tpu.memref_squeeze %dma_start3A_439 : memref<1x128xi32, #tpu.memory_space<vmem>> -> memref<128xi32, #tpu.memory_space<vmem>>
        %dma_start3A_441 = arith.constant 0 : i32
        %dma_start3A_442 = arith.constant 0 : i32
        %dma_start3A_443 = tpu.memref_slice %arg17[%dma_start3A_441, %dma_start3A_442] : memref<10240x80xf32, #tpu.memory_space<vmem_shared>> -> memref<10240x80xf32, #tpu.memory_space<vmem_shared>>
        tpu.enqueue_indirect_dma source(%arg16 : memref<128x80xf32, #tpu.memory_space<vmem>>) target(%dma_start3A_443 : memref<10240x80xf32, #tpu.memory_space<vmem_shared>>) offsets(%dma_start3A_440 : memref<128xi32, #tpu.memory_space<vmem>>) semaphore(%run_scoped3A_437 : memref<!tpu.dma_semaphore, #tpu.memory_space<semaphore_mem>>) {add = true}
        %dma_wait3A_444 = arith.constant 0 : i32
        %dma_wait3A_445 = tpu.memref_slice %arg11[%run_scoped3A, %dma_wait3A_444] : memref<2x128xi32, #tpu.memory_space<vmem>> -> memref<1x128xi32, #tpu.memory_space<vmem>>
        %dma_wait3A_446 = tpu.memref_squeeze %dma_wait3A_445 : memref<1x128xi32, #tpu.memory_space<vmem>> -> memref<128xi32, #tpu.memory_space<vmem>>
        %dma_wait3A_447 = arith.constant 0 : i32
        %dma_wait3A_448 = arith.constant 0 : i32
        %dma_wait3A_449 = tpu.memref_slice %arg17[%dma_wait3A_447, %dma_wait3A_448] : memref<10240x80xf32, #tpu.memory_space<vmem_shared>> -> memref<10240x80xf32, #tpu.memory_space<vmem_shared>>
        tpu.wait_indirect_dma semaphore(%run_scoped3A_437 : memref<!tpu.dma_semaphore, #tpu.memory_space<semaphore_mem>>) src(%arg16 : memref<128x80xf32, #tpu.memory_space<vmem>>) dst(%dma_wait3A_449 : memref<10240x80xf32, #tpu.memory_space<vmem_shared>>)
        tpu.yield
      }) : () -> ()
      %add3A_292 = arith.constant 2 : i32
      %add3A_293 = arith.addi %mul3A_149, %add3A_292 : i32
      %get3A_294 = arith.index_cast %add3A_293 : i32 to index
      %get3A_295 = arith.constant 0 : index
      %get3A_296 = tpu.vector_load %arg8[%get3A_294, %get3A_295] {strides = array<i32>} : memref<86x128xi16, #tpu.memory_space<vmem>>, vector<32xi16>,
      %unpack3A_297 = tpu.unpack_subelements %get3A_296, 0 {pack_format = #tpu.pack_format<interleaved>} : vector<32xi16> -> vector<16xi32>
      %unpack3A_298 = tpu.unpack_subelements %get3A_296, 1 {pack_format = #tpu.pack_format<interleaved>} : vector<32xi16> -> vector<16xi32>
      %swap3A_299 = arith.constant 0 : i32
      %swap3A_300 = arith.index_cast %swap3A_299 : i32 to index
      %swap3A_301 = arith.constant 0 : index
      %swap3A_302 = tpu.vector_load %arg10[%swap3A_300, %swap3A_301] {strides = array<i32>} : memref<2x128xi32, #tpu.memory_space<vmem>>, vector<16xi32>,
      tpu.vector_store %arg10[%swap3A_300, %swap3A_301], %unpack3A_297 {strides = array<i32>} : memref<2x128xi32, #tpu.memory_space<vmem>>, vector<16xi32>,
      %swap3A_303 = arith.constant 0 : i32
      %swap3A_304 = arith.index_cast %swap3A_303 : i32 to index
      %swap3A_305 = arith.constant 16 : index
      %swap3A_306 = tpu.vector_load %arg10[%swap3A_304, %swap3A_305] {strides = array<i32>} : memref<2x128xi32, #tpu.memory_space<vmem>>, vector<16xi32>,
      tpu.vector_store %arg10[%swap3A_304, %swap3A_305], %unpack3A_298 {strides = array<i32>} : memref<2x128xi32, #tpu.memory_space<vmem>>, vector<16xi32>,
      %get3A_307 = arith.index_cast %add3A_293 : i32 to index
      %get3A_308 = arith.constant 32 : index
      %get3A_309 = tpu.vector_load %arg8[%get3A_307, %get3A_308] {strides = array<i32>} : memref<86x128xi16, #tpu.memory_space<vmem>>, vector<32xi16>,
      %unpack3A_310 = tpu.unpack_subelements %get3A_309, 0 {pack_format = #tpu.pack_format<interleaved>} : vector<32xi16> -> vector<16xi32>
      %unpack3A_311 = tpu.unpack_subelements %get3A_309, 1 {pack_format = #tpu.pack_format<interleaved>} : vector<32xi16> -> vector<16xi32>
      %swap3A_312 = arith.constant 0 : i32
      %swap3A_313 = arith.index_cast %swap3A_312 : i32 to index
      %swap3A_314 = arith.constant 32 : index
      %swap3A_315 = tpu.vector_load %arg10[%swap3A_313, %swap3A_314] {strides = array<i32>} : memref<2x128xi32, #tpu.memory_space<vmem>>, vector<16xi32>,
      tpu.vector_store %arg10[%swap3A_313, %swap3A_314], %unpack3A_310 {strides = array<i32>} : memref<2x128xi32, #tpu.memory_space<vmem>>, vector<16xi32>,
      %swap3A_316 = arith.constant 0 : i32
      %swap3A_317 = arith.index_cast %swap3A_316 : i32 to index
      %swap3A_318 = arith.constant 48 : index
      %swap3A_319 = tpu.vector_load %arg10[%swap3A_317, %swap3A_318] {strides = array<i32>} : memref<2x128xi32, #tpu.memory_space<vmem>>, vector<16xi32>,
      tpu.vector_store %arg10[%swap3A_317, %swap3A_318], %unpack3A_311 {strides = array<i32>} : memref<2x128xi32, #tpu.memory_space<vmem>>, vector<16xi32>,
      %get3A_320 = arith.index_cast %add3A_293 : i32 to index
      %get3A_321 = arith.constant 64 : index
      %get3A_322 = tpu.vector_load %arg8[%get3A_320, %get3A_321] {strides = array<i32>} : memref<86x128xi16, #tpu.memory_space<vmem>>, vector<32xi16>,
      %unpack3A_323 = tpu.unpack_subelements %get3A_322, 0 {pack_format = #tpu.pack_format<interleaved>} : vector<32xi16> -> vector<16xi32>
      %unpack3A_324 = tpu.unpack_subelements %get3A_322, 1 {pack_format = #tpu.pack_format<interleaved>} : vector<32xi16> -> vector<16xi32>
      %swap3A_325 = arith.constant 0 : i32
      %swap3A_326 = arith.index_cast %swap3A_325 : i32 to index
      %swap3A_327 = arith.constant 64 : index
      %swap3A_328 = tpu.vector_load %arg10[%swap3A_326, %swap3A_327] {strides = array<i32>} : memref<2x128xi32, #tpu.memory_space<vmem>>, vector<16xi32>,
      tpu.vector_store %arg10[%swap3A_326, %swap3A_327], %unpack3A_323 {strides = array<i32>} : memref<2x128xi32, #tpu.memory_space<vmem>>, vector<16xi32>,
      %swap3A_329 = arith.constant 0 : i32
      %swap3A_330 = arith.index_cast %swap3A_329 : i32 to index
      %swap3A_331 = arith.constant 80 : index
      %swap3A_332 = tpu.vector_load %arg10[%swap3A_330, %swap3A_331] {strides = array<i32>} : memref<2x128xi32, #tpu.memory_space<vmem>>, vector<16xi32>,
      tpu.vector_store %arg10[%swap3A_330, %swap3A_331], %unpack3A_324 {strides = array<i32>} : memref<2x128xi32, #tpu.memory_space<vmem>>, vector<16xi32>,
      %get3A_333 = arith.index_cast %add3A_293 : i32 to index
      %get3A_334 = arith.constant 96 : index
      %get3A_335 = tpu.vector_load %arg8[%get3A_333, %get3A_334] {strides = array<i32>} : memref<86x128xi16, #tpu.memory_space<vmem>>, vector<32xi16>,
      %unpack3A_336 = tpu.unpack_subelements %get3A_335, 0 {pack_format = #tpu.pack_format<interleaved>} : vector<32xi16> -> vector<16xi32>
      %unpack3A_337 = tpu.unpack_subelements %get3A_335, 1 {pack_format = #tpu.pack_format<interleaved>} : vector<32xi16> -> vector<16xi32>
      %swap3A_338 = arith.constant 0 : i32
      %swap3A_339 = arith.index_cast %swap3A_338 : i32 to index
      %swap3A_340 = arith.constant 96 : index
      %swap3A_341 = tpu.vector_load %arg10[%swap3A_339, %swap3A_340] {strides = array<i32>} : memref<2x128xi32, #tpu.memory_space<vmem>>, vector<16xi32>,
      tpu.vector_store %arg10[%swap3A_339, %swap3A_340], %unpack3A_336 {strides = array<i32>} : memref<2x128xi32, #tpu.memory_space<vmem>>, vector<16xi32>,
      %swap3A_342 = arith.constant 0 : i32
      %swap3A_343 = arith.index_cast %swap3A_342 : i32 to index
      %swap3A_344 = arith.constant 112 : index
      %swap3A_345 = tpu.vector_load %arg10[%swap3A_343, %swap3A_344] {strides = array<i32>} : memref<2x128xi32, #tpu.memory_space<vmem>>, vector<16xi32>,
      tpu.vector_store %arg10[%swap3A_343, %swap3A_344], %unpack3A_337 {strides = array<i32>} : memref<2x128xi32, #tpu.memory_space<vmem>>, vector<16xi32>,
      %get3A_346 = arith.index_cast %add3A_293 : i32 to index
      %get3A_347 = arith.constant 0 : index
      %get3A_348 = tpu.vector_load %arg9[%get3A_346, %get3A_347] {strides = array<i32>} : memref<86x128xi16, #tpu.memory_space<vmem>>, vector<32xi16>,
      %unpack3A_349 = tpu.unpack_subelements %get3A_348, 0 {pack_format = #tpu.pack_format<interleaved>} : vector<32xi16> -> vector<16xi32>
      %unpack3A_350 = tpu.unpack_subelements %get3A_348, 1 {pack_format = #tpu.pack_format<interleaved>} : vector<32xi16> -> vector<16xi32>
      %swap3A_351 = arith.constant 0 : i32
      %swap3A_352 = arith.index_cast %swap3A_351 : i32 to index
      %swap3A_353 = arith.constant 0 : index
      %swap3A_354 = tpu.vector_load %arg11[%swap3A_352, %swap3A_353] {strides = array<i32>} : memref<2x128xi32, #tpu.memory_space<vmem>>, vector<16xi32>,
      tpu.vector_store %arg11[%swap3A_352, %swap3A_353], %unpack3A_349 {strides = array<i32>} : memref<2x128xi32, #tpu.memory_space<vmem>>, vector<16xi32>,
      %swap3A_355 = arith.constant 0 : i32
      %swap3A_356 = arith.index_cast %swap3A_355 : i32 to index
      %swap3A_357 = arith.constant 16 : index
      %swap3A_358 = tpu.vector_load %arg11[%swap3A_356, %swap3A_357] {strides = array<i32>} : memref<2x128xi32, #tpu.memory_space<vmem>>, vector<16xi32>,
      tpu.vector_store %arg11[%swap3A_356, %swap3A_357], %unpack3A_350 {strides = array<i32>} : memref<2x128xi32, #tpu.memory_space<vmem>>, vector<16xi32>,
      %get3A_359 = arith.index_cast %add3A_293 : i32 to index
      %get3A_360 = arith.constant 32 : index
      %get3A_361 = tpu.vector_load %arg9[%get3A_359, %get3A_360] {strides = array<i32>} : memref<86x128xi16, #tpu.memory_space<vmem>>, vector<32xi16>,
      %unpack3A_362 = tpu.unpack_subelements %get3A_361, 0 {pack_format = #tpu.pack_format<interleaved>} : vector<32xi16> -> vector<16xi32>
      %unpack3A_363 = tpu.unpack_subelements %get3A_361, 1 {pack_format = #tpu.pack_format<interleaved>} : vector<32xi16> -> vector<16xi32>
      %swap3A_364 = arith.constant 0 : i32
      %swap3A_365 = arith.index_cast %swap3A_364 : i32 to index
      %swap3A_366 = arith.constant 32 : index
      %swap3A_367 = tpu.vector_load %arg11[%swap3A_365, %swap3A_366] {strides = array<i32>} : memref<2x128xi32, #tpu.memory_space<vmem>>, vector<16xi32>,
      tpu.vector_store %arg11[%swap3A_365, %swap3A_366], %unpack3A_362 {strides = array<i32>} : memref<2x128xi32, #tpu.memory_space<vmem>>, vector<16xi32>,
      %swap3A_368 = arith.constant 0 : i32
      %swap3A_369 = arith.index_cast %swap3A_368 : i32 to index
      %swap3A_370 = arith.constant 48 : index
      %swap3A_371 = tpu.vector_load %arg11[%swap3A_369, %swap3A_370] {strides = array<i32>} : memref<2x128xi32, #tpu.memory_space<vmem>>, vector<16xi32>,
      tpu.vector_store %arg11[%swap3A_369, %swap3A_370], %unpack3A_363 {strides = array<i32>} : memref<2x128xi32, #tpu.memory_space<vmem>>, vector<16xi32>,
      %get3A_372 = arith.index_cast %add3A_293 : i32 to index
      %get3A_373 = arith.constant 64 : index
      %get3A_374 = tpu.vector_load %arg9[%get3A_372, %get3A_373] {strides = array<i32>} : memref<86x128xi16, #tpu.memory_space<vmem>>, vector<32xi16>,
      %unpack3A_375 = tpu.unpack_subelements %get3A_374, 0 {pack_format = #tpu.pack_format<interleaved>} : vector<32xi16> -> vector<16xi32>
      %unpack3A_376 = tpu.unpack_subelements %get3A_374, 1 {pack_format = #tpu.pack_format<interleaved>} : vector<32xi16> -> vector<16xi32>
      %swap3A_377 = arith.constant 0 : i32
      %swap3A_378 = arith.index_cast %swap3A_377 : i32 to index
      %swap3A_379 = arith.constant 64 : index
      %swap3A_380 = tpu.vector_load %arg11[%swap3A_378, %swap3A_379] {strides = array<i32>} : memref<2x128xi32, #tpu.memory_space<vmem>>, vector<16xi32>,
      tpu.vector_store %arg11[%swap3A_378, %swap3A_379], %unpack3A_375 {strides = array<i32>} : memref<2x128xi32, #tpu.memory_space<vmem>>, vector<16xi32>,
      %swap3A_381 = arith.constant 0 : i32
      %swap3A_382 = arith.index_cast %swap3A_381 : i32 to index
      %swap3A_383 = arith.constant 80 : index
      %swap3A_384 = tpu.vector_load %arg11[%swap3A_382, %swap3A_383] {strides = array<i32>} : memref<2x128xi32, #tpu.memory_space<vmem>>, vector<16xi32>,
      tpu.vector_store %arg11[%swap3A_382, %swap3A_383], %unpack3A_376 {strides = array<i32>} : memref<2x128xi32, #tpu.memory_space<vmem>>, vector<16xi32>,
      %get3A_385 = arith.index_cast %add3A_293 : i32 to index
      %get3A_386 = arith.constant 96 : index
      %get3A_387 = tpu.vector_load %arg9[%get3A_385, %get3A_386] {strides = array<i32>} : memref<86x128xi16, #tpu.memory_space<vmem>>, vector<32xi16>,
      %unpack3A_388 = tpu.unpack_subelements %get3A_387, 0 {pack_format = #tpu.pack_format<interleaved>} : vector<32xi16> -> vector<16xi32>
      %unpack3A_389 = tpu.unpack_subelements %get3A_387, 1 {pack_format = #tpu.pack_format<interleaved>} : vector<32xi16> -> vector<16xi32>
      %swap3A_390 = arith.constant 0 : i32
      %swap3A_391 = arith.index_cast %swap3A_390 : i32 to index
      %swap3A_392 = arith.constant 96 : index
      %swap3A_393 = tpu.vector_load %arg11[%swap3A_391, %swap3A_392] {strides = array<i32>} : memref<2x128xi32, #tpu.memory_space<vmem>>, vector<16xi32>,
      tpu.vector_store %arg11[%swap3A_391, %swap3A_392], %unpack3A_388 {strides = array<i32>} : memref<2x128xi32, #tpu.memory_space<vmem>>, vector<16xi32>,
      %swap3A_394 = arith.constant 0 : i32
      %swap3A_395 = arith.index_cast %swap3A_394 : i32 to index
      %swap3A_396 = arith.constant 112 : index
      %swap3A_397 = tpu.vector_load %arg11[%swap3A_395, %swap3A_396] {strides = array<i32>} : memref<2x128xi32, #tpu.memory_space<vmem>>, vector<16xi32>,
      tpu.vector_store %arg11[%swap3A_395, %swap3A_396], %unpack3A_389 {strides = array<i32>} : memref<2x128xi32, #tpu.memory_space<vmem>>, vector<16xi32>,
      %dma_start3A_398 = arith.constant 0 : i32
      %dma_start3A_399 = arith.constant 0 : i32
      %dma_start3A_400 = tpu.memref_slice %arg10[%dma_start3A_398, %dma_start3A_399] : memref<2x128xi32, #tpu.memory_space<vmem>> -> memref<1x128xi32, #tpu.memory_space<vmem>>
      %dma_start3A_401 = tpu.memref_squeeze %dma_start3A_400 : memref<1x128xi32, #tpu.memory_space<vmem>> -> memref<128xi32, #tpu.memory_space<vmem>>
      %dma_start3A_402 = arith.constant 0 : i32
      %dma_start3A_403 = arith.constant 0 : i32
      %dma_start3A_404 = tpu.memref_slice %arg2[%dma_start3A_402, %dma_start3A_403] : memref<10240x80xf32, #tpu.memory_space<hbm>> -> memref<10240x80xf32, #tpu.memory_space<hbm>>
      tpu.enqueue_indirect_dma source(%dma_start3A_404 : memref<10240x80xf32, #tpu.memory_space<hbm>>) target(%arg12 : memref<128x80xf32, #tpu.memory_space<vmem>>) offsets(%dma_start3A_401 : memref<128xi32, #tpu.memory_space<vmem>>) semaphore(%arg18 : memref<!tpu.dma_semaphore, #tpu.memory_space<semaphore_mem>>)
      %dma_start3A_405 = arith.constant 0 : i32
      %dma_start3A_406 = arith.constant 0 : i32
      %dma_start3A_407 = tpu.memref_slice %arg11[%dma_start3A_405, %dma_start3A_406] : memref<2x128xi32, #tpu.memory_space<vmem>> -> memref<1x128xi32, #tpu.memory_space<vmem>>
      %dma_start3A_408 = tpu.memref_squeeze %dma_start3A_407 : memref<1x128xi32, #tpu.memory_space<vmem>> -> memref<128xi32, #tpu.memory_space<vmem>>
      %dma_start3A_409 = arith.constant 0 : i32
      %dma_start3A_410 = arith.constant 0 : i32
      %dma_start3A_411 = tpu.memref_slice %arg3[%dma_start3A_409, %dma_start3A_410] : memref<10240x16xf32, #tpu.memory_space<hbm>> -> memref<10240x16xf32, #tpu.memory_space<hbm>>
      tpu.enqueue_indirect_dma source(%dma_start3A_411 : memref<10240x16xf32, #tpu.memory_space<hbm>>) target(%arg13 : memref<128x16xf32, #tpu.memory_space<vmem>>) offsets(%dma_start3A_408 : memref<128xi32, #tpu.memory_space<vmem>>) semaphore(%arg19 : memref<!tpu.dma_semaphore, #tpu.memory_space<semaphore_mem>>)
      %dma_wait3A_412 = arith.constant 1 : i32
      %dma_wait3A_413 = arith.constant 0 : i32
      %dma_wait3A_414 = tpu.memref_slice %arg10[%dma_wait3A_412, %dma_wait3A_413] : memref<2x128xi32, #tpu.memory_space<vmem>> -> memref<1x128xi32, #tpu.memory_space<vmem>>
      %dma_wait3A_415 = tpu.memref_squeeze %dma_wait3A_414 : memref<1x128xi32, #tpu.memory_space<vmem>> -> memref<128xi32, #tpu.memory_space<vmem>>
      %dma_wait3A_416 = arith.constant 0 : i32
      %dma_wait3A_417 = arith.constant 0 : i32
      %dma_wait3A_418 = tpu.memref_slice %arg2[%dma_wait3A_416, %dma_wait3A_417] : memref<10240x80xf32, #tpu.memory_space<hbm>> -> memref<10240x80xf32, #tpu.memory_space<hbm>>
      tpu.wait_indirect_dma semaphore(%arg20 : memref<!tpu.dma_semaphore, #tpu.memory_space<semaphore_mem>>) src(%dma_wait3A_418 : memref<10240x80xf32, #tpu.memory_space<hbm>>) dst(%arg14 : memref<128x80xf32, #tpu.memory_space<vmem>>)
      %dma_wait3A_419 = arith.constant 1 : i32
      %dma_wait3A_420 = arith.constant 0 : i32
      %dma_wait3A_421 = tpu.memref_slice %arg11[%dma_wait3A_419, %dma_wait3A_420] : memref<2x128xi32, #tpu.memory_space<vmem>> -> memref<1x128xi32, #tpu.memory_space<vmem>>
      %dma_wait3A_422 = tpu.memref_squeeze %dma_wait3A_421 : memref<1x128xi32, #tpu.memory_space<vmem>> -> memref<128xi32, #tpu.memory_space<vmem>>
      %dma_wait3A_423 = arith.constant 0 : i32
      %dma_wait3A_424 = arith.constant 0 : i32
      %dma_wait3A_425 = tpu.memref_slice %arg3[%dma_wait3A_423, %dma_wait3A_424] : memref<10240x16xf32, #tpu.memory_space<hbm>> -> memref<10240x16xf32, #tpu.memory_space<hbm>>
      tpu.wait_indirect_dma semaphore(%arg21 : memref<!tpu.dma_semaphore, #tpu.memory_space<semaphore_mem>>) src(%dma_wait3A_425 : memref<10240x16xf32, #tpu.memory_space<hbm>>) dst(%arg15 : memref<128x16xf32, #tpu.memory_space<vmem>>)
      %iota3A_426 = tpu.iota {dimensions = array<i32: 0>} : vector<16xi32>
      %lt3A_427 = arith.constant 8 : i32
      %lt3A_428 = vector.broadcast %lt3A_427 : i32 to vector<16xi32>
      %lt3A_429 = arith.cmpi slt, %iota3A_426, %lt3A_428 : vector<16xi32>
      %scan3A_430 = arith.constant 0 : i32
      %scan3A_431 = arith.constant 0 : i32
      %scan3A_432 = arith.constant 128 : i32
      %scan3A_433 = arith.addi %scan3A_431, %scan3A_432 : i32
      %scan3A_434 = arith.constant 1 : i32
      scf.for %scan3A_437 = %scan3A_431 to %scan3A_433 step %scan3A_434  : i32 {
        %get3A_438 = arith.index_cast %scan3A_437 : i32 to index
        %get3A_439 = arith.constant 64 : index
        %get3A_440 = tpu.vector_load %arg14[%get3A_438, %get3A_439] {strides = array<i32>} : memref<128x80xf32, #tpu.memory_space<vmem>>, vector<16xf32>,
        %get3A_441 = arith.index_cast %scan3A_437 : i32 to index
        %get3A_442 = arith.constant 0 : index
        %get3A_443 = tpu.vector_load %arg15[%get3A_441, %get3A_442] {strides = array<i32>} : memref<128x16xf32, #tpu.memory_space<vmem>>, vector<16xf32>,
        %add3A_444 = arith.addf %get3A_440, %get3A_443 : vector<16xf32>
        %gt3A = arith.constant 0.000000e+00 : f32
        %gt3A_445 = vector.broadcast %gt3A : f32 to vector<16xf32>
        %gt3A_446 = arith.cmpf ogt, %add3A_444, %gt3A_445 : vector<16xf32>
        %mul3A_447 = arith.constant 2.000000e-01 : f32
        %mul3A_448 = vector.broadcast %mul3A_447 : f32 to vector<16xf32>
        %mul3A_449 = arith.mulf %mul3A_448, %add3A_444 : vector<16xf32>
        %select_n3A = arith.select %gt3A_446, %add3A_444, %mul3A_449 : vector<16xi1>, vector<16xf32>
        %exp3A = math.exp %select_n3A : vector<16xf32>
        %swap3A_450 = arith.index_cast %scan3A_437 : i32 to index
        %swap3A_451 = arith.constant 64 : index
        %swap3A_452 = tpu.vector_load %arg16[%swap3A_450, %swap3A_451] {strides = array<i32>} : memref<128x80xf32, #tpu.memory_space<vmem>>, vector<16xf32>,
        tpu.vector_store %arg16[%swap3A_450, %swap3A_451], %exp3A {strides = array<i32>} : memref<128x80xf32, #tpu.memory_space<vmem>>, vector<16xf32>,
        %slice3A = vector.extract_strided_slice %exp3A {offsets = [0], sizes = [1], strides = [1]} : vector<16xf32> to vector<1xf32>
        %squeeze3A = vector.extract %slice3A[0] : f32 from vector<1xf32>
        %broadcast_in_dim3A = vector.broadcast %squeeze3A : f32 to vector<16xf32>
        %slice3A_453 = vector.extract_strided_slice %exp3A {offsets = [1], sizes = [1], strides = [1]} : vector<16xf32> to vector<1xf32>
        %squeeze3A_454 = vector.extract %slice3A_453[0] : f32 from vector<1xf32>
        %broadcast_in_dim3A_455 = vector.broadcast %squeeze3A_454 : f32 to vector<16xf32>
        %select_n3A_456 = arith.select %lt3A_429, %broadcast_in_dim3A, %broadcast_in_dim3A_455 : vector<16xi1>, vector<16xf32>
        %get3A_457 = arith.index_cast %scan3A_437 : i32 to index
        %get3A_458 = arith.constant 0 : index
        %get3A_459 = tpu.vector_load %arg14[%get3A_457, %get3A_458] {strides = array<i32>} : memref<128x80xf32, #tpu.memory_space<vmem>>, vector<16xf32>,
        %mul3A_460 = arith.mulf %select_n3A_456, %get3A_459 : vector<16xf32>
        %swap3A_461 = arith.index_cast %scan3A_437 : i32 to index
        %swap3A_462 = arith.constant 0 : index
        %swap3A_463 = tpu.vector_load %arg16[%swap3A_461, %swap3A_462] {strides = array<i32>} : memref<128x80xf32, #tpu.memory_space<vmem>>, vector<16xf32>,
        tpu.vector_store %arg16[%swap3A_461, %swap3A_462], %mul3A_460 {strides = array<i32>} : memref<128x80xf32, #tpu.memory_space<vmem>>, vector<16xf32>,
        %slice3A_464 = vector.extract_strided_slice %exp3A {offsets = [2], sizes = [1], strides = [1]} : vector<16xf32> to vector<1xf32>
        %squeeze3A_465 = vector.extract %slice3A_464[0] : f32 from vector<1xf32>
        %broadcast_in_dim3A_466 = vector.broadcast %squeeze3A_465 : f32 to vector<16xf32>
        %slice3A_467 = vector.extract_strided_slice %exp3A {offsets = [3], sizes = [1], strides = [1]} : vector<16xf32> to vector<1xf32>
        %squeeze3A_468 = vector.extract %slice3A_467[0] : f32 from vector<1xf32>
        %broadcast_in_dim3A_469 = vector.broadcast %squeeze3A_468 : f32 to vector<16xf32>
        %select_n3A_470 = arith.select %lt3A_429, %broadcast_in_dim3A_466, %broadcast_in_dim3A_469 : vector<16xi1>, vector<16xf32>
        %get3A_471 = arith.index_cast %scan3A_437 : i32 to index
        %get3A_472 = arith.constant 16 : index
        %get3A_473 = tpu.vector_load %arg14[%get3A_471, %get3A_472] {strides = array<i32>} : memref<128x80xf32, #tpu.memory_space<vmem>>, vector<16xf32>,
        %mul3A_474 = arith.mulf %select_n3A_470, %get3A_473 : vector<16xf32>
        %swap3A_475 = arith.index_cast %scan3A_437 : i32 to index
        %swap3A_476 = arith.constant 16 : index
        %swap3A_477 = tpu.vector_load %arg16[%swap3A_475, %swap3A_476] {strides = array<i32>} : memref<128x80xf32, #tpu.memory_space<vmem>>, vector<16xf32>,
        tpu.vector_store %arg16[%swap3A_475, %swap3A_476], %mul3A_474 {strides = array<i32>} : memref<128x80xf32, #tpu.memory_space<vmem>>, vector<16xf32>,
        %slice3A_478 = vector.extract_strided_slice %exp3A {offsets = [4], sizes = [1], strides = [1]} : vector<16xf32> to vector<1xf32>
        %squeeze3A_479 = vector.extract %slice3A_478[0] : f32 from vector<1xf32>
        %broadcast_in_dim3A_480 = vector.broadcast %squeeze3A_479 : f32 to vector<16xf32>
        %slice3A_481 = vector.extract_strided_slice %exp3A {offsets = [5], sizes = [1], strides = [1]} : vector<16xf32> to vector<1xf32>
        %squeeze3A_482 = vector.extract %slice3A_481[0] : f32 from vector<1xf32>
        %broadcast_in_dim3A_483 = vector.broadcast %squeeze3A_482 : f32 to vector<16xf32>
        %select_n3A_484 = arith.select %lt3A_429, %broadcast_in_dim3A_480, %broadcast_in_dim3A_483 : vector<16xi1>, vector<16xf32>
        %get3A_485 = arith.index_cast %scan3A_437 : i32 to index
        %get3A_486 = arith.constant 32 : index
        %get3A_487 = tpu.vector_load %arg14[%get3A_485, %get3A_486] {strides = array<i32>} : memref<128x80xf32, #tpu.memory_space<vmem>>, vector<16xf32>,
        %mul3A_488 = arith.mulf %select_n3A_484, %get3A_487 : vector<16xf32>
        %swap3A_489 = arith.index_cast %scan3A_437 : i32 to index
        %swap3A_490 = arith.constant 32 : index
        %swap3A_491 = tpu.vector_load %arg16[%swap3A_489, %swap3A_490] {strides = array<i32>} : memref<128x80xf32, #tpu.memory_space<vmem>>, vector<16xf32>,
        tpu.vector_store %arg16[%swap3A_489, %swap3A_490], %mul3A_488 {strides = array<i32>} : memref<128x80xf32, #tpu.memory_space<vmem>>, vector<16xf32>,
        %slice3A_492 = vector.extract_strided_slice %exp3A {offsets = [6], sizes = [1], strides = [1]} : vector<16xf32> to vector<1xf32>
        %squeeze3A_493 = vector.extract %slice3A_492[0] : f32 from vector<1xf32>
        %broadcast_in_dim3A_494 = vector.broadcast %squeeze3A_493 : f32 to vector<16xf32>
        %slice3A_495 = vector.extract_strided_slice %exp3A {offsets = [7], sizes = [1], strides = [1]} : vector<16xf32> to vector<1xf32>
        %squeeze3A_496 = vector.extract %slice3A_495[0] : f32 from vector<1xf32>
        %broadcast_in_dim3A_497 = vector.broadcast %squeeze3A_496 : f32 to vector<16xf32>
        %select_n3A_498 = arith.select %lt3A_429, %broadcast_in_dim3A_494, %broadcast_in_dim3A_497 : vector<16xi1>, vector<16xf32>
        %get3A_499 = arith.index_cast %scan3A_437 : i32 to index
        %get3A_500 = arith.constant 48 : index
        %get3A_501 = tpu.vector_load %arg14[%get3A_499, %get3A_500] {strides = array<i32>} : memref<128x80xf32, #tpu.memory_space<vmem>>, vector<16xf32>,
        %mul3A_502 = arith.mulf %select_n3A_498, %get3A_501 : vector<16xf32>
        %swap3A_503 = arith.index_cast %scan3A_437 : i32 to index
        %swap3A_504 = arith.constant 48 : index
        %swap3A_505 = tpu.vector_load %arg16[%swap3A_503, %swap3A_504] {strides = array<i32>} : memref<128x80xf32, #tpu.memory_space<vmem>>, vector<16xf32>,
        tpu.vector_store %arg16[%swap3A_503, %swap3A_504], %mul3A_502 {strides = array<i32>} : memref<128x80xf32, #tpu.memory_space<vmem>>, vector<16xf32>,
      }
      %scan3A_435 = arith.constant 128 : i32
      %run_scoped3A_436 = arith.constant 1 : i32
      "tpu.region"() ({
        %run_scoped3A_437 = tpu.sem_alloc : memref<!tpu.dma_semaphore, #tpu.memory_space<semaphore_mem>>
        %dma_start3A_438 = arith.constant 0 : i32
        %dma_start3A_439 = tpu.memref_slice %arg11[%run_scoped3A_436, %dma_start3A_438] : memref<2x128xi32, #tpu.memory_space<vmem>> -> memref<1x128xi32, #tpu.memory_space<vmem>>
        %dma_start3A_440 = tpu.memref_squeeze %dma_start3A_439 : memref<1x128xi32, #tpu.memory_space<vmem>> -> memref<128xi32, #tpu.memory_space<vmem>>
        %dma_start3A_441 = arith.constant 0 : i32
        %dma_start3A_442 = arith.constant 0 : i32
        %dma_start3A_443 = tpu.memref_slice %arg17[%dma_start3A_441, %dma_start3A_442] : memref<10240x80xf32, #tpu.memory_space<vmem_shared>> -> memref<10240x80xf32, #tpu.memory_space<vmem_shared>>
        tpu.enqueue_indirect_dma source(%arg16 : memref<128x80xf32, #tpu.memory_space<vmem>>) target(%dma_start3A_443 : memref<10240x80xf32, #tpu.memory_space<vmem_shared>>) offsets(%dma_start3A_440 : memref<128xi32, #tpu.memory_space<vmem>>) semaphore(%run_scoped3A_437 : memref<!tpu.dma_semaphore, #tpu.memory_space<semaphore_mem>>) {add = true}
        %dma_wait3A_444 = arith.constant 0 : i32
        %dma_wait3A_445 = tpu.memref_slice %arg11[%run_scoped3A_436, %dma_wait3A_444] : memref<2x128xi32, #tpu.memory_space<vmem>> -> memref<1x128xi32, #tpu.memory_space<vmem>>
        %dma_wait3A_446 = tpu.memref_squeeze %dma_wait3A_445 : memref<1x128xi32, #tpu.memory_space<vmem>> -> memref<128xi32, #tpu.memory_space<vmem>>
        %dma_wait3A_447 = arith.constant 0 : i32
        %dma_wait3A_448 = arith.constant 0 : i32
        %dma_wait3A_449 = tpu.memref_slice %arg17[%dma_wait3A_447, %dma_wait3A_448] : memref<10240x80xf32, #tpu.memory_space<vmem_shared>> -> memref<10240x80xf32, #tpu.memory_space<vmem_shared>>
        tpu.wait_indirect_dma semaphore(%run_scoped3A_437 : memref<!tpu.dma_semaphore, #tpu.memory_space<semaphore_mem>>) src(%arg16 : memref<128x80xf32, #tpu.memory_space<vmem>>) dst(%dma_wait3A_449 : memref<10240x80xf32, #tpu.memory_space<vmem_shared>>)
        tpu.yield
      }) : () -> ()
    }
    %scan3A_129 = arith.constant 42 : i32
    %dma_wait3A = arith.constant 0 : i32
    %dma_wait3A_130 = arith.constant 0 : i32
    %dma_wait3A_131 = tpu.memref_slice %arg10[%dma_wait3A, %dma_wait3A_130] : memref<2x128xi32, #tpu.memory_space<vmem>> -> memref<1x128xi32, #tpu.memory_space<vmem>>
    %dma_wait3A_132 = tpu.memref_squeeze %dma_wait3A_131 : memref<1x128xi32, #tpu.memory_space<vmem>> -> memref<128xi32, #tpu.memory_space<vmem>>
    %dma_wait3A_133 = arith.constant 0 : i32
    %dma_wait3A_134 = arith.constant 0 : i32
    %dma_wait3A_135 = tpu.memref_slice %arg2[%dma_wait3A_133, %dma_wait3A_134] : memref<10240x80xf32, #tpu.memory_space<hbm>> -> memref<10240x80xf32, #tpu.memory_space<hbm>>
    tpu.wait_indirect_dma semaphore(%arg18 : memref<!tpu.dma_semaphore, #tpu.memory_space<semaphore_mem>>) src(%dma_wait3A_135 : memref<10240x80xf32, #tpu.memory_space<hbm>>) dst(%arg12 : memref<128x80xf32, #tpu.memory_space<vmem>>)
    %dma_wait3A_136 = arith.constant 0 : i32
    %dma_wait3A_137 = arith.constant 0 : i32
    %dma_wait3A_138 = tpu.memref_slice %arg11[%dma_wait3A_136, %dma_wait3A_137] : memref<2x128xi32, #tpu.memory_space<vmem>> -> memref<1x128xi32, #tpu.memory_space<vmem>>
    %dma_wait3A_139 = tpu.memref_squeeze %dma_wait3A_138 : memref<1x128xi32, #tpu.memory_space<vmem>> -> memref<128xi32, #tpu.memory_space<vmem>>
    %dma_wait3A_140 = arith.constant 0 : i32
    %dma_wait3A_141 = arith.constant 0 : i32
    %dma_wait3A_142 = tpu.memref_slice %arg3[%dma_wait3A_140, %dma_wait3A_141] : memref<10240x16xf32, #tpu.memory_space<hbm>> -> memref<10240x16xf32, #tpu.memory_space<hbm>>
    tpu.wait_indirect_dma semaphore(%arg19 : memref<!tpu.dma_semaphore, #tpu.memory_space<semaphore_mem>>) src(%dma_wait3A_142 : memref<10240x16xf32, #tpu.memory_space<hbm>>) dst(%arg13 : memref<128x16xf32, #tpu.memory_space<vmem>>)
    %barrier3A_143 = arith.constant 0 : index
    tpu.barrier barrier_id(%barrier3A_143)
    %mul3A_144 = arith.constant 10240 : i32
    %mul3A_145 = arith.muli %arg0, %mul3A_144 : i32
    %add3A_146 = arith.addi %mul3A_145, %mul3A_2 : i32
    "tpu.region"() ({
      %run_scoped3A = tpu.sem_alloc : memref<!tpu.dma_semaphore, #tpu.memory_space<semaphore_mem>>
      %dma_start3A_147 = arith.constant 0 : i32
      %dma_start3A_148 = tpu.memref_slice %arg7[%add3A_146, %dma_start3A_147] : memref<20480x80xf32, #tpu.memory_space<hbm>> -> memref<640x80xf32, #tpu.memory_space<hbm>>
      %dma_start3A_149 = arith.constant 0 : i32
      %dma_start3A_150 = tpu.memref_slice %arg17[%mul3A_2, %dma_start3A_149] : memref<10240x80xf32, #tpu.memory_space<vmem_shared>> -> memref<640x80xf32, #tpu.memory_space<vmem_shared>>
      tpu.enqueue_dma source(%dma_start3A_150 : memref<640x80xf32, #tpu.memory_space<vmem_shared>>) target(%dma_start3A_148 : memref<640x80xf32, #tpu.memory_space<hbm>>) target_semaphore(%run_scoped3A : memref<!tpu.dma_semaphore, #tpu.memory_space<semaphore_mem>>)
      %dma_wait3A_151 = arith.constant 0 : i32
      %dma_wait3A_152 = tpu.memref_slice %arg7[%add3A_146, %dma_wait3A_151] : memref<20480x80xf32, #tpu.memory_space<hbm>> -> memref<640x80xf32, #tpu.memory_space<hbm>>
      %dma_wait3A_153 = arith.constant 0 : i32
      %dma_wait3A_154 = tpu.memref_slice %arg17[%mul3A_2, %dma_wait3A_153] : memref<10240x80xf32, #tpu.memory_space<vmem_shared>> -> memref<640x80xf32, #tpu.memory_space<vmem_shared>>
      tpu.wait_dma2 semaphore(%run_scoped3A : memref<!tpu.dma_semaphore, #tpu.memory_space<semaphore_mem>>) src(%dma_wait3A_154 : memref<640x80xf32, #tpu.memory_space<vmem_shared>>) dst(%dma_wait3A_152 : memref<640x80xf32, #tpu.memory_space<hbm>>)
      tpu.yield
    }) : () -> ()
    return
  }
}

#map = affine_map<(d0, d1) -> (0, 0)>
#map1 = affine_map<(d0, d1) -> (0, 0, 0)>
module attributes {stable_mosaic.version = 14 : i64} {
  func.func @_sc2b_body(%arg0: i32, %arg1: i32, %arg2: memref<10240x544xbf16, #tpu.memory_space<hbm>>, %arg3: memref<10240x32xf32, #tpu.memory_space<hbm>>, %arg4: memref<32x170x64xi16, #tpu.memory_space<hbm>>, %arg5: memref<32x170x64xi16, #tpu.memory_space<hbm>>, %arg6: memref<10240x64xf32, #tpu.memory_space<hbm>>, %arg7: memref<20480x64xf32, #tpu.memory_space<hbm>>, %arg8: memref<170x64xi16, #tpu.memory_space<vmem>>, %arg9: memref<170x64xi16, #tpu.memory_space<vmem>>, %arg10: memref<2x64xi32, #tpu.memory_space<vmem>>, %arg11: memref<2x64xi32, #tpu.memory_space<vmem>>, %arg12: memref<64x544xbf16, #tpu.memory_space<vmem>>, %arg13: memref<64x32xf32, #tpu.memory_space<vmem>>, %arg14: memref<64x544xbf16, #tpu.memory_space<vmem>>, %arg15: memref<64x32xf32, #tpu.memory_space<vmem>>, %arg16: memref<64x64xf32, #tpu.memory_space<vmem>>, %arg17: memref<10240x64xf32, #tpu.memory_space<vmem_shared>>, %arg18: memref<!tpu.dma_semaphore, #tpu.memory_space<semaphore_mem>>, %arg19: memref<!tpu.dma_semaphore, #tpu.memory_space<semaphore_mem>>, %arg20: memref<!tpu.dma_semaphore, #tpu.memory_space<semaphore_mem>>, %arg21: memref<!tpu.dma_semaphore, #tpu.memory_space<semaphore_mem>>) attributes {dimension_semantics = [#tpu.dimension_semantics<core_parallel>, #tpu.dimension_semantics<subcore_parallel>], iteration_bounds = array<i64: 2, 16>, scalar_prefetch = 0 : i64, scratch_operands = 14 : i64, tpu.core_type = #tpu.core_type<sc_vector_subcore>, window_params = [{transform_indices = #map}, {transform_indices = #map}, {transform_indices = #map1}, {transform_indices = #map1}, {transform_indices = #map}, {transform_indices = #map}]} {
    %mul3A = arith.constant 16 : i32
    %mul3A_0 = arith.muli %arg0, %mul3A : i32
    %add3A = arith.addi %mul3A_0, %arg1 : i32
    "tpu.region"() ({
      %run_scoped3A = tpu.sem_alloc : memref<!tpu.dma_semaphore, #tpu.memory_space<semaphore_mem>>
      %dma_start3A_91 = arith.constant 0 : i32
      %dma_start3A_92 = arith.constant 0 : i32
      %dma_start3A_93 = tpu.memref_slice %arg4[%add3A, %dma_start3A_91, %dma_start3A_92] : memref<32x170x64xi16, #tpu.memory_space<hbm>> -> memref<1x170x64xi16, #tpu.memory_space<hbm>>
      %dma_start3A_94 = tpu.memref_squeeze %dma_start3A_93 : memref<1x170x64xi16, #tpu.memory_space<hbm>> -> memref<170x64xi16, #tpu.memory_space<hbm>>
      %dma_start3A_95 = arith.constant 0 : i32
      %dma_start3A_96 = arith.constant 0 : i32
      %dma_start3A_97 = tpu.memref_slice %arg4[%add3A, %dma_start3A_95, %dma_start3A_96] : memref<32x170x64xi16, #tpu.memory_space<hbm>> -> memref<1x170x64xi16, #tpu.memory_space<hbm>>
      %dma_start3A_98 = tpu.memref_squeeze %dma_start3A_97 : memref<1x170x64xi16, #tpu.memory_space<hbm>> -> memref<170x64xi16, #tpu.memory_space<hbm>>
      tpu.enqueue_dma source(%dma_start3A_98 : memref<170x64xi16, #tpu.memory_space<hbm>>) target(%arg8 : memref<170x64xi16, #tpu.memory_space<vmem>>) target_semaphore(%run_scoped3A : memref<!tpu.dma_semaphore, #tpu.memory_space<semaphore_mem>>)
      %dma_wait3A_99 = arith.constant 0 : i32
      %dma_wait3A_100 = arith.constant 0 : i32
      %dma_wait3A_101 = tpu.memref_slice %arg4[%add3A, %dma_wait3A_99, %dma_wait3A_100] : memref<32x170x64xi16, #tpu.memory_space<hbm>> -> memref<1x170x64xi16, #tpu.memory_space<hbm>>
      %dma_wait3A_102 = tpu.memref_squeeze %dma_wait3A_101 : memref<1x170x64xi16, #tpu.memory_space<hbm>> -> memref<170x64xi16, #tpu.memory_space<hbm>>
      %dma_wait3A_103 = arith.constant 0 : i32
      %dma_wait3A_104 = arith.constant 0 : i32
      %dma_wait3A_105 = tpu.memref_slice %arg4[%add3A, %dma_wait3A_103, %dma_wait3A_104] : memref<32x170x64xi16, #tpu.memory_space<hbm>> -> memref<1x170x64xi16, #tpu.memory_space<hbm>>
      %dma_wait3A_106 = tpu.memref_squeeze %dma_wait3A_105 : memref<1x170x64xi16, #tpu.memory_space<hbm>> -> memref<170x64xi16, #tpu.memory_space<hbm>>
      tpu.wait_dma2 semaphore(%run_scoped3A : memref<!tpu.dma_semaphore, #tpu.memory_space<semaphore_mem>>) src(%dma_wait3A_106 : memref<170x64xi16, #tpu.memory_space<hbm>>) dst(%arg8 : memref<170x64xi16, #tpu.memory_space<vmem>>)
      tpu.yield
    }) : () -> ()
    "tpu.region"() ({
      %run_scoped3A = tpu.sem_alloc : memref<!tpu.dma_semaphore, #tpu.memory_space<semaphore_mem>>
      %dma_start3A_91 = arith.constant 0 : i32
      %dma_start3A_92 = arith.constant 0 : i32
      %dma_start3A_93 = tpu.memref_slice %arg5[%add3A, %dma_start3A_91, %dma_start3A_92] : memref<32x170x64xi16, #tpu.memory_space<hbm>> -> memref<1x170x64xi16, #tpu.memory_space<hbm>>
      %dma_start3A_94 = tpu.memref_squeeze %dma_start3A_93 : memref<1x170x64xi16, #tpu.memory_space<hbm>> -> memref<170x64xi16, #tpu.memory_space<hbm>>
      %dma_start3A_95 = arith.constant 0 : i32
      %dma_start3A_96 = arith.constant 0 : i32
      %dma_start3A_97 = tpu.memref_slice %arg5[%add3A, %dma_start3A_95, %dma_start3A_96] : memref<32x170x64xi16, #tpu.memory_space<hbm>> -> memref<1x170x64xi16, #tpu.memory_space<hbm>>
      %dma_start3A_98 = tpu.memref_squeeze %dma_start3A_97 : memref<1x170x64xi16, #tpu.memory_space<hbm>> -> memref<170x64xi16, #tpu.memory_space<hbm>>
      tpu.enqueue_dma source(%dma_start3A_98 : memref<170x64xi16, #tpu.memory_space<hbm>>) target(%arg9 : memref<170x64xi16, #tpu.memory_space<vmem>>) target_semaphore(%run_scoped3A : memref<!tpu.dma_semaphore, #tpu.memory_space<semaphore_mem>>)
      %dma_wait3A_99 = arith.constant 0 : i32
      %dma_wait3A_100 = arith.constant 0 : i32
      %dma_wait3A_101 = tpu.memref_slice %arg5[%add3A, %dma_wait3A_99, %dma_wait3A_100] : memref<32x170x64xi16, #tpu.memory_space<hbm>> -> memref<1x170x64xi16, #tpu.memory_space<hbm>>
      %dma_wait3A_102 = tpu.memref_squeeze %dma_wait3A_101 : memref<1x170x64xi16, #tpu.memory_space<hbm>> -> memref<170x64xi16, #tpu.memory_space<hbm>>
      %dma_wait3A_103 = arith.constant 0 : i32
      %dma_wait3A_104 = arith.constant 0 : i32
      %dma_wait3A_105 = tpu.memref_slice %arg5[%add3A, %dma_wait3A_103, %dma_wait3A_104] : memref<32x170x64xi16, #tpu.memory_space<hbm>> -> memref<1x170x64xi16, #tpu.memory_space<hbm>>
      %dma_wait3A_106 = tpu.memref_squeeze %dma_wait3A_105 : memref<1x170x64xi16, #tpu.memory_space<hbm>> -> memref<170x64xi16, #tpu.memory_space<hbm>>
      tpu.wait_dma2 semaphore(%run_scoped3A : memref<!tpu.dma_semaphore, #tpu.memory_space<semaphore_mem>>) src(%dma_wait3A_106 : memref<170x64xi16, #tpu.memory_space<hbm>>) dst(%arg9 : memref<170x64xi16, #tpu.memory_space<vmem>>)
      tpu.yield
    }) : () -> ()
    %mul3A_1 = arith.constant 640 : i32
    %mul3A_2 = arith.muli %arg1, %mul3A_1 : i32
    "tpu.region"() ({
      %run_scoped3A = tpu.sem_alloc : memref<!tpu.dma_semaphore, #tpu.memory_space<semaphore_mem>>
      %dma_start3A_91 = arith.constant 0 : i32
      %dma_start3A_92 = tpu.memref_slice %arg17[%mul3A_2, %dma_start3A_91] : memref<10240x64xf32, #tpu.memory_space<vmem_shared>> -> memref<640x64xf32, #tpu.memory_space<vmem_shared>>
      %dma_start3A_93 = arith.constant 0 : i32
      %dma_start3A_94 = tpu.memref_slice %arg6[%mul3A_2, %dma_start3A_93] : memref<10240x64xf32, #tpu.memory_space<hbm>> -> memref<640x64xf32, #tpu.memory_space<hbm>>
      tpu.enqueue_dma source(%dma_start3A_94 : memref<640x64xf32, #tpu.memory_space<hbm>>) target(%dma_start3A_92 : memref<640x64xf32, #tpu.memory_space<vmem_shared>>) target_semaphore(%run_scoped3A : memref<!tpu.dma_semaphore, #tpu.memory_space<semaphore_mem>>)
      %dma_wait3A_95 = arith.constant 0 : i32
      %dma_wait3A_96 = tpu.memref_slice %arg17[%mul3A_2, %dma_wait3A_95] : memref<10240x64xf32, #tpu.memory_space<vmem_shared>> -> memref<640x64xf32, #tpu.memory_space<vmem_shared>>
      %dma_wait3A_97 = arith.constant 0 : i32
      %dma_wait3A_98 = tpu.memref_slice %arg6[%mul3A_2, %dma_wait3A_97] : memref<10240x64xf32, #tpu.memory_space<hbm>> -> memref<640x64xf32, #tpu.memory_space<hbm>>
      tpu.wait_dma2 semaphore(%run_scoped3A : memref<!tpu.dma_semaphore, #tpu.memory_space<semaphore_mem>>) src(%dma_wait3A_98 : memref<640x64xf32, #tpu.memory_space<hbm>>) dst(%dma_wait3A_96 : memref<640x64xf32, #tpu.memory_space<vmem_shared>>)
      tpu.yield
    }) : () -> ()
    %barrier3A = arith.constant 0 : index
    tpu.barrier barrier_id(%barrier3A)
    %get3A = arith.constant 0 : i32
    %get3A_3 = arith.index_cast %get3A : i32 to index
    %get3A_4 = arith.constant 0 : index
    %get3A_5 = tpu.vector_load %arg8[%get3A_3, %get3A_4] {strides = array<i32>} : memref<170x64xi16, #tpu.memory_space<vmem>>, vector<32xi16>,
    %unpack3A = tpu.unpack_subelements %get3A_5, 0 {pack_format = #tpu.pack_format<interleaved>} : vector<32xi16> -> vector<16xi32>
    %unpack3A_6 = tpu.unpack_subelements %get3A_5, 1 {pack_format = #tpu.pack_format<interleaved>} : vector<32xi16> -> vector<16xi32>
    %swap3A = arith.constant 0 : i32
    %swap3A_7 = arith.index_cast %swap3A : i32 to index
    %swap3A_8 = arith.constant 0 : index
    %swap3A_9 = tpu.vector_load %arg10[%swap3A_7, %swap3A_8] {strides = array<i32>} : memref<2x64xi32, #tpu.memory_space<vmem>>, vector<16xi32>,
    tpu.vector_store %arg10[%swap3A_7, %swap3A_8], %unpack3A {strides = array<i32>} : memref<2x64xi32, #tpu.memory_space<vmem>>, vector<16xi32>,
    %swap3A_10 = arith.constant 0 : i32
    %swap3A_11 = arith.index_cast %swap3A_10 : i32 to index
    %swap3A_12 = arith.constant 16 : index
    %swap3A_13 = tpu.vector_load %arg10[%swap3A_11, %swap3A_12] {strides = array<i32>} : memref<2x64xi32, #tpu.memory_space<vmem>>, vector<16xi32>,
    tpu.vector_store %arg10[%swap3A_11, %swap3A_12], %unpack3A_6 {strides = array<i32>} : memref<2x64xi32, #tpu.memory_space<vmem>>, vector<16xi32>,
    %get3A_14 = arith.constant 0 : i32
    %get3A_15 = arith.index_cast %get3A_14 : i32 to index
    %get3A_16 = arith.constant 32 : index
    %get3A_17 = tpu.vector_load %arg8[%get3A_15, %get3A_16] {strides = array<i32>} : memref<170x64xi16, #tpu.memory_space<vmem>>, vector<32xi16>,
    %unpack3A_18 = tpu.unpack_subelements %get3A_17, 0 {pack_format = #tpu.pack_format<interleaved>} : vector<32xi16> -> vector<16xi32>
    %unpack3A_19 = tpu.unpack_subelements %get3A_17, 1 {pack_format = #tpu.pack_format<interleaved>} : vector<32xi16> -> vector<16xi32>
    %swap3A_20 = arith.constant 0 : i32
    %swap3A_21 = arith.index_cast %swap3A_20 : i32 to index
    %swap3A_22 = arith.constant 32 : index
    %swap3A_23 = tpu.vector_load %arg10[%swap3A_21, %swap3A_22] {strides = array<i32>} : memref<2x64xi32, #tpu.memory_space<vmem>>, vector<16xi32>,
    tpu.vector_store %arg10[%swap3A_21, %swap3A_22], %unpack3A_18 {strides = array<i32>} : memref<2x64xi32, #tpu.memory_space<vmem>>, vector<16xi32>,
    %swap3A_24 = arith.constant 0 : i32
    %swap3A_25 = arith.index_cast %swap3A_24 : i32 to index
    %swap3A_26 = arith.constant 48 : index
    %swap3A_27 = tpu.vector_load %arg10[%swap3A_25, %swap3A_26] {strides = array<i32>} : memref<2x64xi32, #tpu.memory_space<vmem>>, vector<16xi32>,
    tpu.vector_store %arg10[%swap3A_25, %swap3A_26], %unpack3A_19 {strides = array<i32>} : memref<2x64xi32, #tpu.memory_space<vmem>>, vector<16xi32>,
    %get3A_28 = arith.constant 0 : i32
    %get3A_29 = arith.index_cast %get3A_28 : i32 to index
    %get3A_30 = arith.constant 0 : index
    %get3A_31 = tpu.vector_load %arg9[%get3A_29, %get3A_30] {strides = array<i32>} : memref<170x64xi16, #tpu.memory_space<vmem>>, vector<32xi16>,
    %unpack3A_32 = tpu.unpack_subelements %get3A_31, 0 {pack_format = #tpu.pack_format<interleaved>} : vector<32xi16> -> vector<16xi32>
    %unpack3A_33 = tpu.unpack_subelements %get3A_31, 1 {pack_format = #tpu.pack_format<interleaved>} : vector<32xi16> -> vector<16xi32>
    %swap3A_34 = arith.constant 0 : i32
    %swap3A_35 = arith.index_cast %swap3A_34 : i32 to index
    %swap3A_36 = arith.constant 0 : index
    %swap3A_37 = tpu.vector_load %arg11[%swap3A_35, %swap3A_36] {strides = array<i32>} : memref<2x64xi32, #tpu.memory_space<vmem>>, vector<16xi32>,
    tpu.vector_store %arg11[%swap3A_35, %swap3A_36], %unpack3A_32 {strides = array<i32>} : memref<2x64xi32, #tpu.memory_space<vmem>>, vector<16xi32>,
    %swap3A_38 = arith.constant 0 : i32
    %swap3A_39 = arith.index_cast %swap3A_38 : i32 to index
    %swap3A_40 = arith.constant 16 : index
    %swap3A_41 = tpu.vector_load %arg11[%swap3A_39, %swap3A_40] {strides = array<i32>} : memref<2x64xi32, #tpu.memory_space<vmem>>, vector<16xi32>,
    tpu.vector_store %arg11[%swap3A_39, %swap3A_40], %unpack3A_33 {strides = array<i32>} : memref<2x64xi32, #tpu.memory_space<vmem>>, vector<16xi32>,
    %get3A_42 = arith.constant 0 : i32
    %get3A_43 = arith.index_cast %get3A_42 : i32 to index
    %get3A_44 = arith.constant 32 : index
    %get3A_45 = tpu.vector_load %arg9[%get3A_43, %get3A_44] {strides = array<i32>} : memref<170x64xi16, #tpu.memory_space<vmem>>, vector<32xi16>,
    %unpack3A_46 = tpu.unpack_subelements %get3A_45, 0 {pack_format = #tpu.pack_format<interleaved>} : vector<32xi16> -> vector<16xi32>
    %unpack3A_47 = tpu.unpack_subelements %get3A_45, 1 {pack_format = #tpu.pack_format<interleaved>} : vector<32xi16> -> vector<16xi32>
    %swap3A_48 = arith.constant 0 : i32
    %swap3A_49 = arith.index_cast %swap3A_48 : i32 to index
    %swap3A_50 = arith.constant 32 : index
    %swap3A_51 = tpu.vector_load %arg11[%swap3A_49, %swap3A_50] {strides = array<i32>} : memref<2x64xi32, #tpu.memory_space<vmem>>, vector<16xi32>,
    tpu.vector_store %arg11[%swap3A_49, %swap3A_50], %unpack3A_46 {strides = array<i32>} : memref<2x64xi32, #tpu.memory_space<vmem>>, vector<16xi32>,
    %swap3A_52 = arith.constant 0 : i32
    %swap3A_53 = arith.index_cast %swap3A_52 : i32 to index
    %swap3A_54 = arith.constant 48 : index
    %swap3A_55 = tpu.vector_load %arg11[%swap3A_53, %swap3A_54] {strides = array<i32>} : memref<2x64xi32, #tpu.memory_space<vmem>>, vector<16xi32>,
    tpu.vector_store %arg11[%swap3A_53, %swap3A_54], %unpack3A_47 {strides = array<i32>} : memref<2x64xi32, #tpu.memory_space<vmem>>, vector<16xi32>,
    %dma_start3A = arith.constant 0 : i32
    %dma_start3A_56 = arith.constant 0 : i32
    %dma_start3A_57 = tpu.memref_slice %arg10[%dma_start3A, %dma_start3A_56] : memref<2x64xi32, #tpu.memory_space<vmem>> -> memref<1x64xi32, #tpu.memory_space<vmem>>
    %dma_start3A_58 = tpu.memref_squeeze %dma_start3A_57 : memref<1x64xi32, #tpu.memory_space<vmem>> -> memref<64xi32, #tpu.memory_space<vmem>>
    %dma_start3A_59 = arith.constant 0 : i32
    %dma_start3A_60 = arith.constant 0 : i32
    %dma_start3A_61 = tpu.memref_slice %arg2[%dma_start3A_59, %dma_start3A_60] : memref<10240x544xbf16, #tpu.memory_space<hbm>> -> memref<10240x544xbf16, #tpu.memory_space<hbm>>
    tpu.enqueue_indirect_dma source(%dma_start3A_61 : memref<10240x544xbf16, #tpu.memory_space<hbm>>) target(%arg12 : memref<64x544xbf16, #tpu.memory_space<vmem>>) offsets(%dma_start3A_58 : memref<64xi32, #tpu.memory_space<vmem>>) semaphore(%arg18 : memref<!tpu.dma_semaphore, #tpu.memory_space<semaphore_mem>>)
    %dma_start3A_62 = arith.constant 0 : i32
    %dma_start3A_63 = arith.constant 0 : i32
    %dma_start3A_64 = tpu.memref_slice %arg11[%dma_start3A_62, %dma_start3A_63] : memref<2x64xi32, #tpu.memory_space<vmem>> -> memref<1x64xi32, #tpu.memory_space<vmem>>
    %dma_start3A_65 = tpu.memref_squeeze %dma_start3A_64 : memref<1x64xi32, #tpu.memory_space<vmem>> -> memref<64xi32, #tpu.memory_space<vmem>>
    %dma_start3A_66 = arith.constant 0 : i32
    %dma_start3A_67 = arith.constant 0 : i32
    %dma_start3A_68 = tpu.memref_slice %arg3[%dma_start3A_66, %dma_start3A_67] : memref<10240x32xf32, #tpu.memory_space<hbm>> -> memref<10240x32xf32, #tpu.memory_space<hbm>>
    tpu.enqueue_indirect_dma source(%dma_start3A_68 : memref<10240x32xf32, #tpu.memory_space<hbm>>) target(%arg13 : memref<64x32xf32, #tpu.memory_space<vmem>>) offsets(%dma_start3A_65 : memref<64xi32, #tpu.memory_space<vmem>>) semaphore(%arg19 : memref<!tpu.dma_semaphore, #tpu.memory_space<semaphore_mem>>)
    %scan3A = arith.constant 0 : i32
    %scan3A_69 = arith.constant 0 : i32
    %scan3A_70 = arith.constant 84 : i32
    %scan3A_71 = arith.addi %scan3A_69, %scan3A_70 : i32
    %scan3A_72 = arith.constant 1 : i32
    scf.for %scan3A_91 = %scan3A_69 to %scan3A_71 step %scan3A_72  : i32 {
      %mul3A_92 = arith.constant 2 : i32
      %mul3A_93 = arith.muli %mul3A_92, %scan3A_91 : i32
      %add3A_94 = arith.constant 1 : i32
      %add3A_95 = arith.addi %mul3A_93, %add3A_94 : i32
      %get3A_96 = arith.index_cast %add3A_95 : i32 to index
      %get3A_97 = arith.constant 0 : index
      %get3A_98 = tpu.vector_load %arg8[%get3A_96, %get3A_97] {strides = array<i32>} : memref<170x64xi16, #tpu.memory_space<vmem>>, vector<32xi16>,
      %unpack3A_99 = tpu.unpack_subelements %get3A_98, 0 {pack_format = #tpu.pack_format<interleaved>} : vector<32xi16> -> vector<16xi32>
      %unpack3A_100 = tpu.unpack_subelements %get3A_98, 1 {pack_format = #tpu.pack_format<interleaved>} : vector<32xi16> -> vector<16xi32>
      %swap3A_101 = arith.constant 1 : i32
      %swap3A_102 = arith.index_cast %swap3A_101 : i32 to index
      %swap3A_103 = arith.constant 0 : index
      %swap3A_104 = tpu.vector_load %arg10[%swap3A_102, %swap3A_103] {strides = array<i32>} : memref<2x64xi32, #tpu.memory_space<vmem>>, vector<16xi32>,
      tpu.vector_store %arg10[%swap3A_102, %swap3A_103], %unpack3A_99 {strides = array<i32>} : memref<2x64xi32, #tpu.memory_space<vmem>>, vector<16xi32>,
      %swap3A_105 = arith.constant 1 : i32
      %swap3A_106 = arith.index_cast %swap3A_105 : i32 to index
      %swap3A_107 = arith.constant 16 : index
      %swap3A_108 = tpu.vector_load %arg10[%swap3A_106, %swap3A_107] {strides = array<i32>} : memref<2x64xi32, #tpu.memory_space<vmem>>, vector<16xi32>,
      tpu.vector_store %arg10[%swap3A_106, %swap3A_107], %unpack3A_100 {strides = array<i32>} : memref<2x64xi32, #tpu.memory_space<vmem>>, vector<16xi32>,
      %get3A_109 = arith.index_cast %add3A_95 : i32 to index
      %get3A_110 = arith.constant 32 : index
      %get3A_111 = tpu.vector_load %arg8[%get3A_109, %get3A_110] {strides = array<i32>} : memref<170x64xi16, #tpu.memory_space<vmem>>, vector<32xi16>,
      %unpack3A_112 = tpu.unpack_subelements %get3A_111, 0 {pack_format = #tpu.pack_format<interleaved>} : vector<32xi16> -> vector<16xi32>
      %unpack3A_113 = tpu.unpack_subelements %get3A_111, 1 {pack_format = #tpu.pack_format<interleaved>} : vector<32xi16> -> vector<16xi32>
      %swap3A_114 = arith.constant 1 : i32
      %swap3A_115 = arith.index_cast %swap3A_114 : i32 to index
      %swap3A_116 = arith.constant 32 : index
      %swap3A_117 = tpu.vector_load %arg10[%swap3A_115, %swap3A_116] {strides = array<i32>} : memref<2x64xi32, #tpu.memory_space<vmem>>, vector<16xi32>,
      tpu.vector_store %arg10[%swap3A_115, %swap3A_116], %unpack3A_112 {strides = array<i32>} : memref<2x64xi32, #tpu.memory_space<vmem>>, vector<16xi32>,
      %swap3A_118 = arith.constant 1 : i32
      %swap3A_119 = arith.index_cast %swap3A_118 : i32 to index
      %swap3A_120 = arith.constant 48 : index
      %swap3A_121 = tpu.vector_load %arg10[%swap3A_119, %swap3A_120] {strides = array<i32>} : memref<2x64xi32, #tpu.memory_space<vmem>>, vector<16xi32>,
      tpu.vector_store %arg10[%swap3A_119, %swap3A_120], %unpack3A_113 {strides = array<i32>} : memref<2x64xi32, #tpu.memory_space<vmem>>, vector<16xi32>,
      %get3A_122 = arith.index_cast %add3A_95 : i32 to index
      %get3A_123 = arith.constant 0 : index
      %get3A_124 = tpu.vector_load %arg9[%get3A_122, %get3A_123] {strides = array<i32>} : memref<170x64xi16, #tpu.memory_space<vmem>>, vector<32xi16>,
      %unpack3A_125 = tpu.unpack_subelements %get3A_124, 0 {pack_format = #tpu.pack_format<interleaved>} : vector<32xi16> -> vector<16xi32>
      %unpack3A_126 = tpu.unpack_subelements %get3A_124, 1 {pack_format = #tpu.pack_format<interleaved>} : vector<32xi16> -> vector<16xi32>
      %swap3A_127 = arith.constant 1 : i32
      %swap3A_128 = arith.index_cast %swap3A_127 : i32 to index
      %swap3A_129 = arith.constant 0 : index
      %swap3A_130 = tpu.vector_load %arg11[%swap3A_128, %swap3A_129] {strides = array<i32>} : memref<2x64xi32, #tpu.memory_space<vmem>>, vector<16xi32>,
      tpu.vector_store %arg11[%swap3A_128, %swap3A_129], %unpack3A_125 {strides = array<i32>} : memref<2x64xi32, #tpu.memory_space<vmem>>, vector<16xi32>,
      %swap3A_131 = arith.constant 1 : i32
      %swap3A_132 = arith.index_cast %swap3A_131 : i32 to index
      %swap3A_133 = arith.constant 16 : index
      %swap3A_134 = tpu.vector_load %arg11[%swap3A_132, %swap3A_133] {strides = array<i32>} : memref<2x64xi32, #tpu.memory_space<vmem>>, vector<16xi32>,
      tpu.vector_store %arg11[%swap3A_132, %swap3A_133], %unpack3A_126 {strides = array<i32>} : memref<2x64xi32, #tpu.memory_space<vmem>>, vector<16xi32>,
      %get3A_135 = arith.index_cast %add3A_95 : i32 to index
      %get3A_136 = arith.constant 32 : index
      %get3A_137 = tpu.vector_load %arg9[%get3A_135, %get3A_136] {strides = array<i32>} : memref<170x64xi16, #tpu.memory_space<vmem>>, vector<32xi16>,
      %unpack3A_138 = tpu.unpack_subelements %get3A_137, 0 {pack_format = #tpu.pack_format<interleaved>} : vector<32xi16> -> vector<16xi32>
      %unpack3A_139 = tpu.unpack_subelements %get3A_137, 1 {pack_format = #tpu.pack_format<interleaved>} : vector<32xi16> -> vector<16xi32>
      %swap3A_140 = arith.constant 1 : i32
      %swap3A_141 = arith.index_cast %swap3A_140 : i32 to index
      %swap3A_142 = arith.constant 32 : index
      %swap3A_143 = tpu.vector_load %arg11[%swap3A_141, %swap3A_142] {strides = array<i32>} : memref<2x64xi32, #tpu.memory_space<vmem>>, vector<16xi32>,
      tpu.vector_store %arg11[%swap3A_141, %swap3A_142], %unpack3A_138 {strides = array<i32>} : memref<2x64xi32, #tpu.memory_space<vmem>>, vector<16xi32>,
      %swap3A_144 = arith.constant 1 : i32
      %swap3A_145 = arith.index_cast %swap3A_144 : i32 to index
      %swap3A_146 = arith.constant 48 : index
      %swap3A_147 = tpu.vector_load %arg11[%swap3A_145, %swap3A_146] {strides = array<i32>} : memref<2x64xi32, #tpu.memory_space<vmem>>, vector<16xi32>,
      tpu.vector_store %arg11[%swap3A_145, %swap3A_146], %unpack3A_139 {strides = array<i32>} : memref<2x64xi32, #tpu.memory_space<vmem>>, vector<16xi32>,
      %dma_start3A_148 = arith.constant 1 : i32
      %dma_start3A_149 = arith.constant 0 : i32
      %dma_start3A_150 = tpu.memref_slice %arg10[%dma_start3A_148, %dma_start3A_149] : memref<2x64xi32, #tpu.memory_space<vmem>> -> memref<1x64xi32, #tpu.memory_space<vmem>>
      %dma_start3A_151 = tpu.memref_squeeze %dma_start3A_150 : memref<1x64xi32, #tpu.memory_space<vmem>> -> memref<64xi32, #tpu.memory_space<vmem>>
      %dma_start3A_152 = arith.constant 0 : i32
      %dma_start3A_153 = arith.constant 0 : i32
      %dma_start3A_154 = tpu.memref_slice %arg2[%dma_start3A_152, %dma_start3A_153] : memref<10240x544xbf16, #tpu.memory_space<hbm>> -> memref<10240x544xbf16, #tpu.memory_space<hbm>>
      tpu.enqueue_indirect_dma source(%dma_start3A_154 : memref<10240x544xbf16, #tpu.memory_space<hbm>>) target(%arg14 : memref<64x544xbf16, #tpu.memory_space<vmem>>) offsets(%dma_start3A_151 : memref<64xi32, #tpu.memory_space<vmem>>) semaphore(%arg20 : memref<!tpu.dma_semaphore, #tpu.memory_space<semaphore_mem>>)
      %dma_start3A_155 = arith.constant 1 : i32
      %dma_start3A_156 = arith.constant 0 : i32
      %dma_start3A_157 = tpu.memref_slice %arg11[%dma_start3A_155, %dma_start3A_156] : memref<2x64xi32, #tpu.memory_space<vmem>> -> memref<1x64xi32, #tpu.memory_space<vmem>>
      %dma_start3A_158 = tpu.memref_squeeze %dma_start3A_157 : memref<1x64xi32, #tpu.memory_space<vmem>> -> memref<64xi32, #tpu.memory_space<vmem>>
      %dma_start3A_159 = arith.constant 0 : i32
      %dma_start3A_160 = arith.constant 0 : i32
      %dma_start3A_161 = tpu.memref_slice %arg3[%dma_start3A_159, %dma_start3A_160] : memref<10240x32xf32, #tpu.memory_space<hbm>> -> memref<10240x32xf32, #tpu.memory_space<hbm>>
      tpu.enqueue_indirect_dma source(%dma_start3A_161 : memref<10240x32xf32, #tpu.memory_space<hbm>>) target(%arg15 : memref<64x32xf32, #tpu.memory_space<vmem>>) offsets(%dma_start3A_158 : memref<64xi32, #tpu.memory_space<vmem>>) semaphore(%arg21 : memref<!tpu.dma_semaphore, #tpu.memory_space<semaphore_mem>>)
      %dma_wait3A_162 = arith.constant 0 : i32
      %dma_wait3A_163 = arith.constant 0 : i32
      %dma_wait3A_164 = tpu.memref_slice %arg10[%dma_wait3A_162, %dma_wait3A_163] : memref<2x64xi32, #tpu.memory_space<vmem>> -> memref<1x64xi32, #tpu.memory_space<vmem>>
      %dma_wait3A_165 = tpu.memref_squeeze %dma_wait3A_164 : memref<1x64xi32, #tpu.memory_space<vmem>> -> memref<64xi32, #tpu.memory_space<vmem>>
      %dma_wait3A_166 = arith.constant 0 : i32
      %dma_wait3A_167 = arith.constant 0 : i32
      %dma_wait3A_168 = tpu.memref_slice %arg2[%dma_wait3A_166, %dma_wait3A_167] : memref<10240x544xbf16, #tpu.memory_space<hbm>> -> memref<10240x544xbf16, #tpu.memory_space<hbm>>
      tpu.wait_indirect_dma semaphore(%arg18 : memref<!tpu.dma_semaphore, #tpu.memory_space<semaphore_mem>>) src(%dma_wait3A_168 : memref<10240x544xbf16, #tpu.memory_space<hbm>>) dst(%arg12 : memref<64x544xbf16, #tpu.memory_space<vmem>>)
      %dma_wait3A_169 = arith.constant 0 : i32
      %dma_wait3A_170 = arith.constant 0 : i32
      %dma_wait3A_171 = tpu.memref_slice %arg11[%dma_wait3A_169, %dma_wait3A_170] : memref<2x64xi32, #tpu.memory_space<vmem>> -> memref<1x64xi32, #tpu.memory_space<vmem>>
      %dma_wait3A_172 = tpu.memref_squeeze %dma_wait3A_171 : memref<1x64xi32, #tpu.memory_space<vmem>> -> memref<64xi32, #tpu.memory_space<vmem>>
      %dma_wait3A_173 = arith.constant 0 : i32
      %dma_wait3A_174 = arith.constant 0 : i32
      %dma_wait3A_175 = tpu.memref_slice %arg3[%dma_wait3A_173, %dma_wait3A_174] : memref<10240x32xf32, #tpu.memory_space<hbm>> -> memref<10240x32xf32, #tpu.memory_space<hbm>>
      tpu.wait_indirect_dma semaphore(%arg19 : memref<!tpu.dma_semaphore, #tpu.memory_space<semaphore_mem>>) src(%dma_wait3A_175 : memref<10240x32xf32, #tpu.memory_space<hbm>>) dst(%arg13 : memref<64x32xf32, #tpu.memory_space<vmem>>)
      %scan3A_176 = arith.constant 0 : i32
      %scan3A_177 = arith.constant 0 : i32
      %scan3A_178 = arith.constant 64 : i32
      %scan3A_179 = arith.addi %scan3A_177, %scan3A_178 : i32
      %scan3A_180 = arith.constant 1 : i32
      scf.for %scan3A_271 = %scan3A_177 to %scan3A_179 step %scan3A_180  : i32 {
        %get3A_272 = arith.index_cast %scan3A_271 : i32 to index
        %get3A_273 = arith.constant 512 : index
        %get3A_274 = tpu.vector_load %arg12[%get3A_272, %get3A_273] {strides = array<i32>} : memref<64x544xbf16, #tpu.memory_space<vmem>>, vector<32xbf16>,
        %unpack3A_275 = tpu.unpack_subelements %get3A_274, 0 {pack_format = #tpu.pack_format<interleaved>} : vector<32xbf16> -> vector<16xf32>
        %unpack3A_276 = tpu.unpack_subelements %get3A_274, 1 {pack_format = #tpu.pack_format<interleaved>} : vector<32xbf16> -> vector<16xf32>
        %get3A_277 = arith.index_cast %scan3A_271 : i32 to index
        %get3A_278 = arith.constant 0 : index
        %get3A_279 = tpu.vector_load %arg13[%get3A_277, %get3A_278] {strides = array<i32>} : memref<64x32xf32, #tpu.memory_space<vmem>>, vector<16xf32>,
        %add3A_280 = arith.addf %unpack3A_275, %get3A_279 : vector<16xf32>
        %gt3A = arith.constant 0.000000e+00 : f32
        %gt3A_281 = vector.broadcast %gt3A : f32 to vector<16xf32>
        %gt3A_282 = arith.cmpf ogt, %add3A_280, %gt3A_281 : vector<16xf32>
        %mul3A_283 = arith.constant 2.000000e-01 : f32
        %mul3A_284 = vector.broadcast %mul3A_283 : f32 to vector<16xf32>
        %mul3A_285 = arith.mulf %mul3A_284, %add3A_280 : vector<16xf32>
        %select_n3A = arith.select %gt3A_282, %add3A_280, %mul3A_285 : vector<16xi1>, vector<16xf32>
        %exp3A = math.exp %select_n3A : vector<16xf32>
        %get3A_286 = arith.index_cast %scan3A_271 : i32 to index
        %get3A_287 = arith.constant 16 : index
        %get3A_288 = tpu.vector_load %arg13[%get3A_286, %get3A_287] {strides = array<i32>} : memref<64x32xf32, #tpu.memory_space<vmem>>, vector<16xf32>,
        %mul3A_289 = arith.mulf %exp3A, %get3A_288 : vector<16xf32>
        %broadcast_in_dim3A = arith.constant 0.000000e+00 : f32
        %broadcast_in_dim3A_290 = vector.broadcast %broadcast_in_dim3A : f32 to vector<16xf32>
        %broadcast_in_dim3A_291 = arith.constant 0.000000e+00 : f32
        %broadcast_in_dim3A_292 = vector.broadcast %broadcast_in_dim3A_291 : f32 to vector<16xf32>
        %broadcast_in_dim3A_293 = arith.constant 0.000000e+00 : f32
        %broadcast_in_dim3A_294 = vector.broadcast %broadcast_in_dim3A_293 : f32 to vector<16xf32>
        %broadcast_in_dim3A_295 = arith.constant 0.000000e+00 : f32
        %broadcast_in_dim3A_296 = vector.broadcast %broadcast_in_dim3A_295 : f32 to vector<16xf32>
        %slice3A = vector.extract_strided_slice %mul3A_289 {offsets = [0], sizes = [1], strides = [1]} : vector<16xf32> to vector<1xf32>
        %squeeze3A = vector.extract %slice3A[0] : f32 from vector<1xf32>
        %broadcast_in_dim3A_297 = vector.broadcast %squeeze3A : f32 to vector<16xf32>
        %get3A_298 = arith.index_cast %scan3A_271 : i32 to index
        %get3A_299 = arith.constant 0 : index
        %get3A_300 = tpu.vector_load %arg12[%get3A_298, %get3A_299] {strides = array<i32>} : memref<64x544xbf16, #tpu.memory_space<vmem>>, vector<32xbf16>,
        %unpack3A_301 = tpu.unpack_subelements %get3A_300, 0 {pack_format = #tpu.pack_format<interleaved>} : vector<32xbf16> -> vector<16xf32>
        %unpack3A_302 = tpu.unpack_subelements %get3A_300, 1 {pack_format = #tpu.pack_format<interleaved>} : vector<32xbf16> -> vector<16xf32>
        %get3A_303 = arith.index_cast %scan3A_271 : i32 to index
        %get3A_304 = arith.constant 32 : index
        %get3A_305 = tpu.vector_load %arg12[%get3A_303, %get3A_304] {strides = array<i32>} : memref<64x544xbf16, #tpu.memory_space<vmem>>, vector<32xbf16>,
        %unpack3A_306 = tpu.unpack_subelements %get3A_305, 0 {pack_format = #tpu.pack_format<interleaved>} : vector<32xbf16> -> vector<16xf32>
        %unpack3A_307 = tpu.unpack_subelements %get3A_305, 1 {pack_format = #tpu.pack_format<interleaved>} : vector<32xbf16> -> vector<16xf32>
        %mul3A_308 = arith.mulf %broadcast_in_dim3A_297, %unpack3A_301 : vector<16xf32>
        %add3A_309 = arith.addf %broadcast_in_dim3A_290, %mul3A_308 : vector<16xf32>
        %mul3A_310 = arith.mulf %broadcast_in_dim3A_297, %unpack3A_302 : vector<16xf32>
        %add3A_311 = arith.addf %broadcast_in_dim3A_292, %mul3A_310 : vector<16xf32>
        %mul3A_312 = arith.mulf %broadcast_in_dim3A_297, %unpack3A_306 : vector<16xf32>
        %add3A_313 = arith.addf %broadcast_in_dim3A_294, %mul3A_312 : vector<16xf32>
        %mul3A_314 = arith.mulf %broadcast_in_dim3A_297, %unpack3A_307 : vector<16xf32>
        %add3A_315 = arith.addf %broadcast_in_dim3A_296, %mul3A_314 : vector<16xf32>
        %slice3A_316 = vector.extract_strided_slice %mul3A_289 {offsets = [1], sizes = [1], strides = [1]} : vector<16xf32> to vector<1xf32>
        %squeeze3A_317 = vector.extract %slice3A_316[0] : f32 from vector<1xf32>
        %broadcast_in_dim3A_318 = vector.broadcast %squeeze3A_317 : f32 to vector<16xf32>
        %get3A_319 = arith.index_cast %scan3A_271 : i32 to index
        %get3A_320 = arith.constant 64 : index
        %get3A_321 = tpu.vector_load %arg12[%get3A_319, %get3A_320] {strides = array<i32>} : memref<64x544xbf16, #tpu.memory_space<vmem>>, vector<32xbf16>,
        %unpack3A_322 = tpu.unpack_subelements %get3A_321, 0 {pack_format = #tpu.pack_format<interleaved>} : vector<32xbf16> -> vector<16xf32>
        %unpack3A_323 = tpu.unpack_subelements %get3A_321, 1 {pack_format = #tpu.pack_format<interleaved>} : vector<32xbf16> -> vector<16xf32>
        %get3A_324 = arith.index_cast %scan3A_271 : i32 to index
        %get3A_325 = arith.constant 96 : index
        %get3A_326 = tpu.vector_load %arg12[%get3A_324, %get3A_325] {strides = array<i32>} : memref<64x544xbf16, #tpu.memory_space<vmem>>, vector<32xbf16>,
        %unpack3A_327 = tpu.unpack_subelements %get3A_326, 0 {pack_format = #tpu.pack_format<interleaved>} : vector<32xbf16> -> vector<16xf32>
        %unpack3A_328 = tpu.unpack_subelements %get3A_326, 1 {pack_format = #tpu.pack_format<interleaved>} : vector<32xbf16> -> vector<16xf32>
        %mul3A_329 = arith.mulf %broadcast_in_dim3A_318, %unpack3A_322 : vector<16xf32>
        %add3A_330 = arith.addf %add3A_309, %mul3A_329 : vector<16xf32>
        %mul3A_331 = arith.mulf %broadcast_in_dim3A_318, %unpack3A_323 : vector<16xf32>
        %add3A_332 = arith.addf %add3A_311, %mul3A_331 : vector<16xf32>
        %mul3A_333 = arith.mulf %broadcast_in_dim3A_318, %unpack3A_327 : vector<16xf32>
        %add3A_334 = arith.addf %add3A_313, %mul3A_333 : vector<16xf32>
        %mul3A_335 = arith.mulf %broadcast_in_dim3A_318, %unpack3A_328 : vector<16xf32>
        %add3A_336 = arith.addf %add3A_315, %mul3A_335 : vector<16xf32>
        %slice3A_337 = vector.extract_strided_slice %mul3A_289 {offsets = [2], sizes = [1], strides = [1]} : vector<16xf32> to vector<1xf32>
        %squeeze3A_338 = vector.extract %slice3A_337[0] : f32 from vector<1xf32>
        %broadcast_in_dim3A_339 = vector.broadcast %squeeze3A_338 : f32 to vector<16xf32>
        %get3A_340 = arith.index_cast %scan3A_271 : i32 to index
        %get3A_341 = arith.constant 128 : index
        %get3A_342 = tpu.vector_load %arg12[%get3A_340, %get3A_341] {strides = array<i32>} : memref<64x544xbf16, #tpu.memory_space<vmem>>, vector<32xbf16>,
        %unpack3A_343 = tpu.unpack_subelements %get3A_342, 0 {pack_format = #tpu.pack_format<interleaved>} : vector<32xbf16> -> vector<16xf32>
        %unpack3A_344 = tpu.unpack_subelements %get3A_342, 1 {pack_format = #tpu.pack_format<interleaved>} : vector<32xbf16> -> vector<16xf32>
        %get3A_345 = arith.index_cast %scan3A_271 : i32 to index
        %get3A_346 = arith.constant 160 : index
        %get3A_347 = tpu.vector_load %arg12[%get3A_345, %get3A_346] {strides = array<i32>} : memref<64x544xbf16, #tpu.memory_space<vmem>>, vector<32xbf16>,
        %unpack3A_348 = tpu.unpack_subelements %get3A_347, 0 {pack_format = #tpu.pack_format<interleaved>} : vector<32xbf16> -> vector<16xf32>
        %unpack3A_349 = tpu.unpack_subelements %get3A_347, 1 {pack_format = #tpu.pack_format<interleaved>} : vector<32xbf16> -> vector<16xf32>
        %mul3A_350 = arith.mulf %broadcast_in_dim3A_339, %unpack3A_343 : vector<16xf32>
        %add3A_351 = arith.addf %add3A_330, %mul3A_350 : vector<16xf32>
        %mul3A_352 = arith.mulf %broadcast_in_dim3A_339, %unpack3A_344 : vector<16xf32>
        %add3A_353 = arith.addf %add3A_332, %mul3A_352 : vector<16xf32>
        %mul3A_354 = arith.mulf %broadcast_in_dim3A_339, %unpack3A_348 : vector<16xf32>
        %add3A_355 = arith.addf %add3A_334, %mul3A_354 : vector<16xf32>
        %mul3A_356 = arith.mulf %broadcast_in_dim3A_339, %unpack3A_349 : vector<16xf32>
        %add3A_357 = arith.addf %add3A_336, %mul3A_356 : vector<16xf32>
        %slice3A_358 = vector.extract_strided_slice %mul3A_289 {offsets = [3], sizes = [1], strides = [1]} : vector<16xf32> to vector<1xf32>
        %squeeze3A_359 = vector.extract %slice3A_358[0] : f32 from vector<1xf32>
        %broadcast_in_dim3A_360 = vector.broadcast %squeeze3A_359 : f32 to vector<16xf32>
        %get3A_361 = arith.index_cast %scan3A_271 : i32 to index
        %get3A_362 = arith.constant 192 : index
        %get3A_363 = tpu.vector_load %arg12[%get3A_361, %get3A_362] {strides = array<i32>} : memref<64x544xbf16, #tpu.memory_space<vmem>>, vector<32xbf16>,
        %unpack3A_364 = tpu.unpack_subelements %get3A_363, 0 {pack_format = #tpu.pack_format<interleaved>} : vector<32xbf16> -> vector<16xf32>
        %unpack3A_365 = tpu.unpack_subelements %get3A_363, 1 {pack_format = #tpu.pack_format<interleaved>} : vector<32xbf16> -> vector<16xf32>
        %get3A_366 = arith.index_cast %scan3A_271 : i32 to index
        %get3A_367 = arith.constant 224 : index
        %get3A_368 = tpu.vector_load %arg12[%get3A_366, %get3A_367] {strides = array<i32>} : memref<64x544xbf16, #tpu.memory_space<vmem>>, vector<32xbf16>,
        %unpack3A_369 = tpu.unpack_subelements %get3A_368, 0 {pack_format = #tpu.pack_format<interleaved>} : vector<32xbf16> -> vector<16xf32>
        %unpack3A_370 = tpu.unpack_subelements %get3A_368, 1 {pack_format = #tpu.pack_format<interleaved>} : vector<32xbf16> -> vector<16xf32>
        %mul3A_371 = arith.mulf %broadcast_in_dim3A_360, %unpack3A_364 : vector<16xf32>
        %add3A_372 = arith.addf %add3A_351, %mul3A_371 : vector<16xf32>
        %mul3A_373 = arith.mulf %broadcast_in_dim3A_360, %unpack3A_365 : vector<16xf32>
        %add3A_374 = arith.addf %add3A_353, %mul3A_373 : vector<16xf32>
        %mul3A_375 = arith.mulf %broadcast_in_dim3A_360, %unpack3A_369 : vector<16xf32>
        %add3A_376 = arith.addf %add3A_355, %mul3A_375 : vector<16xf32>
        %mul3A_377 = arith.mulf %broadcast_in_dim3A_360, %unpack3A_370 : vector<16xf32>
        %add3A_378 = arith.addf %add3A_357, %mul3A_377 : vector<16xf32>
        %slice3A_379 = vector.extract_strided_slice %mul3A_289 {offsets = [4], sizes = [1], strides = [1]} : vector<16xf32> to vector<1xf32>
        %squeeze3A_380 = vector.extract %slice3A_379[0] : f32 from vector<1xf32>
        %broadcast_in_dim3A_381 = vector.broadcast %squeeze3A_380 : f32 to vector<16xf32>
        %get3A_382 = arith.index_cast %scan3A_271 : i32 to index
        %get3A_383 = arith.constant 256 : index
        %get3A_384 = tpu.vector_load %arg12[%get3A_382, %get3A_383] {strides = array<i32>} : memref<64x544xbf16, #tpu.memory_space<vmem>>, vector<32xbf16>,
        %unpack3A_385 = tpu.unpack_subelements %get3A_384, 0 {pack_format = #tpu.pack_format<interleaved>} : vector<32xbf16> -> vector<16xf32>
        %unpack3A_386 = tpu.unpack_subelements %get3A_384, 1 {pack_format = #tpu.pack_format<interleaved>} : vector<32xbf16> -> vector<16xf32>
        %get3A_387 = arith.index_cast %scan3A_271 : i32 to index
        %get3A_388 = arith.constant 288 : index
        %get3A_389 = tpu.vector_load %arg12[%get3A_387, %get3A_388] {strides = array<i32>} : memref<64x544xbf16, #tpu.memory_space<vmem>>, vector<32xbf16>,
        %unpack3A_390 = tpu.unpack_subelements %get3A_389, 0 {pack_format = #tpu.pack_format<interleaved>} : vector<32xbf16> -> vector<16xf32>
        %unpack3A_391 = tpu.unpack_subelements %get3A_389, 1 {pack_format = #tpu.pack_format<interleaved>} : vector<32xbf16> -> vector<16xf32>
        %mul3A_392 = arith.mulf %broadcast_in_dim3A_381, %unpack3A_385 : vector<16xf32>
        %add3A_393 = arith.addf %add3A_372, %mul3A_392 : vector<16xf32>
        %mul3A_394 = arith.mulf %broadcast_in_dim3A_381, %unpack3A_386 : vector<16xf32>
        %add3A_395 = arith.addf %add3A_374, %mul3A_394 : vector<16xf32>
        %mul3A_396 = arith.mulf %broadcast_in_dim3A_381, %unpack3A_390 : vector<16xf32>
        %add3A_397 = arith.addf %add3A_376, %mul3A_396 : vector<16xf32>
        %mul3A_398 = arith.mulf %broadcast_in_dim3A_381, %unpack3A_391 : vector<16xf32>
        %add3A_399 = arith.addf %add3A_378, %mul3A_398 : vector<16xf32>
        %slice3A_400 = vector.extract_strided_slice %mul3A_289 {offsets = [5], sizes = [1], strides = [1]} : vector<16xf32> to vector<1xf32>
        %squeeze3A_401 = vector.extract %slice3A_400[0] : f32 from vector<1xf32>
        %broadcast_in_dim3A_402 = vector.broadcast %squeeze3A_401 : f32 to vector<16xf32>
        %get3A_403 = arith.index_cast %scan3A_271 : i32 to index
        %get3A_404 = arith.constant 320 : index
        %get3A_405 = tpu.vector_load %arg12[%get3A_403, %get3A_404] {strides = array<i32>} : memref<64x544xbf16, #tpu.memory_space<vmem>>, vector<32xbf16>,
        %unpack3A_406 = tpu.unpack_subelements %get3A_405, 0 {pack_format = #tpu.pack_format<interleaved>} : vector<32xbf16> -> vector<16xf32>
        %unpack3A_407 = tpu.unpack_subelements %get3A_405, 1 {pack_format = #tpu.pack_format<interleaved>} : vector<32xbf16> -> vector<16xf32>
        %get3A_408 = arith.index_cast %scan3A_271 : i32 to index
        %get3A_409 = arith.constant 352 : index
        %get3A_410 = tpu.vector_load %arg12[%get3A_408, %get3A_409] {strides = array<i32>} : memref<64x544xbf16, #tpu.memory_space<vmem>>, vector<32xbf16>,
        %unpack3A_411 = tpu.unpack_subelements %get3A_410, 0 {pack_format = #tpu.pack_format<interleaved>} : vector<32xbf16> -> vector<16xf32>
        %unpack3A_412 = tpu.unpack_subelements %get3A_410, 1 {pack_format = #tpu.pack_format<interleaved>} : vector<32xbf16> -> vector<16xf32>
        %mul3A_413 = arith.mulf %broadcast_in_dim3A_402, %unpack3A_406 : vector<16xf32>
        %add3A_414 = arith.addf %add3A_393, %mul3A_413 : vector<16xf32>
        %mul3A_415 = arith.mulf %broadcast_in_dim3A_402, %unpack3A_407 : vector<16xf32>
        %add3A_416 = arith.addf %add3A_395, %mul3A_415 : vector<16xf32>
        %mul3A_417 = arith.mulf %broadcast_in_dim3A_402, %unpack3A_411 : vector<16xf32>
        %add3A_418 = arith.addf %add3A_397, %mul3A_417 : vector<16xf32>
        %mul3A_419 = arith.mulf %broadcast_in_dim3A_402, %unpack3A_412 : vector<16xf32>
        %add3A_420 = arith.addf %add3A_399, %mul3A_419 : vector<16xf32>
        %slice3A_421 = vector.extract_strided_slice %mul3A_289 {offsets = [6], sizes = [1], strides = [1]} : vector<16xf32> to vector<1xf32>
        %squeeze3A_422 = vector.extract %slice3A_421[0] : f32 from vector<1xf32>
        %broadcast_in_dim3A_423 = vector.broadcast %squeeze3A_422 : f32 to vector<16xf32>
        %get3A_424 = arith.index_cast %scan3A_271 : i32 to index
        %get3A_425 = arith.constant 384 : index
        %get3A_426 = tpu.vector_load %arg12[%get3A_424, %get3A_425] {strides = array<i32>} : memref<64x544xbf16, #tpu.memory_space<vmem>>, vector<32xbf16>,
        %unpack3A_427 = tpu.unpack_subelements %get3A_426, 0 {pack_format = #tpu.pack_format<interleaved>} : vector<32xbf16> -> vector<16xf32>
        %unpack3A_428 = tpu.unpack_subelements %get3A_426, 1 {pack_format = #tpu.pack_format<interleaved>} : vector<32xbf16> -> vector<16xf32>
        %get3A_429 = arith.index_cast %scan3A_271 : i32 to index
        %get3A_430 = arith.constant 416 : index
        %get3A_431 = tpu.vector_load %arg12[%get3A_429, %get3A_430] {strides = array<i32>} : memref<64x544xbf16, #tpu.memory_space<vmem>>, vector<32xbf16>,
        %unpack3A_432 = tpu.unpack_subelements %get3A_431, 0 {pack_format = #tpu.pack_format<interleaved>} : vector<32xbf16> -> vector<16xf32>
        %unpack3A_433 = tpu.unpack_subelements %get3A_431, 1 {pack_format = #tpu.pack_format<interleaved>} : vector<32xbf16> -> vector<16xf32>
        %mul3A_434 = arith.mulf %broadcast_in_dim3A_423, %unpack3A_427 : vector<16xf32>
        %add3A_435 = arith.addf %add3A_414, %mul3A_434 : vector<16xf32>
        %mul3A_436 = arith.mulf %broadcast_in_dim3A_423, %unpack3A_428 : vector<16xf32>
        %add3A_437 = arith.addf %add3A_416, %mul3A_436 : vector<16xf32>
        %mul3A_438 = arith.mulf %broadcast_in_dim3A_423, %unpack3A_432 : vector<16xf32>
        %add3A_439 = arith.addf %add3A_418, %mul3A_438 : vector<16xf32>
        %mul3A_440 = arith.mulf %broadcast_in_dim3A_423, %unpack3A_433 : vector<16xf32>
        %add3A_441 = arith.addf %add3A_420, %mul3A_440 : vector<16xf32>
        %slice3A_442 = vector.extract_strided_slice %mul3A_289 {offsets = [7], sizes = [1], strides = [1]} : vector<16xf32> to vector<1xf32>
        %squeeze3A_443 = vector.extract %slice3A_442[0] : f32 from vector<1xf32>
        %broadcast_in_dim3A_444 = vector.broadcast %squeeze3A_443 : f32 to vector<16xf32>
        %get3A_445 = arith.index_cast %scan3A_271 : i32 to index
        %get3A_446 = arith.constant 448 : index
        %get3A_447 = tpu.vector_load %arg12[%get3A_445, %get3A_446] {strides = array<i32>} : memref<64x544xbf16, #tpu.memory_space<vmem>>, vector<32xbf16>,
        %unpack3A_448 = tpu.unpack_subelements %get3A_447, 0 {pack_format = #tpu.pack_format<interleaved>} : vector<32xbf16> -> vector<16xf32>
        %unpack3A_449 = tpu.unpack_subelements %get3A_447, 1 {pack_format = #tpu.pack_format<interleaved>} : vector<32xbf16> -> vector<16xf32>
        %get3A_450 = arith.index_cast %scan3A_271 : i32 to index
        %get3A_451 = arith.constant 480 : index
        %get3A_452 = tpu.vector_load %arg12[%get3A_450, %get3A_451] {strides = array<i32>} : memref<64x544xbf16, #tpu.memory_space<vmem>>, vector<32xbf16>,
        %unpack3A_453 = tpu.unpack_subelements %get3A_452, 0 {pack_format = #tpu.pack_format<interleaved>} : vector<32xbf16> -> vector<16xf32>
        %unpack3A_454 = tpu.unpack_subelements %get3A_452, 1 {pack_format = #tpu.pack_format<interleaved>} : vector<32xbf16> -> vector<16xf32>
        %mul3A_455 = arith.mulf %broadcast_in_dim3A_444, %unpack3A_448 : vector<16xf32>
        %add3A_456 = arith.addf %add3A_435, %mul3A_455 : vector<16xf32>
        %mul3A_457 = arith.mulf %broadcast_in_dim3A_444, %unpack3A_449 : vector<16xf32>
        %add3A_458 = arith.addf %add3A_437, %mul3A_457 : vector<16xf32>
        %mul3A_459 = arith.mulf %broadcast_in_dim3A_444, %unpack3A_453 : vector<16xf32>
        %add3A_460 = arith.addf %add3A_439, %mul3A_459 : vector<16xf32>
        %mul3A_461 = arith.mulf %broadcast_in_dim3A_444, %unpack3A_454 : vector<16xf32>
        %add3A_462 = arith.addf %add3A_441, %mul3A_461 : vector<16xf32>
        %swap3A_463 = arith.index_cast %scan3A_271 : i32 to index
        %swap3A_464 = arith.constant 0 : index
        %swap3A_465 = tpu.vector_load %arg16[%swap3A_463, %swap3A_464] {strides = array<i32>} : memref<64x64xf32, #tpu.memory_space<vmem>>, vector<16xf32>,
        tpu.vector_store %arg16[%swap3A_463, %swap3A_464], %add3A_456 {strides = array<i32>} : memref<64x64xf32, #tpu.memory_space<vmem>>, vector<16xf32>,
        %swap3A_466 = arith.index_cast %scan3A_271 : i32 to index
        %swap3A_467 = arith.constant 16 : index
        %swap3A_468 = tpu.vector_load %arg16[%swap3A_466, %swap3A_467] {strides = array<i32>} : memref<64x64xf32, #tpu.memory_space<vmem>>, vector<16xf32>,
        tpu.vector_store %arg16[%swap3A_466, %swap3A_467], %add3A_458 {strides = array<i32>} : memref<64x64xf32, #tpu.memory_space<vmem>>, vector<16xf32>,
        %swap3A_469 = arith.index_cast %scan3A_271 : i32 to index
        %swap3A_470 = arith.constant 32 : index
        %swap3A_471 = tpu.vector_load %arg16[%swap3A_469, %swap3A_470] {strides = array<i32>} : memref<64x64xf32, #tpu.memory_space<vmem>>, vector<16xf32>,
        tpu.vector_store %arg16[%swap3A_469, %swap3A_470], %add3A_460 {strides = array<i32>} : memref<64x64xf32, #tpu.memory_space<vmem>>, vector<16xf32>,
        %swap3A_472 = arith.index_cast %scan3A_271 : i32 to index
        %swap3A_473 = arith.constant 48 : index
        %swap3A_474 = tpu.vector_load %arg16[%swap3A_472, %swap3A_473] {strides = array<i32>} : memref<64x64xf32, #tpu.memory_space<vmem>>, vector<16xf32>,
        tpu.vector_store %arg16[%swap3A_472, %swap3A_473], %add3A_462 {strides = array<i32>} : memref<64x64xf32, #tpu.memory_space<vmem>>, vector<16xf32>,
      }
      %scan3A_181 = arith.constant 64 : i32
      %run_scoped3A = arith.constant 0 : i32
      "tpu.region"() ({
        %run_scoped3A_271 = tpu.sem_alloc : memref<!tpu.dma_semaphore, #tpu.memory_space<semaphore_mem>>
        %dma_start3A_272 = arith.constant 0 : i32
        %dma_start3A_273 = tpu.memref_slice %arg11[%run_scoped3A, %dma_start3A_272] : memref<2x64xi32, #tpu.memory_space<vmem>> -> memref<1x64xi32, #tpu.memory_space<vmem>>
        %dma_start3A_274 = tpu.memref_squeeze %dma_start3A_273 : memref<1x64xi32, #tpu.memory_space<vmem>> -> memref<64xi32, #tpu.memory_space<vmem>>
        %dma_start3A_275 = arith.constant 0 : i32
        %dma_start3A_276 = arith.constant 0 : i32
        %dma_start3A_277 = tpu.memref_slice %arg17[%dma_start3A_275, %dma_start3A_276] : memref<10240x64xf32, #tpu.memory_space<vmem_shared>> -> memref<10240x64xf32, #tpu.memory_space<vmem_shared>>
        tpu.enqueue_indirect_dma source(%arg16 : memref<64x64xf32, #tpu.memory_space<vmem>>) target(%dma_start3A_277 : memref<10240x64xf32, #tpu.memory_space<vmem_shared>>) offsets(%dma_start3A_274 : memref<64xi32, #tpu.memory_space<vmem>>) semaphore(%run_scoped3A_271 : memref<!tpu.dma_semaphore, #tpu.memory_space<semaphore_mem>>) {add = true}
        %dma_wait3A_278 = arith.constant 0 : i32
        %dma_wait3A_279 = tpu.memref_slice %arg11[%run_scoped3A, %dma_wait3A_278] : memref<2x64xi32, #tpu.memory_space<vmem>> -> memref<1x64xi32, #tpu.memory_space<vmem>>
        %dma_wait3A_280 = tpu.memref_squeeze %dma_wait3A_279 : memref<1x64xi32, #tpu.memory_space<vmem>> -> memref<64xi32, #tpu.memory_space<vmem>>
        %dma_wait3A_281 = arith.constant 0 : i32
        %dma_wait3A_282 = arith.constant 0 : i32
        %dma_wait3A_283 = tpu.memref_slice %arg17[%dma_wait3A_281, %dma_wait3A_282] : memref<10240x64xf32, #tpu.memory_space<vmem_shared>> -> memref<10240x64xf32, #tpu.memory_space<vmem_shared>>
        tpu.wait_indirect_dma semaphore(%run_scoped3A_271 : memref<!tpu.dma_semaphore, #tpu.memory_space<semaphore_mem>>) src(%arg16 : memref<64x64xf32, #tpu.memory_space<vmem>>) dst(%dma_wait3A_283 : memref<10240x64xf32, #tpu.memory_space<vmem_shared>>)
        tpu.yield
      }) : () -> ()
      %add3A_182 = arith.constant 2 : i32
      %add3A_183 = arith.addi %mul3A_93, %add3A_182 : i32
      %get3A_184 = arith.index_cast %add3A_183 : i32 to index
      %get3A_185 = arith.constant 0 : index
      %get3A_186 = tpu.vector_load %arg8[%get3A_184, %get3A_185] {strides = array<i32>} : memref<170x64xi16, #tpu.memory_space<vmem>>, vector<32xi16>,
      %unpack3A_187 = tpu.unpack_subelements %get3A_186, 0 {pack_format = #tpu.pack_format<interleaved>} : vector<32xi16> -> vector<16xi32>
      %unpack3A_188 = tpu.unpack_subelements %get3A_186, 1 {pack_format = #tpu.pack_format<interleaved>} : vector<32xi16> -> vector<16xi32>
      %swap3A_189 = arith.constant 0 : i32
      %swap3A_190 = arith.index_cast %swap3A_189 : i32 to index
      %swap3A_191 = arith.constant 0 : index
      %swap3A_192 = tpu.vector_load %arg10[%swap3A_190, %swap3A_191] {strides = array<i32>} : memref<2x64xi32, #tpu.memory_space<vmem>>, vector<16xi32>,
      tpu.vector_store %arg10[%swap3A_190, %swap3A_191], %unpack3A_187 {strides = array<i32>} : memref<2x64xi32, #tpu.memory_space<vmem>>, vector<16xi32>,
      %swap3A_193 = arith.constant 0 : i32
      %swap3A_194 = arith.index_cast %swap3A_193 : i32 to index
      %swap3A_195 = arith.constant 16 : index
      %swap3A_196 = tpu.vector_load %arg10[%swap3A_194, %swap3A_195] {strides = array<i32>} : memref<2x64xi32, #tpu.memory_space<vmem>>, vector<16xi32>,
      tpu.vector_store %arg10[%swap3A_194, %swap3A_195], %unpack3A_188 {strides = array<i32>} : memref<2x64xi32, #tpu.memory_space<vmem>>, vector<16xi32>,
      %get3A_197 = arith.index_cast %add3A_183 : i32 to index
      %get3A_198 = arith.constant 32 : index
      %get3A_199 = tpu.vector_load %arg8[%get3A_197, %get3A_198] {strides = array<i32>} : memref<170x64xi16, #tpu.memory_space<vmem>>, vector<32xi16>,
      %unpack3A_200 = tpu.unpack_subelements %get3A_199, 0 {pack_format = #tpu.pack_format<interleaved>} : vector<32xi16> -> vector<16xi32>
      %unpack3A_201 = tpu.unpack_subelements %get3A_199, 1 {pack_format = #tpu.pack_format<interleaved>} : vector<32xi16> -> vector<16xi32>
      %swap3A_202 = arith.constant 0 : i32
      %swap3A_203 = arith.index_cast %swap3A_202 : i32 to index
      %swap3A_204 = arith.constant 32 : index
      %swap3A_205 = tpu.vector_load %arg10[%swap3A_203, %swap3A_204] {strides = array<i32>} : memref<2x64xi32, #tpu.memory_space<vmem>>, vector<16xi32>,
      tpu.vector_store %arg10[%swap3A_203, %swap3A_204], %unpack3A_200 {strides = array<i32>} : memref<2x64xi32, #tpu.memory_space<vmem>>, vector<16xi32>,
      %swap3A_206 = arith.constant 0 : i32
      %swap3A_207 = arith.index_cast %swap3A_206 : i32 to index
      %swap3A_208 = arith.constant 48 : index
      %swap3A_209 = tpu.vector_load %arg10[%swap3A_207, %swap3A_208] {strides = array<i32>} : memref<2x64xi32, #tpu.memory_space<vmem>>, vector<16xi32>,
      tpu.vector_store %arg10[%swap3A_207, %swap3A_208], %unpack3A_201 {strides = array<i32>} : memref<2x64xi32, #tpu.memory_space<vmem>>, vector<16xi32>,
      %get3A_210 = arith.index_cast %add3A_183 : i32 to index
      %get3A_211 = arith.constant 0 : index
      %get3A_212 = tpu.vector_load %arg9[%get3A_210, %get3A_211] {strides = array<i32>} : memref<170x64xi16, #tpu.memory_space<vmem>>, vector<32xi16>,
      %unpack3A_213 = tpu.unpack_subelements %get3A_212, 0 {pack_format = #tpu.pack_format<interleaved>} : vector<32xi16> -> vector<16xi32>
      %unpack3A_214 = tpu.unpack_subelements %get3A_212, 1 {pack_format = #tpu.pack_format<interleaved>} : vector<32xi16> -> vector<16xi32>
      %swap3A_215 = arith.constant 0 : i32
      %swap3A_216 = arith.index_cast %swap3A_215 : i32 to index
      %swap3A_217 = arith.constant 0 : index
      %swap3A_218 = tpu.vector_load %arg11[%swap3A_216, %swap3A_217] {strides = array<i32>} : memref<2x64xi32, #tpu.memory_space<vmem>>, vector<16xi32>,
      tpu.vector_store %arg11[%swap3A_216, %swap3A_217], %unpack3A_213 {strides = array<i32>} : memref<2x64xi32, #tpu.memory_space<vmem>>, vector<16xi32>,
      %swap3A_219 = arith.constant 0 : i32
      %swap3A_220 = arith.index_cast %swap3A_219 : i32 to index
      %swap3A_221 = arith.constant 16 : index
      %swap3A_222 = tpu.vector_load %arg11[%swap3A_220, %swap3A_221] {strides = array<i32>} : memref<2x64xi32, #tpu.memory_space<vmem>>, vector<16xi32>,
      tpu.vector_store %arg11[%swap3A_220, %swap3A_221], %unpack3A_214 {strides = array<i32>} : memref<2x64xi32, #tpu.memory_space<vmem>>, vector<16xi32>,
      %get3A_223 = arith.index_cast %add3A_183 : i32 to index
      %get3A_224 = arith.constant 32 : index
      %get3A_225 = tpu.vector_load %arg9[%get3A_223, %get3A_224] {strides = array<i32>} : memref<170x64xi16, #tpu.memory_space<vmem>>, vector<32xi16>,
      %unpack3A_226 = tpu.unpack_subelements %get3A_225, 0 {pack_format = #tpu.pack_format<interleaved>} : vector<32xi16> -> vector<16xi32>
      %unpack3A_227 = tpu.unpack_subelements %get3A_225, 1 {pack_format = #tpu.pack_format<interleaved>} : vector<32xi16> -> vector<16xi32>
      %swap3A_228 = arith.constant 0 : i32
      %swap3A_229 = arith.index_cast %swap3A_228 : i32 to index
      %swap3A_230 = arith.constant 32 : index
      %swap3A_231 = tpu.vector_load %arg11[%swap3A_229, %swap3A_230] {strides = array<i32>} : memref<2x64xi32, #tpu.memory_space<vmem>>, vector<16xi32>,
      tpu.vector_store %arg11[%swap3A_229, %swap3A_230], %unpack3A_226 {strides = array<i32>} : memref<2x64xi32, #tpu.memory_space<vmem>>, vector<16xi32>,
      %swap3A_232 = arith.constant 0 : i32
      %swap3A_233 = arith.index_cast %swap3A_232 : i32 to index
      %swap3A_234 = arith.constant 48 : index
      %swap3A_235 = tpu.vector_load %arg11[%swap3A_233, %swap3A_234] {strides = array<i32>} : memref<2x64xi32, #tpu.memory_space<vmem>>, vector<16xi32>,
      tpu.vector_store %arg11[%swap3A_233, %swap3A_234], %unpack3A_227 {strides = array<i32>} : memref<2x64xi32, #tpu.memory_space<vmem>>, vector<16xi32>,
      %dma_start3A_236 = arith.constant 0 : i32
      %dma_start3A_237 = arith.constant 0 : i32
      %dma_start3A_238 = tpu.memref_slice %arg10[%dma_start3A_236, %dma_start3A_237] : memref<2x64xi32, #tpu.memory_space<vmem>> -> memref<1x64xi32, #tpu.memory_space<vmem>>
      %dma_start3A_239 = tpu.memref_squeeze %dma_start3A_238 : memref<1x64xi32, #tpu.memory_space<vmem>> -> memref<64xi32, #tpu.memory_space<vmem>>
      %dma_start3A_240 = arith.constant 0 : i32
      %dma_start3A_241 = arith.constant 0 : i32
      %dma_start3A_242 = tpu.memref_slice %arg2[%dma_start3A_240, %dma_start3A_241] : memref<10240x544xbf16, #tpu.memory_space<hbm>> -> memref<10240x544xbf16, #tpu.memory_space<hbm>>
      tpu.enqueue_indirect_dma source(%dma_start3A_242 : memref<10240x544xbf16, #tpu.memory_space<hbm>>) target(%arg12 : memref<64x544xbf16, #tpu.memory_space<vmem>>) offsets(%dma_start3A_239 : memref<64xi32, #tpu.memory_space<vmem>>) semaphore(%arg18 : memref<!tpu.dma_semaphore, #tpu.memory_space<semaphore_mem>>)
      %dma_start3A_243 = arith.constant 0 : i32
      %dma_start3A_244 = arith.constant 0 : i32
      %dma_start3A_245 = tpu.memref_slice %arg11[%dma_start3A_243, %dma_start3A_244] : memref<2x64xi32, #tpu.memory_space<vmem>> -> memref<1x64xi32, #tpu.memory_space<vmem>>
      %dma_start3A_246 = tpu.memref_squeeze %dma_start3A_245 : memref<1x64xi32, #tpu.memory_space<vmem>> -> memref<64xi32, #tpu.memory_space<vmem>>
      %dma_start3A_247 = arith.constant 0 : i32
      %dma_start3A_248 = arith.constant 0 : i32
      %dma_start3A_249 = tpu.memref_slice %arg3[%dma_start3A_247, %dma_start3A_248] : memref<10240x32xf32, #tpu.memory_space<hbm>> -> memref<10240x32xf32, #tpu.memory_space<hbm>>
      tpu.enqueue_indirect_dma source(%dma_start3A_249 : memref<10240x32xf32, #tpu.memory_space<hbm>>) target(%arg13 : memref<64x32xf32, #tpu.memory_space<vmem>>) offsets(%dma_start3A_246 : memref<64xi32, #tpu.memory_space<vmem>>) semaphore(%arg19 : memref<!tpu.dma_semaphore, #tpu.memory_space<semaphore_mem>>)
      %dma_wait3A_250 = arith.constant 1 : i32
      %dma_wait3A_251 = arith.constant 0 : i32
      %dma_wait3A_252 = tpu.memref_slice %arg10[%dma_wait3A_250, %dma_wait3A_251] : memref<2x64xi32, #tpu.memory_space<vmem>> -> memref<1x64xi32, #tpu.memory_space<vmem>>
      %dma_wait3A_253 = tpu.memref_squeeze %dma_wait3A_252 : memref<1x64xi32, #tpu.memory_space<vmem>> -> memref<64xi32, #tpu.memory_space<vmem>>
      %dma_wait3A_254 = arith.constant 0 : i32
      %dma_wait3A_255 = arith.constant 0 : i32
      %dma_wait3A_256 = tpu.memref_slice %arg2[%dma_wait3A_254, %dma_wait3A_255] : memref<10240x544xbf16, #tpu.memory_space<hbm>> -> memref<10240x544xbf16, #tpu.memory_space<hbm>>
      tpu.wait_indirect_dma semaphore(%arg20 : memref<!tpu.dma_semaphore, #tpu.memory_space<semaphore_mem>>) src(%dma_wait3A_256 : memref<10240x544xbf16, #tpu.memory_space<hbm>>) dst(%arg14 : memref<64x544xbf16, #tpu.memory_space<vmem>>)
      %dma_wait3A_257 = arith.constant 1 : i32
      %dma_wait3A_258 = arith.constant 0 : i32
      %dma_wait3A_259 = tpu.memref_slice %arg11[%dma_wait3A_257, %dma_wait3A_258] : memref<2x64xi32, #tpu.memory_space<vmem>> -> memref<1x64xi32, #tpu.memory_space<vmem>>
      %dma_wait3A_260 = tpu.memref_squeeze %dma_wait3A_259 : memref<1x64xi32, #tpu.memory_space<vmem>> -> memref<64xi32, #tpu.memory_space<vmem>>
      %dma_wait3A_261 = arith.constant 0 : i32
      %dma_wait3A_262 = arith.constant 0 : i32
      %dma_wait3A_263 = tpu.memref_slice %arg3[%dma_wait3A_261, %dma_wait3A_262] : memref<10240x32xf32, #tpu.memory_space<hbm>> -> memref<10240x32xf32, #tpu.memory_space<hbm>>
      tpu.wait_indirect_dma semaphore(%arg21 : memref<!tpu.dma_semaphore, #tpu.memory_space<semaphore_mem>>) src(%dma_wait3A_263 : memref<10240x32xf32, #tpu.memory_space<hbm>>) dst(%arg15 : memref<64x32xf32, #tpu.memory_space<vmem>>)
      %scan3A_264 = arith.constant 0 : i32
      %scan3A_265 = arith.constant 0 : i32
      %scan3A_266 = arith.constant 64 : i32
      %scan3A_267 = arith.addi %scan3A_265, %scan3A_266 : i32
      %scan3A_268 = arith.constant 1 : i32
      scf.for %scan3A_271 = %scan3A_265 to %scan3A_267 step %scan3A_268  : i32 {
        %get3A_272 = arith.index_cast %scan3A_271 : i32 to index
        %get3A_273 = arith.constant 512 : index
        %get3A_274 = tpu.vector_load %arg14[%get3A_272, %get3A_273] {strides = array<i32>} : memref<64x544xbf16, #tpu.memory_space<vmem>>, vector<32xbf16>,
        %unpack3A_275 = tpu.unpack_subelements %get3A_274, 0 {pack_format = #tpu.pack_format<interleaved>} : vector<32xbf16> -> vector<16xf32>
        %unpack3A_276 = tpu.unpack_subelements %get3A_274, 1 {pack_format = #tpu.pack_format<interleaved>} : vector<32xbf16> -> vector<16xf32>
        %get3A_277 = arith.index_cast %scan3A_271 : i32 to index
        %get3A_278 = arith.constant 0 : index
        %get3A_279 = tpu.vector_load %arg15[%get3A_277, %get3A_278] {strides = array<i32>} : memref<64x32xf32, #tpu.memory_space<vmem>>, vector<16xf32>,
        %add3A_280 = arith.addf %unpack3A_275, %get3A_279 : vector<16xf32>
        %gt3A = arith.constant 0.000000e+00 : f32
        %gt3A_281 = vector.broadcast %gt3A : f32 to vector<16xf32>
        %gt3A_282 = arith.cmpf ogt, %add3A_280, %gt3A_281 : vector<16xf32>
        %mul3A_283 = arith.constant 2.000000e-01 : f32
        %mul3A_284 = vector.broadcast %mul3A_283 : f32 to vector<16xf32>
        %mul3A_285 = arith.mulf %mul3A_284, %add3A_280 : vector<16xf32>
        %select_n3A = arith.select %gt3A_282, %add3A_280, %mul3A_285 : vector<16xi1>, vector<16xf32>
        %exp3A = math.exp %select_n3A : vector<16xf32>
        %get3A_286 = arith.index_cast %scan3A_271 : i32 to index
        %get3A_287 = arith.constant 16 : index
        %get3A_288 = tpu.vector_load %arg15[%get3A_286, %get3A_287] {strides = array<i32>} : memref<64x32xf32, #tpu.memory_space<vmem>>, vector<16xf32>,
        %mul3A_289 = arith.mulf %exp3A, %get3A_288 : vector<16xf32>
        %broadcast_in_dim3A = arith.constant 0.000000e+00 : f32
        %broadcast_in_dim3A_290 = vector.broadcast %broadcast_in_dim3A : f32 to vector<16xf32>
        %broadcast_in_dim3A_291 = arith.constant 0.000000e+00 : f32
        %broadcast_in_dim3A_292 = vector.broadcast %broadcast_in_dim3A_291 : f32 to vector<16xf32>
        %broadcast_in_dim3A_293 = arith.constant 0.000000e+00 : f32
        %broadcast_in_dim3A_294 = vector.broadcast %broadcast_in_dim3A_293 : f32 to vector<16xf32>
        %broadcast_in_dim3A_295 = arith.constant 0.000000e+00 : f32
        %broadcast_in_dim3A_296 = vector.broadcast %broadcast_in_dim3A_295 : f32 to vector<16xf32>
        %slice3A = vector.extract_strided_slice %mul3A_289 {offsets = [0], sizes = [1], strides = [1]} : vector<16xf32> to vector<1xf32>
        %squeeze3A = vector.extract %slice3A[0] : f32 from vector<1xf32>
        %broadcast_in_dim3A_297 = vector.broadcast %squeeze3A : f32 to vector<16xf32>
        %get3A_298 = arith.index_cast %scan3A_271 : i32 to index
        %get3A_299 = arith.constant 0 : index
        %get3A_300 = tpu.vector_load %arg14[%get3A_298, %get3A_299] {strides = array<i32>} : memref<64x544xbf16, #tpu.memory_space<vmem>>, vector<32xbf16>,
        %unpack3A_301 = tpu.unpack_subelements %get3A_300, 0 {pack_format = #tpu.pack_format<interleaved>} : vector<32xbf16> -> vector<16xf32>
        %unpack3A_302 = tpu.unpack_subelements %get3A_300, 1 {pack_format = #tpu.pack_format<interleaved>} : vector<32xbf16> -> vector<16xf32>
        %get3A_303 = arith.index_cast %scan3A_271 : i32 to index
        %get3A_304 = arith.constant 32 : index
        %get3A_305 = tpu.vector_load %arg14[%get3A_303, %get3A_304] {strides = array<i32>} : memref<64x544xbf16, #tpu.memory_space<vmem>>, vector<32xbf16>,
        %unpack3A_306 = tpu.unpack_subelements %get3A_305, 0 {pack_format = #tpu.pack_format<interleaved>} : vector<32xbf16> -> vector<16xf32>
        %unpack3A_307 = tpu.unpack_subelements %get3A_305, 1 {pack_format = #tpu.pack_format<interleaved>} : vector<32xbf16> -> vector<16xf32>
        %mul3A_308 = arith.mulf %broadcast_in_dim3A_297, %unpack3A_301 : vector<16xf32>
        %add3A_309 = arith.addf %broadcast_in_dim3A_290, %mul3A_308 : vector<16xf32>
        %mul3A_310 = arith.mulf %broadcast_in_dim3A_297, %unpack3A_302 : vector<16xf32>
        %add3A_311 = arith.addf %broadcast_in_dim3A_292, %mul3A_310 : vector<16xf32>
        %mul3A_312 = arith.mulf %broadcast_in_dim3A_297, %unpack3A_306 : vector<16xf32>
        %add3A_313 = arith.addf %broadcast_in_dim3A_294, %mul3A_312 : vector<16xf32>
        %mul3A_314 = arith.mulf %broadcast_in_dim3A_297, %unpack3A_307 : vector<16xf32>
        %add3A_315 = arith.addf %broadcast_in_dim3A_296, %mul3A_314 : vector<16xf32>
        %slice3A_316 = vector.extract_strided_slice %mul3A_289 {offsets = [1], sizes = [1], strides = [1]} : vector<16xf32> to vector<1xf32>
        %squeeze3A_317 = vector.extract %slice3A_316[0] : f32 from vector<1xf32>
        %broadcast_in_dim3A_318 = vector.broadcast %squeeze3A_317 : f32 to vector<16xf32>
        %get3A_319 = arith.index_cast %scan3A_271 : i32 to index
        %get3A_320 = arith.constant 64 : index
        %get3A_321 = tpu.vector_load %arg14[%get3A_319, %get3A_320] {strides = array<i32>} : memref<64x544xbf16, #tpu.memory_space<vmem>>, vector<32xbf16>,
        %unpack3A_322 = tpu.unpack_subelements %get3A_321, 0 {pack_format = #tpu.pack_format<interleaved>} : vector<32xbf16> -> vector<16xf32>
        %unpack3A_323 = tpu.unpack_subelements %get3A_321, 1 {pack_format = #tpu.pack_format<interleaved>} : vector<32xbf16> -> vector<16xf32>
        %get3A_324 = arith.index_cast %scan3A_271 : i32 to index
        %get3A_325 = arith.constant 96 : index
        %get3A_326 = tpu.vector_load %arg14[%get3A_324, %get3A_325] {strides = array<i32>} : memref<64x544xbf16, #tpu.memory_space<vmem>>, vector<32xbf16>,
        %unpack3A_327 = tpu.unpack_subelements %get3A_326, 0 {pack_format = #tpu.pack_format<interleaved>} : vector<32xbf16> -> vector<16xf32>
        %unpack3A_328 = tpu.unpack_subelements %get3A_326, 1 {pack_format = #tpu.pack_format<interleaved>} : vector<32xbf16> -> vector<16xf32>
        %mul3A_329 = arith.mulf %broadcast_in_dim3A_318, %unpack3A_322 : vector<16xf32>
        %add3A_330 = arith.addf %add3A_309, %mul3A_329 : vector<16xf32>
        %mul3A_331 = arith.mulf %broadcast_in_dim3A_318, %unpack3A_323 : vector<16xf32>
        %add3A_332 = arith.addf %add3A_311, %mul3A_331 : vector<16xf32>
        %mul3A_333 = arith.mulf %broadcast_in_dim3A_318, %unpack3A_327 : vector<16xf32>
        %add3A_334 = arith.addf %add3A_313, %mul3A_333 : vector<16xf32>
        %mul3A_335 = arith.mulf %broadcast_in_dim3A_318, %unpack3A_328 : vector<16xf32>
        %add3A_336 = arith.addf %add3A_315, %mul3A_335 : vector<16xf32>
        %slice3A_337 = vector.extract_strided_slice %mul3A_289 {offsets = [2], sizes = [1], strides = [1]} : vector<16xf32> to vector<1xf32>
        %squeeze3A_338 = vector.extract %slice3A_337[0] : f32 from vector<1xf32>
        %broadcast_in_dim3A_339 = vector.broadcast %squeeze3A_338 : f32 to vector<16xf32>
        %get3A_340 = arith.index_cast %scan3A_271 : i32 to index
        %get3A_341 = arith.constant 128 : index
        %get3A_342 = tpu.vector_load %arg14[%get3A_340, %get3A_341] {strides = array<i32>} : memref<64x544xbf16, #tpu.memory_space<vmem>>, vector<32xbf16>,
        %unpack3A_343 = tpu.unpack_subelements %get3A_342, 0 {pack_format = #tpu.pack_format<interleaved>} : vector<32xbf16> -> vector<16xf32>
        %unpack3A_344 = tpu.unpack_subelements %get3A_342, 1 {pack_format = #tpu.pack_format<interleaved>} : vector<32xbf16> -> vector<16xf32>
        %get3A_345 = arith.index_cast %scan3A_271 : i32 to index
        %get3A_346 = arith.constant 160 : index
        %get3A_347 = tpu.vector_load %arg14[%get3A_345, %get3A_346] {strides = array<i32>} : memref<64x544xbf16, #tpu.memory_space<vmem>>, vector<32xbf16>,
        %unpack3A_348 = tpu.unpack_subelements %get3A_347, 0 {pack_format = #tpu.pack_format<interleaved>} : vector<32xbf16> -> vector<16xf32>
        %unpack3A_349 = tpu.unpack_subelements %get3A_347, 1 {pack_format = #tpu.pack_format<interleaved>} : vector<32xbf16> -> vector<16xf32>
        %mul3A_350 = arith.mulf %broadcast_in_dim3A_339, %unpack3A_343 : vector<16xf32>
        %add3A_351 = arith.addf %add3A_330, %mul3A_350 : vector<16xf32>
        %mul3A_352 = arith.mulf %broadcast_in_dim3A_339, %unpack3A_344 : vector<16xf32>
        %add3A_353 = arith.addf %add3A_332, %mul3A_352 : vector<16xf32>
        %mul3A_354 = arith.mulf %broadcast_in_dim3A_339, %unpack3A_348 : vector<16xf32>
        %add3A_355 = arith.addf %add3A_334, %mul3A_354 : vector<16xf32>
        %mul3A_356 = arith.mulf %broadcast_in_dim3A_339, %unpack3A_349 : vector<16xf32>
        %add3A_357 = arith.addf %add3A_336, %mul3A_356 : vector<16xf32>
        %slice3A_358 = vector.extract_strided_slice %mul3A_289 {offsets = [3], sizes = [1], strides = [1]} : vector<16xf32> to vector<1xf32>
        %squeeze3A_359 = vector.extract %slice3A_358[0] : f32 from vector<1xf32>
        %broadcast_in_dim3A_360 = vector.broadcast %squeeze3A_359 : f32 to vector<16xf32>
        %get3A_361 = arith.index_cast %scan3A_271 : i32 to index
        %get3A_362 = arith.constant 192 : index
        %get3A_363 = tpu.vector_load %arg14[%get3A_361, %get3A_362] {strides = array<i32>} : memref<64x544xbf16, #tpu.memory_space<vmem>>, vector<32xbf16>,
        %unpack3A_364 = tpu.unpack_subelements %get3A_363, 0 {pack_format = #tpu.pack_format<interleaved>} : vector<32xbf16> -> vector<16xf32>
        %unpack3A_365 = tpu.unpack_subelements %get3A_363, 1 {pack_format = #tpu.pack_format<interleaved>} : vector<32xbf16> -> vector<16xf32>
        %get3A_366 = arith.index_cast %scan3A_271 : i32 to index
        %get3A_367 = arith.constant 224 : index
        %get3A_368 = tpu.vector_load %arg14[%get3A_366, %get3A_367] {strides = array<i32>} : memref<64x544xbf16, #tpu.memory_space<vmem>>, vector<32xbf16>,
        %unpack3A_369 = tpu.unpack_subelements %get3A_368, 0 {pack_format = #tpu.pack_format<interleaved>} : vector<32xbf16> -> vector<16xf32>
        %unpack3A_370 = tpu.unpack_subelements %get3A_368, 1 {pack_format = #tpu.pack_format<interleaved>} : vector<32xbf16> -> vector<16xf32>
        %mul3A_371 = arith.mulf %broadcast_in_dim3A_360, %unpack3A_364 : vector<16xf32>
        %add3A_372 = arith.addf %add3A_351, %mul3A_371 : vector<16xf32>
        %mul3A_373 = arith.mulf %broadcast_in_dim3A_360, %unpack3A_365 : vector<16xf32>
        %add3A_374 = arith.addf %add3A_353, %mul3A_373 : vector<16xf32>
        %mul3A_375 = arith.mulf %broadcast_in_dim3A_360, %unpack3A_369 : vector<16xf32>
        %add3A_376 = arith.addf %add3A_355, %mul3A_375 : vector<16xf32>
        %mul3A_377 = arith.mulf %broadcast_in_dim3A_360, %unpack3A_370 : vector<16xf32>
        %add3A_378 = arith.addf %add3A_357, %mul3A_377 : vector<16xf32>
        %slice3A_379 = vector.extract_strided_slice %mul3A_289 {offsets = [4], sizes = [1], strides = [1]} : vector<16xf32> to vector<1xf32>
        %squeeze3A_380 = vector.extract %slice3A_379[0] : f32 from vector<1xf32>
        %broadcast_in_dim3A_381 = vector.broadcast %squeeze3A_380 : f32 to vector<16xf32>
        %get3A_382 = arith.index_cast %scan3A_271 : i32 to index
        %get3A_383 = arith.constant 256 : index
        %get3A_384 = tpu.vector_load %arg14[%get3A_382, %get3A_383] {strides = array<i32>} : memref<64x544xbf16, #tpu.memory_space<vmem>>, vector<32xbf16>,
        %unpack3A_385 = tpu.unpack_subelements %get3A_384, 0 {pack_format = #tpu.pack_format<interleaved>} : vector<32xbf16> -> vector<16xf32>
        %unpack3A_386 = tpu.unpack_subelements %get3A_384, 1 {pack_format = #tpu.pack_format<interleaved>} : vector<32xbf16> -> vector<16xf32>
        %get3A_387 = arith.index_cast %scan3A_271 : i32 to index
        %get3A_388 = arith.constant 288 : index
        %get3A_389 = tpu.vector_load %arg14[%get3A_387, %get3A_388] {strides = array<i32>} : memref<64x544xbf16, #tpu.memory_space<vmem>>, vector<32xbf16>,
        %unpack3A_390 = tpu.unpack_subelements %get3A_389, 0 {pack_format = #tpu.pack_format<interleaved>} : vector<32xbf16> -> vector<16xf32>
        %unpack3A_391 = tpu.unpack_subelements %get3A_389, 1 {pack_format = #tpu.pack_format<interleaved>} : vector<32xbf16> -> vector<16xf32>
        %mul3A_392 = arith.mulf %broadcast_in_dim3A_381, %unpack3A_385 : vector<16xf32>
        %add3A_393 = arith.addf %add3A_372, %mul3A_392 : vector<16xf32>
        %mul3A_394 = arith.mulf %broadcast_in_dim3A_381, %unpack3A_386 : vector<16xf32>
        %add3A_395 = arith.addf %add3A_374, %mul3A_394 : vector<16xf32>
        %mul3A_396 = arith.mulf %broadcast_in_dim3A_381, %unpack3A_390 : vector<16xf32>
        %add3A_397 = arith.addf %add3A_376, %mul3A_396 : vector<16xf32>
        %mul3A_398 = arith.mulf %broadcast_in_dim3A_381, %unpack3A_391 : vector<16xf32>
        %add3A_399 = arith.addf %add3A_378, %mul3A_398 : vector<16xf32>
        %slice3A_400 = vector.extract_strided_slice %mul3A_289 {offsets = [5], sizes = [1], strides = [1]} : vector<16xf32> to vector<1xf32>
        %squeeze3A_401 = vector.extract %slice3A_400[0] : f32 from vector<1xf32>
        %broadcast_in_dim3A_402 = vector.broadcast %squeeze3A_401 : f32 to vector<16xf32>
        %get3A_403 = arith.index_cast %scan3A_271 : i32 to index
        %get3A_404 = arith.constant 320 : index
        %get3A_405 = tpu.vector_load %arg14[%get3A_403, %get3A_404] {strides = array<i32>} : memref<64x544xbf16, #tpu.memory_space<vmem>>, vector<32xbf16>,
        %unpack3A_406 = tpu.unpack_subelements %get3A_405, 0 {pack_format = #tpu.pack_format<interleaved>} : vector<32xbf16> -> vector<16xf32>
        %unpack3A_407 = tpu.unpack_subelements %get3A_405, 1 {pack_format = #tpu.pack_format<interleaved>} : vector<32xbf16> -> vector<16xf32>
        %get3A_408 = arith.index_cast %scan3A_271 : i32 to index
        %get3A_409 = arith.constant 352 : index
        %get3A_410 = tpu.vector_load %arg14[%get3A_408, %get3A_409] {strides = array<i32>} : memref<64x544xbf16, #tpu.memory_space<vmem>>, vector<32xbf16>,
        %unpack3A_411 = tpu.unpack_subelements %get3A_410, 0 {pack_format = #tpu.pack_format<interleaved>} : vector<32xbf16> -> vector<16xf32>
        %unpack3A_412 = tpu.unpack_subelements %get3A_410, 1 {pack_format = #tpu.pack_format<interleaved>} : vector<32xbf16> -> vector<16xf32>
        %mul3A_413 = arith.mulf %broadcast_in_dim3A_402, %unpack3A_406 : vector<16xf32>
        %add3A_414 = arith.addf %add3A_393, %mul3A_413 : vector<16xf32>
        %mul3A_415 = arith.mulf %broadcast_in_dim3A_402, %unpack3A_407 : vector<16xf32>
        %add3A_416 = arith.addf %add3A_395, %mul3A_415 : vector<16xf32>
        %mul3A_417 = arith.mulf %broadcast_in_dim3A_402, %unpack3A_411 : vector<16xf32>
        %add3A_418 = arith.addf %add3A_397, %mul3A_417 : vector<16xf32>
        %mul3A_419 = arith.mulf %broadcast_in_dim3A_402, %unpack3A_412 : vector<16xf32>
        %add3A_420 = arith.addf %add3A_399, %mul3A_419 : vector<16xf32>
        %slice3A_421 = vector.extract_strided_slice %mul3A_289 {offsets = [6], sizes = [1], strides = [1]} : vector<16xf32> to vector<1xf32>
        %squeeze3A_422 = vector.extract %slice3A_421[0] : f32 from vector<1xf32>
        %broadcast_in_dim3A_423 = vector.broadcast %squeeze3A_422 : f32 to vector<16xf32>
        %get3A_424 = arith.index_cast %scan3A_271 : i32 to index
        %get3A_425 = arith.constant 384 : index
        %get3A_426 = tpu.vector_load %arg14[%get3A_424, %get3A_425] {strides = array<i32>} : memref<64x544xbf16, #tpu.memory_space<vmem>>, vector<32xbf16>,
        %unpack3A_427 = tpu.unpack_subelements %get3A_426, 0 {pack_format = #tpu.pack_format<interleaved>} : vector<32xbf16> -> vector<16xf32>
        %unpack3A_428 = tpu.unpack_subelements %get3A_426, 1 {pack_format = #tpu.pack_format<interleaved>} : vector<32xbf16> -> vector<16xf32>
        %get3A_429 = arith.index_cast %scan3A_271 : i32 to index
        %get3A_430 = arith.constant 416 : index
        %get3A_431 = tpu.vector_load %arg14[%get3A_429, %get3A_430] {strides = array<i32>} : memref<64x544xbf16, #tpu.memory_space<vmem>>, vector<32xbf16>,
        %unpack3A_432 = tpu.unpack_subelements %get3A_431, 0 {pack_format = #tpu.pack_format<interleaved>} : vector<32xbf16> -> vector<16xf32>
        %unpack3A_433 = tpu.unpack_subelements %get3A_431, 1 {pack_format = #tpu.pack_format<interleaved>} : vector<32xbf16> -> vector<16xf32>
        %mul3A_434 = arith.mulf %broadcast_in_dim3A_423, %unpack3A_427 : vector<16xf32>
        %add3A_435 = arith.addf %add3A_414, %mul3A_434 : vector<16xf32>
        %mul3A_436 = arith.mulf %broadcast_in_dim3A_423, %unpack3A_428 : vector<16xf32>
        %add3A_437 = arith.addf %add3A_416, %mul3A_436 : vector<16xf32>
        %mul3A_438 = arith.mulf %broadcast_in_dim3A_423, %unpack3A_432 : vector<16xf32>
        %add3A_439 = arith.addf %add3A_418, %mul3A_438 : vector<16xf32>
        %mul3A_440 = arith.mulf %broadcast_in_dim3A_423, %unpack3A_433 : vector<16xf32>
        %add3A_441 = arith.addf %add3A_420, %mul3A_440 : vector<16xf32>
        %slice3A_442 = vector.extract_strided_slice %mul3A_289 {offsets = [7], sizes = [1], strides = [1]} : vector<16xf32> to vector<1xf32>
        %squeeze3A_443 = vector.extract %slice3A_442[0] : f32 from vector<1xf32>
        %broadcast_in_dim3A_444 = vector.broadcast %squeeze3A_443 : f32 to vector<16xf32>
        %get3A_445 = arith.index_cast %scan3A_271 : i32 to index
        %get3A_446 = arith.constant 448 : index
        %get3A_447 = tpu.vector_load %arg14[%get3A_445, %get3A_446] {strides = array<i32>} : memref<64x544xbf16, #tpu.memory_space<vmem>>, vector<32xbf16>,
        %unpack3A_448 = tpu.unpack_subelements %get3A_447, 0 {pack_format = #tpu.pack_format<interleaved>} : vector<32xbf16> -> vector<16xf32>
        %unpack3A_449 = tpu.unpack_subelements %get3A_447, 1 {pack_format = #tpu.pack_format<interleaved>} : vector<32xbf16> -> vector<16xf32>
        %get3A_450 = arith.index_cast %scan3A_271 : i32 to index
        %get3A_451 = arith.constant 480 : index
        %get3A_452 = tpu.vector_load %arg14[%get3A_450, %get3A_451] {strides = array<i32>} : memref<64x544xbf16, #tpu.memory_space<vmem>>, vector<32xbf16>,
        %unpack3A_453 = tpu.unpack_subelements %get3A_452, 0 {pack_format = #tpu.pack_format<interleaved>} : vector<32xbf16> -> vector<16xf32>
        %unpack3A_454 = tpu.unpack_subelements %get3A_452, 1 {pack_format = #tpu.pack_format<interleaved>} : vector<32xbf16> -> vector<16xf32>
        %mul3A_455 = arith.mulf %broadcast_in_dim3A_444, %unpack3A_448 : vector<16xf32>
        %add3A_456 = arith.addf %add3A_435, %mul3A_455 : vector<16xf32>
        %mul3A_457 = arith.mulf %broadcast_in_dim3A_444, %unpack3A_449 : vector<16xf32>
        %add3A_458 = arith.addf %add3A_437, %mul3A_457 : vector<16xf32>
        %mul3A_459 = arith.mulf %broadcast_in_dim3A_444, %unpack3A_453 : vector<16xf32>
        %add3A_460 = arith.addf %add3A_439, %mul3A_459 : vector<16xf32>
        %mul3A_461 = arith.mulf %broadcast_in_dim3A_444, %unpack3A_454 : vector<16xf32>
        %add3A_462 = arith.addf %add3A_441, %mul3A_461 : vector<16xf32>
        %swap3A_463 = arith.index_cast %scan3A_271 : i32 to index
        %swap3A_464 = arith.constant 0 : index
        %swap3A_465 = tpu.vector_load %arg16[%swap3A_463, %swap3A_464] {strides = array<i32>} : memref<64x64xf32, #tpu.memory_space<vmem>>, vector<16xf32>,
        tpu.vector_store %arg16[%swap3A_463, %swap3A_464], %add3A_456 {strides = array<i32>} : memref<64x64xf32, #tpu.memory_space<vmem>>, vector<16xf32>,
        %swap3A_466 = arith.index_cast %scan3A_271 : i32 to index
        %swap3A_467 = arith.constant 16 : index
        %swap3A_468 = tpu.vector_load %arg16[%swap3A_466, %swap3A_467] {strides = array<i32>} : memref<64x64xf32, #tpu.memory_space<vmem>>, vector<16xf32>,
        tpu.vector_store %arg16[%swap3A_466, %swap3A_467], %add3A_458 {strides = array<i32>} : memref<64x64xf32, #tpu.memory_space<vmem>>, vector<16xf32>,
        %swap3A_469 = arith.index_cast %scan3A_271 : i32 to index
        %swap3A_470 = arith.constant 32 : index
        %swap3A_471 = tpu.vector_load %arg16[%swap3A_469, %swap3A_470] {strides = array<i32>} : memref<64x64xf32, #tpu.memory_space<vmem>>, vector<16xf32>,
        tpu.vector_store %arg16[%swap3A_469, %swap3A_470], %add3A_460 {strides = array<i32>} : memref<64x64xf32, #tpu.memory_space<vmem>>, vector<16xf32>,
        %swap3A_472 = arith.index_cast %scan3A_271 : i32 to index
        %swap3A_473 = arith.constant 48 : index
        %swap3A_474 = tpu.vector_load %arg16[%swap3A_472, %swap3A_473] {strides = array<i32>} : memref<64x64xf32, #tpu.memory_space<vmem>>, vector<16xf32>,
        tpu.vector_store %arg16[%swap3A_472, %swap3A_473], %add3A_462 {strides = array<i32>} : memref<64x64xf32, #tpu.memory_space<vmem>>, vector<16xf32>,
      }
      %scan3A_269 = arith.constant 64 : i32
      %run_scoped3A_270 = arith.constant 1 : i32
      "tpu.region"() ({
        %run_scoped3A_271 = tpu.sem_alloc : memref<!tpu.dma_semaphore, #tpu.memory_space<semaphore_mem>>
        %dma_start3A_272 = arith.constant 0 : i32
        %dma_start3A_273 = tpu.memref_slice %arg11[%run_scoped3A_270, %dma_start3A_272] : memref<2x64xi32, #tpu.memory_space<vmem>> -> memref<1x64xi32, #tpu.memory_space<vmem>>
        %dma_start3A_274 = tpu.memref_squeeze %dma_start3A_273 : memref<1x64xi32, #tpu.memory_space<vmem>> -> memref<64xi32, #tpu.memory_space<vmem>>
        %dma_start3A_275 = arith.constant 0 : i32
        %dma_start3A_276 = arith.constant 0 : i32
        %dma_start3A_277 = tpu.memref_slice %arg17[%dma_start3A_275, %dma_start3A_276] : memref<10240x64xf32, #tpu.memory_space<vmem_shared>> -> memref<10240x64xf32, #tpu.memory_space<vmem_shared>>
        tpu.enqueue_indirect_dma source(%arg16 : memref<64x64xf32, #tpu.memory_space<vmem>>) target(%dma_start3A_277 : memref<10240x64xf32, #tpu.memory_space<vmem_shared>>) offsets(%dma_start3A_274 : memref<64xi32, #tpu.memory_space<vmem>>) semaphore(%run_scoped3A_271 : memref<!tpu.dma_semaphore, #tpu.memory_space<semaphore_mem>>) {add = true}
        %dma_wait3A_278 = arith.constant 0 : i32
        %dma_wait3A_279 = tpu.memref_slice %arg11[%run_scoped3A_270, %dma_wait3A_278] : memref<2x64xi32, #tpu.memory_space<vmem>> -> memref<1x64xi32, #tpu.memory_space<vmem>>
        %dma_wait3A_280 = tpu.memref_squeeze %dma_wait3A_279 : memref<1x64xi32, #tpu.memory_space<vmem>> -> memref<64xi32, #tpu.memory_space<vmem>>
        %dma_wait3A_281 = arith.constant 0 : i32
        %dma_wait3A_282 = arith.constant 0 : i32
        %dma_wait3A_283 = tpu.memref_slice %arg17[%dma_wait3A_281, %dma_wait3A_282] : memref<10240x64xf32, #tpu.memory_space<vmem_shared>> -> memref<10240x64xf32, #tpu.memory_space<vmem_shared>>
        tpu.wait_indirect_dma semaphore(%run_scoped3A_271 : memref<!tpu.dma_semaphore, #tpu.memory_space<semaphore_mem>>) src(%arg16 : memref<64x64xf32, #tpu.memory_space<vmem>>) dst(%dma_wait3A_283 : memref<10240x64xf32, #tpu.memory_space<vmem_shared>>)
        tpu.yield
      }) : () -> ()
    }
    %scan3A_73 = arith.constant 84 : i32
    %dma_wait3A = arith.constant 0 : i32
    %dma_wait3A_74 = arith.constant 0 : i32
    %dma_wait3A_75 = tpu.memref_slice %arg10[%dma_wait3A, %dma_wait3A_74] : memref<2x64xi32, #tpu.memory_space<vmem>> -> memref<1x64xi32, #tpu.memory_space<vmem>>
    %dma_wait3A_76 = tpu.memref_squeeze %dma_wait3A_75 : memref<1x64xi32, #tpu.memory_space<vmem>> -> memref<64xi32, #tpu.memory_space<vmem>>
    %dma_wait3A_77 = arith.constant 0 : i32
    %dma_wait3A_78 = arith.constant 0 : i32
    %dma_wait3A_79 = tpu.memref_slice %arg2[%dma_wait3A_77, %dma_wait3A_78] : memref<10240x544xbf16, #tpu.memory_space<hbm>> -> memref<10240x544xbf16, #tpu.memory_space<hbm>>
    tpu.wait_indirect_dma semaphore(%arg18 : memref<!tpu.dma_semaphore, #tpu.memory_space<semaphore_mem>>) src(%dma_wait3A_79 : memref<10240x544xbf16, #tpu.memory_space<hbm>>) dst(%arg12 : memref<64x544xbf16, #tpu.memory_space<vmem>>)
    %dma_wait3A_80 = arith.constant 0 : i32
    %dma_wait3A_81 = arith.constant 0 : i32
    %dma_wait3A_82 = tpu.memref_slice %arg11[%dma_wait3A_80, %dma_wait3A_81] : memref<2x64xi32, #tpu.memory_space<vmem>> -> memref<1x64xi32, #tpu.memory_space<vmem>>
    %dma_wait3A_83 = tpu.memref_squeeze %dma_wait3A_82 : memref<1x64xi32, #tpu.memory_space<vmem>> -> memref<64xi32, #tpu.memory_space<vmem>>
    %dma_wait3A_84 = arith.constant 0 : i32
    %dma_wait3A_85 = arith.constant 0 : i32
    %dma_wait3A_86 = tpu.memref_slice %arg3[%dma_wait3A_84, %dma_wait3A_85] : memref<10240x32xf32, #tpu.memory_space<hbm>> -> memref<10240x32xf32, #tpu.memory_space<hbm>>
    tpu.wait_indirect_dma semaphore(%arg19 : memref<!tpu.dma_semaphore, #tpu.memory_space<semaphore_mem>>) src(%dma_wait3A_86 : memref<10240x32xf32, #tpu.memory_space<hbm>>) dst(%arg13 : memref<64x32xf32, #tpu.memory_space<vmem>>)
    %barrier3A_87 = arith.constant 0 : index
    tpu.barrier barrier_id(%barrier3A_87)
    %mul3A_88 = arith.constant 10240 : i32
    %mul3A_89 = arith.muli %arg0, %mul3A_88 : i32
    %add3A_90 = arith.addi %mul3A_89, %mul3A_2 : i32
    "tpu.region"() ({
      %run_scoped3A = tpu.sem_alloc : memref<!tpu.dma_semaphore, #tpu.memory_space<semaphore_mem>>
      %dma_start3A_91 = arith.constant 0 : i32
      %dma_start3A_92 = tpu.memref_slice %arg7[%add3A_90, %dma_start3A_91] : memref<20480x64xf32, #tpu.memory_space<hbm>> -> memref<640x64xf32, #tpu.memory_space<hbm>>
      %dma_start3A_93 = arith.constant 0 : i32
      %dma_start3A_94 = tpu.memref_slice %arg17[%mul3A_2, %dma_start3A_93] : memref<10240x64xf32, #tpu.memory_space<vmem_shared>> -> memref<640x64xf32, #tpu.memory_space<vmem_shared>>
      tpu.enqueue_dma source(%dma_start3A_94 : memref<640x64xf32, #tpu.memory_space<vmem_shared>>) target(%dma_start3A_92 : memref<640x64xf32, #tpu.memory_space<hbm>>) target_semaphore(%run_scoped3A : memref<!tpu.dma_semaphore, #tpu.memory_space<semaphore_mem>>)
      %dma_wait3A_95 = arith.constant 0 : i32
      %dma_wait3A_96 = tpu.memref_slice %arg7[%add3A_90, %dma_wait3A_95] : memref<20480x64xf32, #tpu.memory_space<hbm>> -> memref<640x64xf32, #tpu.memory_space<hbm>>
      %dma_wait3A_97 = arith.constant 0 : i32
      %dma_wait3A_98 = tpu.memref_slice %arg17[%mul3A_2, %dma_wait3A_97] : memref<10240x64xf32, #tpu.memory_space<vmem_shared>> -> memref<640x64xf32, #tpu.memory_space<vmem_shared>>
      tpu.wait_dma2 semaphore(%run_scoped3A : memref<!tpu.dma_semaphore, #tpu.memory_space<semaphore_mem>>) src(%dma_wait3A_98 : memref<640x64xf32, #tpu.memory_space<vmem_shared>>) dst(%dma_wait3A_96 : memref<640x64xf32, #tpu.memory_space<hbm>>)
      tpu.yield
    }) : () -> ()
    return
  }
}

module attributes {stable_mosaic.version = 14 : i64} {
  func.func @_tc1_body(%arg0: i32, %arg1: memref<1024x128xf32, #tpu.memory_space<vmem>>, %arg2: memref<128x64xf32, #tpu.memory_space<vmem>>, %arg3: memref<64x16xf32, #tpu.memory_space<vmem>>, %arg4: memref<64x16xf32, #tpu.memory_space<vmem>>, %arg5: memref<1024x80xf32, #tpu.memory_space<vmem>>, %arg6: memref<1024x16xf32, #tpu.memory_space<vmem>>) attributes {dimension_semantics = [#tpu.dimension_semantics<arbitrary>], iteration_bounds = array<i64: 10>, scalar_prefetch = 0 : i64, scratch_operands = 0 : i64, tpu.core_type = #tpu.core_type<tc>, window_params = [{transform_indices = @transform_0, window_bounds = array<i64: 1024, 128>}, {pipeline_mode = #tpu.pipeline_mode<synchronous>, transform_indices = @transform_1, window_bounds = array<i64: 128, 64>}, {pipeline_mode = #tpu.pipeline_mode<synchronous>, transform_indices = @transform_2, window_bounds = array<i64: 64, 16>}, {pipeline_mode = #tpu.pipeline_mode<synchronous>, transform_indices = @transform_3, window_bounds = array<i64: 64, 16>}, {transform_indices = @transform_4, window_bounds = array<i64: 1024, 80>}, {transform_indices = @transform_5, window_bounds = array<i64: 1024, 16>}]} {
    %get3A = arith.constant 0 : index
    %get3A_0 = arith.constant 0 : index
    %get3A_1 = vector.load %arg1[%get3A, %get3A_0] : memref<1024x128xf32, #tpu.memory_space<vmem>>, vector<1024x128xf32>
    %get3A_2 = arith.constant 0 : index
    %get3A_3 = arith.constant 0 : index
    %get3A_4 = vector.load %arg2[%get3A_2, %get3A_3] : memref<128x64xf32, #tpu.memory_space<vmem>>, vector<128x64xf32>
    %dot_general3A = arith.constant dense<0.000000e+00> : vector<1024x64xf32>
    %dot_general3A_5 = tpu.matmul %get3A_1, %get3A_4, %dot_general3A {dimension_numbers = #tpu.dot_dimension_numbers<[1], [0], [0], [1], [0, 0, 1, 1], [], []>, transpose_lhs_hint = false} : vector<1024x128xf32>, vector<128x64xf32>, vector<1024x64xf32> -> vector<1024x64xf32>
    %get3A_6 = arith.constant 0 : index
    %get3A_7 = arith.constant 0 : index
    %get3A_8 = vector.load %arg3[%get3A_6, %get3A_7] : memref<64x16xf32, #tpu.memory_space<vmem>>, vector<64x16xf32>
    %dot_general3A_9 = arith.constant dense<0.000000e+00> : vector<1024x16xf32>
    %dot_general3A_10 = tpu.matmul %dot_general3A_5, %get3A_8, %dot_general3A_9 {dimension_numbers = #tpu.dot_dimension_numbers<[1], [0], [0], [1], [0, 0, 1, 1], [], []>, transpose_lhs_hint = false} : vector<1024x64xf32>, vector<64x16xf32>, vector<1024x16xf32> -> vector<1024x16xf32>
    %concatenate3A = tpu.concatenate %dot_general3A_5, %dot_general3A_10 in 1 : vector<1024x64xf32>, vector<1024x16xf32> -> vector<1024x80xf32>
    %swap3A = arith.constant 0 : index
    %swap3A_11 = arith.constant 0 : index
    %swap3A_12 = vector.load %arg5[%swap3A, %swap3A_11] : memref<1024x80xf32, #tpu.memory_space<vmem>>, vector<1024x80xf32>
    tpu.vector_store %arg5[%swap3A, %swap3A_11], %concatenate3A {strides = array<i32>} : memref<1024x80xf32, #tpu.memory_space<vmem>>, vector<1024x80xf32>,
    %get3A_13 = arith.constant 0 : index
    %get3A_14 = arith.constant 0 : index
    %get3A_15 = vector.load %arg4[%get3A_13, %get3A_14] : memref<64x16xf32, #tpu.memory_space<vmem>>, vector<64x16xf32>
    %dot_general3A_16 = arith.constant dense<0.000000e+00> : vector<1024x16xf32>
    %dot_general3A_17 = tpu.matmul %dot_general3A_5, %get3A_15, %dot_general3A_16 {dimension_numbers = #tpu.dot_dimension_numbers<[1], [0], [0], [1], [0, 0, 1, 1], [], []>, transpose_lhs_hint = false} : vector<1024x64xf32>, vector<64x16xf32>, vector<1024x16xf32> -> vector<1024x16xf32>
    %swap3A_18 = arith.constant 0 : index
    %swap3A_19 = arith.constant 0 : index
    %swap3A_20 = vector.load %arg6[%swap3A_18, %swap3A_19] : memref<1024x16xf32, #tpu.memory_space<vmem>>, vector<1024x16xf32>
    tpu.vector_store %arg6[%swap3A_18, %swap3A_19], %dot_general3A_17 {strides = array<i32>} : memref<1024x16xf32, #tpu.memory_space<vmem>>, vector<1024x16xf32>,
    return
  }
  func.func @transform_0(%arg0: i32) -> (i32, i32) {
    %c0_i32 = arith.constant 0 : i32
    %c0_i32_0 = arith.constant 0 : i32
    return %arg0, %c0_i32 : i32, i32
  }
  func.func @transform_1(%arg0: i32) -> (i32, i32) {
    %c0_i32 = arith.constant 0 : i32
    %c0_i32_0 = arith.constant 0 : i32
    %c0_i32_1 = arith.constant 0 : i32
    return %c0_i32, %c0_i32_0 : i32, i32
  }
  func.func @transform_2(%arg0: i32) -> (i32, i32) {
    %c0_i32 = arith.constant 0 : i32
    %c0_i32_0 = arith.constant 0 : i32
    %c0_i32_1 = arith.constant 0 : i32
    return %c0_i32, %c0_i32_0 : i32, i32
  }
  func.func @transform_3(%arg0: i32) -> (i32, i32) {
    %c0_i32 = arith.constant 0 : i32
    %c0_i32_0 = arith.constant 0 : i32
    %c0_i32_1 = arith.constant 0 : i32
    return %c0_i32, %c0_i32_0 : i32, i32
  }
  func.func @transform_4(%arg0: i32) -> (i32, i32) {
    %c0_i32 = arith.constant 0 : i32
    %c0_i32_0 = arith.constant 0 : i32
    return %arg0, %c0_i32 : i32, i32
  }
  func.func @transform_5(%arg0: i32) -> (i32, i32) {
    %c0_i32 = arith.constant 0 : i32
    %c0_i32_0 = arith.constant 0 : i32
    return %arg0, %c0_i32 : i32, i32
  }
}

module attributes {stable_mosaic.version = 14 : i64} {
  func.func @_tc2_body(%arg0: i32, %arg1: memref<2x1024x80xf32, #tpu.memory_space<vmem>>, %arg2: memref<16x64xf32, #tpu.memory_space<vmem>>, %arg3: memref<1x64xf32, #tpu.memory_space<vmem>>, %arg4: memref<64x512xf32, #tpu.memory_space<vmem>>, %arg5: memref<512x16xf32, #tpu.memory_space<vmem>>, %arg6: memref<512x16xf32, #tpu.memory_space<vmem>>, %arg7: memref<512x32xf32, #tpu.memory_space<vmem>>, %arg8: memref<1024x544xbf16, #tpu.memory_space<vmem>>, %arg9: memref<1024x16xf32, #tpu.memory_space<vmem>>, %arg10: memref<1024x16xf32, #tpu.memory_space<vmem>>) attributes {dimension_semantics = [#tpu.dimension_semantics<arbitrary>], iteration_bounds = array<i64: 10>, scalar_prefetch = 0 : i64, scratch_operands = 0 : i64, tpu.core_type = #tpu.core_type<tc>, window_params = [{transform_indices = @transform_0, window_bounds = array<i64: 2, 1024, 80>}, {pipeline_mode = #tpu.pipeline_mode<synchronous>, transform_indices = @transform_1, window_bounds = array<i64: 16, 64>}, {pipeline_mode = #tpu.pipeline_mode<synchronous>, transform_indices = @transform_2, window_bounds = array<i64: 1, 64>}, {pipeline_mode = #tpu.pipeline_mode<synchronous>, transform_indices = @transform_3, window_bounds = array<i64: 64, 512>}, {pipeline_mode = #tpu.pipeline_mode<synchronous>, transform_indices = @transform_4, window_bounds = array<i64: 512, 16>}, {pipeline_mode = #tpu.pipeline_mode<synchronous>, transform_indices = @transform_5, window_bounds = array<i64: 512, 16>}, {pipeline_mode = #tpu.pipeline_mode<synchronous>, transform_indices = @transform_6, window_bounds = array<i64: 512, 32>}, {transform_indices = @transform_7, window_bounds = array<i64: 1024, 544>}, {transform_indices = @transform_8, window_bounds = array<i64: 1024, 16>}, {transform_indices = @transform_9, window_bounds = array<i64: 1024, 16>}]} {
    %get3A = arith.constant 0 : index
    %get3A_0 = arith.constant 0 : index
    %get3A_1 = arith.constant 0 : index
    %get3A_2 = vector.load %arg1[%get3A, %get3A_0, %get3A_1] : memref<2x1024x80xf32, #tpu.memory_space<vmem>>, vector<1x1024x80xf32>
    %get3A_3 = vector.shape_cast %get3A_2 : vector<1x1024x80xf32> to vector<1024x80xf32>
    %slice3A = vector.extract_strided_slice %get3A_3 {offsets = [0, 0], sizes = [1024, 64], strides = [1, 1]} : vector<1024x80xf32> to vector<1024x64xf32>
    %get3A_4 = arith.constant 1 : index
    %get3A_5 = arith.constant 0 : index
    %get3A_6 = arith.constant 0 : index
    %get3A_7 = vector.load %arg1[%get3A_4, %get3A_5, %get3A_6] : memref<2x1024x80xf32, #tpu.memory_space<vmem>>, vector<1x1024x80xf32>
    %get3A_8 = vector.shape_cast %get3A_7 : vector<1x1024x80xf32> to vector<1024x80xf32>
    %slice3A_9 = vector.extract_strided_slice %get3A_8 {offsets = [0, 0], sizes = [1024, 64], strides = [1, 1]} : vector<1024x80xf32> to vector<1024x64xf32>
    %add3A = arith.addf %slice3A, %slice3A_9 : vector<1024x64xf32>
    %get3A_10 = arith.constant 0 : index
    %get3A_11 = arith.constant 0 : index
    %get3A_12 = arith.constant 0 : index
    %get3A_13 = vector.load %arg1[%get3A_10, %get3A_11, %get3A_12] : memref<2x1024x80xf32, #tpu.memory_space<vmem>>, vector<1x1024x80xf32>
    %get3A_14 = vector.shape_cast %get3A_13 : vector<1x1024x80xf32> to vector<1024x80xf32>
    %slice3A_15 = vector.extract_strided_slice %get3A_14 {offsets = [0, 64], sizes = [1024, 16], strides = [1, 1]} : vector<1024x80xf32> to vector<1024x16xf32>
    %get3A_16 = arith.constant 1 : index
    %get3A_17 = arith.constant 0 : index
    %get3A_18 = arith.constant 0 : index
    %get3A_19 = vector.load %arg1[%get3A_16, %get3A_17, %get3A_18] : memref<2x1024x80xf32, #tpu.memory_space<vmem>>, vector<1x1024x80xf32>
    %get3A_20 = vector.shape_cast %get3A_19 : vector<1x1024x80xf32> to vector<1024x80xf32>
    %slice3A_21 = vector.extract_strided_slice %get3A_20 {offsets = [0, 64], sizes = [1024, 16], strides = [1, 1]} : vector<1024x80xf32> to vector<1024x16xf32>
    %add3A_22 = arith.addf %slice3A_15, %slice3A_21 : vector<1024x16xf32>
    %get3A_23 = arith.constant 0 : index
    %get3A_24 = arith.constant 0 : index
    %get3A_25 = vector.load %arg2[%get3A_23, %get3A_24] : memref<16x64xf32, #tpu.memory_space<vmem>>, vector<16x64xf32>
    %dot_general3A = arith.constant dense<0.000000e+00> : vector<1024x64xf32>
    %dot_general3A_26 = tpu.matmul %add3A_22, %get3A_25, %dot_general3A {dimension_numbers = #tpu.dot_dimension_numbers<[1], [0], [0], [1], [0, 0, 1, 1], [], []>, transpose_lhs_hint = false} : vector<1024x16xf32>, vector<16x64xf32>, vector<1024x64xf32> -> vector<1024x64xf32>
    %add3A_27 = arith.constant 1.000000e-16 : f32
    %add3A_28 = vector.broadcast %add3A_27 : f32 to vector<1024x64xf32>
    %add3A_29 = arith.addf %dot_general3A_26, %add3A_28 : vector<1024x64xf32>
    %div3A = arith.divf %add3A, %add3A_29 : vector<1024x64xf32>
    %get3A_30 = arith.constant 0 : index
    %get3A_31 = arith.constant 0 : index
    %get3A_32 = vector.load %arg3[%get3A_30, %get3A_31] : memref<1x64xf32, #tpu.memory_space<vmem>>, vector<1x64xf32>
    %add3A_33 = vector.broadcast %get3A_32 : vector<1x64xf32> to vector<1024x64xf32>
    %add3A_34 = arith.addf %div3A, %add3A_33 : vector<1024x64xf32>
    %gt3A = arith.constant 0.000000e+00 : f32
    %gt3A_35 = vector.broadcast %gt3A : f32 to vector<1024x64xf32>
    %gt3A_36 = arith.cmpf ogt, %add3A_34, %gt3A_35 : vector<1024x64xf32>
    %exp3A = math.exp %add3A_34 : vector<1024x64xf32>
    %sub3A = arith.constant 1.000000e+00 : f32
    %sub3A_37 = vector.broadcast %sub3A : f32 to vector<1024x64xf32>
    %sub3A_38 = arith.subf %exp3A, %sub3A_37 : vector<1024x64xf32>
    %select_n3A = arith.select %gt3A_36, %add3A_34, %sub3A_38 : vector<1024x64xi1>, vector<1024x64xf32>
    %get3A_39 = arith.constant 0 : index
    %get3A_40 = arith.constant 0 : index
    %get3A_41 = vector.load %arg4[%get3A_39, %get3A_40] : memref<64x512xf32, #tpu.memory_space<vmem>>, vector<64x512xf32>
    %dot_general3A_42 = arith.constant dense<0.000000e+00> : vector<1024x512xf32>
    %dot_general3A_43 = tpu.matmul %select_n3A, %get3A_41, %dot_general3A_42 {dimension_numbers = #tpu.dot_dimension_numbers<[1], [0], [0], [1], [0, 0, 1, 1], [], []>, transpose_lhs_hint = false} : vector<1024x64xf32>, vector<64x512xf32>, vector<1024x512xf32> -> vector<1024x512xf32>
    %get3A_44 = arith.constant 0 : index
    %get3A_45 = arith.constant 0 : index
    %get3A_46 = vector.load %arg7[%get3A_44, %get3A_45] : memref<512x32xf32, #tpu.memory_space<vmem>>, vector<512x32xf32>
    %dot_general3A_47 = arith.constant dense<0.000000e+00> : vector<1024x32xf32>
    %dot_general3A_48 = tpu.matmul %dot_general3A_43, %get3A_46, %dot_general3A_47 {dimension_numbers = #tpu.dot_dimension_numbers<[1], [0], [0], [1], [0, 0, 1, 1], [], []>, transpose_lhs_hint = false} : vector<1024x512xf32>, vector<512x32xf32>, vector<1024x32xf32> -> vector<1024x32xf32>
    %concatenate3A = tpu.concatenate %dot_general3A_43, %dot_general3A_48 in 1 : vector<1024x512xf32>, vector<1024x32xf32> -> vector<1024x544xf32>
    %convert_element_type3A = arith.truncf %concatenate3A : vector<1024x544xf32> to vector<1024x544xbf16>
    %swap3A = arith.constant 0 : index
    %swap3A_49 = arith.constant 0 : index
    %swap3A_50 = vector.load %arg8[%swap3A, %swap3A_49] : memref<1024x544xbf16, #tpu.memory_space<vmem>>, vector<1024x544xbf16>
    tpu.vector_store %arg8[%swap3A, %swap3A_49], %convert_element_type3A {strides = array<i32>} : memref<1024x544xbf16, #tpu.memory_space<vmem>>, vector<1024x544xbf16>,
    %get3A_51 = arith.constant 0 : index
    %get3A_52 = arith.constant 0 : index
    %get3A_53 = vector.load %arg5[%get3A_51, %get3A_52] : memref<512x16xf32, #tpu.memory_space<vmem>>, vector<512x16xf32>
    %dot_general3A_54 = arith.constant dense<0.000000e+00> : vector<1024x16xf32>
    %dot_general3A_55 = tpu.matmul %dot_general3A_43, %get3A_53, %dot_general3A_54 {dimension_numbers = #tpu.dot_dimension_numbers<[1], [0], [0], [1], [0, 0, 1, 1], [], []>, transpose_lhs_hint = false} : vector<1024x512xf32>, vector<512x16xf32>, vector<1024x16xf32> -> vector<1024x16xf32>
    %swap3A_56 = arith.constant 0 : index
    %swap3A_57 = arith.constant 0 : index
    %swap3A_58 = vector.load %arg9[%swap3A_56, %swap3A_57] : memref<1024x16xf32, #tpu.memory_space<vmem>>, vector<1024x16xf32>
    tpu.vector_store %arg9[%swap3A_56, %swap3A_57], %dot_general3A_55 {strides = array<i32>} : memref<1024x16xf32, #tpu.memory_space<vmem>>, vector<1024x16xf32>,
    %get3A_59 = arith.constant 0 : index
    %get3A_60 = arith.constant 0 : index
    %get3A_61 = vector.load %arg6[%get3A_59, %get3A_60] : memref<512x16xf32, #tpu.memory_space<vmem>>, vector<512x16xf32>
    %dot_general3A_62 = arith.constant dense<0.000000e+00> : vector<1024x16xf32>
    %dot_general3A_63 = tpu.matmul %dot_general3A_43, %get3A_61, %dot_general3A_62 {dimension_numbers = #tpu.dot_dimension_numbers<[1], [0], [0], [1], [0, 0, 1, 1], [], []>, transpose_lhs_hint = false} : vector<1024x512xf32>, vector<512x16xf32>, vector<1024x16xf32> -> vector<1024x16xf32>
    %swap3A_64 = arith.constant 0 : index
    %swap3A_65 = arith.constant 0 : index
    %swap3A_66 = vector.load %arg10[%swap3A_64, %swap3A_65] : memref<1024x16xf32, #tpu.memory_space<vmem>>, vector<1024x16xf32>
    tpu.vector_store %arg10[%swap3A_64, %swap3A_65], %dot_general3A_63 {strides = array<i32>} : memref<1024x16xf32, #tpu.memory_space<vmem>>, vector<1024x16xf32>,
    return
  }
  func.func @transform_0(%arg0: i32) -> (i32, i32, i32) {
    %c0_i32 = arith.constant 0 : i32
    %c0_i32_0 = arith.constant 0 : i32
    %c0_i32_1 = arith.constant 0 : i32
    return %c0_i32, %arg0, %c0_i32_0 : i32, i32, i32
  }
  func.func @transform_1(%arg0: i32) -> (i32, i32) {
    %c0_i32 = arith.constant 0 : i32
    %c0_i32_0 = arith.constant 0 : i32
    %c0_i32_1 = arith.constant 0 : i32
    return %c0_i32, %c0_i32_0 : i32, i32
  }
  func.func @transform_2(%arg0: i32) -> (i32, i32) {
    %c0_i32 = arith.constant 0 : i32
    %c0_i32_0 = arith.constant 0 : i32
    %c0_i32_1 = arith.constant 0 : i32
    return %c0_i32, %c0_i32_0 : i32, i32
  }
  func.func @transform_3(%arg0: i32) -> (i32, i32) {
    %c0_i32 = arith.constant 0 : i32
    %c0_i32_0 = arith.constant 0 : i32
    %c0_i32_1 = arith.constant 0 : i32
    return %c0_i32, %c0_i32_0 : i32, i32
  }
  func.func @transform_4(%arg0: i32) -> (i32, i32) {
    %c0_i32 = arith.constant 0 : i32
    %c0_i32_0 = arith.constant 0 : i32
    %c0_i32_1 = arith.constant 0 : i32
    return %c0_i32, %c0_i32_0 : i32, i32
  }
  func.func @transform_5(%arg0: i32) -> (i32, i32) {
    %c0_i32 = arith.constant 0 : i32
    %c0_i32_0 = arith.constant 0 : i32
    %c0_i32_1 = arith.constant 0 : i32
    return %c0_i32, %c0_i32_0 : i32, i32
  }
  func.func @transform_6(%arg0: i32) -> (i32, i32) {
    %c0_i32 = arith.constant 0 : i32
    %c0_i32_0 = arith.constant 0 : i32
    %c0_i32_1 = arith.constant 0 : i32
    return %c0_i32, %c0_i32_0 : i32, i32
  }
  func.func @transform_7(%arg0: i32) -> (i32, i32) {
    %c0_i32 = arith.constant 0 : i32
    %c0_i32_0 = arith.constant 0 : i32
    return %arg0, %c0_i32 : i32, i32
  }
  func.func @transform_8(%arg0: i32) -> (i32, i32) {
    %c0_i32 = arith.constant 0 : i32
    %c0_i32_0 = arith.constant 0 : i32
    return %arg0, %c0_i32 : i32, i32
  }
  func.func @transform_9(%arg0: i32) -> (i32, i32) {
    %c0_i32 = arith.constant 0 : i32
    %c0_i32_0 = arith.constant 0 : i32
    return %arg0, %c0_i32 : i32, i32
  }
}

module attributes {stable_mosaic.version = 14 : i64} {
  func.func @_tc2c_body(%arg0: i32, %arg1: memref<2x1024x16xf32, #tpu.memory_space<vmem>>, %arg2: memref<1024x16xf32, #tpu.memory_space<vmem>>, %arg3: memref<1024x32xf32, #tpu.memory_space<vmem>>) attributes {dimension_semantics = [#tpu.dimension_semantics<arbitrary>], iteration_bounds = array<i64: 10>, scalar_prefetch = 0 : i64, scratch_operands = 0 : i64, tpu.core_type = #tpu.core_type<tc>, window_params = [{transform_indices = @transform_0, window_bounds = array<i64: 2, 1024, 16>}, {transform_indices = @transform_1, window_bounds = array<i64: 1024, 16>}, {transform_indices = @transform_2, window_bounds = array<i64: 1024, 32>}]} {
    %get3A = arith.constant 0 : index
    %get3A_0 = arith.constant 0 : index
    %get3A_1 = arith.constant 0 : index
    %get3A_2 = vector.load %arg1[%get3A, %get3A_0, %get3A_1] : memref<2x1024x16xf32, #tpu.memory_space<vmem>>, vector<1x1024x16xf32>
    %get3A_3 = vector.shape_cast %get3A_2 : vector<1x1024x16xf32> to vector<1024x16xf32>
    %get3A_4 = arith.constant 1 : index
    %get3A_5 = arith.constant 0 : index
    %get3A_6 = arith.constant 0 : index
    %get3A_7 = vector.load %arg1[%get3A_4, %get3A_5, %get3A_6] : memref<2x1024x16xf32, #tpu.memory_space<vmem>>, vector<1x1024x16xf32>
    %get3A_8 = vector.shape_cast %get3A_7 : vector<1x1024x16xf32> to vector<1024x16xf32>
    %add3A = arith.addf %get3A_3, %get3A_8 : vector<1024x16xf32>
    %add3A_9 = arith.constant 1.000000e-16 : f32
    %add3A_10 = vector.broadcast %add3A_9 : f32 to vector<1024x16xf32>
    %add3A_11 = arith.addf %add3A, %add3A_10 : vector<1024x16xf32>
    %div3A = arith.constant 1.250000e-01 : f32
    %div3A_12 = vector.broadcast %div3A : f32 to vector<1024x16xf32>
    %div3A_13 = arith.divf %div3A_12, %add3A_11 : vector<1024x16xf32>
    %get3A_14 = arith.constant 0 : index
    %get3A_15 = arith.constant 0 : index
    %get3A_16 = vector.load %arg2[%get3A_14, %get3A_15] : memref<1024x16xf32, #tpu.memory_space<vmem>>, vector<1024x16xf32>
    %concatenate3A = tpu.concatenate %get3A_16, %div3A_13 in 1 : vector<1024x16xf32>, vector<1024x16xf32> -> vector<1024x32xf32>
    %swap3A = arith.constant 0 : index
    %swap3A_17 = arith.constant 0 : index
    %swap3A_18 = vector.load %arg3[%swap3A, %swap3A_17] : memref<1024x32xf32, #tpu.memory_space<vmem>>, vector<1024x32xf32>
    tpu.vector_store %arg3[%swap3A, %swap3A_17], %concatenate3A {strides = array<i32>} : memref<1024x32xf32, #tpu.memory_space<vmem>>, vector<1024x32xf32>,
    return
  }
  func.func @transform_0(%arg0: i32) -> (i32, i32, i32) {
    %c0_i32 = arith.constant 0 : i32
    %c0_i32_0 = arith.constant 0 : i32
    %c0_i32_1 = arith.constant 0 : i32
    return %c0_i32, %arg0, %c0_i32_0 : i32, i32, i32
  }
  func.func @transform_1(%arg0: i32) -> (i32, i32) {
    %c0_i32 = arith.constant 0 : i32
    %c0_i32_0 = arith.constant 0 : i32
    return %arg0, %c0_i32 : i32, i32
  }
  func.func @transform_2(%arg0: i32) -> (i32, i32) {
    %c0_i32 = arith.constant 0 : i32
    %c0_i32_0 = arith.constant 0 : i32
    return %arg0, %c0_i32 : i32, i32
  }
}

module attributes {stable_mosaic.version = 14 : i64} {
  func.func @_tc3_body(%arg0: i32, %arg1: memref<2x1024x64xf32, #tpu.memory_space<vmem>>, %arg2: memref<1x64xf32, #tpu.memory_space<vmem>>, %arg3: memref<1024x64xf32, #tpu.memory_space<vmem>>) attributes {dimension_semantics = [#tpu.dimension_semantics<arbitrary>], iteration_bounds = array<i64: 10>, scalar_prefetch = 0 : i64, scratch_operands = 0 : i64, tpu.core_type = #tpu.core_type<tc>, window_params = [{transform_indices = @transform_0, window_bounds = array<i64: 2, 1024, 64>}, {pipeline_mode = #tpu.pipeline_mode<synchronous>, transform_indices = @transform_1, window_bounds = array<i64: 1, 64>}, {transform_indices = @transform_2, window_bounds = array<i64: 1024, 64>}]} {
    %get3A = arith.constant 0 : index
    %get3A_0 = arith.constant 0 : index
    %get3A_1 = arith.constant 0 : index
    %get3A_2 = vector.load %arg1[%get3A, %get3A_0, %get3A_1] : memref<2x1024x64xf32, #tpu.memory_space<vmem>>, vector<1x1024x64xf32>
    %get3A_3 = vector.shape_cast %get3A_2 : vector<1x1024x64xf32> to vector<1024x64xf32>
    %get3A_4 = arith.constant 1 : index
    %get3A_5 = arith.constant 0 : index
    %get3A_6 = arith.constant 0 : index
    %get3A_7 = vector.load %arg1[%get3A_4, %get3A_5, %get3A_6] : memref<2x1024x64xf32, #tpu.memory_space<vmem>>, vector<1x1024x64xf32>
    %get3A_8 = vector.shape_cast %get3A_7 : vector<1x1024x64xf32> to vector<1024x64xf32>
    %add3A = arith.addf %get3A_3, %get3A_8 : vector<1024x64xf32>
    %get3A_9 = arith.constant 0 : index
    %get3A_10 = arith.constant 0 : index
    %get3A_11 = vector.load %arg2[%get3A_9, %get3A_10] : memref<1x64xf32, #tpu.memory_space<vmem>>, vector<1x64xf32>
    %add3A_12 = vector.broadcast %get3A_11 : vector<1x64xf32> to vector<1024x64xf32>
    %add3A_13 = arith.addf %add3A, %add3A_12 : vector<1024x64xf32>
    %iota3A = tpu.iota {dimensions = array<i32: 1>} : vector<1024x64xi32>
    %lt3A = arith.constant 40 : i32
    %lt3A_14 = vector.broadcast %lt3A : i32 to vector<1024x64xi32>
    %lt3A_15 = arith.cmpi slt, %iota3A, %lt3A_14 : vector<1024x64xi32>
    %jit3A = arith.constant -1.000000e+30 : f32
    %broadcast_in_dim3A = vector.broadcast %jit3A : f32 to vector<1024x64xf32>
    %select_n3A = arith.select %lt3A_15, %add3A_13, %broadcast_in_dim3A : vector<1024x64xi1>, vector<1024x64xf32>
    %reduce_max3A = arith.constant dense<0xFF800000> : vector<1024xf32>
    %reduce_max3A_16 = vector.multi_reduction <maximumf>, %select_n3A, %reduce_max3A [1] : vector<1024x64xf32> to vector<1024xf32>
    %broadcast_in_dim3A_17 = vector.shape_cast %reduce_max3A_16 : vector<1024xf32> to vector<1024x1xf32>
    %sub3A = vector.broadcast %broadcast_in_dim3A_17 : vector<1024x1xf32> to vector<1024x64xf32>
    %sub3A_18 = arith.subf %select_n3A, %sub3A : vector<1024x64xf32>
    %exp3A = math.exp %sub3A_18 : vector<1024x64xf32>
    %jit3A_19 = arith.constant 0.000000e+00 : f32
    %broadcast_in_dim3A_20 = vector.broadcast %jit3A_19 : f32 to vector<1024x64xf32>
    %select_n3A_21 = arith.select %lt3A_15, %exp3A, %broadcast_in_dim3A_20 : vector<1024x64xi1>, vector<1024x64xf32>
    %reduce_sum3A = arith.constant dense<0.000000e+00> : vector<1024xf32>
    %reduce_sum3A_22 = vector.multi_reduction <add>, %select_n3A_21, %reduce_sum3A [1] : vector<1024x64xf32> to vector<1024xf32>
    %broadcast_in_dim3A_23 = vector.shape_cast %reduce_sum3A_22 : vector<1024xf32> to vector<1024x1xf32>
    %sub3A_24 = vector.broadcast %broadcast_in_dim3A_17 : vector<1024x1xf32> to vector<1024x64xf32>
    %sub3A_25 = arith.subf %add3A_13, %sub3A_24 : vector<1024x64xf32>
    %log3A = math.log %broadcast_in_dim3A_23 : vector<1024x1xf32>
    %sub3A_26 = vector.broadcast %log3A : vector<1024x1xf32> to vector<1024x64xf32>
    %sub3A_27 = arith.subf %sub3A_25, %sub3A_26 : vector<1024x64xf32>
    %swap3A = arith.constant 0 : index
    %swap3A_28 = arith.constant 0 : index
    %swap3A_29 = vector.load %arg3[%swap3A, %swap3A_28] : memref<1024x64xf32, #tpu.memory_space<vmem>>, vector<1024x64xf32>
    tpu.vector_store %arg3[%swap3A, %swap3A_28], %sub3A_27 {strides = array<i32>} : memref<1024x64xf32, #tpu.memory_space<vmem>>, vector<1024x64xf32>,
    return
  }
  func.func @transform_0(%arg0: i32) -> (i32, i32, i32) {
    %c0_i32 = arith.constant 0 : i32
    %c0_i32_0 = arith.constant 0 : i32
    %c0_i32_1 = arith.constant 0 : i32
    return %c0_i32, %arg0, %c0_i32_0 : i32, i32, i32
  }
  func.func @transform_1(%arg0: i32) -> (i32, i32) {
    %c0_i32 = arith.constant 0 : i32
    %c0_i32_0 = arith.constant 0 : i32
    %c0_i32_1 = arith.constant 0 : i32
    return %c0_i32, %c0_i32_0 : i32, i32
  }
  func.func @transform_2(%arg0: i32) -> (i32, i32) {
    %c0_i32 = arith.constant 0 : i32
    %c0_i32_0 = arith.constant 0 : i32
    return %arg0, %c0_i32 : i32, i32
  }
}

</mosaic_0001>

<sc_bundles>
// kernel: kernel.12.cloned.1.call-start
scs
__scs_entry_jumppad:
0x0: {  	(pc) =	sbr.rel $0x88, $3  }
0x1: {  	(tag) =	ssettag $0x0;
	lr =	simm.s32 $0x1  }
0x2: {  	[smem:$0x3F97] =	sst lr;
	_ =	strace $0xD0000000  }
0x3: {  	_ = 	snop  }
0x4: {  	_ = 	snop  }
0x5: {  	_ = 	snop  }
0x6: {  	_ = 	snop  }
0x7: {  	_ = 	snop  }
__scs_overlays_trampoline_lowered:
0x8: {  	[smem:$0x3FA6] =	sst s0  }
0x9: {  	[smem:$0x3FA7] =	sst s1  }
0xa: {  	[smem:$0x3FA8] =	sst s2  }
0xb: {  	[smem:$0x3FA9] =	sst s3  }
0xc: {  	[smem:$0x3FAA] =	sst s4  }
0xd: {  	[smem:$0x3FAB] =	sst s5  }
0xe: {  	[smem:$0x3FAC] =	sst s6  }
0xf: {  	[smem:$0x3FAD] =	sst s7  }
0x10: {  	[smem:$0x3FAE] =	sst s8  }
0x11: {  	[smem:$0x3FAF] =	sst s9;
	s0 =	simm.s32 @!p0 $0x0  }
0x12: {  	s1 =	sld [smem:$0x3F95];
	s0 =	simm.s32 @p0 $0x1  }
0x13: {  	[smem:$0x3FB0] =	sst s0;
	s0 =	simm.s32 @!p1 $0x0  }
0x14: {  	s2 =	sld [smem:$0x3F94];
	s0 =	simm.s32 @p1 $0x1  }
0x15: {  	[smem:$0x3FB1] =	sst s0;
	s0 =	simm.s32 @!p2 $0x0  }
0x16: {  	s3 =	sld [smem:$0x3FDB];
	s0 =	simm.s32 @p2 $0x1  }
0x17: {  	s4 =	simm.s32 $0x1BF5;
	[smem:$0x3FB3] =	sst s0  }
0x18: {  	s0 =	sld [smem:$0x3F96];
	_ =	swait.ge [sflag:s4], $0x0  }
0x19: {  	s7 =	sld [smem:$0x3F97]  }
0x1a: {  	s8 =	sadd.s32 $0xFFFFE003, lr  }
0x1b: {  	s9 =	sadd.s32 $0xFFFFFEF7, lr;
	s5 =	simm.s32 $0xFFFFFFFF;
	p2 =	slt.u32 s8, $0xFFFFF086  }
0x1c: {  	p1 =	slt.u32 s9, $0xF7A;
	s5 =	simm.s32 @!p2 $0x0  }
0x1d: {  	s5 =	simm.s32 @p1 $0x1;
	p0 =	seq.s32 s7, s2  }
0x1e: {  	s7 =	smul.u32 @!p0 $0xF7A, s2;
	p2 =	seq.s32 @!p0 s5, $0x0  }
0x1f: {  	s9 =	smul.u32 $0xF7A, s1;
	s8 =	simm.s32 @!p0 $0x1BF5;
	p2 =	por !p2, p0  }
0x20: {  	[sflag:s8] =	ssyncset.s32 @!p0 $0xFFFFF086;
	s6 =	sadd.s32 @!p0 s3, s7;
	s7 =	simm.s32 @!p0 $0x108  }
0x21: {  	s3 =	sadd.s32 s3, s9;
	s6 =	sadd.s32 @!p0 $0x88, s6;
	s7 =	simm.s32 @p2 $0x1082  }
0x22: {  	[simem:s7], [sflag:s8] =	dma.local @!p0 [hbm:s6], $0xF7A  }
0x23: {  	s9 =	sor.u32 $0xD0000000, s2;
	s6 =	simm.s32 $0x108;
	_ =	swait.ge @!p0 [sflag:s8], $0x0  }
0x24: {  	s3 =	sadd.s32 $0x88, s3;
	s6 =	simm.s32 @!p1 $0x1082;
	[sflag:s4] =	ssyncset.s32 $0xFFFFF086  }
0x25: {  	[simem:s6], [sflag:s4] =	dma.local [hbm:s3], $0xF7A  }
0x26: {  	[smem:$0x3F97] =	sst s1;
	(tag) =	ssettag s2;
	_ =	strace s9  }
0x27: {  	s1 =	sld [smem:$0x3FA7]  }
0x28: {  	s2 =	sld [smem:$0x3FA8]  }
0x29: {  	s4 =	sld [smem:$0x3FAA]  }
0x2a: {  	p0 =	seq.s32 s5, $0x0;
	s5 =	sld [smem:$0x3FAB]  }
0x2b: {  	s6 =	sld [smem:$0x3FAC]  }
0x2c: {  	s7 =	sld [smem:$0x3FAD]  }
0x2d: {  	s3 =	simm.s32 $0x108;
	s8 =	sld [smem:$0x3FAE]  }
0x2e: {  	s3 =	simm.s32 @!p0 $0x1082;
	s9 =	sld [smem:$0x3FAF]  }
0x2f: {  	lr =	sadd.s32 s0, s3;
	s0 =	sld [smem:$0x3FA6]  }
0x30: {  	s3 =	sld [smem:$0x3FA9]  }
0x31: {  	[smem:$0x3FB2] =	sst s10  }
0x32: {  	s10 =	sld [smem:$0x3FB0];
	_ =	sdelay $0x3  }
0x33: {  	p0 =	seq.s32 s10, $0x1;
	s10 =	sld [smem:$0x3FB2];
	_ =	sdelay $0x3  }
0x34: {  	[smem:$0x3FB2] =	sst s10  }
0x35: {  	s10 =	sld [smem:$0x3FB1];
	_ =	sdelay $0x3  }
0x36: {  	p1 =	seq.s32 s10, $0x1;
	s10 =	sld [smem:$0x3FB2];
	_ =	sdelay $0x3  }
0x37: {  	[smem:$0x3FB2] =	sst s10  }
0x38: {  	s10 =	sld [smem:$0x3FB3]  }
0x39: {  	_ = 	snop;
	(pc) =	sbr.ind lr, $3  }
0x3a: {  	_ = 	snop  }
0x3b: {  	_ = 	snop  }
0x3c: {  	p2 =	seq.s32 s10, $0x1;
	s10 =	sld [smem:$0x3FB2]  }
0x3d: {  	_ =	shalt  }
0x3e: {  	_ =	shalt  }
0x3f: {  	_ =	shalt  }
0x40: {  	_ =	shalt  }
0x41: {  	_ =	shalt  }
0x42: {  	_ =	shalt  }
0x43: {  	_ =	shalt  }
0x44: {  	_ =	shalt  }
0x45: {  	_ =	shalt  }
0x46: {  	_ =	shalt  }
0x47: {  	_ =	shalt  }
0x48: {  	_ =	shalt  }
0x49: {  	_ =	shalt  }
0x4a: {  	_ =	shalt  }
0x4b: {  	_ =	shalt  }
0x4c: {  	_ =	shalt  }
0x4d: {  	_ =	shalt  }
0x4e: {  	_ =	shalt  }
0x4f: {  	_ =	shalt  }
0x50: {  	_ =	shalt  }
0x51: {  	_ =	shalt  }
0x52: {  	_ =	shalt  }
0x53: {  	_ =	shalt  }
0x54: {  	_ =	shalt  }
0x55: {  	_ =	shalt  }
0x56: {  	_ =	shalt  }
0x57: {  	_ =	shalt  }
0x58: {  	_ =	shalt  }
0x59: {  	_ =	shalt  }
0x5a: {  	_ =	shalt  }
0x5b: {  	_ =	shalt  }
0x5c: {  	_ =	shalt  }
0x5d: {  	_ =	shalt  }
0x5e: {  	_ =	shalt  }
0x5f: {  	_ =	shalt  }
0x60: {  	_ =	shalt  }
0x61: {  	_ =	shalt  }
0x62: {  	_ =	shalt  }
0x63: {  	_ =	shalt  }
0x64: {  	_ =	shalt  }
0x65: {  	_ =	shalt  }
0x66: {  	_ =	shalt  }
0x67: {  	_ =	shalt  }
0x68: {  	_ =	shalt  }
0x69: {  	_ =	shalt  }
0x6a: {  	_ =	shalt  }
0x6b: {  	_ =	shalt  }
0x6c: {  	_ =	shalt  }
0x6d: {  	_ =	shalt  }
0x6e: {  	_ =	shalt  }
0x6f: {  	_ =	shalt  }
0x70: {  	_ =	shalt  }
0x71: {  	_ =	shalt  }
0x72: {  	_ =	shalt  }
0x73: {  	_ =	shalt  }
0x74: {  	_ =	shalt  }
0x75: {  	_ =	shalt  }
0x76: {  	_ =	shalt  }
0x77: {  	_ =	shalt  }
0x78: {  	_ =	shalt  }
0x79: {  	_ =	shalt  }
0x7a: {  	_ =	shalt  }
0x7b: {  	_ =	shalt  }
0x7c: {  	_ =	shalt  }
0x7d: {  	_ =	shalt  }
0x7e: {  	_ =	shalt  }
0x7f: {  	_ =	shalt  }
0x80: {  	_ =	shalt  }
0x81: {  	_ =	shalt  }
0x82: {  	_ =	shalt  }
0x83: {  	_ =	shalt  }
0x84: {  	_ =	shalt  }
0x85: {  	_ =	shalt  }
0x86: {  	_ =	shalt  }
0x87: {  	_ =	shalt  }
.Lfunc_end0:
.L_simem_size_0:
called_computation.1_lowered:
.L_overlay_start_0:
0x88: {  	s2 =	sld [smem:$0x3FD9]  }
0x89: {  	s3 =	sld [smem:$0x3FFE];
	_ =	sdelay $0x1  }
0x8a: {  	s1 =	srdreg.scid  }
0x8b: {  	s0 =	sand.u32 $0x1, s1  }
0x8c: {  	s17 =	sshll.u32 s0, $0xA;
	s2 =	sadd.s32 s3, s2  }
0x8d: {  	s2 =	sadd.s32 s2, s17  }
0x8e: {  	[smem:$0x3FBE] =	sst s2  }
0x8f: {  	_ = 	snop  }
0x90: {  	s2 =	sld [smem:$0x3FD0];
	(tm) =	ssettm $0x1  }
0x91: {  	s18 =	sld [smem:$0x3FFB];
	_ =	sdelay $0x3  }
0x92: {  	_ =	strace s18  }
0x93: {  	s3 =	sld [smem:$0x3FFC];
	_ =	sdelay $0x3  }
0x94: {  	_ =	strace s3  }
0x95: {  	s3 =	sld [smem:$0x3FFD];
	_ =	sdelay $0x3  }
0x96: {  	_ =	strace s3  }
0x97: {  	_ =	strace $0x8FFFFFFF  }
0x98: {  	s19 =	sld [smem:$0x3FDB];
	_ =	sdelay $0x1  }
0x99: {  	s4 =	simm.s32 $_scs_section_size  }
0x9a: {  	s5 =	simm.s32 $_size__tile_overlayer_lowered;
	s6 =	simm.s32 $_tile_overlayer_lowered  }
0x9b: {  	s22 =	simm.s32 $0x1BFF;
	s21 =	sshll.u32 s6, $0x1;
	s3 =	sadd.s32 s4, s19  }
0x9c: {  	s7 =	simm.s32 $0x0;
	s20 =	sshll.u32 s5, $0x1;
	s5 =	sadd.s32 s21, s3  }
0x9d: {  	[timem:s7], [sflag:s22] =	dma.local [hbm:s5], s20  }
0x9e: {  	_ =	swait.ge [sflag:s22], s20  }
0x9f: {  	s4 =	ssub.s32 $0x0, s20;
	[sflag:s22] =	ssyncset.done $0x0  }
0xa0: {  	[sflag:s22] =	ssyncadd.s32 s4;
	_ =	sdelay $0x1  }
0xa1: {  	s23 =	simm.s32 $0x1B8B  }
0xa2: {  	_ =	swait.ge [sflag:s23], $0x1  }
0xa3: {  	[sflag:s23] =	ssyncset.done $0x0  }
0xa4: {  	s25 =	simm.s32 $0x1B8E;
	s24 =	sld [smem:$0x3FFE];
	[sflag:s23] =	ssyncadd.s32 $0xFFFFFFFF  }
0xa5: {  	s26 =	simm.s32 $execute0_lowered;
	[smem:$0x3FD2] =	sst s25  }
0xa6: {  	s5 =	sshll.u32 s26, $0x1;
	_ =	strace $0x80000049;
	[dreg:$0x1] =	wrdreg $0xFFFFFFFF  }
0xa7: {  	s28 =	simm.s32 $_size_execute0_lowered;
	s3 =	sadd.s32 s3, s5;
	[dreg:$0x0] =	wrdreg $0x0  }
0xa8: {  	s5 =	sshll.u32 s28, $0x1;
	[dreg:$0x2] =	wrdreg s3  }
0xa9: {  	[dreg:$0x3] =	wrdreg s5  }
0xaa: {  	[dreg:$0x4] =	wrdreg $0xC0  }
0xab: {  	_ =	task [dreg:s7], $0x5FFFF  }
0xac: {  	[dreg:$0x1] =	wrdreg $0xFFFFFFFF  }
0xad: {  	[dreg:$0x0] =	wrdreg $0x60  }
0xae: {  	[dreg:$0x2] =	wrdreg s24  }
0xaf: {  	[dreg:$0x3] =	wrdreg s2  }
0xb0: {  	[dreg:$0x4] =	wrdreg $0x55000  }
0xb1: {  	[dreg:$0x5] =	wrdreg $0x9  }
0xb2: {  	_ =	task.clear_ibuf [dreg:s7], $0x6FFFF;
	_ =	strace $0x90000049  }
0xb3: {  	s29 =	simm.s32 $0x9;
	_ =	strace $0x8000004B  }
0xb4: {  	_ =	swait.ge [sflag:s29], $0x1  }
0xb5: {  	[sflag:s29] =	ssyncadd.s32 $0xFFFFFFFF  }
0xb6: {  	_ =	strace $0x9000004B  }
0xb7: {  	_ =	sfence  }
0xb8: {  	s30 =	sld [smem:$0x0];
	_ =	sdelay $0x2  }
0xb9: {  	s31 =	sshll.u32 s1, $0xD;
	s1 =	sshrl.u32 s1, $0x2  }
0xba: {  	s3 =	sand.u32 $0x4000, s31;
	s1 =	sadd.s32 s1, s30  }
0xbb: {  	s0 =	sor.u32 s3, s0;
	s1 =	sshll.u32 s1, $0x11  }
0xbc: {  	s0 =	sor.u32 s1, s0  }
0xbd: {  	s0 =	sadd.s32 $0x8F2B, s0  }
0xbe: {  	[sflag:s0] =	ssyncadd.remote.s32 $0x1  }
0xbf: {  	_ =	sfence.sel $0xFFFF  }
0xc0: {  	[dreg:$0x0] =	wrdreg $0xFFFFFFFF;
	(pc) =	sbr.abs _section_cstart, $3  }
0xc1: {  	[dreg:$0x1] =	wrdreg $0xFFFFFFFF  }
0xc2: {  	_ =	task.clear_ibuf [dreg:s7], $0x2FFFF;
	_ =	strace $0x9FFFFFFF  }
0xc3: {  	(tm) =	ssettm $0x7FFFFFFF  }
tec
execute0_lowered:
.L_overlay_start_1:
0x0: {  	(tag) =	ssettag $0x1  }
0x1: {  	s0 =	rddreg [dreg:$0x0]  }
0x2: {  	s3 =	rddreg [dreg:$0x1]  }
0x3: {  	s1 =	srdreg.scid;
	s2 =	rddreg [dreg:$0x2]  }
0x4: {  	s12 =	stileid.u32;
	s5 =	simm.s32 $0x0;
	s15 =	simm.s32 $0x80  }
0x5: {  	s16 =	simm.s32 $0x2B00;
	s17 =	simm.s32 $0x2D00;
	s18 =	simm.s32 $0x2C00  }
0x6: {  	s19 =	simm.s32 $0x3500;
	s20 =	simm.s32 $0x2B80;
	s21 =	simm.s32 $0x3D00  }
0x7: {  	s22 =	simm.s32 $0x2C80;
	s23 =	simm.s32 $0x4500;
	s28 =	simm.s32 $0x3  }
0x8: {  	s29 =	simm.s32 $0x4;
	s30 =	simm.s32 $0x0;
	s1 =	sand.u32 $0x1, s1  }
0x9: {  	[smem:$0x7FF] =	sst s5;
	s7 =	smul.u32 $0x2800, s12;
	s5 =	sadd.s32 $0x2C00, s0  }
0xa: {  	s9 =	smul.u32 $0x500, s12;
	s31 =	sshll.u32 s12, $0x6;
	s4 =	sshll.u32 s1, $0x4  }
0xb: {  	_ =	strace $0x8000004A;
	s8 =	ssub.s32 $0x2, s1;
	s1 =	smul.u32 $0x5000, s1  }
0xc: {  	s13 =	sor.u32 $0x1C05, s31;
	s4 =	sor.u32 s12, s4;
	s10 =	sshrl.u32 s7, $0x3  }
0xd: {  	s11 =	sshrl.u32 s8, $0x1;
	s26 =	sadd.s32 s7, s2;
	s6 =	smul.u32 $0x2B0, s4  }
0xe: {  	s4 =	sadd.s32 $0x7C00, s0;
	s24 =	ssub.s32 s8, s11;
	s1 =	sadd.s32 s9, s1  }
0xf: {  	s11 =	simm.s32 $0x5;
	s14 =	sshrl.u32 s26, $0x3;
	s6 =	sadd.s32 s6, s0  }
0x10: {  	s26 =	simm.s32 $0x4D00;
	s9 =	sadd.s32 s3, s1;
	s25 =	sadd.s32 $0x21200, s6  }
0x11: {  	s0 =	sadd.s32 s10, s0;
	s6 =	sadd.s32 $0x1BC00, s6;
	[dreg:$0x4] =	wrdreg s25  }
0x12: {  	s10 =	smax.u32 s24, $0x1;
	s0 =	sadd.s32 $0xCC00, s0;
	[dreg:$0x5] =	wrdreg s6  }
0x13: {  	s24 =	simm.s32 $0x1;
	[dreg:$0x6] =	wrdreg s0;
	s25 =	simm.s32 $0x2  }
.LBB2_1:
0x14: {  	s0 =	simm.s32 $0x0;
	s1 =	rddreg [dreg:$0x4]  }
0x15: {  	[tilespmem:s0], [sflag:$0x5] =	stream.linear.gather [hbm4b:s1+s0], $0x1580, $0x38;
	[tilespmem:$0x7D00] =	vst v63  }
0x16: {  	_ =	swait.ge [sflag:s11], $0x1580  }
0x17: {  	[sflag:s11] =	ssyncset.done $0x0  }
0x18: {  	s3 =	simm.s32 $0x1580;
	s8 =	rddreg [dreg:$0x5];
	[sflag:s11] =	ssyncadd.s32 $0xFFFFEA80  }
0x19: {  	[tilespmem:s3], [sflag:$0x5] =	stream.linear.gather [hbm4b:s8+s0], $0x1580, $0x38;
	[tilespmem:$0x7D00] =	vst v63  }
0x1a: {  	_ =	swait.ge [sflag:s11], $0x1580  }
0x1b: {  	[sflag:s11] =	ssyncset.done $0x0  }
0x1c: {  	s12 =	rddreg [dreg:$0x6];
	[sflag:s11] =	ssyncadd.s32 $0xFFFFEA80  }
0x1d: {  	[spmem:s14], [sflag:s13] =	dma.local [hbm:s12], $0x500  }
0x1e: {  	_ =	swait.ge [sflag:s11], $0x500  }
0x1f: {  	[sflag:s11] =	ssyncset.done $0x0  }
0x20: {  	[sflag:s11] =	ssyncadd.s32 $0xFFFFFB00  }
0x21: {  	[bflag:$0x0] =	sbarrier.arrive $0xFFFF  }
0x22: {  	v0 =	vld [tilespmem:$0x0];
	_ =	sdelay $0x1  }
0x23: {  	v1 =	vld [tilespmem:$0x10];
	_ =	sdelay $0x1  }
0x24: {  	v2 =	vld [tilespmem:$0x20]  }
0x25: {  	v3 =	vunpack.i.l.s16.s32 v0  }
0x26: {  	v49 =	vld [tilespmem:$0x30];
	v0 =	vunpack.i.u.s16.s32 v0;
	[tilespmem:$0x2B00] =	vst v3  }
0x27: {  	v51 =	vld [tilespmem:$0x1580];
	v50 =	vunpack.i.l.s16.s32 v1;
	[tilespmem:$0x2B10] =	vst v0  }
0x28: {  	v53 =	vld [tilespmem:$0x1590];
	v1 =	vunpack.i.u.s16.s32 v1;
	[tilespmem:$0x2B20] =	vst v50  }
0x29: {  	v52 =	vunpack.i.l.s16.s32 v2;
	[tilespmem:$0x2B30] =	vst v1  }
0x2a: {  	v55 =	vld [tilespmem:$0x15A0];
	v2 =	vunpack.i.u.s16.s32 v2;
	[tilespmem:$0x2B40] =	vst v52  }
0x2b: {  	v54 =	vunpack.i.l.s16.s32 v49;
	[tilespmem:$0x2B50] =	vst v2  }
0x2c: {  	v57 =	vld [tilespmem:$0x15B0];
	v56 =	vunpack.i.l.s16.s32 v51;
	[tilespmem:$0x2B60] =	vst v54  }
0x2d: {  	v58 =	vunpack.i.l.s16.s32 v53;
	[tilespmem:$0x2C00] =	vst v56  }
0x2e: {  	v59 =	vunpack.i.u.s16.s32 v53;
	[tilespmem:$0x2C20] =	vst v58  }
0x2f: {  	v60 =	vunpack.i.l.s16.s32 v55;
	[tilespmem:$0x2C30] =	vst v59  }
0x30: {  	v61 =	vunpack.i.u.s16.s32 v55;
	[tilespmem:$0x2C40] =	vst v60  }
0x31: {  	v62 =	vunpack.i.l.s16.s32 v57;
	[tilespmem:$0x2C50] =	vst v61  }
0x32: {  	v63 =	vunpack.i.u.s16.s32 v57;
	[tilespmem:$0x2C60] =	vst v62  }
0x33: {  	v3 =	vunpack.i.u.s16.s32 v49;
	[tilespmem:$0x2C70] =	vst v63  }
0x34: {  	v0 =	vunpack.i.u.s16.s32 v51;
	[tilespmem:$0x2B70] =	vst v3  }
0x35: {  	[tilespmem:$0x2C10] =	vst v0  }
0x36: {  	[tilespmem:s17], [sflag:$0x1] =	stream.indirect.gather [hbm4b:s4+s15], $0x10, s16, s15, $0xb8;
	[tilespmem:$0x7D00] =	vst v63  }
0x37: {  	s31 =	simm.s32 $0x0  }
0x38: {  	[tilespmem:s19], [sflag:$0x2] =	stream.indirect.gather [hbm4b:s5+s15], $0x10, s18, s15, $0xb8;
	[tilespmem:$0x7D00] =	vst v63  }
.LBB2_2:
0x39: {  	s0 =	sshll.u32 s31, $0x8  }
0x3a: {  	s0 =	sshrl.u32 s0, $0x1  }
0x3b: {  	v0 =	vld [tilespmem:s0+$0x40];
	_ =	sdelay $0x4  }
0x3c: {  	v1 =	vunpack.i.l.s16.s32 v0  }
0x3d: {  	v0 =	vunpack.i.u.s16.s32 v0;
	[tilespmem:$0x2B80] =	vst v1  }
0x3e: {  	[tilespmem:$0x2B90] =	vst v0  }
0x3f: {  	v0 =	vld [tilespmem:s0+$0x50];
	_ =	sdelay $0x4  }
0x40: {  	v1 =	vunpack.i.l.s16.s32 v0  }
0x41: {  	v0 =	vunpack.i.u.s16.s32 v0;
	[tilespmem:$0x2BA0] =	vst v1  }
0x42: {  	[tilespmem:$0x2BB0] =	vst v0  }
0x43: {  	v0 =	vld [tilespmem:s0+$0x60];
	_ =	sdelay $0x4  }
0x44: {  	v1 =	vunpack.i.l.s16.s32 v0  }
0x45: {  	v0 =	vunpack.i.u.s16.s32 v0;
	[tilespmem:$0x2BC0] =	vst v1  }
0x46: {  	[tilespmem:$0x2BD0] =	vst v0  }
0x47: {  	v0 =	vld [tilespmem:s0+$0x70];
	_ =	sdelay $0x4  }
0x48: {  	v1 =	vunpack.i.l.s16.s32 v0  }
0x49: {  	v0 =	vunpack.i.u.s16.s32 v0;
	[tilespmem:$0x2BE0] =	vst v1  }
0x4a: {  	[tilespmem:$0x2BF0] =	vst v0  }
0x4b: {  	v0 =	vld [tilespmem:s0+$0x15C0];
	_ =	sdelay $0x4  }
0x4c: {  	v1 =	vunpack.i.l.s16.s32 v0  }
0x4d: {  	v0 =	vunpack.i.u.s16.s32 v0;
	[tilespmem:$0x2C80] =	vst v1  }
0x4e: {  	[tilespmem:$0x2C90] =	vst v0  }
0x4f: {  	v0 =	vld [tilespmem:s0+$0x15D0];
	_ =	sdelay $0x4  }
0x50: {  	v1 =	vunpack.i.l.s16.s32 v0  }
0x51: {  	v0 =	vunpack.i.u.s16.s32 v0;
	[tilespmem:$0x2CA0] =	vst v1  }
0x52: {  	[tilespmem:$0x2CB0] =	vst v0  }
0x53: {  	v0 =	vld [tilespmem:s0+$0x15E0];
	_ =	sdelay $0x4  }
0x54: {  	v1 =	vunpack.i.l.s16.s32 v0  }
0x55: {  	v0 =	vunpack.i.u.s16.s32 v0;
	[tilespmem:$0x2CC0] =	vst v1  }
0x56: {  	[tilespmem:$0x2CD0] =	vst v0  }
0x57: {  	v0 =	vld [tilespmem:s0+$0x15F0];
	_ =	sdelay $0x4  }
0x58: {  	v1 =	vunpack.i.l.s16.s32 v0  }
0x59: {  	v0 =	vunpack.i.u.s16.s32 v0;
	[tilespmem:$0x2CE0] =	vst v1  }
0x5a: {  	[tilespmem:$0x2CF0] =	vst v0  }
0x5b: {  	[tilespmem:s21], [sflag:$0x3] =	stream.indirect.gather [hbm4b:s4+s15], $0x10, s20, s15, $0xb8;
	[tilespmem:$0x7D00] =	vst v63  }
0x5c: {  	_ = 	snop  }
0x5d: {  	[tilespmem:s23], [sflag:$0x4] =	stream.indirect.gather [hbm4b:s5+s15], $0x10, s22, s15, $0xb8;
	[tilespmem:$0x7D00] =	vst v63  }
0x5e: {  	_ =	swait.ge [sflag:s24], $0x800  }
0x5f: {  	[sflag:s24] =	ssyncset.done $0x0  }
0x60: {  	[sflag:s24] =	ssyncadd.s32 $0xFFFFF800  }
0x61: {  	_ =	swait.ge [sflag:s25], $0x800  }
0x62: {  	[sflag:s25] =	ssyncset.done $0x0  }
0x63: {  	s1 =	simm.s32 $0x0;
	[sflag:s25] =	ssyncadd.s32 $0xFFFFF800  }
0x64: {  	v0 =	vld [tilespmem:s1+$0x2D00]  }
0x65: {  	v1 =	vld [tilespmem:s1+$0x3500];
	_ =	sdelay $0x4  }
0x66: {  	v0 =	vadd.f32 v1, v0;
	_ =	sdelay $0x1  }
0x67: {  	s12 =	simm.s32 $0x10;
	v1 =	vmul.f32 $2.000000030e-01, v0  }
0x68: {  	v2 =	vld [tilespmem:s12+$0x2D00];
	vm0 =	vgt.f32 v0, $0.0e+00  }
0x69: {  	v3 =	vld [tilespmem:s12+$0x3500];
	v0 =	vsel vm0, v0, v1  }
0x6a: {  	s3 =	simm.s32 $0x20;
	v0 =	vmul.f32 $1.442695020e+00, v0  }
0x6b: {  	v1 =	vld [tilespmem:s3+$0x2D00]  }
0x6c: {  	(erf) = vpow2.f32 v0;
	v0 =	vld [tilespmem:s3+$0x3500];
	_ =	sdelay $0x1  }
0x6d: {  	v2 =	vadd.f32 v3, v2;
	_ =	sdelay $0x1  }
0x6e: {  	v3 =	vmul.f32 $2.000000030e-01, v2  }
0x6f: {  	vm14 =	vgt.f32 v2, $0.0e+00;
	v4 =	vadd.f32 v0, v1  }
0x70: {  	v0 =	vsel vm14, v2, v3  }
0x71: {  	s6 =	simm.s32 $0x30;
	v1 =	vmul.f32 $1.442695020e+00, v0;
	v2 =	vmul.f32 $2.000000030e-01, v4  }
0x72: {  	v0 =	vld [tilespmem:s6+$0x2D00]  }
0x73: {  	(erf) = vpow2.f32 v1;
	v1 =	vld [tilespmem:s6+$0x3500]  }
0x74: {  	vm15 =	vgt.f32 v4, $0.0e+00  }
0x75: {  	s7 =	simm.s32 $0x100;
	v3 =	vsel vm15, v4, v2;
	v2 =	vpop (erf)  }
.LBB2_3:
0x76: {  	s8 =	sshra.s32 s7, $0x2  }
0x77: {  	v3 =	vmul.f32 $1.442695020e+00, v3;
	[tilespmem:s1+$0x4D00] =	vst v2;
	s1 =	smov.u32 s12;
	s12 =	smov.u32 s3;
	p0 =	sne.s32 s7, $0x1FC0  }
.Ltmp0:
0x78: {  	s7 =	sadd.s32 $0x40, s7;
	v2 =	vadd.f32 v1, v0;
	v0 =	vld [tilespmem:s8+$0x2D00];
	(pc) =	sbr.rel @p0 .LBB2_3-.Ltmp0, $4  }
0x79: {  	s3 =	smov.u32 s6;
	s6 =	smov.u32 s8;
	v1 =	vld [tilespmem:s8+$0x3500];
	(erf) = vpow2.f32 v3  }
0x7a: {  	v3 =	vmul.f32 $2.000000030e-01, v2  }
0x7b: {  	vm0 =	vgt.f32 v2, $0.0e+00  }
0x7c: {  	v3 =	vsel vm0, v2, v3;
	v2 =	vpop (erf)  }
0x7d: {  	_ = 	snop  }
0x7e: {  	v0 =	vadd.f32 v1, v0;
	_ =	sdelay $0x1  }
0x7f: {  	v1 =	vmul.f32 $2.000000030e-01, v0  }
0x80: {  	vm0 =	vgt.f32 v0, $0.0e+00  }
0x81: {  	v3 =	vmul.f32 $1.442695020e+00, v3;
	v0 =	vsel vm0, v0, v1  }
0x82: {  	v0 =	vmul.f32 $1.442695020e+00, v0  }
0x83: {  	(erf) = vpow2.f32 v3  }
0x84: {  	(erf) = vpow2.f32 v0;
	_ =	sdelay $0x6  }
0x85: {  	[tilespmem:s1+$0x4D00] =	vst v2;
	v0 =	vpop (erf)  }
0x86: {  	[tilespmem:s12+$0x4D00] =	vst v0;
	v0 =	vpop (erf)  }
0x87: {  	[tilespmem:s3+$0x4D00] =	vst v0;
	v0 =	vpop (erf)  }
0x88: {  	[tilespmem:s6+$0x4D00] =	vst v0  }
0x89: {  	[spmem:s2] =	stream.indirect.scatter.add.f32 [tilespmem:s26], [sflag:$0x5], $0x10, s18, s15, $0xb8;
	[tilespmem:$0x7D00] =	vst v63  }
0x8a: {  	_ =	swait.ge [sflag:s11], $0x800  }
0x8b: {  	[sflag:s11] =	ssyncset.done $0x0  }
0x8c: {  	[sflag:s11] =	ssyncadd.s32 $0xFFFFF800  }
0x8d: {  	v0 =	vld [tilespmem:s0+$0x80];
	_ =	sdelay $0x4  }
0x8e: {  	v1 =	vunpack.i.l.s16.s32 v0  }
0x8f: {  	v0 =	vunpack.i.u.s16.s32 v0;
	[tilespmem:$0x2B00] =	vst v1  }
0x90: {  	[tilespmem:$0x2B10] =	vst v0  }
0x91: {  	v0 =	vld [tilespmem:s0+$0x90];
	_ =	sdelay $0x4  }
0x92: {  	v1 =	vunpack.i.l.s16.s32 v0  }
0x93: {  	v0 =	vunpack.i.u.s16.s32 v0;
	[tilespmem:$0x2B20] =	vst v1  }
0x94: {  	[tilespmem:$0x2B30] =	vst v0  }
0x95: {  	v0 =	vld [tilespmem:s0+$0xA0];
	_ =	sdelay $0x4  }
0x96: {  	v1 =	vunpack.i.l.s16.s32 v0  }
0x97: {  	v0 =	vunpack.i.u.s16.s32 v0;
	[tilespmem:$0x2B40] =	vst v1  }
0x98: {  	[tilespmem:$0x2B50] =	vst v0  }
0x99: {  	v0 =	vld [tilespmem:s0+$0xB0];
	_ =	sdelay $0x4  }
0x9a: {  	v1 =	vunpack.i.l.s16.s32 v0  }
0x9b: {  	v0 =	vunpack.i.u.s16.s32 v0;
	[tilespmem:$0x2B60] =	vst v1  }
0x9c: {  	[tilespmem:$0x2B70] =	vst v0  }
0x9d: {  	v0 =	vld [tilespmem:s0+$0x1600];
	_ =	sdelay $0x4  }
0x9e: {  	v1 =	vunpack.i.l.s16.s32 v0  }
0x9f: {  	v0 =	vunpack.i.u.s16.s32 v0;
	[tilespmem:$0x2C00] =	vst v1  }
0xa0: {  	[tilespmem:$0x2C10] =	vst v0  }
0xa1: {  	v0 =	vld [tilespmem:s0+$0x1610];
	_ =	sdelay $0x4  }
0xa2: {  	v1 =	vunpack.i.l.s16.s32 v0  }
0xa3: {  	v0 =	vunpack.i.u.s16.s32 v0;
	[tilespmem:$0x2C20] =	vst v1  }
0xa4: {  	[tilespmem:$0x2C30] =	vst v0  }
0xa5: {  	v0 =	vld [tilespmem:s0+$0x1620];
	_ =	sdelay $0x4  }
0xa6: {  	v1 =	vunpack.i.l.s16.s32 v0  }
0xa7: {  	v0 =	vunpack.i.u.s16.s32 v0;
	[tilespmem:$0x2C40] =	vst v1  }
0xa8: {  	[tilespmem:$0x2C50] =	vst v0  }
0xa9: {  	v0 =	vld [tilespmem:s0+$0x1630];
	_ =	sdelay $0x4  }
0xaa: {  	v1 =	vunpack.i.l.s16.s32 v0  }
0xab: {  	v0 =	vunpack.i.u.s16.s32 v0;
	[tilespmem:$0x2C60] =	vst v1  }
0xac: {  	[tilespmem:$0x2C70] =	vst v0  }
0xad: {  	[tilespmem:s17], [sflag:$0x1] =	stream.indirect.gather [hbm4b:s4+s15], $0x10, s16, s15, $0xb8;
	[tilespmem:$0x7D00] =	vst v63  }
0xae: {  	_ = 	snop  }
0xaf: {  	[tilespmem:s19], [sflag:$0x2] =	stream.indirect.gather [hbm4b:s5+s15], $0x10, s18, s15, $0xb8;
	[tilespmem:$0x7D00] =	vst v63  }
0xb0: {  	_ =	swait.ge [sflag:s28], $0x800  }
0xb1: {  	[sflag:s28] =	ssyncset.done $0x0  }
0xb2: {  	[sflag:s28] =	ssyncadd.s32 $0xFFFFF800  }
0xb3: {  	_ =	swait.ge [sflag:s29], $0x800  }
0xb4: {  	[sflag:s29] =	ssyncset.done $0x0  }
0xb5: {  	s0 =	simm.s32 $0x0;
	[sflag:s29] =	ssyncadd.s32 $0xFFFFF800  }
0xb6: {  	v0 =	vld [tilespmem:s0+$0x3D00]  }
0xb7: {  	v1 =	vld [tilespmem:s0+$0x4500];
	_ =	sdelay $0x4  }
0xb8: {  	v0 =	vadd.f32 v1, v0;
	_ =	sdelay $0x1  }
0xb9: {  	s1 =	simm.s32 $0x10;
	v1 =	vmul.f32 $2.000000030e-01, v0  }
0xba: {  	v2 =	vld [tilespmem:s1+$0x3D00];
	vm13 =	vgt.f32 v0, $0.0e+00  }
0xbb: {  	v3 =	vld [tilespmem:s1+$0x4500];
	v0 =	vsel vm13, v0, v1  }
0xbc: {  	s3 =	simm.s32 $0x20;
	v0 =	vmul.f32 $1.442695020e+00, v0  }
0xbd: {  	v1 =	vld [tilespmem:s3+$0x3D00]  }
0xbe: {  	(erf) = vpow2.f32 v0;
	v0 =	vld [tilespmem:s3+$0x4500];
	_ =	sdelay $0x1  }
0xbf: {  	v2 =	vadd.f32 v3, v2;
	_ =	sdelay $0x1  }
0xc0: {  	v3 =	vmul.f32 $2.000000030e-01, v2  }
0xc1: {  	vm14 =	vgt.f32 v2, $0.0e+00;
	v4 =	vadd.f32 v0, v1  }
0xc2: {  	v0 =	vsel vm14, v2, v3  }
0xc3: {  	s6 =	simm.s32 $0x30;
	v1 =	vmul.f32 $1.442695020e+00, v0;
	v2 =	vmul.f32 $2.000000030e-01, v4  }
0xc4: {  	v0 =	vld [tilespmem:s6+$0x3D00]  }
0xc5: {  	(erf) = vpow2.f32 v1;
	v1 =	vld [tilespmem:s6+$0x4500]  }
0xc6: {  	vm15 =	vgt.f32 v4, $0.0e+00  }
0xc7: {  	s7 =	simm.s32 $0x100;
	v3 =	vsel vm15, v4, v2;
	v2 =	vpop (erf)  }
.LBB2_5:
0xc8: {  	s8 =	sshra.s32 s7, $0x2  }
0xc9: {  	v3 =	vmul.f32 $1.442695020e+00, v3;
	[tilespmem:s0+$0x4D00] =	vst v2;
	s0 =	smov.u32 s1;
	s1 =	smov.u32 s3;
	p0 =	sne.s32 s7, $0x1FC0  }
.Ltmp1:
0xca: {  	s7 =	sadd.s32 $0x40, s7;
	v2 =	vadd.f32 v1, v0;
	v0 =	vld [tilespmem:s8+$0x3D00];
	(pc) =	sbr.rel @p0 .LBB2_5-.Ltmp1, $4  }
0xcb: {  	s3 =	smov.u32 s6;
	s6 =	smov.u32 s8;
	v1 =	vld [tilespmem:s8+$0x4500];
	(erf) = vpow2.f32 v3  }
0xcc: {  	v3 =	vmul.f32 $2.000000030e-01, v2  }
0xcd: {  	vm0 =	vgt.f32 v2, $0.0e+00  }
0xce: {  	v3 =	vsel vm0, v2, v3;
	v2 =	vpop (erf)  }
0xcf: {  	_ = 	snop  }
0xd0: {  	v0 =	vadd.f32 v1, v0;
	_ =	sdelay $0x1  }
0xd1: {  	v1 =	vmul.f32 $2.000000030e-01, v0  }
0xd2: {  	vm0 =	vgt.f32 v0, $0.0e+00  }
0xd3: {  	v60 =	vmul.f32 $1.442695020e+00, v3;
	v0 =	vsel vm0, v0, v1  }
0xd4: {  	v0 =	vmul.f32 $1.442695020e+00, v0  }
0xd5: {  	(erf) = vpow2.f32 v60  }
0xd6: {  	(erf) = vpow2.f32 v0;
	_ =	sdelay $0x6  }
0xd7: {  	[tilespmem:s0+$0x4D00] =	vst v2;
	v61 =	vpop (erf)  }
0xd8: {  	s31 =	sadd.s32 $0x1, s31;
	[tilespmem:s1+$0x4D00] =	vst v61;
	v62 =	vpop (erf)  }
0xd9: {  	p0 =	sne.s32 s31, $0x2A;
	[tilespmem:s3+$0x4D00] =	vst v62;
	v63 =	vpop (erf)  }
.Ltmp2:
0xda: {  	[tilespmem:s6+$0x4D00] =	vst v63;
	(pc) =	sbr.rel @p0 .LBB2_2-.Ltmp2, $4  }
0xdb: {  	[spmem:s2] =	stream.indirect.scatter.add.f32 [tilespmem:s26], [sflag:$0x5], $0x10, s22, s15, $0xb8;
	[tilespmem:$0x7D00] =	vst v63  }
0xdc: {  	_ =	swait.ge [sflag:s11], $0x800  }
0xdd: {  	[sflag:s11] =	ssyncset.done $0x0  }
0xde: {  	[sflag:s11] =	ssyncadd.s32 $0xFFFFF800  }
0xdf: {  	_ =	swait.ge [sflag:s24], $0x800  }
0xe0: {  	[sflag:s24] =	ssyncset.done $0x0  }
0xe1: {  	[sflag:s24] =	ssyncadd.s32 $0xFFFFF800  }
0xe2: {  	_ =	swait.ge [sflag:s25], $0x800  }
0xe3: {  	s30 =	sadd.s32 $0x1, s30;
	[sflag:s25] =	ssyncset.done $0x0  }
0xe4: {  	p0 =	sne.s32 s30, s10;
	[sflag:s25] =	ssyncadd.s32 $0xFFFFF800  }
.Ltmp3:
0xe5: {  	[bflag:$0x0] =	sbarrier.arrive $0xFFFF;
	(pc) =	sbr.rel @p0 .LBB2_1-.Ltmp3, $4  }
0xe6: {  	[hbm:s9], [sflag:s13] =	dma.local [spmem:s14], $0x500  }
0xe7: {  	_ =	swait.ge [sflag:s11], $0x500  }
0xe8: {  	[sflag:s11] =	ssyncset.done $0x0  }
0xe9: {  	[sflag:s11] =	ssyncadd.s32 $0xFFFFFB00  }
0xea: {  	_ =	sfence.sel $0x180000  }
0xeb: {  	[bflag:$0x0] =	sbarrier.arrive $0xFFFF  }
0xec: {  	_ =	strace $0x9000004A  }
0xed: {  	s0 =	stileid.u32;
	[bflag:$0x2] =	sbarrier.arrive $0xFFFF  }
0xee: {  	p0 =	sne.s32 s0, $0x0;
	s0 =	rddreg [dreg:$0x3]  }
0xef: {  	s0 =	sadd.s32 @!p0 $0x100000, s0  }
0xf0: {  	[sflag:s0] =	ssyncadd.tile.s32 @!p0 $0x1;
	_ =	shalt  }
.Lfunc_end2:
_tile_overlayer_lowered:
.L_overlay_start_2:
0xf1: {  	(tag) =	ssettag $0x2  }
0xf2: {  	s0 =	rddreg [dreg:$0x0];
	s2 =	stileid.u32  }
0xf3: {  	s1 =	rddreg [dreg:$0x1];
	p0 =	sne.s32 s2, $0x0  }
0xf4: {  	s3 =	rddreg [dreg:$0x2];
	[bflag:$0x3] =	sbarrier.arrive $0xFFFF;
	s2 =	simm.s32 @!p0 $0x1C05  }
0xf5: {  	[timem:s3], [sflag:s2] =	dma.local @!p0 [hbm:s0], s1  }
0xf6: {  	s0 =	simm.s32 @!p0 $0x5  }
0xf7: {  	_ =	swait.ge @!p0 [sflag:s0], s1  }
0xf8: {  	s1 =	ssub.s32 @!p0 $0x0, s1;
	[sflag:s0] =	ssyncset.done @!p0 $0x0  }
0xf9: {  	[sflag:s0] =	ssyncadd.s32 @!p0 s1  }
0xfa: {  	[bflag:$0x3] =	sbarrier.arrive $0xFFFF  }
0xfb: {  	_ =	shalt  }

// kernel: kernel.15.cloned.1.call-start
scs
__scs_entry_jumppad:
0x0: {  	(pc) =	sbr.rel $0x88, $3  }
0x1: {  	(tag) =	ssettag $0x0;
	lr =	simm.s32 $0x1  }
0x2: {  	[smem:$0x3F97] =	sst lr;
	_ =	strace $0xD0000000  }
0x3: {  	_ = 	snop  }
0x4: {  	_ = 	snop  }
0x5: {  	_ = 	snop  }
0x6: {  	_ = 	snop  }
0x7: {  	_ = 	snop  }
__scs_overlays_trampoline_lowered:
0x8: {  	[smem:$0x3FA6] =	sst s0  }
0x9: {  	[smem:$0x3FA7] =	sst s1  }
0xa: {  	[smem:$0x3FA8] =	sst s2  }
0xb: {  	[smem:$0x3FA9] =	sst s3  }
0xc: {  	[smem:$0x3FAA] =	sst s4  }
0xd: {  	[smem:$0x3FAB] =	sst s5  }
0xe: {  	[smem:$0x3FAC] =	sst s6  }
0xf: {  	[smem:$0x3FAD] =	sst s7  }
0x10: {  	[smem:$0x3FAE] =	sst s8  }
0x11: {  	[smem:$0x3FAF] =	sst s9;
	s0 =	simm.s32 @!p0 $0x0  }
0x12: {  	s1 =	sld [smem:$0x3F95];
	s0 =	simm.s32 @p0 $0x1  }
0x13: {  	[smem:$0x3FB0] =	sst s0;
	s0 =	simm.s32 @!p1 $0x0  }
0x14: {  	s2 =	sld [smem:$0x3F94];
	s0 =	simm.s32 @p1 $0x1  }
0x15: {  	[smem:$0x3FB1] =	sst s0;
	s0 =	simm.s32 @!p2 $0x0  }
0x16: {  	s3 =	sld [smem:$0x3FDB];
	s0 =	simm.s32 @p2 $0x1  }
0x17: {  	s4 =	simm.s32 $0x1BF5;
	[smem:$0x3FB3] =	sst s0  }
0x18: {  	s0 =	sld [smem:$0x3F96];
	_ =	swait.ge [sflag:s4], $0x0  }
0x19: {  	s7 =	sld [smem:$0x3F97]  }
0x1a: {  	s8 =	sadd.s32 $0xFFFFE003, lr  }
0x1b: {  	s9 =	sadd.s32 $0xFFFFFEF7, lr;
	s5 =	simm.s32 $0xFFFFFFFF;
	p2 =	slt.u32 s8, $0xFFFFF086  }
0x1c: {  	p1 =	slt.u32 s9, $0xF7A;
	s5 =	simm.s32 @!p2 $0x0  }
0x1d: {  	s5 =	simm.s32 @p1 $0x1;
	p0 =	seq.s32 s7, s2  }
0x1e: {  	s7 =	smul.u32 @!p0 $0xF7A, s2;
	p2 =	seq.s32 @!p0 s5, $0x0  }
0x1f: {  	s9 =	smul.u32 $0xF7A, s1;
	s8 =	simm.s32 @!p0 $0x1BF5;
	p2 =	por !p2, p0  }
0x20: {  	[sflag:s8] =	ssyncset.s32 @!p0 $0xFFFFF086;
	s6 =	sadd.s32 @!p0 s3, s7;
	s7 =	simm.s32 @!p0 $0x108  }
0x21: {  	s3 =	sadd.s32 s3, s9;
	s6 =	sadd.s32 @!p0 $0x88, s6;
	s7 =	simm.s32 @p2 $0x1082  }
0x22: {  	[simem:s7], [sflag:s8] =	dma.local @!p0 [hbm:s6], $0xF7A  }
0x23: {  	s9 =	sor.u32 $0xD0000000, s2;
	s6 =	simm.s32 $0x108;
	_ =	swait.ge @!p0 [sflag:s8], $0x0  }
0x24: {  	s3 =	sadd.s32 $0x88, s3;
	s6 =	simm.s32 @!p1 $0x1082;
	[sflag:s4] =	ssyncset.s32 $0xFFFFF086  }
0x25: {  	[simem:s6], [sflag:s4] =	dma.local [hbm:s3], $0xF7A  }
0x26: {  	[smem:$0x3F97] =	sst s1;
	(tag) =	ssettag s2;
	_ =	strace s9  }
0x27: {  	s1 =	sld [smem:$0x3FA7]  }
0x28: {  	s2 =	sld [smem:$0x3FA8]  }
0x29: {  	s4 =	sld [smem:$0x3FAA]  }
0x2a: {  	p0 =	seq.s32 s5, $0x0;
	s5 =	sld [smem:$0x3FAB]  }
0x2b: {  	s6 =	sld [smem:$0x3FAC]  }
0x2c: {  	s7 =	sld [smem:$0x3FAD]  }
0x2d: {  	s3 =	simm.s32 $0x108;
	s8 =	sld [smem:$0x3FAE]  }
0x2e: {  	s3 =	simm.s32 @!p0 $0x1082;
	s9 =	sld [smem:$0x3FAF]  }
0x2f: {  	lr =	sadd.s32 s0, s3;
	s0 =	sld [smem:$0x3FA6]  }
0x30: {  	s3 =	sld [smem:$0x3FA9]  }
0x31: {  	[smem:$0x3FB2] =	sst s10  }
0x32: {  	s10 =	sld [smem:$0x3FB0];
	_ =	sdelay $0x3  }
0x33: {  	p0 =	seq.s32 s10, $0x1;
	s10 =	sld [smem:$0x3FB2];
	_ =	sdelay $0x3  }
0x34: {  	[smem:$0x3FB2] =	sst s10  }
0x35: {  	s10 =	sld [smem:$0x3FB1];
	_ =	sdelay $0x3  }
0x36: {  	p1 =	seq.s32 s10, $0x1;
	s10 =	sld [smem:$0x3FB2];
	_ =	sdelay $0x3  }
0x37: {  	[smem:$0x3FB2] =	sst s10  }
0x38: {  	s10 =	sld [smem:$0x3FB3]  }
0x39: {  	_ = 	snop;
	(pc) =	sbr.ind lr, $3  }
0x3a: {  	_ = 	snop  }
0x3b: {  	_ = 	snop  }
0x3c: {  	p2 =	seq.s32 s10, $0x1;
	s10 =	sld [smem:$0x3FB2]  }
0x3d: {  	_ =	shalt  }
0x3e: {  	_ =	shalt  }
0x3f: {  	_ =	shalt  }
0x40: {  	_ =	shalt  }
0x41: {  	_ =	shalt  }
0x42: {  	_ =	shalt  }
0x43: {  	_ =	shalt  }
0x44: {  	_ =	shalt  }
0x45: {  	_ =	shalt  }
0x46: {  	_ =	shalt  }
0x47: {  	_ =	shalt  }
0x48: {  	_ =	shalt  }
0x49: {  	_ =	shalt  }
0x4a: {  	_ =	shalt  }
0x4b: {  	_ =	shalt  }
0x4c: {  	_ =	shalt  }
0x4d: {  	_ =	shalt  }
0x4e: {  	_ =	shalt  }
0x4f: {  	_ =	shalt  }
0x50: {  	_ =	shalt  }
0x51: {  	_ =	shalt  }
0x52: {  	_ =	shalt  }
0x53: {  	_ =	shalt  }
0x54: {  	_ =	shalt  }
0x55: {  	_ =	shalt  }
0x56: {  	_ =	shalt  }
0x57: {  	_ =	shalt  }
0x58: {  	_ =	shalt  }
0x59: {  	_ =	shalt  }
0x5a: {  	_ =	shalt  }
0x5b: {  	_ =	shalt  }
0x5c: {  	_ =	shalt  }
0x5d: {  	_ =	shalt  }
0x5e: {  	_ =	shalt  }
0x5f: {  	_ =	shalt  }
0x60: {  	_ =	shalt  }
0x61: {  	_ =	shalt  }
0x62: {  	_ =	shalt  }
0x63: {  	_ =	shalt  }
0x64: {  	_ =	shalt  }
0x65: {  	_ =	shalt  }
0x66: {  	_ =	shalt  }
0x67: {  	_ =	shalt  }
0x68: {  	_ =	shalt  }
0x69: {  	_ =	shalt  }
0x6a: {  	_ =	shalt  }
0x6b: {  	_ =	shalt  }
0x6c: {  	_ =	shalt  }
0x6d: {  	_ =	shalt  }
0x6e: {  	_ =	shalt  }
0x6f: {  	_ =	shalt  }
0x70: {  	_ =	shalt  }
0x71: {  	_ =	shalt  }
0x72: {  	_ =	shalt  }
0x73: {  	_ =	shalt  }
0x74: {  	_ =	shalt  }
0x75: {  	_ =	shalt  }
0x76: {  	_ =	shalt  }
0x77: {  	_ =	shalt  }
0x78: {  	_ =	shalt  }
0x79: {  	_ =	shalt  }
0x7a: {  	_ =	shalt  }
0x7b: {  	_ =	shalt  }
0x7c: {  	_ =	shalt  }
0x7d: {  	_ =	shalt  }
0x7e: {  	_ =	shalt  }
0x7f: {  	_ =	shalt  }
0x80: {  	_ =	shalt  }
0x81: {  	_ =	shalt  }
0x82: {  	_ =	shalt  }
0x83: {  	_ =	shalt  }
0x84: {  	_ =	shalt  }
0x85: {  	_ =	shalt  }
0x86: {  	_ =	shalt  }
0x87: {  	_ =	shalt  }
.Lfunc_end0:
.L_simem_size_0:
called_computation.2_lowered:
.L_overlay_start_0:
0x88: {  	s2 =	sld [smem:$0x3FD9]  }
0x89: {  	s3 =	sld [smem:$0x3FFE];
	_ =	sdelay $0x1  }
0x8a: {  	s1 =	srdreg.scid  }
0x8b: {  	s0 =	sand.u32 $0x1, s1  }
0x8c: {  	s17 =	sshll.u32 s0, $0xA;
	s2 =	sadd.s32 s3, s2  }
0x8d: {  	s2 =	sadd.s32 s2, s17  }
0x8e: {  	[smem:$0x3FBE] =	sst s2  }
0x8f: {  	_ = 	snop  }
0x90: {  	s2 =	sld [smem:$0x3FD0];
	(tm) =	ssettm $0x1  }
0x91: {  	s18 =	sld [smem:$0x3FFB];
	_ =	sdelay $0x3  }
0x92: {  	_ =	strace s18  }
0x93: {  	s3 =	sld [smem:$0x3FFC];
	_ =	sdelay $0x3  }
0x94: {  	_ =	strace s3  }
0x95: {  	s3 =	sld [smem:$0x3FFD];
	_ =	sdelay $0x3  }
0x96: {  	_ =	strace s3  }
0x97: {  	_ =	strace $0x8FFFFFFF  }
0x98: {  	s19 =	sld [smem:$0x3FDB];
	_ =	sdelay $0x1  }
0x99: {  	s4 =	simm.s32 $_scs_section_size  }
0x9a: {  	s5 =	simm.s32 $_size__tile_overlayer_lowered;
	s6 =	simm.s32 $_tile_overlayer_lowered  }
0x9b: {  	s22 =	simm.s32 $0x1BFF;
	s21 =	sshll.u32 s6, $0x1;
	s3 =	sadd.s32 s4, s19  }
0x9c: {  	s7 =	simm.s32 $0x0;
	s20 =	sshll.u32 s5, $0x1;
	s5 =	sadd.s32 s21, s3  }
0x9d: {  	[timem:s7], [sflag:s22] =	dma.local [hbm:s5], s20  }
0x9e: {  	_ =	swait.ge [sflag:s22], s20  }
0x9f: {  	s4 =	ssub.s32 $0x0, s20;
	[sflag:s22] =	ssyncset.done $0x0  }
0xa0: {  	[sflag:s22] =	ssyncadd.s32 s4;
	_ =	sdelay $0x1  }
0xa1: {  	s23 =	simm.s32 $0x1B8B  }
0xa2: {  	_ =	swait.ge [sflag:s23], $0x1  }
0xa3: {  	[sflag:s23] =	ssyncset.done $0x0  }
0xa4: {  	s25 =	simm.s32 $0x1B8E;
	s24 =	sld [smem:$0x3FFE];
	[sflag:s23] =	ssyncadd.s32 $0xFFFFFFFF  }
0xa5: {  	s26 =	simm.s32 $execute0_lowered;
	[smem:$0x3FD2] =	sst s25  }
0xa6: {  	s5 =	sshll.u32 s26, $0x1;
	_ =	strace $0x8000004C;
	[dreg:$0x1] =	wrdreg $0xFFFFFFFF  }
0xa7: {  	s28 =	simm.s32 $_size_execute0_lowered;
	s3 =	sadd.s32 s3, s5;
	[dreg:$0x0] =	wrdreg $0x0  }
0xa8: {  	s5 =	sshll.u32 s28, $0x1;
	[dreg:$0x2] =	wrdreg s3  }
0xa9: {  	[dreg:$0x3] =	wrdreg s5  }
0xaa: {  	[dreg:$0x4] =	wrdreg $0xC0  }
0xab: {  	_ =	task [dreg:s7], $0x5FFFF  }
0xac: {  	[dreg:$0x1] =	wrdreg $0xFFFFFFFF  }
0xad: {  	[dreg:$0x0] =	wrdreg $0x60  }
0xae: {  	[dreg:$0x2] =	wrdreg s24  }
0xaf: {  	[dreg:$0x3] =	wrdreg s2  }
0xb0: {  	[dreg:$0x4] =	wrdreg $0xD3800  }
0xb1: {  	[dreg:$0x5] =	wrdreg $0x9  }
0xb2: {  	_ =	task.clear_ibuf [dreg:s7], $0x6FFFF;
	_ =	strace $0x9000004C  }
0xb3: {  	s29 =	simm.s32 $0x9;
	_ =	strace $0x8000004E  }
0xb4: {  	_ =	swait.ge [sflag:s29], $0x1  }
0xb5: {  	[sflag:s29] =	ssyncadd.s32 $0xFFFFFFFF  }
0xb6: {  	_ =	strace $0x9000004E  }
0xb7: {  	_ =	sfence  }
0xb8: {  	s30 =	sld [smem:$0x0];
	_ =	sdelay $0x2  }
0xb9: {  	s31 =	sshll.u32 s1, $0xD;
	s1 =	sshrl.u32 s1, $0x2  }
0xba: {  	s3 =	sand.u32 $0x4000, s31;
	s1 =	sadd.s32 s1, s30  }
0xbb: {  	s0 =	sor.u32 s3, s0;
	s1 =	sshll.u32 s1, $0x11  }
0xbc: {  	s0 =	sor.u32 s1, s0  }
0xbd: {  	s0 =	sadd.s32 $0x8F2B, s0  }
0xbe: {  	[sflag:s0] =	ssyncadd.remote.s32 $0x1  }
0xbf: {  	_ =	sfence.sel $0xFFFF  }
0xc0: {  	[dreg:$0x0] =	wrdreg $0xFFFFFFFF;
	(pc) =	sbr.abs _section_cstart, $3  }
0xc1: {  	[dreg:$0x1] =	wrdreg $0xFFFFFFFF  }
0xc2: {  	_ =	task.clear_ibuf [dreg:s7], $0x2FFFF;
	_ =	strace $0x9FFFFFFF  }
0xc3: {  	(tm) =	ssettm $0x7FFFFFFF  }
tec
execute0_lowered:
.L_overlay_start_1:
0x0: {  	(tag) =	ssettag $0x1  }
0x1: {  	s0 =	srdreg.scid;
	s4 =	rddreg [dreg:$0x0]  }
0x2: {  	s12 =	stileid.u32;
	s2 =	rddreg [dreg:$0x1]  }
0x3: {  	s3 =	rddreg [dreg:$0x2];
	s5 =	simm.s32 $0x0;
	s11 =	simm.s32 $0x5  }
0x4: {  	s15 =	simm.s32 $0x40;
	s16 =	simm.s32 $0x2A80;
	s17 =	simm.s32 $0x2B80  }
0x5: {  	s18 =	simm.s32 $0x2B00;
	s19 =	simm.s32 $0x6F80;
	s20 =	simm.s32 $0x2AC0  }
0x6: {  	s21 =	simm.s32 $0x7780;
	s28 =	simm.s32 $0x3;
	s29 =	simm.s32 $0x4  }
0x7: {  	s30 =	simm.s32 $0x0;
	s0 =	sand.u32 $0x1, s0;
	s6 =	smul.u32 $0xA000, s12  }
0x8: {  	s7 =	smul.u32 $0x1400, s12;
	[smem:$0x7FF] =	sst s5;
	s5 =	sadd.s32 $0x26800, s4  }
0x9: {  	s31 =	sshll.u32 s12, $0x6;
	s1 =	sshll.u32 s0, $0x4;
	s8 =	smul.u32 $0x14000, s0  }
0xa: {  	_ =	strace $0x8000004D;
	s0 =	ssub.s32 $0x2, s0;
	s13 =	sor.u32 $0x1C05, s31  }
0xb: {  	s1 =	sor.u32 s12, s1;
	s9 =	sshrl.u32 s6, $0x3;
	s23 =	sshrl.u32 s0, $0x1  }
0xc: {  	s25 =	sadd.s32 s6, s3;
	s1 =	smul.u32 $0x2A8, s1;
	s7 =	sadd.s32 s7, s8  }
0xd: {  	s22 =	sadd.s32 s9, s4;
	s0 =	ssub.s32 s0, s23;
	s14 =	sshrl.u32 s25, $0x3  }
0xe: {  	s23 =	simm.s32 $0xBB80;
	s25 =	simm.s32 $0x2;
	s26 =	sadd.s32 $0x8FE00, s22  }
0xf: {  	s10 =	smax.u32 s0, $0x1;
	s22 =	simm.s32 $0x2B40;
	s1 =	sadd.s32 s1, s4  }
0x10: {  	s4 =	sadd.s32 s7, s4;
	[dreg:$0x6] =	wrdreg s26;
	s24 =	sadd.s32 $0x8A800, s1  }
0x11: {  	s26 =	simm.s32 $0xC380;
	s1 =	sadd.s32 $0x11C00, s1;
	[dreg:$0x4] =	wrdreg s24  }
0x12: {  	s9 =	sadd.s32 $0xA3E00, s4;
	[dreg:$0x5] =	wrdreg s1;
	s24 =	simm.s32 $0x1  }
.LBB2_1:
0x13: {  	s0 =	simm.s32 $0x0;
	s1 =	rddreg [dreg:$0x4]  }
0x14: {  	[tilespmem:s0], [sflag:$0x5] =	stream.linear.gather [hbm4b:s1+s0], $0x1540, $0x38;
	[tilespmem:$0x17380] =	vst v63  }
0x15: {  	_ =	swait.ge [sflag:s11], $0x1540  }
0x16: {  	[sflag:s11] =	ssyncset.done $0x0  }
0x17: {  	s4 =	simm.s32 $0x1540;
	s8 =	rddreg [dreg:$0x5];
	[sflag:s11] =	ssyncadd.s32 $0xFFFFEAC0  }
0x18: {  	[tilespmem:s4], [sflag:$0x5] =	stream.linear.gather [hbm4b:s8+s0], $0x1540, $0x38;
	[tilespmem:$0x17380] =	vst v63  }
0x19: {  	_ =	swait.ge [sflag:s11], $0x1540  }
0x1a: {  	[sflag:s11] =	ssyncset.done $0x0  }
0x1b: {  	s12 =	rddreg [dreg:$0x6];
	[sflag:s11] =	ssyncadd.s32 $0xFFFFEAC0  }
0x1c: {  	[spmem:s14], [sflag:s13] =	dma.local [hbm:s12], $0x1400  }
0x1d: {  	_ =	swait.ge [sflag:s11], $0x1400  }
0x1e: {  	[sflag:s11] =	ssyncset.done $0x0  }
0x1f: {  	[sflag:s11] =	ssyncadd.s32 $0xFFFFEC00  }
0x20: {  	[bflag:$0x0] =	sbarrier.arrive $0xFFFF  }
0x21: {  	v0 =	vld [tilespmem:$0x0];
	_ =	sdelay $0x1  }
0x22: {  	v1 =	vld [tilespmem:$0x10];
	_ =	sdelay $0x1  }
0x23: {  	v2 =	vld [tilespmem:$0x1540]  }
0x24: {  	v3 =	vunpack.i.l.s16.s32 v0  }
0x25: {  	v57 =	vld [tilespmem:$0x1550];
	v0 =	vunpack.i.u.s16.s32 v0;
	[tilespmem:$0x2A80] =	vst v3  }
0x26: {  	v58 =	vunpack.i.l.s16.s32 v1;
	[tilespmem:$0x2A90] =	vst v0  }
0x27: {  	v59 =	vunpack.i.u.s16.s32 v1;
	[tilespmem:$0x2AA0] =	vst v58  }
0x28: {  	v60 =	vunpack.i.l.s16.s32 v2;
	[tilespmem:$0x2AB0] =	vst v59  }
0x29: {  	v61 =	vunpack.i.u.s16.s32 v2;
	[tilespmem:$0x2B00] =	vst v60  }
0x2a: {  	v62 =	vunpack.i.l.s16.s32 v57;
	[tilespmem:$0x2B10] =	vst v61  }
0x2b: {  	v63 =	vunpack.i.u.s16.s32 v57;
	[tilespmem:$0x2B20] =	vst v62  }
0x2c: {  	[tilespmem:$0x2B30] =	vst v63  }
0x2d: {  	[tilespmem:s17], [sflag:$0x1] =	stream.indirect.gather [hbm4b:s5+s15], $0x110, s16, s15, $0xb8;
	[tilespmem:$0x17380] =	vst v63  }
0x2e: {  	s31 =	simm.s32 $0x0  }
0x2f: {  	[tilespmem:s19], [sflag:$0x2] =	stream.indirect.gather [hbm4b:s2+s15], $0x20, s18, s15, $0xb8;
	[tilespmem:$0x17380] =	vst v63  }
.LBB2_2:
0x30: {  	s0 =	sshll.u32 s31, $0x7  }
0x31: {  	s1 =	sshrl.u32 s0, $0x1  }
0x32: {  	v0 =	vld [tilespmem:s1+$0x20];
	_ =	sdelay $0x4  }
0x33: {  	v1 =	vunpack.i.l.s16.s32 v0  }
0x34: {  	v0 =	vunpack.i.u.s16.s32 v0;
	[tilespmem:$0x2AC0] =	vst v1  }
0x35: {  	[tilespmem:$0x2AD0] =	vst v0  }
0x36: {  	v0 =	vld [tilespmem:s1+$0x30];
	_ =	sdelay $0x4  }
0x37: {  	v1 =	vunpack.i.l.s16.s32 v0  }
0x38: {  	v0 =	vunpack.i.u.s16.s32 v0;
	[tilespmem:$0x2AE0] =	vst v1  }
0x39: {  	[tilespmem:$0x2AF0] =	vst v0  }
0x3a: {  	v0 =	vld [tilespmem:s1+$0x1560];
	_ =	sdelay $0x4  }
0x3b: {  	v1 =	vunpack.i.l.s16.s32 v0  }
0x3c: {  	v0 =	vunpack.i.u.s16.s32 v0;
	[tilespmem:$0x2B40] =	vst v1  }
0x3d: {  	[tilespmem:$0x2B50] =	vst v0  }
0x3e: {  	v0 =	vld [tilespmem:s1+$0x1570];
	_ =	sdelay $0x4  }
0x3f: {  	v1 =	vunpack.i.l.s16.s32 v0  }
0x40: {  	v0 =	vunpack.i.u.s16.s32 v0;
	[tilespmem:$0x2B60] =	vst v1  }
0x41: {  	[tilespmem:$0x2B70] =	vst v0  }
0x42: {  	[tilespmem:s21], [sflag:$0x3] =	stream.indirect.gather [hbm4b:s5+s15], $0x110, s20, s15, $0xb8;
	[tilespmem:$0x17380] =	vst v63  }
0x43: {  	_ = 	snop  }
0x44: {  	[tilespmem:s23], [sflag:$0x4] =	stream.indirect.gather [hbm4b:s2+s15], $0x20, s22, s15, $0xb8;
	[tilespmem:$0x17380] =	vst v63  }
0x45: {  	_ =	swait.ge [sflag:s24], $0x4400  }
0x46: {  	[sflag:s24] =	ssyncset.done $0x0  }
0x47: {  	[sflag:s24] =	ssyncadd.s32 $0xFFFFBC00  }
0x48: {  	_ =	swait.ge [sflag:s25], $0x800  }
0x49: {  	[sflag:s25] =	ssyncset.done $0x0  }
0x4a: {  	s12 =	simm.s32 $0x2C00;
	[sflag:s25] =	ssyncadd.s32 $0xFFFFF800  }
0x4b: {  	s8 =	simm.s32 $0x0;
	v0 =	vld [tilespmem:s12+$0x80]  }
0x4c: {  	v1 =	vld [tilespmem:s8+$0x6F80];
	_ =	sdelay $0x3  }
0x4d: {  	v0 =	vunpack.i.l.bf16.f32 v0  }
0x4e: {  	v0 =	vadd.f32 v1, v0;
	_ =	sdelay $0x1  }
0x4f: {  	v2 =	vld [tilespmem:s8+$0x6F90];
	v1 =	vmul.f32 $2.000000030e-01, v0  }
0x50: {  	v3 =	vld [tilespmem:s12+$0xFFFFFF90];
	vm0 =	vgt.f32 v0, $0.0e+00  }
0x51: {  	v4 =	vld [tilespmem:s12+$0xFFFFFF80];
	v0 =	vsel vm0, v0, v1  }
0x52: {  	v5 =	vld [tilespmem:s12+$0xFFFFFFF0];
	v0 =	vmul.f32 $1.442695020e+00, v0  }
0x53: {  	v7 =	vld [tilespmem:s12+$0xFFFFFFC0]  }
0x54: {  	v11 =	vld [tilespmem:s12+$0xFFFFFFD0];
	(erf) = vpow2.f32 v0  }
0x55: {  	v8 =	vld [tilespmem:s12+$0xFFFFFFB0]  }
0x56: {  	v25 =	vld [tilespmem:s12+$0x10]  }
0x57: {  	v17 =	vld [tilespmem:s12+$0xFFFFFFA0]  }
0x58: {  	v23 =	vld [tilespmem:s12+$0x20]  }
0x59: {  	v30 =	vunpack.i.u.bf16.f32 v4;
	v6 =	vunpack.i.u.bf16.f32 v11;
	v26 =	vunpack.i.l.bf16.f32 v11;
	v11 =	vld [tilespmem:s12+$0x30]  }
0x5a: {  	v14 =	vunpack.i.u.bf16.f32 v3;
	v24 =	vunpack.i.l.bf16.f32 v4;
	v10 =	vunpack.i.l.bf16.f32 v5;
	v1 =	vld [tilespmem:s12+$0xFFFFFFE0]  }
0x5b: {  	v27 =	vunpack.i.l.bf16.f32 v7;
	v15 =	vunpack.i.u.bf16.f32 v5;
	v0 =	vunpack.i.l.bf16.f32 v3;
	v3 =	vld [tilespmem:s12+$0x40]  }
0x5c: {  	v9 =	vunpack.i.l.bf16.f32 v8;
	v28 =	vunpack.i.u.bf16.f32 v7;
	v13 =	vunpack.i.u.bf16.f32 v8  }
0x5d: {  	v34 =	vld [tilespmem:s12+$0x50];
	v19 =	vunpack.i.u.bf16.f32 v17;
	v29 =	vunpack.i.l.bf16.f32 v17;
	v17 =	vunpack.i.l.bf16.f32 v23;
	v4 =	vpop (erf)  }
0x5e: {  	v32 =	vunpack.i.u.bf16.f32 v23;
	v8 =	vunpack.i.u.bf16.f32 v11;
	v21 =	vmul.f32 v4, v2  }
0x5f: {  	v7 =	vunpack.i.l.bf16.f32 v11;
	v12 =	vunpack.i.u.bf16.f32 v1;
	v16 =	vunpack.i.l.bf16.f32 v1  }
0x60: {  	v1 =	vunpack.i.u.bf16.f32 v25;
	v18 =	vunpack.i.u.bf16.f32 v3;
	v22 =	vbroadcast v21, $0x0  }
0x61: {  	v4 =	vunpack.i.l.bf16.f32 v3;
	v20 =	vbroadcast v21, $0x1;
	v5 =	vbroadcast v21, $0x5  }
0x62: {  	s4 =	simm.s32 $0xC3A0;
	v11 =	vld [tilespmem:s12+$0x70];
	v3 =	vunpack.i.l.bf16.f32 v34;
	v23 =	vbroadcast v21, $0x2;
	v2 =	vbroadcast v21, $0x6  }
0x63: {  	s6 =	simm.s32 $0x80;
	s7 =	simm.s32 $0x2C00;
	s0 =	simm.s32 $0xC3A0;
	v31 =	vld [tilespmem:s12+$0x60];
	v34 =	vunpack.i.u.bf16.f32 v34;
	v33 =	vmul.f32 v22, v30;
	v30 =	vbroadcast v21, $0x3  }
.LBB2_3:
0x64: {  	p0 =	sne.s32 s6, $0x1F80;
	v32 =	vmul.f32 v32, v5;
	v34 =	vmul.f32 v34, v2;
	s4 =	sadd.s32 $0x40, s4;
	s12 =	sadd.s32 $0x110, s12  }
0x65: {  	v24 =	vmul.f32 v22, v24;
	v27 =	vmul.f32 v27, v23;
	v25 =	vunpack.i.l.bf16.f32 v25;
	s8 =	smov.u32 s6;
	s6 =	sadd.s32 $0x80, s6;
	v35 =	vld [tilespmem:s7+$0x0];
	s7 =	smov.u32 s12  }
0x66: {  	v29 =	vmul.f32 v29, v20;
	v28 =	vmul.f32 v28, v23;
	v33 =	vadd.f32 $0.0e+00, v33  }
0x67: {  	v26 =	vmul.f32 v26, v23;
	v24 =	vadd.f32 $0.0e+00, v24;
	v36 =	vunpack.i.u.bf16.f32 v11  }
0x68: {  	v14 =	vmul.f32 v22, v14;
	v37 =	vbroadcast v21, $0x4;
	v38 =	vunpack.i.l.bf16.f32 v31  }
0x69: {  	v16 =	vmul.f32 v16, v30;
	v24 =	vadd.f32 v29, v24;
	v29 =	vunpack.i.u.bf16.f32 v31  }
0x6a: {  	v12 =	vmul.f32 v12, v30;
	v25 =	vmul.f32 v25, v37;
	v31 =	vunpack.i.u.bf16.f32 v35  }
0x6b: {  	v15 =	vmul.f32 v15, v30;
	v35 =	vunpack.i.l.bf16.f32 v35;
	v31 =	vmul.f32 v31, v37  }
0x6c: {  	v10 =	vmul.f32 v10, v30;
	v14 =	vadd.f32 $0.0e+00, v14;
	v30 =	vmul.f32 v35, v37  }
0x6d: {  	v19 =	vmul.f32 v19, v20;
	v21 =	vbroadcast v21, $0x7  }
0x6e: {  	v9 =	vmul.f32 v9, v20;
	v18 =	vmul.f32 v18, v2  }
0x6f: {  	v0 =	vmul.f32 v0, v22;
	v17 =	vmul.f32 v17, v5;
	v19 =	vadd.f32 v19, v33  }
0x70: {  	v13 =	vmul.f32 v13, v20;
	v22 =	vmul.f32 v36, v21;
	v20 =	vadd.f32 v27, v24  }
0x71: {  	v6 =	vmul.f32 v6, v23;
	v19 =	vadd.f32 v28, v19;
	v23 =	vmul.f32 v29, v21  }
0x72: {  	v0 =	vadd.f32 $0.0e+00, v0;
	v11 =	vunpack.i.l.bf16.f32 v11;
	v16 =	vadd.f32 v16, v20  }
0x73: {  	s8 =	sshra.s32 s8, $0x2;
	v11 =	vmul.f32 v11, v21;
	v13 =	vadd.f32 v13, v14;
	v12 =	vadd.f32 v12, v19  }
0x74: {  	v0 =	vadd.f32 v9, v0;
	v14 =	vmul.f32 v38, v21;
	v9 =	vadd.f32 v30, v16  }
0x75: {  	v1 =	vmul.f32 v1, v37;
	v6 =	vadd.f32 v6, v13;
	v12 =	vadd.f32 v31, v12  }
0x76: {  	v4 =	vmul.f32 v4, v2;
	v0 =	vadd.f32 v26, v0;
	v9 =	vadd.f32 v17, v9  }
0x77: {  	v8 =	vmul.f32 v8, v5;
	v6 =	vadd.f32 v15, v6;
	v12 =	vadd.f32 v32, v12  }
0x78: {  	v5 =	vmul.f32 v7, v5;
	v0 =	vadd.f32 v10, v0;
	v4 =	vadd.f32 v4, v9  }
0x79: {  	v1 =	vadd.f32 v1, v6;
	v6 =	vadd.f32 v18, v12  }
0x7a: {  	v0 =	vadd.f32 v25, v0;
	v4 =	vadd.f32 v14, v4  }
0x7b: {  	v1 =	vadd.f32 v8, v1;
	v6 =	vadd.f32 v23, v6  }
0x7c: {  	v2 =	vmul.f32 v3, v2;
	v0 =	vadd.f32 v5, v0;
	[tilespmem:s0+$0xFFFFFFE0] =	vst v4  }
0x7d: {  	v1 =	vadd.f32 v34, v1;
	[tilespmem:s0+$0xFFFFFFF0] =	vst v6  }
0x7e: {  	v0 =	vadd.f32 v2, v0  }
0x7f: {  	v1 =	vadd.f32 v22, v1  }
0x80: {  	v0 =	vadd.f32 v11, v0  }
0x81: {  	[tilespmem:s0+$0x10] =	vst v1  }
0x82: {  	[tilespmem:s0+$0x0] =	vst v0;
	s0 =	smov.u32 s4  }
0x83: {  	v0 =	vld [tilespmem:s12+$0x80]  }
0x84: {  	v1 =	vld [tilespmem:s8+$0x6F80]  }
0x85: {  	v2 =	vld [tilespmem:s8+$0x6F90];
	_ =	sdelay $0x1  }
0x86: {  	v3 =	vld [tilespmem:s12+$0xFFFFFF90]  }
0x87: {  	v0 =	vunpack.i.l.bf16.f32 v0;
	v4 =	vld [tilespmem:s12+$0xFFFFFF80]  }
0x88: {  	v1 =	vadd.f32 v1, v0  }
0x89: {  	v5 =	vld [tilespmem:s12+$0xFFFFFFE0]  }
0x8a: {  	v6 =	vmul.f32 $2.000000030e-01, v1;
	v7 =	vld [tilespmem:s12+$0xFFFFFFF0]  }
0x8b: {  	vm0 =	vgt.f32 v1, $0.0e+00;
	v0 =	vunpack.i.l.bf16.f32 v3;
	v8 =	vld [tilespmem:s12+$0xFFFFFFC0]  }
0x8c: {  	v14 =	vunpack.i.u.bf16.f32 v3;
	v1 =	vsel vm0, v1, v6;
	v30 =	vunpack.i.u.bf16.f32 v4;
	v3 =	vld [tilespmem:s12+$0xFFFFFFB0]  }
0x8d: {  	v24 =	vunpack.i.l.bf16.f32 v4;
	v1 =	vmul.f32 $1.442695020e+00, v1;
	v4 =	vld [tilespmem:s12+$0xFFFFFFD0]  }
0x8e: {  	v12 =	vunpack.i.u.bf16.f32 v5;
	v16 =	vunpack.i.l.bf16.f32 v5  }
0x8f: {  	v10 =	vunpack.i.l.bf16.f32 v7;
	(erf) = vpow2.f32 v1;
	_ =	sdelay $0x1  }
0x90: {  	v15 =	vunpack.i.u.bf16.f32 v7;
	v27 =	vunpack.i.l.bf16.f32 v8;
	v25 =	vld [tilespmem:s12+$0x10]  }
0x91: {  	v9 =	vunpack.i.l.bf16.f32 v3;
	v5 =	vld [tilespmem:s12+$0xFFFFFFA0];
	v6 =	vunpack.i.u.bf16.f32 v4  }
0x92: {  	v26 =	vunpack.i.l.bf16.f32 v4  }
0x93: {  	v28 =	vunpack.i.u.bf16.f32 v8;
	v7 =	vld [tilespmem:s12+$0x40]  }
0x94: {  	v8 =	vld [tilespmem:s12+$0x20]  }
0x95: {  	v1 =	vunpack.i.u.bf16.f32 v25;
	v11 =	vld [tilespmem:s12+$0x30]  }
0x96: {  	v13 =	vunpack.i.u.bf16.f32 v3  }
0x97: {  	v19 =	vunpack.i.u.bf16.f32 v5;
	v29 =	vunpack.i.l.bf16.f32 v5;
	v34 =	vld [tilespmem:s12+$0x50];
	v3 =	vpop (erf)  }
0x98: {  	v21 =	vmul.f32 v3, v2;
	v4 =	vunpack.i.l.bf16.f32 v7  }
.Ltmp0:
0x99: {  	v18 =	vunpack.i.u.bf16.f32 v7;
	v17 =	vunpack.i.l.bf16.f32 v8;
	(pc) =	sbr.rel @p0 .LBB2_3-.Ltmp0, $4  }
0x9a: {  	v32 =	vunpack.i.u.bf16.f32 v8;
	v22 =	vbroadcast v21, $0x0;
	v20 =	vbroadcast v21, $0x1  }
0x9b: {  	v5 =	vbroadcast v21, $0x5;
	v8 =	vunpack.i.u.bf16.f32 v11;
	v7 =	vunpack.i.l.bf16.f32 v11;
	v11 =	vld [tilespmem:s12+$0x70]  }
0x9c: {  	v23 =	vbroadcast v21, $0x2;
	v2 =	vbroadcast v21, $0x6;
	v3 =	vunpack.i.l.bf16.f32 v34;
	v31 =	vld [tilespmem:s12+$0x60]  }
0x9d: {  	v33 =	vmul.f32 v22, v30;
	v30 =	vbroadcast v21, $0x3;
	v34 =	vunpack.i.u.bf16.f32 v34  }
0x9e: {  	v32 =	vmul.f32 v32, v5;
	v34 =	vmul.f32 v34, v2  }
0x9f: {  	v24 =	vmul.f32 v22, v24;
	v27 =	vmul.f32 v27, v23  }
0xa0: {  	v29 =	vmul.f32 v29, v20;
	v28 =	vmul.f32 v28, v23  }
0xa1: {  	v26 =	vmul.f32 v26, v23;
	v14 =	vmul.f32 v22, v14  }
0xa2: {  	v37 =	vbroadcast v21, $0x4;
	v19 =	vmul.f32 v19, v20  }
0xa3: {  	v0 =	vmul.f32 v0, v22;
	v21 =	vbroadcast v21, $0x7  }
0xa4: {  	v13 =	vmul.f32 v13, v20;
	v9 =	vmul.f32 v9, v20  }
0xa5: {  	v6 =	vmul.f32 v6, v23;
	v4 =	vmul.f32 v4, v2  }
0xa6: {  	v25 =	vunpack.i.l.bf16.f32 v25;
	v8 =	vmul.f32 v8, v5;
	v16 =	vmul.f32 v16, v30  }
0xa7: {  	v33 =	vadd.f32 $0.0e+00, v33;
	v12 =	vmul.f32 v12, v30;
	v15 =	vmul.f32 v15, v30  }
0xa8: {  	v35 =	vld [tilespmem:s7+$0x0];
	v10 =	vmul.f32 v10, v30;
	v24 =	vadd.f32 $0.0e+00, v24;
	v36 =	vunpack.i.u.bf16.f32 v11  }
0xa9: {  	v25 =	vmul.f32 v25, v37;
	v14 =	vadd.f32 $0.0e+00, v14;
	v0 =	vadd.f32 $0.0e+00, v0  }
0xaa: {  	v1 =	vmul.f32 v1, v37;
	v38 =	vunpack.i.l.bf16.f32 v31;
	v19 =	vadd.f32 v19, v33  }
0xab: {  	v31 =	vunpack.i.u.bf16.f32 v31;
	v24 =	vadd.f32 v29, v24;
	v13 =	vadd.f32 v13, v14  }
0xac: {  	v14 =	vmul.f32 v18, v2;
	v0 =	vadd.f32 v9, v0;
	v19 =	vadd.f32 v28, v19  }
0xad: {  	v29 =	vunpack.i.u.bf16.f32 v35;
	v35 =	vunpack.i.l.bf16.f32 v35;
	v20 =	vadd.f32 v27, v24  }
0xae: {  	v29 =	vmul.f32 v29, v37;
	v6 =	vadd.f32 v6, v13;
	v12 =	vadd.f32 v12, v19  }
0xaf: {  	v30 =	vmul.f32 v35, v37;
	v0 =	vadd.f32 v26, v0;
	v16 =	vadd.f32 v16, v20  }
0xb0: {  	v9 =	vmul.f32 v17, v5;
	v6 =	vadd.f32 v15, v6;
	v12 =	vadd.f32 v29, v12  }
0xb1: {  	v5 =	vmul.f32 v7, v5;
	v0 =	vadd.f32 v10, v0;
	v16 =	vadd.f32 v30, v16  }
0xb2: {  	v7 =	vmul.f32 v38, v21;
	v1 =	vadd.f32 v1, v6;
	v6 =	vadd.f32 v32, v12  }
0xb3: {  	v2 =	vmul.f32 v3, v2;
	v0 =	vadd.f32 v25, v0;
	v9 =	vadd.f32 v9, v16  }
0xb4: {  	v15 =	vmul.f32 v31, v21;
	v1 =	vadd.f32 v8, v1;
	v6 =	vadd.f32 v14, v6  }
0xb5: {  	v3 =	vunpack.i.l.bf16.f32 v11;
	v0 =	vadd.f32 v5, v0;
	v4 =	vadd.f32 v4, v9  }
0xb6: {  	v13 =	vmul.f32 v36, v21;
	v1 =	vadd.f32 v34, v1;
	v5 =	vadd.f32 v15, v6  }
0xb7: {  	v3 =	vmul.f32 v3, v21;
	v0 =	vadd.f32 v2, v0;
	v4 =	vadd.f32 v7, v4  }
0xb8: {  	v1 =	vadd.f32 v13, v1;
	[tilespmem:s0+$0xFFFFFFF0] =	vst v5  }
0xb9: {  	v0 =	vadd.f32 v3, v0;
	[tilespmem:s0+$0xFFFFFFE0] =	vst v4  }
0xba: {  	[tilespmem:s0+$0x10] =	vst v1  }
0xbb: {  	[tilespmem:s0+$0x0] =	vst v0  }
0xbc: {  	[spmem:s3] =	stream.indirect.scatter.add.f32 [tilespmem:s26], [sflag:$0x5], $0x40, s18, s15, $0xb8;
	[tilespmem:$0x17380] =	vst v63  }
0xbd: {  	_ =	swait.ge [sflag:s11], $0x1000  }
0xbe: {  	[sflag:s11] =	ssyncset.done $0x0  }
0xbf: {  	[sflag:s11] =	ssyncadd.s32 $0xFFFFF000  }
0xc0: {  	v0 =	vld [tilespmem:s1+$0x40];
	_ =	sdelay $0x4  }
0xc1: {  	v1 =	vunpack.i.l.s16.s32 v0  }
0xc2: {  	v0 =	vunpack.i.u.s16.s32 v0;
	[tilespmem:$0x2A80] =	vst v1  }
0xc3: {  	[tilespmem:$0x2A90] =	vst v0  }
0xc4: {  	v0 =	vld [tilespmem:s1+$0x50];
	_ =	sdelay $0x4  }
0xc5: {  	v1 =	vunpack.i.l.s16.s32 v0  }
0xc6: {  	v0 =	vunpack.i.u.s16.s32 v0;
	[tilespmem:$0x2AA0] =	vst v1  }
0xc7: {  	[tilespmem:$0x2AB0] =	vst v0  }
0xc8: {  	v0 =	vld [tilespmem:s1+$0x1580];
	_ =	sdelay $0x4  }
0xc9: {  	v1 =	vunpack.i.l.s16.s32 v0  }
0xca: {  	v0 =	vunpack.i.u.s16.s32 v0;
	[tilespmem:$0x2B00] =	vst v1  }
0xcb: {  	[tilespmem:$0x2B10] =	vst v0  }
0xcc: {  	v0 =	vld [tilespmem:s1+$0x1590];
	_ =	sdelay $0x4  }
0xcd: {  	v1 =	vunpack.i.l.s16.s32 v0  }
0xce: {  	v0 =	vunpack.i.u.s16.s32 v0;
	[tilespmem:$0x2B20] =	vst v1  }
0xcf: {  	[tilespmem:$0x2B30] =	vst v0  }
0xd0: {  	[tilespmem:s17], [sflag:$0x1] =	stream.indirect.gather [hbm4b:s5+s15], $0x110, s16, s15, $0xb8;
	[tilespmem:$0x17380] =	vst v63  }
0xd1: {  	_ = 	snop  }
0xd2: {  	[tilespmem:s19], [sflag:$0x2] =	stream.indirect.gather [hbm4b:s2+s15], $0x20, s18, s15, $0xb8;
	[tilespmem:$0x17380] =	vst v63  }
0xd3: {  	_ =	swait.ge [sflag:s28], $0x4400  }
0xd4: {  	[sflag:s28] =	ssyncset.done $0x0  }
0xd5: {  	[sflag:s28] =	ssyncadd.s32 $0xFFFFBC00  }
0xd6: {  	_ =	swait.ge [sflag:s29], $0x800  }
0xd7: {  	[sflag:s29] =	ssyncset.done $0x0  }
0xd8: {  	s1 =	simm.s32 $0x7800;
	[sflag:s29] =	ssyncadd.s32 $0xFFFFF800  }
0xd9: {  	s12 =	simm.s32 $0x0;
	v0 =	vld [tilespmem:s1+$0x80]  }
0xda: {  	v1 =	vld [tilespmem:s12+$0xBB80];
	_ =	sdelay $0x3  }
0xdb: {  	v0 =	vunpack.i.l.bf16.f32 v0  }
0xdc: {  	v0 =	vadd.f32 v1, v0;
	_ =	sdelay $0x1  }
0xdd: {  	v2 =	vld [tilespmem:s12+$0xBB90];
	v1 =	vmul.f32 $2.000000030e-01, v0  }
0xde: {  	v3 =	vld [tilespmem:s1+$0xFFFFFF90];
	vm0 =	vgt.f32 v0, $0.0e+00  }
0xdf: {  	v4 =	vld [tilespmem:s1+$0xFFFFFF80];
	v0 =	vsel vm0, v0, v1  }
0xe0: {  	v5 =	vld [tilespmem:s1+$0xFFFFFFF0];
	v0 =	vmul.f32 $1.442695020e+00, v0  }
0xe1: {  	v7 =	vld [tilespmem:s1+$0xFFFFFFC0]  }
0xe2: {  	v11 =	vld [tilespmem:s1+$0xFFFFFFD0];
	(erf) = vpow2.f32 v0  }
0xe3: {  	v8 =	vld [tilespmem:s1+$0xFFFFFFB0]  }
0xe4: {  	v17 =	vld [tilespmem:s1+$0xFFFFFFA0]  }
0xe5: {  	v23 =	vld [tilespmem:s1+$0x20]  }
0xe6: {  	v63 =	vld [tilespmem:s1+$0x50]  }
0xe7: {  	v30 =	vunpack.i.u.bf16.f32 v4;
	v6 =	vunpack.i.u.bf16.f32 v11;
	v26 =	vunpack.i.l.bf16.f32 v11;
	v11 =	vld [tilespmem:s1+$0x30]  }
0xe8: {  	v14 =	vunpack.i.u.bf16.f32 v3;
	v24 =	vunpack.i.l.bf16.f32 v4;
	v10 =	vunpack.i.l.bf16.f32 v5;
	v1 =	vld [tilespmem:s1+$0xFFFFFFE0]  }
0xe9: {  	v25 =	vld [tilespmem:s1+$0x10];
	v27 =	vunpack.i.l.bf16.f32 v7;
	v15 =	vunpack.i.u.bf16.f32 v5;
	v9 =	vunpack.i.l.bf16.f32 v8  }
0xea: {  	v28 =	vunpack.i.u.bf16.f32 v7;
	v13 =	vunpack.i.u.bf16.f32 v8;
	v0 =	vunpack.i.l.bf16.f32 v3;
	v3 =	vld [tilespmem:s1+$0x40]  }
0xeb: {  	v19 =	vunpack.i.u.bf16.f32 v17;
	v29 =	vunpack.i.l.bf16.f32 v17;
	v17 =	vunpack.i.l.bf16.f32 v23;
	v4 =	vpop (erf)  }
0xec: {  	v32 =	vunpack.i.u.bf16.f32 v23;
	v34 =	vunpack.i.u.bf16.f32 v63;
	v21 =	vmul.f32 v4, v2  }
0xed: {  	v8 =	vunpack.i.u.bf16.f32 v11;
	v7 =	vunpack.i.l.bf16.f32 v11;
	v12 =	vunpack.i.u.bf16.f32 v1  }
0xee: {  	v16 =	vunpack.i.l.bf16.f32 v1;
	v1 =	vunpack.i.u.bf16.f32 v25;
	v22 =	vbroadcast v21, $0x0  }
0xef: {  	v18 =	vunpack.i.u.bf16.f32 v3;
	v20 =	vbroadcast v21, $0x1;
	v5 =	vbroadcast v21, $0x5  }
0xf0: {  	s4 =	simm.s32 $0xC3A0;
	v11 =	vld [tilespmem:s1+$0x70];
	v4 =	vunpack.i.l.bf16.f32 v3;
	v23 =	vbroadcast v21, $0x2;
	v2 =	vbroadcast v21, $0x6  }
0xf1: {  	s6 =	simm.s32 $0x80;
	s7 =	simm.s32 $0x7800;
	s0 =	simm.s32 $0xC3A0;
	v31 =	vld [tilespmem:s1+$0x60];
	v3 =	vunpack.i.l.bf16.f32 v63;
	v33 =	vmul.f32 v22, v30;
	v30 =	vbroadcast v21, $0x3  }
.LBB2_5:
0xf2: {  	p0 =	sne.s32 s6, $0x1F80;
	v32 =	vmul.f32 v32, v5;
	v34 =	vmul.f32 v34, v2;
	s4 =	sadd.s32 $0x40, s4;
	s1 =	sadd.s32 $0x110, s1  }
0xf3: {  	v24 =	vmul.f32 v22, v24;
	v27 =	vmul.f32 v27, v23;
	v25 =	vunpack.i.l.bf16.f32 v25;
	s8 =	smov.u32 s6;
	s6 =	sadd.s32 $0x80, s6;
	v35 =	vld [tilespmem:s7+$0x0];
	s7 =	smov.u32 s1  }
0xf4: {  	v29 =	vmul.f32 v29, v20;
	v28 =	vmul.f32 v28, v23;
	v33 =	vadd.f32 $0.0e+00, v33  }
0xf5: {  	v26 =	vmul.f32 v26, v23;
	v24 =	vadd.f32 $0.0e+00, v24;
	v36 =	vunpack.i.u.bf16.f32 v11  }
0xf6: {  	v14 =	vmul.f32 v22, v14;
	v37 =	vbroadcast v21, $0x4;
	v38 =	vunpack.i.l.bf16.f32 v31  }
0xf7: {  	v16 =	vmul.f32 v16, v30;
	v24 =	vadd.f32 v29, v24;
	v29 =	vunpack.i.u.bf16.f32 v31  }
0xf8: {  	v12 =	vmul.f32 v12, v30;
	v25 =	vmul.f32 v25, v37;
	v31 =	vunpack.i.u.bf16.f32 v35  }
0xf9: {  	v15 =	vmul.f32 v15, v30;
	v35 =	vunpack.i.l.bf16.f32 v35;
	v31 =	vmul.f32 v31, v37  }
0xfa: {  	v10 =	vmul.f32 v10, v30;
	v14 =	vadd.f32 $0.0e+00, v14;
	v30 =	vmul.f32 v35, v37  }
0xfb: {  	v19 =	vmul.f32 v19, v20;
	v21 =	vbroadcast v21, $0x7  }
0xfc: {  	v9 =	vmul.f32 v9, v20;
	v18 =	vmul.f32 v18, v2  }
0xfd: {  	v0 =	vmul.f32 v0, v22;
	v17 =	vmul.f32 v17, v5;
	v19 =	vadd.f32 v19, v33  }
0xfe: {  	v13 =	vmul.f32 v13, v20;
	v22 =	vmul.f32 v36, v21;
	v20 =	vadd.f32 v27, v24  }
0xff: {  	v6 =	vmul.f32 v6, v23;
	v19 =	vadd.f32 v28, v19;
	v23 =	vmul.f32 v29, v21  }
0x100: {  	v0 =	vadd.f32 $0.0e+00, v0;
	v11 =	vunpack.i.l.bf16.f32 v11;
	v16 =	vadd.f32 v16, v20  }
0x101: {  	s8 =	sshra.s32 s8, $0x2;
	v11 =	vmul.f32 v11, v21;
	v13 =	vadd.f32 v13, v14;
	v12 =	vadd.f32 v12, v19  }
0x102: {  	v0 =	vadd.f32 v9, v0;
	v14 =	vmul.f32 v38, v21;
	v9 =	vadd.f32 v30, v16  }
0x103: {  	v1 =	vmul.f32 v1, v37;
	v6 =	vadd.f32 v6, v13;
	v12 =	vadd.f32 v31, v12  }
0x104: {  	v4 =	vmul.f32 v4, v2;
	v0 =	vadd.f32 v26, v0;
	v9 =	vadd.f32 v17, v9  }
0x105: {  	v8 =	vmul.f32 v8, v5;
	v6 =	vadd.f32 v15, v6;
	v12 =	vadd.f32 v32, v12  }
0x106: {  	v5 =	vmul.f32 v7, v5;
	v0 =	vadd.f32 v10, v0;
	v4 =	vadd.f32 v4, v9  }
0x107: {  	v1 =	vadd.f32 v1, v6;
	v6 =	vadd.f32 v18, v12  }
0x108: {  	v0 =	vadd.f32 v25, v0;
	v4 =	vadd.f32 v14, v4  }
0x109: {  	v1 =	vadd.f32 v8, v1;
	v6 =	vadd.f32 v23, v6  }
0x10a: {  	v2 =	vmul.f32 v3, v2;
	v0 =	vadd.f32 v5, v0;
	[tilespmem:s0+$0xFFFFFFE0] =	vst v4  }
0x10b: {  	v1 =	vadd.f32 v34, v1;
	[tilespmem:s0+$0xFFFFFFF0] =	vst v6  }
0x10c: {  	v0 =	vadd.f32 v2, v0  }
0x10d: {  	v1 =	vadd.f32 v22, v1  }
0x10e: {  	v0 =	vadd.f32 v11, v0  }
0x10f: {  	[tilespmem:s0+$0x10] =	vst v1  }
0x110: {  	[tilespmem:s0+$0x0] =	vst v0;
	s0 =	smov.u32 s4  }
0x111: {  	v0 =	vld [tilespmem:s1+$0x80]  }
0x112: {  	v1 =	vld [tilespmem:s8+$0xBB80]  }
0x113: {  	v2 =	vld [tilespmem:s8+$0xBB90];
	_ =	sdelay $0x1  }
0x114: {  	v3 =	vld [tilespmem:s1+$0xFFFFFF90]  }
0x115: {  	v0 =	vunpack.i.l.bf16.f32 v0;
	v4 =	vld [tilespmem:s1+$0xFFFFFF80]  }
0x116: {  	v1 =	vadd.f32 v1, v0  }
0x117: {  	v5 =	vld [tilespmem:s1+$0xFFFFFFE0]  }
0x118: {  	v6 =	vmul.f32 $2.000000030e-01, v1;
	v7 =	vld [tilespmem:s1+$0xFFFFFFF0]  }
0x119: {  	vm0 =	vgt.f32 v1, $0.0e+00;
	v0 =	vunpack.i.l.bf16.f32 v3;
	v8 =	vld [tilespmem:s1+$0xFFFFFFC0]  }
0x11a: {  	v14 =	vunpack.i.u.bf16.f32 v3;
	v1 =	vsel vm0, v1, v6;
	v30 =	vunpack.i.u.bf16.f32 v4;
	v3 =	vld [tilespmem:s1+$0xFFFFFFB0]  }
0x11b: {  	v24 =	vunpack.i.l.bf16.f32 v4;
	v1 =	vmul.f32 $1.442695020e+00, v1;
	v4 =	vld [tilespmem:s1+$0xFFFFFFD0]  }
0x11c: {  	v12 =	vunpack.i.u.bf16.f32 v5;
	v16 =	vunpack.i.l.bf16.f32 v5  }
0x11d: {  	v10 =	vunpack.i.l.bf16.f32 v7;
	(erf) = vpow2.f32 v1;
	_ =	sdelay $0x1  }
0x11e: {  	v15 =	vunpack.i.u.bf16.f32 v7;
	v27 =	vunpack.i.l.bf16.f32 v8;
	v25 =	vld [tilespmem:s1+$0x10]  }
0x11f: {  	v9 =	vunpack.i.l.bf16.f32 v3;
	v5 =	vld [tilespmem:s1+$0xFFFFFFA0];
	v6 =	vunpack.i.u.bf16.f32 v4  }
0x120: {  	v26 =	vunpack.i.l.bf16.f32 v4  }
0x121: {  	v28 =	vunpack.i.u.bf16.f32 v8;
	v7 =	vld [tilespmem:s1+$0x40]  }
0x122: {  	v8 =	vld [tilespmem:s1+$0x20]  }
0x123: {  	v1 =	vunpack.i.u.bf16.f32 v25;
	v11 =	vld [tilespmem:s1+$0x30]  }
0x124: {  	v13 =	vunpack.i.u.bf16.f32 v3  }
0x125: {  	v19 =	vunpack.i.u.bf16.f32 v5;
	v29 =	vunpack.i.l.bf16.f32 v5;
	v34 =	vld [tilespmem:s1+$0x50];
	v3 =	vpop (erf)  }
0x126: {  	v21 =	vmul.f32 v3, v2;
	v4 =	vunpack.i.l.bf16.f32 v7  }
.Ltmp1:
0x127: {  	v18 =	vunpack.i.u.bf16.f32 v7;
	v17 =	vunpack.i.l.bf16.f32 v8;
	(pc) =	sbr.rel @p0 .LBB2_5-.Ltmp1, $4  }
0x128: {  	v32 =	vunpack.i.u.bf16.f32 v8;
	v22 =	vbroadcast v21, $0x0;
	v20 =	vbroadcast v21, $0x1  }
0x129: {  	v5 =	vbroadcast v21, $0x5;
	v8 =	vunpack.i.u.bf16.f32 v11;
	v7 =	vunpack.i.l.bf16.f32 v11;
	v11 =	vld [tilespmem:s1+$0x70]  }
0x12a: {  	v23 =	vbroadcast v21, $0x2;
	v2 =	vbroadcast v21, $0x6;
	v3 =	vunpack.i.l.bf16.f32 v34;
	v31 =	vld [tilespmem:s1+$0x60]  }
0x12b: {  	v33 =	vmul.f32 v22, v30;
	v30 =	vbroadcast v21, $0x3;
	v34 =	vunpack.i.u.bf16.f32 v34  }
0x12c: {  	v32 =	vmul.f32 v32, v5  }
0x12d: {  	v34 =	vmul.f32 v34, v2;
	v24 =	vmul.f32 v22, v24  }
0x12e: {  	v27 =	vmul.f32 v27, v23;
	v29 =	vmul.f32 v29, v20  }
0x12f: {  	v28 =	vmul.f32 v28, v23;
	v26 =	vmul.f32 v26, v23  }
0x130: {  	v14 =	vmul.f32 v22, v14;
	v37 =	vbroadcast v21, $0x4  }
0x131: {  	v19 =	vmul.f32 v19, v20;
	v0 =	vmul.f32 v0, v22  }
0x132: {  	v52 =	vbroadcast v21, $0x7;
	v13 =	vmul.f32 v13, v20  }
0x133: {  	v9 =	vmul.f32 v9, v20;
	v6 =	vmul.f32 v6, v23  }
0x134: {  	v54 =	vmul.f32 v18, v2;
	v55 =	vmul.f32 v17, v5  }
0x135: {  	v4 =	vmul.f32 v4, v2;
	v8 =	vmul.f32 v8, v5  }
0x136: {  	v25 =	vunpack.i.l.bf16.f32 v25;
	v59 =	vmul.f32 v7, v5;
	v61 =	vmul.f32 v3, v2  }
0x137: {  	v35 =	vld [tilespmem:s7+$0x0];
	v33 =	vadd.f32 $0.0e+00, v33;
	v16 =	vmul.f32 v16, v30;
	v12 =	vmul.f32 v12, v30  }
0x138: {  	v15 =	vmul.f32 v15, v30;
	v24 =	vadd.f32 $0.0e+00, v24;
	v14 =	vadd.f32 $0.0e+00, v14  }
0x139: {  	v10 =	vmul.f32 v10, v30;
	v0 =	vadd.f32 $0.0e+00, v0;
	v19 =	vadd.f32 v19, v33  }
0x13a: {  	v36 =	vunpack.i.u.bf16.f32 v11;
	v24 =	vadd.f32 v29, v24;
	v13 =	vadd.f32 v13, v14  }
0x13b: {  	v25 =	vmul.f32 v25, v37;
	v0 =	vadd.f32 v9, v0;
	v19 =	vadd.f32 v28, v19  }
0x13c: {  	v49 =	vunpack.i.u.bf16.f32 v35;
	v35 =	vunpack.i.l.bf16.f32 v35;
	v53 =	vadd.f32 v27, v24  }
0x13d: {  	v29 =	vmul.f32 v49, v37;
	v6 =	vadd.f32 v6, v13;
	v12 =	vadd.f32 v12, v19  }
0x13e: {  	v51 =	vmul.f32 v35, v37;
	v0 =	vadd.f32 v26, v0;
	v16 =	vadd.f32 v16, v53  }
0x13f: {  	v1 =	vmul.f32 v1, v37;
	v6 =	vadd.f32 v15, v6;
	v12 =	vadd.f32 v29, v12  }
0x140: {  	v62 =	vunpack.i.l.bf16.f32 v11;
	v0 =	vadd.f32 v10, v0;
	v16 =	vadd.f32 v51, v16  }
0x141: {  	v38 =	vunpack.i.l.bf16.f32 v31;
	v1 =	vadd.f32 v1, v6;
	v58 =	vadd.f32 v32, v12  }
0x142: {  	v50 =	vunpack.i.u.bf16.f32 v31;
	v0 =	vadd.f32 v25, v0;
	v9 =	vadd.f32 v55, v16  }
0x143: {  	v57 =	vmul.f32 v50, v52;
	v1 =	vadd.f32 v8, v1;
	v6 =	vadd.f32 v54, v58  }
0x144: {  	v60 =	vmul.f32 v38, v52;
	v0 =	vadd.f32 v59, v0;
	v4 =	vadd.f32 v4, v9  }
0x145: {  	v56 =	vmul.f32 v36, v52;
	v1 =	vadd.f32 v34, v1;
	v63 =	vadd.f32 v57, v6  }
0x146: {  	v3 =	vmul.f32 v62, v52;
	v0 =	vadd.f32 v61, v0;
	v4 =	vadd.f32 v60, v4  }
0x147: {  	v1 =	vadd.f32 v56, v1;
	[tilespmem:s0+$0xFFFFFFF0] =	vst v63  }
0x148: {  	s31 =	sadd.s32 $0x1, s31;
	v0 =	vadd.f32 v3, v0;
	[tilespmem:s0+$0xFFFFFFE0] =	vst v4  }
0x149: {  	p0 =	sne.s32 s31, $0x54;
	[tilespmem:s0+$0x10] =	vst v1  }
.Ltmp2:
0x14a: {  	[tilespmem:s0+$0x0] =	vst v0;
	(pc) =	sbr.rel @p0 .LBB2_2-.Ltmp2, $4  }
0x14b: {  	[spmem:s3] =	stream.indirect.scatter.add.f32 [tilespmem:s26], [sflag:$0x5], $0x40, s22, s15, $0xb8;
	[tilespmem:$0x17380] =	vst v63  }
0x14c: {  	_ =	swait.ge [sflag:s11], $0x1000  }
0x14d: {  	[sflag:s11] =	ssyncset.done $0x0  }
0x14e: {  	[sflag:s11] =	ssyncadd.s32 $0xFFFFF000  }
0x14f: {  	_ =	swait.ge [sflag:s24], $0x4400  }
0x150: {  	[sflag:s24] =	ssyncset.done $0x0  }
0x151: {  	[sflag:s24] =	ssyncadd.s32 $0xFFFFBC00  }
0x152: {  	_ =	swait.ge [sflag:s25], $0x800  }
0x153: {  	s30 =	sadd.s32 $0x1, s30;
	[sflag:s25] =	ssyncset.done $0x0  }
0x154: {  	p0 =	sne.s32 s30, s10;
	[sflag:s25] =	ssyncadd.s32 $0xFFFFF800  }
.Ltmp3:
0x155: {  	[bflag:$0x0] =	sbarrier.arrive $0xFFFF;
	(pc) =	sbr.rel @p0 .LBB2_1-.Ltmp3, $4  }
0x156: {  	[hbm:s9], [sflag:s13] =	dma.local [spmem:s14], $0x1400  }
0x157: {  	_ =	swait.ge [sflag:s11], $0x1400  }
0x158: {  	[sflag:s11] =	ssyncset.done $0x0  }
0x159: {  	[sflag:s11] =	ssyncadd.s32 $0xFFFFEC00  }
0x15a: {  	_ =	sfence.sel $0x180000  }
0x15b: {  	[bflag:$0x0] =	sbarrier.arrive $0xFFFF  }
0x15c: {  	_ =	strace $0x9000004D  }
0x15d: {  	s0 =	stileid.u32;
	[bflag:$0x2] =	sbarrier.arrive $0xFFFF  }
0x15e: {  	p0 =	sne.s32 s0, $0x0;
	s0 =	rddreg [dreg:$0x3]  }
0x15f: {  	s0 =	sadd.s32 @!p0 $0x100000, s0  }
0x160: {  	[sflag:s0] =	ssyncadd.tile.s32 @!p0 $0x1;
	_ =	shalt  }
.Lfunc_end2:
_tile_overlayer_lowered:
.L_overlay_start_2:
0x161: {  	(tag) =	ssettag $0x2  }
0x162: {  	s0 =	rddreg [dreg:$0x0];
	s2 =	stileid.u32  }
0x163: {  	s1 =	rddreg [dreg:$0x1];
	p0 =	sne.s32 s2, $0x0  }
0x164: {  	s3 =	rddreg [dreg:$0x2];
	[bflag:$0x3] =	sbarrier.arrive $0xFFFF;
	s2 =	simm.s32 @!p0 $0x1C05  }
0x165: {  	[timem:s3], [sflag:s2] =	dma.local @!p0 [hbm:s0], s1  }
0x166: {  	s0 =	simm.s32 @!p0 $0x5  }
0x167: {  	_ =	swait.ge @!p0 [sflag:s0], s1  }
0x168: {  	s1 =	ssub.s32 @!p0 $0x0, s1;
	[sflag:s0] =	ssyncset.done @!p0 $0x0  }
0x169: {  	[sflag:s0] =	ssyncadd.s32 @!p0 s1  }
0x16a: {  	[bflag:$0x3] =	sbarrier.arrive $0xFFFF  }
0x16b: {  	_ =	shalt  }

// kernel: kernel.9.cloned.1.call-start
scs
__scs_entry_jumppad:
0x0: {  	(pc) =	sbr.rel $0x88, $3  }
0x1: {  	(tag) =	ssettag $0x0;
	lr =	simm.s32 $0x1  }
0x2: {  	[smem:$0x3F97] =	sst lr;
	_ =	strace $0xD0000000  }
0x3: {  	_ = 	snop  }
0x4: {  	_ = 	snop  }
0x5: {  	_ = 	snop  }
0x6: {  	_ = 	snop  }
0x7: {  	_ = 	snop  }
__scs_overlays_trampoline_lowered:
0x8: {  	[smem:$0x3FA6] =	sst s0  }
0x9: {  	[smem:$0x3FA7] =	sst s1  }
0xa: {  	[smem:$0x3FA8] =	sst s2  }
0xb: {  	[smem:$0x3FA9] =	sst s3  }
0xc: {  	[smem:$0x3FAA] =	sst s4  }
0xd: {  	[smem:$0x3FAB] =	sst s5  }
0xe: {  	[smem:$0x3FAC] =	sst s6  }
0xf: {  	[smem:$0x3FAD] =	sst s7  }
0x10: {  	[smem:$0x3FAE] =	sst s8  }
0x11: {  	[smem:$0x3FAF] =	sst s9;
	s0 =	simm.s32 @!p0 $0x0  }
0x12: {  	s1 =	sld [smem:$0x3F95];
	s0 =	simm.s32 @p0 $0x1  }
0x13: {  	[smem:$0x3FB0] =	sst s0;
	s0 =	simm.s32 @!p1 $0x0  }
0x14: {  	s2 =	sld [smem:$0x3F94];
	s0 =	simm.s32 @p1 $0x1  }
0x15: {  	[smem:$0x3FB1] =	sst s0;
	s0 =	simm.s32 @!p2 $0x0  }
0x16: {  	s3 =	sld [smem:$0x3FDB];
	s0 =	simm.s32 @p2 $0x1  }
0x17: {  	s4 =	simm.s32 $0x1BF5;
	[smem:$0x3FB3] =	sst s0  }
0x18: {  	s0 =	sld [smem:$0x3F96];
	_ =	swait.ge [sflag:s4], $0x0  }
0x19: {  	s7 =	sld [smem:$0x3F97]  }
0x1a: {  	s8 =	sadd.s32 $0xFFFFE003, lr  }
0x1b: {  	s9 =	sadd.s32 $0xFFFFFEF7, lr;
	s5 =	simm.s32 $0xFFFFFFFF;
	p2 =	slt.u32 s8, $0xFFFFF086  }
0x1c: {  	p1 =	slt.u32 s9, $0xF7A;
	s5 =	simm.s32 @!p2 $0x0  }
0x1d: {  	s5 =	simm.s32 @p1 $0x1;
	p0 =	seq.s32 s7, s2  }
0x1e: {  	s7 =	smul.u32 @!p0 $0xF7A, s2;
	p2 =	seq.s32 @!p0 s5, $0x0  }
0x1f: {  	s9 =	smul.u32 $0xF7A, s1;
	s8 =	simm.s32 @!p0 $0x1BF5;
	p2 =	por !p2, p0  }
0x20: {  	[sflag:s8] =	ssyncset.s32 @!p0 $0xFFFFF086;
	s6 =	sadd.s32 @!p0 s3, s7;
	s7 =	simm.s32 @!p0 $0x108  }
0x21: {  	s3 =	sadd.s32 s3, s9;
	s6 =	sadd.s32 @!p0 $0x88, s6;
	s7 =	simm.s32 @p2 $0x1082  }
0x22: {  	[simem:s7], [sflag:s8] =	dma.local @!p0 [hbm:s6], $0xF7A  }
0x23: {  	s9 =	sor.u32 $0xD0000000, s2;
	s6 =	simm.s32 $0x108;
	_ =	swait.ge @!p0 [sflag:s8], $0x0  }
0x24: {  	s3 =	sadd.s32 $0x88, s3;
	s6 =	simm.s32 @!p1 $0x1082;
	[sflag:s4] =	ssyncset.s32 $0xFFFFF086  }
0x25: {  	[simem:s6], [sflag:s4] =	dma.local [hbm:s3], $0xF7A  }
0x26: {  	[smem:$0x3F97] =	sst s1;
	(tag) =	ssettag s2;
	_ =	strace s9  }
0x27: {  	s1 =	sld [smem:$0x3FA7]  }
0x28: {  	s2 =	sld [smem:$0x3FA8]  }
0x29: {  	s4 =	sld [smem:$0x3FAA]  }
0x2a: {  	p0 =	seq.s32 s5, $0x0;
	s5 =	sld [smem:$0x3FAB]  }
0x2b: {  	s6 =	sld [smem:$0x3FAC]  }
0x2c: {  	s7 =	sld [smem:$0x3FAD]  }
0x2d: {  	s3 =	simm.s32 $0x108;
	s8 =	sld [smem:$0x3FAE]  }
0x2e: {  	s3 =	simm.s32 @!p0 $0x1082;
	s9 =	sld [smem:$0x3FAF]  }
0x2f: {  	lr =	sadd.s32 s0, s3;
	s0 =	sld [smem:$0x3FA6]  }
0x30: {  	s3 =	sld [smem:$0x3FA9]  }
0x31: {  	[smem:$0x3FB2] =	sst s10  }
0x32: {  	s10 =	sld [smem:$0x3FB0];
	_ =	sdelay $0x3  }
0x33: {  	p0 =	seq.s32 s10, $0x1;
	s10 =	sld [smem:$0x3FB2];
	_ =	sdelay $0x3  }
0x34: {  	[smem:$0x3FB2] =	sst s10  }
0x35: {  	s10 =	sld [smem:$0x3FB1];
	_ =	sdelay $0x3  }
0x36: {  	p1 =	seq.s32 s10, $0x1;
	s10 =	sld [smem:$0x3FB2];
	_ =	sdelay $0x3  }
0x37: {  	[smem:$0x3FB2] =	sst s10  }
0x38: {  	s10 =	sld [smem:$0x3FB3]  }
0x39: {  	_ = 	snop;
	(pc) =	sbr.ind lr, $3  }
0x3a: {  	_ = 	snop  }
0x3b: {  	_ = 	snop  }
0x3c: {  	p2 =	seq.s32 s10, $0x1;
	s10 =	sld [smem:$0x3FB2]  }
0x3d: {  	_ =	shalt  }
0x3e: {  	_ =	shalt  }
0x3f: {  	_ =	shalt  }
0x40: {  	_ =	shalt  }
0x41: {  	_ =	shalt  }
0x42: {  	_ =	shalt  }
0x43: {  	_ =	shalt  }
0x44: {  	_ =	shalt  }
0x45: {  	_ =	shalt  }
0x46: {  	_ =	shalt  }
0x47: {  	_ =	shalt  }
0x48: {  	_ =	shalt  }
0x49: {  	_ =	shalt  }
0x4a: {  	_ =	shalt  }
0x4b: {  	_ =	shalt  }
0x4c: {  	_ =	shalt  }
0x4d: {  	_ =	shalt  }
0x4e: {  	_ =	shalt  }
0x4f: {  	_ =	shalt  }
0x50: {  	_ =	shalt  }
0x51: {  	_ =	shalt  }
0x52: {  	_ =	shalt  }
0x53: {  	_ =	shalt  }
0x54: {  	_ =	shalt  }
0x55: {  	_ =	shalt  }
0x56: {  	_ =	shalt  }
0x57: {  	_ =	shalt  }
0x58: {  	_ =	shalt  }
0x59: {  	_ =	shalt  }
0x5a: {  	_ =	shalt  }
0x5b: {  	_ =	shalt  }
0x5c: {  	_ =	shalt  }
0x5d: {  	_ =	shalt  }
0x5e: {  	_ =	shalt  }
0x5f: {  	_ =	shalt  }
0x60: {  	_ =	shalt  }
0x61: {  	_ =	shalt  }
0x62: {  	_ =	shalt  }
0x63: {  	_ =	shalt  }
0x64: {  	_ =	shalt  }
0x65: {  	_ =	shalt  }
0x66: {  	_ =	shalt  }
0x67: {  	_ =	shalt  }
0x68: {  	_ =	shalt  }
0x69: {  	_ =	shalt  }
0x6a: {  	_ =	shalt  }
0x6b: {  	_ =	shalt  }
0x6c: {  	_ =	shalt  }
0x6d: {  	_ =	shalt  }
0x6e: {  	_ =	shalt  }
0x6f: {  	_ =	shalt  }
0x70: {  	_ =	shalt  }
0x71: {  	_ =	shalt  }
0x72: {  	_ =	shalt  }
0x73: {  	_ =	shalt  }
0x74: {  	_ =	shalt  }
0x75: {  	_ =	shalt  }
0x76: {  	_ =	shalt  }
0x77: {  	_ =	shalt  }
0x78: {  	_ =	shalt  }
0x79: {  	_ =	shalt  }
0x7a: {  	_ =	shalt  }
0x7b: {  	_ =	shalt  }
0x7c: {  	_ =	shalt  }
0x7d: {  	_ =	shalt  }
0x7e: {  	_ =	shalt  }
0x7f: {  	_ =	shalt  }
0x80: {  	_ =	shalt  }
0x81: {  	_ =	shalt  }
0x82: {  	_ =	shalt  }
0x83: {  	_ =	shalt  }
0x84: {  	_ =	shalt  }
0x85: {  	_ =	shalt  }
0x86: {  	_ =	shalt  }
0x87: {  	_ =	shalt  }
.Lfunc_end0:
.L_simem_size_0:
called_computation_lowered:
.L_overlay_start_0:
0x88: {  	s2 =	sld [smem:$0x3FD9]  }
0x89: {  	s3 =	sld [smem:$0x3FFE];
	_ =	sdelay $0x1  }
0x8a: {  	s1 =	srdreg.scid  }
0x8b: {  	s0 =	sand.u32 $0x1, s1  }
0x8c: {  	s17 =	sshll.u32 s0, $0xA;
	s2 =	sadd.s32 s3, s2  }
0x8d: {  	s2 =	sadd.s32 s2, s17  }
0x8e: {  	[smem:$0x3FBE] =	sst s2  }
0x8f: {  	_ = 	snop  }
0x90: {  	s2 =	sld [smem:$0x3FD0];
	(tm) =	ssettm $0x1  }
0x91: {  	s18 =	sld [smem:$0x3FFB];
	_ =	sdelay $0x3  }
0x92: {  	_ =	strace s18  }
0x93: {  	s3 =	sld [smem:$0x3FFC];
	_ =	sdelay $0x3  }
0x94: {  	_ =	strace s3  }
0x95: {  	s3 =	sld [smem:$0x3FFD];
	_ =	sdelay $0x3  }
0x96: {  	_ =	strace s3  }
0x97: {  	_ =	strace $0x8FFFFFFF  }
0x98: {  	s19 =	sld [smem:$0x3FDB];
	_ =	sdelay $0x1  }
0x99: {  	s4 =	simm.s32 $_scs_section_size  }
0x9a: {  	s5 =	simm.s32 $_size__tile_overlayer_lowered;
	s6 =	simm.s32 $_tile_overlayer_lowered  }
0x9b: {  	s22 =	simm.s32 $0x1BFF;
	s21 =	sshll.u32 s6, $0x1;
	s3 =	sadd.s32 s4, s19  }
0x9c: {  	s7 =	simm.s32 $0x0;
	s20 =	sshll.u32 s5, $0x1;
	s5 =	sadd.s32 s21, s3  }
0x9d: {  	[timem:s7], [sflag:s22] =	dma.local [hbm:s5], s20  }
0x9e: {  	_ =	swait.ge [sflag:s22], s20  }
0x9f: {  	s4 =	ssub.s32 $0x0, s20;
	[sflag:s22] =	ssyncset.done $0x0  }
0xa0: {  	[sflag:s22] =	ssyncadd.s32 s4;
	_ =	sdelay $0x1  }
0xa1: {  	s23 =	simm.s32 $0x1B8B  }
0xa2: {  	_ =	swait.ge [sflag:s23], $0x1  }
0xa3: {  	[sflag:s23] =	ssyncset.done $0x0  }
0xa4: {  	s25 =	simm.s32 $0x1B8E;
	s24 =	sld [smem:$0x3FFE];
	[sflag:s23] =	ssyncadd.s32 $0xFFFFFFFF  }
0xa5: {  	s26 =	simm.s32 $execute0_lowered;
	[smem:$0x3FD2] =	sst s25  }
0xa6: {  	s5 =	sshll.u32 s26, $0x1;
	_ =	strace $0x80000046;
	[dreg:$0x1] =	wrdreg $0xFFFFFFFF  }
0xa7: {  	s28 =	simm.s32 $_size_execute0_lowered;
	s3 =	sadd.s32 s3, s5;
	[dreg:$0x0] =	wrdreg $0x0  }
0xa8: {  	s5 =	sshll.u32 s28, $0x1;
	[dreg:$0x2] =	wrdreg s3  }
0xa9: {  	[dreg:$0x3] =	wrdreg s5  }
0xaa: {  	[dreg:$0x4] =	wrdreg $0xC0  }
0xab: {  	_ =	task [dreg:s7], $0x5FFFF  }
0xac: {  	[dreg:$0x1] =	wrdreg $0xFFFFFFFF  }
0xad: {  	[dreg:$0x0] =	wrdreg $0x60  }
0xae: {  	[dreg:$0x2] =	wrdreg s24  }
0xaf: {  	[dreg:$0x3] =	wrdreg s2  }
0xb0: {  	[dreg:$0x4] =	wrdreg $0xB5000  }
0xb1: {  	[dreg:$0x5] =	wrdreg $0x9  }
0xb2: {  	_ =	task.clear_ibuf [dreg:s7], $0x6FFFF;
	_ =	strace $0x90000046  }
0xb3: {  	s29 =	simm.s32 $0x9;
	_ =	strace $0x80000048  }
0xb4: {  	_ =	swait.ge [sflag:s29], $0x1  }
0xb5: {  	[sflag:s29] =	ssyncadd.s32 $0xFFFFFFFF  }
0xb6: {  	_ =	strace $0x90000048  }
0xb7: {  	_ =	sfence  }
0xb8: {  	s30 =	sld [smem:$0x0];
	_ =	sdelay $0x2  }
0xb9: {  	s31 =	sshll.u32 s1, $0xD;
	s1 =	sshrl.u32 s1, $0x2  }
0xba: {  	s3 =	sand.u32 $0x4000, s31;
	s1 =	sadd.s32 s1, s30  }
0xbb: {  	s0 =	sor.u32 s3, s0;
	s1 =	sshll.u32 s1, $0x11  }
0xbc: {  	s0 =	sor.u32 s1, s0  }
0xbd: {  	s0 =	sadd.s32 $0x8F2B, s0  }
0xbe: {  	[sflag:s0] =	ssyncadd.remote.s32 $0x1  }
0xbf: {  	_ =	sfence.sel $0xFFFF  }
0xc0: {  	[dreg:$0x0] =	wrdreg $0xFFFFFFFF;
	(pc) =	sbr.abs _section_cstart, $3  }
0xc1: {  	[dreg:$0x1] =	wrdreg $0xFFFFFFFF  }
0xc2: {  	_ =	task.clear_ibuf [dreg:s7], $0x2FFFF;
	_ =	strace $0x9FFFFFFF  }
0xc3: {  	(tm) =	ssettm $0x7FFFFFFF  }
tec
execute0_lowered:
.L_overlay_start_1:
0x0: {  	(tag) =	ssettag $0x1  }
0x1: {  	s4 =	rddreg [dreg:$0x0]  }
0x2: {  	s0 =	srdreg.scid;
	s2 =	rddreg [dreg:$0x1]  }
0x3: {  	s12 =	stileid.u32;
	s3 =	rddreg [dreg:$0x2]  }
0x4: {  	s5 =	simm.s32 $0x0;
	s11 =	simm.s32 $0x5;
	s15 =	simm.s32 $0x80  }
0x5: {  	s16 =	simm.s32 $0x2B00;
	s17 =	simm.s32 $0x2D00;
	s18 =	simm.s32 $0x2C00  }
0x6: {  	s19 =	simm.s32 $0x5500;
	s20 =	simm.s32 $0x2B80;
	s21 =	simm.s32 $0x5D00  }
0x7: {  	s22 =	simm.s32 $0x2C80;
	s23 =	simm.s32 $0x8500;
	s28 =	simm.s32 $0x3  }
0x8: {  	s29 =	simm.s32 $0x4;
	s30 =	simm.s32 $0x0;
	s8 =	smul.u32 $0xC800, s12  }
0x9: {  	s0 =	sand.u32 $0x1, s0;
	s6 =	smul.u32 $0x1900, s12;
	[smem:$0x7FF] =	sst s5  }
0xa: {  	s5 =	sadd.s32 $0x2C00, s4;
	s31 =	sshll.u32 s12, $0x6;
	s1 =	sshll.u32 s0, $0x4  }
0xb: {  	s7 =	smul.u32 $0x19000, s0;
	_ =	strace $0x80000047;
	s0 =	ssub.s32 $0x2, s0  }
0xc: {  	s13 =	sor.u32 $0x1C05, s31;
	s1 =	sor.u32 s12, s1;
	s9 =	sshrl.u32 s8, $0x3  }
0xd: {  	s24 =	sshrl.u32 s0, $0x1;
	s26 =	sadd.s32 s8, s3;
	s1 =	smul.u32 $0x2B0, s1  }
0xe: {  	s6 =	sadd.s32 s6, s7;
	s9 =	sadd.s32 s9, s4;
	s0 =	ssub.s32 s0, s24  }
0xf: {  	s14 =	sshrl.u32 s26, $0x3;
	s24 =	simm.s32 $0x1;
	s26 =	simm.s32 $0x8D00  }
0x10: {  	s8 =	sadd.s32 $0x26800, s9;
	s10 =	smax.u32 s0, $0x1;
	s1 =	sadd.s32 s1, s4  }
0x11: {  	s4 =	sadd.s32 s6, s4;
	s25 =	sadd.s32 $0x21200, s1;
	s7 =	sadd.s32 $0x1BC00, s1  }
0x12: {  	vm0 =	vmmov $0xff;
	s9 =	sadd.s32 $0x3F800, s4;
	[dreg:$0x4] =	wrdreg s25;
	s25 =	simm.s32 $0x2  }
.LBB2_1:
0x13: {  	s0 =	simm.s32 $0x0;
	s1 =	rddreg [dreg:$0x4]  }
0x14: {  	[tilespmem:s0], [sflag:$0x5] =	stream.linear.gather [hbm4b:s1+s0], $0x1580, $0x38;
	[tilespmem:$0x17D00] =	vst v63  }
0x15: {  	_ =	swait.ge [sflag:s11], $0x1580  }
0x16: {  	[sflag:s11] =	ssyncset.done $0x0  }
0x17: {  	s12 =	simm.s32 $0x1580;
	[sflag:s11] =	ssyncadd.s32 $0xFFFFEA80  }
0x18: {  	[tilespmem:s12], [sflag:$0x5] =	stream.linear.gather [hbm4b:s7+s0], $0x1580, $0x38;
	[tilespmem:$0x17D00] =	vst v63  }
0x19: {  	_ =	swait.ge [sflag:s11], $0x1580  }
0x1a: {  	[sflag:s11] =	ssyncset.done $0x0  }
0x1b: {  	[sflag:s11] =	ssyncadd.s32 $0xFFFFEA80  }
0x1c: {  	[spmem:s14], [sflag:s13] =	dma.local [hbm:s8], $0x1900  }
0x1d: {  	_ =	swait.ge [sflag:s11], $0x1900  }
0x1e: {  	[sflag:s11] =	ssyncset.done $0x0  }
0x1f: {  	[sflag:s11] =	ssyncadd.s32 $0xFFFFE700  }
0x20: {  	[bflag:$0x0] =	sbarrier.arrive $0xFFFF  }
0x21: {  	v0 =	vld [tilespmem:$0x0];
	_ =	sdelay $0x1  }
0x22: {  	v1 =	vld [tilespmem:$0x10];
	_ =	sdelay $0x1  }
0x23: {  	v2 =	vld [tilespmem:$0x20]  }
0x24: {  	v3 =	vunpack.i.l.s16.s32 v0  }
0x25: {  	v49 =	vld [tilespmem:$0x30];
	v0 =	vunpack.i.u.s16.s32 v0;
	[tilespmem:$0x2B00] =	vst v3  }
0x26: {  	v51 =	vld [tilespmem:$0x1580];
	v50 =	vunpack.i.l.s16.s32 v1;
	[tilespmem:$0x2B10] =	vst v0  }
0x27: {  	v53 =	vld [tilespmem:$0x1590];
	v1 =	vunpack.i.u.s16.s32 v1;
	[tilespmem:$0x2B20] =	vst v50  }
0x28: {  	v52 =	vunpack.i.l.s16.s32 v2;
	[tilespmem:$0x2B30] =	vst v1  }
0x29: {  	v55 =	vld [tilespmem:$0x15A0];
	v2 =	vunpack.i.u.s16.s32 v2;
	[tilespmem:$0x2B40] =	vst v52  }
0x2a: {  	v54 =	vunpack.i.l.s16.s32 v49;
	[tilespmem:$0x2B50] =	vst v2  }
0x2b: {  	v57 =	vld [tilespmem:$0x15B0];
	v56 =	vunpack.i.l.s16.s32 v51;
	[tilespmem:$0x2B60] =	vst v54  }
0x2c: {  	v58 =	vunpack.i.l.s16.s32 v53;
	[tilespmem:$0x2C00] =	vst v56  }
0x2d: {  	v59 =	vunpack.i.u.s16.s32 v53;
	[tilespmem:$0x2C20] =	vst v58  }
0x2e: {  	v60 =	vunpack.i.l.s16.s32 v55;
	[tilespmem:$0x2C30] =	vst v59  }
0x2f: {  	v61 =	vunpack.i.u.s16.s32 v55;
	[tilespmem:$0x2C40] =	vst v60  }
0x30: {  	v62 =	vunpack.i.l.s16.s32 v57;
	[tilespmem:$0x2C50] =	vst v61  }
0x31: {  	v63 =	vunpack.i.u.s16.s32 v57;
	[tilespmem:$0x2C60] =	vst v62  }
0x32: {  	v3 =	vunpack.i.u.s16.s32 v49;
	[tilespmem:$0x2C70] =	vst v63  }
0x33: {  	v0 =	vunpack.i.u.s16.s32 v51;
	[tilespmem:$0x2B70] =	vst v3  }
0x34: {  	[tilespmem:$0x2C10] =	vst v0  }
0x35: {  	[tilespmem:s17], [sflag:$0x1] =	stream.indirect.gather [hbm4b:s5+s15], $0x50, s16, s15, $0xb8;
	[tilespmem:$0x17D00] =	vst v63  }
0x36: {  	s31 =	simm.s32 $0x0  }
0x37: {  	[tilespmem:s19], [sflag:$0x2] =	stream.indirect.gather [hbm4b:s2+s15], $0x10, s18, s15, $0xb8;
	[tilespmem:$0x17D00] =	vst v63  }
.LBB2_2:
0x38: {  	s0 =	sshll.u32 s31, $0x8  }
0x39: {  	s1 =	sshrl.u32 s0, $0x1  }
0x3a: {  	v0 =	vld [tilespmem:s1+$0x40];
	_ =	sdelay $0x4  }
0x3b: {  	v1 =	vunpack.i.l.s16.s32 v0  }
0x3c: {  	v0 =	vunpack.i.u.s16.s32 v0;
	[tilespmem:$0x2B80] =	vst v1  }
0x3d: {  	[tilespmem:$0x2B90] =	vst v0  }
0x3e: {  	v0 =	vld [tilespmem:s1+$0x50];
	_ =	sdelay $0x4  }
0x3f: {  	v1 =	vunpack.i.l.s16.s32 v0  }
0x40: {  	v0 =	vunpack.i.u.s16.s32 v0;
	[tilespmem:$0x2BA0] =	vst v1  }
0x41: {  	[tilespmem:$0x2BB0] =	vst v0  }
0x42: {  	v0 =	vld [tilespmem:s1+$0x60];
	_ =	sdelay $0x4  }
0x43: {  	v1 =	vunpack.i.l.s16.s32 v0  }
0x44: {  	v0 =	vunpack.i.u.s16.s32 v0;
	[tilespmem:$0x2BC0] =	vst v1  }
0x45: {  	[tilespmem:$0x2BD0] =	vst v0  }
0x46: {  	v0 =	vld [tilespmem:s1+$0x70];
	_ =	sdelay $0x4  }
0x47: {  	v1 =	vunpack.i.l.s16.s32 v0  }
0x48: {  	v0 =	vunpack.i.u.s16.s32 v0;
	[tilespmem:$0x2BE0] =	vst v1  }
0x49: {  	[tilespmem:$0x2BF0] =	vst v0  }
0x4a: {  	v0 =	vld [tilespmem:s1+$0x15C0];
	_ =	sdelay $0x4  }
0x4b: {  	v1 =	vunpack.i.l.s16.s32 v0  }
0x4c: {  	v0 =	vunpack.i.u.s16.s32 v0;
	[tilespmem:$0x2C80] =	vst v1  }
0x4d: {  	[tilespmem:$0x2C90] =	vst v0  }
0x4e: {  	v0 =	vld [tilespmem:s1+$0x15D0];
	_ =	sdelay $0x4  }
0x4f: {  	v1 =	vunpack.i.l.s16.s32 v0  }
0x50: {  	v0 =	vunpack.i.u.s16.s32 v0;
	[tilespmem:$0x2CA0] =	vst v1  }
0x51: {  	[tilespmem:$0x2CB0] =	vst v0  }
0x52: {  	v0 =	vld [tilespmem:s1+$0x15E0];
	_ =	sdelay $0x4  }
0x53: {  	v1 =	vunpack.i.l.s16.s32 v0  }
0x54: {  	v0 =	vunpack.i.u.s16.s32 v0;
	[tilespmem:$0x2CC0] =	vst v1  }
0x55: {  	[tilespmem:$0x2CD0] =	vst v0  }
0x56: {  	v0 =	vld [tilespmem:s1+$0x15F0];
	_ =	sdelay $0x4  }
0x57: {  	v1 =	vunpack.i.l.s16.s32 v0  }
0x58: {  	v0 =	vunpack.i.u.s16.s32 v0;
	[tilespmem:$0x2CE0] =	vst v1  }
0x59: {  	[tilespmem:$0x2CF0] =	vst v0  }
0x5a: {  	[tilespmem:s21], [sflag:$0x3] =	stream.indirect.gather [hbm4b:s5+s15], $0x50, s20, s15, $0xb8;
	[tilespmem:$0x17D00] =	vst v63  }
0x5b: {  	_ = 	snop  }
0x5c: {  	[tilespmem:s23], [sflag:$0x4] =	stream.indirect.gather [hbm4b:s2+s15], $0x10, s22, s15, $0xb8;
	[tilespmem:$0x17D00] =	vst v63  }
0x5d: {  	_ =	swait.ge [sflag:s24], $0x2800  }
0x5e: {  	[sflag:s24] =	ssyncset.done $0x0  }
0x5f: {  	[sflag:s24] =	ssyncadd.s32 $0xFFFFD800  }
0x60: {  	_ =	swait.ge [sflag:s25], $0x800  }
0x61: {  	[sflag:s25] =	ssyncset.done $0x0  }
0x62: {  	s0 =	simm.s32 $0x0;
	[sflag:s25] =	ssyncadd.s32 $0xFFFFF800  }
0x63: {  	s12 =	simm.s32 $0x5500;
	s4 =	simm.s32 $0x140;
	v0 =	vld [tilespmem:s0+$0x2D40]  }
.LBB2_3:
0x64: {  	p0 =	sne.s32 s4, $0x9EC0;
	v1 =	vld [tilespmem:s12+$0x0];
	_ =	sdelay $0x4  }
0x65: {  	v0 =	vadd.f32 v1, v0;
	_ =	sdelay $0x1  }
0x66: {  	v1 =	vmul.f32 $2.000000030e-01, v0  }
0x67: {  	vm1 =	vgt.f32 v0, $0.0e+00  }
0x68: {  	v0 =	vsel vm1, v0, v1  }
0x69: {  	v0 =	vmul.f32 $1.442695020e+00, v0;
	_ =	sdelay $0x1  }
0x6a: {  	(erf) = vpow2.f32 v0;
	_ =	sdelay $0x7  }
0x6b: {  	v0 =	vld [tilespmem:s0+$0x2D00]  }
0x6c: {  	v1 =	vld [tilespmem:s0+$0x2D10];
	v2 =	vpop (erf)  }
0x6d: {  	[tilespmem:s0+$0x8D40] =	vst v2;
	v3 =	vbroadcast v2, $0x0;
	v4 =	vbroadcast v2, $0x1;
	v5 =	vld [tilespmem:s0+$0x2D20]  }
0x6e: {  	v6 =	vbroadcast v2, $0x2;
	v7 =	vbroadcast v2, $0x3  }
0x6f: {  	v8 =	vbroadcast v2, $0x5;
	v3 =	vsel vm0, v3, v4;
	v4 =	vbroadcast v2, $0x4;
	v9 =	vld [tilespmem:s0+$0x2D30]  }
0x70: {  	v0 =	vmul.f32 v3, v0;
	v3 =	vsel vm0, v6, v7;
	v6 =	vbroadcast v2, $0x6  }
0x71: {  	v2 =	vbroadcast v2, $0x7;
	v1 =	vmul.f32 v3, v1;
	v3 =	vsel vm0, v4, v8  }
.Ltmp0:
0x72: {  	[tilespmem:s0+$0x8D00] =	vst v0;
	v0 =	vmul.f32 v3, v5;
	(pc) =	sbr.rel @p0 .LBB2_3-.Ltmp0, $4  }
0x73: {  	[tilespmem:s0+$0x8D10] =	vst v1;
	v1 =	vsel vm0, v6, v2  }
0x74: {  	[tilespmem:s0+$0x8D20] =	vst v0;
	v1 =	vmul.f32 v9, v1  }
0x75: {  	s6 =	sshra.s32 s4, $0x2  }
0x76: {  	s4 =	sadd.s32 $0x140, s4;
	s12 =	sadd.s32 $0x10, s12;
	v0 =	vld [tilespmem:s6+$0x2D40];
	[tilespmem:s0+$0x8D30] =	vst v1;
	s0 =	smov.u32 s6  }
0x77: {  	v1 =	vld [tilespmem:s12+$0x0];
	_ =	sdelay $0x4  }
0x78: {  	v0 =	vadd.f32 v1, v0;
	_ =	sdelay $0x1  }
0x79: {  	v1 =	vmul.f32 $2.000000030e-01, v0  }
0x7a: {  	vm1 =	vgt.f32 v0, $0.0e+00  }
0x7b: {  	v0 =	vsel vm1, v0, v1  }
0x7c: {  	v0 =	vmul.f32 $1.442695020e+00, v0;
	_ =	sdelay $0x1  }
0x7d: {  	(erf) = vpow2.f32 v0;
	_ =	sdelay $0x8  }
0x7e: {  	v0 =	vld [tilespmem:s0+$0x2D00];
	v2 =	vpop (erf)  }
0x7f: {  	v1 =	vld [tilespmem:s0+$0x2D10];
	v3 =	vbroadcast v2, $0x0  }
0x80: {  	v5 =	vld [tilespmem:s0+$0x2D20];
	v4 =	vbroadcast v2, $0x1;
	v6 =	vbroadcast v2, $0x2  }
0x81: {  	v8 =	vld [tilespmem:s0+$0x2D30];
	v7 =	vbroadcast v2, $0x3;
	v62 =	vbroadcast v2, $0x4  }
0x82: {  	v9 =	vbroadcast v2, $0x5;
	v63 =	vbroadcast v2, $0x6;
	v3 =	vsel vm0, v3, v4  }
0x83: {  	[tilespmem:s0+$0x8D40] =	vst v2;
	v2 =	vbroadcast v2, $0x7;
	v0 =	vmul.f32 v3, v0;
	v3 =	vsel vm0, v6, v7  }
0x84: {  	v1 =	vmul.f32 v3, v1;
	v3 =	vsel vm0, v62, v9  }
0x85: {  	v2 =	vsel vm0, v63, v2;
	[tilespmem:s0+$0x8D00] =	vst v0;
	v0 =	vmul.f32 v3, v5  }
0x86: {  	[tilespmem:s0+$0x8D10] =	vst v1;
	v1 =	vmul.f32 v8, v2  }
0x87: {  	[tilespmem:s0+$0x8D20] =	vst v0  }
0x88: {  	[tilespmem:s0+$0x8D30] =	vst v1  }
0x89: {  	[spmem:s3] =	stream.indirect.scatter.add.f32 [tilespmem:s26], [sflag:$0x5], $0x50, s18, s15, $0xb8;
	[tilespmem:$0x17D00] =	vst v63  }
0x8a: {  	_ =	swait.ge [sflag:s11], $0x2800  }
0x8b: {  	[sflag:s11] =	ssyncset.done $0x0  }
0x8c: {  	[sflag:s11] =	ssyncadd.s32 $0xFFFFD800  }
0x8d: {  	v0 =	vld [tilespmem:s1+$0x80];
	_ =	sdelay $0x4  }
0x8e: {  	v1 =	vunpack.i.l.s16.s32 v0  }
0x8f: {  	v0 =	vunpack.i.u.s16.s32 v0;
	[tilespmem:$0x2B00] =	vst v1  }
0x90: {  	[tilespmem:$0x2B10] =	vst v0  }
0x91: {  	v0 =	vld [tilespmem:s1+$0x90];
	_ =	sdelay $0x4  }
0x92: {  	v1 =	vunpack.i.l.s16.s32 v0  }
0x93: {  	v0 =	vunpack.i.u.s16.s32 v0;
	[tilespmem:$0x2B20] =	vst v1  }
0x94: {  	[tilespmem:$0x2B30] =	vst v0  }
0x95: {  	v0 =	vld [tilespmem:s1+$0xA0];
	_ =	sdelay $0x4  }
0x96: {  	v1 =	vunpack.i.l.s16.s32 v0  }
0x97: {  	v0 =	vunpack.i.u.s16.s32 v0;
	[tilespmem:$0x2B40] =	vst v1  }
0x98: {  	[tilespmem:$0x2B50] =	vst v0  }
0x99: {  	v0 =	vld [tilespmem:s1+$0xB0];
	_ =	sdelay $0x4  }
0x9a: {  	v1 =	vunpack.i.l.s16.s32 v0  }
0x9b: {  	v0 =	vunpack.i.u.s16.s32 v0;
	[tilespmem:$0x2B60] =	vst v1  }
0x9c: {  	[tilespmem:$0x2B70] =	vst v0  }
0x9d: {  	v0 =	vld [tilespmem:s1+$0x1600];
	_ =	sdelay $0x4  }
0x9e: {  	v1 =	vunpack.i.l.s16.s32 v0  }
0x9f: {  	v0 =	vunpack.i.u.s16.s32 v0;
	[tilespmem:$0x2C00] =	vst v1  }
0xa0: {  	[tilespmem:$0x2C10] =	vst v0  }
0xa1: {  	v0 =	vld [tilespmem:s1+$0x1610];
	_ =	sdelay $0x4  }
0xa2: {  	v1 =	vunpack.i.l.s16.s32 v0  }
0xa3: {  	v0 =	vunpack.i.u.s16.s32 v0;
	[tilespmem:$0x2C20] =	vst v1  }
0xa4: {  	[tilespmem:$0x2C30] =	vst v0  }
0xa5: {  	v0 =	vld [tilespmem:s1+$0x1620];
	_ =	sdelay $0x4  }
0xa6: {  	v1 =	vunpack.i.l.s16.s32 v0  }
0xa7: {  	v0 =	vunpack.i.u.s16.s32 v0;
	[tilespmem:$0x2C40] =	vst v1  }
0xa8: {  	[tilespmem:$0x2C50] =	vst v0  }
0xa9: {  	v0 =	vld [tilespmem:s1+$0x1630];
	_ =	sdelay $0x4  }
0xaa: {  	v1 =	vunpack.i.l.s16.s32 v0  }
0xab: {  	v0 =	vunpack.i.u.s16.s32 v0;
	[tilespmem:$0x2C60] =	vst v1  }
0xac: {  	[tilespmem:$0x2C70] =	vst v0  }
0xad: {  	[tilespmem:s17], [sflag:$0x1] =	stream.indirect.gather [hbm4b:s5+s15], $0x50, s16, s15, $0xb8;
	[tilespmem:$0x17D00] =	vst v63  }
0xae: {  	_ = 	snop  }
0xaf: {  	[tilespmem:s19], [sflag:$0x2] =	stream.indirect.gather [hbm4b:s2+s15], $0x10, s18, s15, $0xb8;
	[tilespmem:$0x17D00] =	vst v63  }
0xb0: {  	_ =	swait.ge [sflag:s28], $0x2800  }
0xb1: {  	[sflag:s28] =	ssyncset.done $0x0  }
0xb2: {  	[sflag:s28] =	ssyncadd.s32 $0xFFFFD800  }
0xb3: {  	_ =	swait.ge [sflag:s29], $0x800  }
0xb4: {  	[sflag:s29] =	ssyncset.done $0x0  }
0xb5: {  	s0 =	simm.s32 $0x0;
	[sflag:s29] =	ssyncadd.s32 $0xFFFFF800  }
0xb6: {  	s4 =	simm.s32 $0x140;
	s1 =	simm.s32 $0x8500;
	v0 =	vld [tilespmem:s0+$0x5D40]  }
.LBB2_5:
0xb7: {  	p0 =	sne.s32 s4, $0x9EC0;
	v1 =	vld [tilespmem:s1+$0x0];
	_ =	sdelay $0x4  }
0xb8: {  	v0 =	vadd.f32 v1, v0;
	_ =	sdelay $0x1  }
0xb9: {  	v1 =	vmul.f32 $2.000000030e-01, v0  }
0xba: {  	vm1 =	vgt.f32 v0, $0.0e+00  }
0xbb: {  	v0 =	vsel vm1, v0, v1  }
0xbc: {  	v0 =	vmul.f32 $1.442695020e+00, v0;
	_ =	sdelay $0x1  }
0xbd: {  	(erf) = vpow2.f32 v0;
	_ =	sdelay $0x7  }
0xbe: {  	v0 =	vld [tilespmem:s0+$0x5D00]  }
0xbf: {  	v1 =	vld [tilespmem:s0+$0x5D10];
	v2 =	vpop (erf)  }
0xc0: {  	[tilespmem:s0+$0x8D40] =	vst v2;
	v3 =	vbroadcast v2, $0x0;
	v4 =	vbroadcast v2, $0x1;
	v5 =	vld [tilespmem:s0+$0x5D20]  }
0xc1: {  	v6 =	vbroadcast v2, $0x2;
	v7 =	vbroadcast v2, $0x3  }
0xc2: {  	v8 =	vbroadcast v2, $0x5;
	v3 =	vsel vm0, v3, v4;
	v4 =	vbroadcast v2, $0x4;
	v9 =	vld [tilespmem:s0+$0x5D30]  }
0xc3: {  	v0 =	vmul.f32 v3, v0;
	v3 =	vsel vm0, v6, v7;
	v6 =	vbroadcast v2, $0x6  }
0xc4: {  	v2 =	vbroadcast v2, $0x7;
	v1 =	vmul.f32 v3, v1;
	v3 =	vsel vm0, v4, v8  }
.Ltmp1:
0xc5: {  	[tilespmem:s0+$0x8D00] =	vst v0;
	v0 =	vmul.f32 v3, v5;
	(pc) =	sbr.rel @p0 .LBB2_5-.Ltmp1, $4  }
0xc6: {  	[tilespmem:s0+$0x8D10] =	vst v1;
	v1 =	vsel vm0, v6, v2  }
0xc7: {  	[tilespmem:s0+$0x8D20] =	vst v0;
	v1 =	vmul.f32 v9, v1  }
0xc8: {  	s6 =	sshra.s32 s4, $0x2  }
0xc9: {  	s4 =	sadd.s32 $0x140, s4;
	s1 =	sadd.s32 $0x10, s1;
	v0 =	vld [tilespmem:s6+$0x5D40];
	[tilespmem:s0+$0x8D30] =	vst v1;
	s0 =	smov.u32 s6  }
0xca: {  	v1 =	vld [tilespmem:s1+$0x0];
	_ =	sdelay $0x4  }
0xcb: {  	v0 =	vadd.f32 v1, v0;
	_ =	sdelay $0x1  }
0xcc: {  	v1 =	vmul.f32 $2.000000030e-01, v0  }
0xcd: {  	vm1 =	vgt.f32 v0, $0.0e+00  }
0xce: {  	v0 =	vsel vm1, v0, v1  }
0xcf: {  	v0 =	vmul.f32 $1.442695020e+00, v0;
	_ =	sdelay $0x1  }
0xd0: {  	(erf) = vpow2.f32 v0;
	_ =	sdelay $0x8  }
0xd1: {  	v56 =	vld [tilespmem:s0+$0x5D00];
	v2 =	vpop (erf)  }
0xd2: {  	v57 =	vld [tilespmem:s0+$0x5D10];
	v3 =	vbroadcast v2, $0x0  }
0xd3: {  	v5 =	vld [tilespmem:s0+$0x5D20];
	v4 =	vbroadcast v2, $0x1;
	v6 =	vbroadcast v2, $0x2  }
0xd4: {  	v8 =	vld [tilespmem:s0+$0x5D30];
	v7 =	vbroadcast v2, $0x3;
	v58 =	vbroadcast v2, $0x4  }
0xd5: {  	v9 =	vbroadcast v2, $0x5;
	v60 =	vbroadcast v2, $0x6;
	v3 =	vsel vm0, v3, v4  }
0xd6: {  	[tilespmem:s0+$0x8D40] =	vst v2;
	v2 =	vbroadcast v2, $0x7;
	v59 =	vsel vm0, v6, v7;
	v0 =	vmul.f32 v3, v56  }
0xd7: {  	v61 =	vsel vm0, v58, v9;
	v1 =	vmul.f32 v59, v57  }
0xd8: {  	v2 =	vsel vm0, v60, v2;
	v62 =	vmul.f32 v61, v5;
	[tilespmem:s0+$0x8D00] =	vst v0  }
0xd9: {  	s31 =	sadd.s32 $0x1, s31;
	v63 =	vmul.f32 v8, v2;
	[tilespmem:s0+$0x8D10] =	vst v1  }
0xda: {  	p0 =	sne.s32 s31, $0x2A;
	[tilespmem:s0+$0x8D20] =	vst v62  }
.Ltmp2:
0xdb: {  	[tilespmem:s0+$0x8D30] =	vst v63;
	(pc) =	sbr.rel @p0 .LBB2_2-.Ltmp2, $4  }
0xdc: {  	[spmem:s3] =	stream.indirect.scatter.add.f32 [tilespmem:s26], [sflag:$0x5], $0x50, s22, s15, $0xb8;
	[tilespmem:$0x17D00] =	vst v63  }
0xdd: {  	_ =	swait.ge [sflag:s11], $0x2800  }
0xde: {  	[sflag:s11] =	ssyncset.done $0x0  }
0xdf: {  	[sflag:s11] =	ssyncadd.s32 $0xFFFFD800  }
0xe0: {  	_ =	swait.ge [sflag:s24], $0x2800  }
0xe1: {  	[sflag:s24] =	ssyncset.done $0x0  }
0xe2: {  	[sflag:s24] =	ssyncadd.s32 $0xFFFFD800  }
0xe3: {  	_ =	swait.ge [sflag:s25], $0x800  }
0xe4: {  	s30 =	sadd.s32 $0x1, s30;
	[sflag:s25] =	ssyncset.done $0x0  }
0xe5: {  	p0 =	sne.s32 s30, s10;
	[sflag:s25] =	ssyncadd.s32 $0xFFFFF800  }
.Ltmp3:
0xe6: {  	[bflag:$0x0] =	sbarrier.arrive $0xFFFF;
	(pc) =	sbr.rel @p0 .LBB2_1-.Ltmp3, $4  }
0xe7: {  	[hbm:s9], [sflag:s13] =	dma.local [spmem:s14], $0x1900  }
0xe8: {  	_ =	swait.ge [sflag:s11], $0x1900  }
0xe9: {  	[sflag:s11] =	ssyncset.done $0x0  }
0xea: {  	[sflag:s11] =	ssyncadd.s32 $0xFFFFE700  }
0xeb: {  	_ =	sfence.sel $0x180000  }
0xec: {  	[bflag:$0x0] =	sbarrier.arrive $0xFFFF  }
0xed: {  	_ =	strace $0x90000047  }
0xee: {  	s0 =	stileid.u32;
	[bflag:$0x2] =	sbarrier.arrive $0xFFFF  }
0xef: {  	p0 =	sne.s32 s0, $0x0;
	s0 =	rddreg [dreg:$0x3]  }
0xf0: {  	s0 =	sadd.s32 @!p0 $0x100000, s0  }
0xf1: {  	[sflag:s0] =	ssyncadd.tile.s32 @!p0 $0x1;
	_ =	shalt  }
.Lfunc_end2:
_tile_overlayer_lowered:
.L_overlay_start_2:
0xf2: {  	(tag) =	ssettag $0x2  }
0xf3: {  	s0 =	rddreg [dreg:$0x0];
	s2 =	stileid.u32  }
0xf4: {  	s1 =	rddreg [dreg:$0x1];
	p0 =	sne.s32 s2, $0x0  }
0xf5: {  	s3 =	rddreg [dreg:$0x2];
	[bflag:$0x3] =	sbarrier.arrive $0xFFFF;
	s2 =	simm.s32 @!p0 $0x1C05  }
0xf6: {  	[timem:s3], [sflag:s2] =	dma.local @!p0 [hbm:s0], s1  }
0xf7: {  	s0 =	simm.s32 @!p0 $0x5  }
0xf8: {  	_ =	swait.ge @!p0 [sflag:s0], s1  }
0xf9: {  	s1 =	ssub.s32 @!p0 $0x0, s1;
	[sflag:s0] =	ssyncset.done @!p0 $0x0  }
0xfa: {  	[sflag:s0] =	ssyncadd.s32 @!p0 s1  }
0xfb: {  	[bflag:$0x3] =	sbarrier.arrive $0xFFFF  }
0xfc: {  	_ =	shalt  }

</sc_bundles>
